<compile_context>
chip_gen: v7x
topology: tpu7x:2x2x1
jax: 0.10.2.dev20260603
libtpu: 0.0.44.dev20260713+nightly
codegen_flags: <defaults>
</compile_context>

<pallas_src>
import functools

import jax
import jax.numpy as jnp
from jax import lax
from jax.experimental import pallas as pl
from jax.experimental.pallas import tpu as pltpu
from jax.experimental.pallas import tpu_sc as plsc

N = 10000
E = 320000
D = 128
H = 128
C = 10
G = 64

NC = 2
NS = 16
NW = NC * NS
EPT = E // NW
K = 128
CPS = 8
NSUP = 10
EPTP = K * CPS * NSUP
NPAD = 10240
TRASH = NPAD - 1
ZPT = NPAD // NS
ZR = 128


def _sc_agg_body(x_hbm, src_hbm, dst_hbm, z_hbm, out_hbm,
                 isb, idb, rows, agg, gsem0, gsem1):
    c = lax.axis_index("c")
    s = lax.axis_index("s")
    tid = c * NS + s
    gsem = (gsem0, gsem1)

    pltpu.sync_copy(z_hbm, rows.at[0])
    for z in range(ZPT // ZR):
        pltpu.sync_copy(rows.at[0], agg.at[pl.ds(s * ZPT + z * ZR, ZR)])

    pltpu.sync_copy(src_hbm.at[tid, 0], isb.at[0])
    pltpu.sync_copy(dst_hbm.at[tid, 0], idb.at[0])
    pltpu.sync_copy(src_hbm.at[tid, 1], isb.at[1])
    pltpu.sync_copy(dst_hbm.at[tid, 1], idb.at[1])

    plsc.subcore_barrier()

    pltpu.async_copy(x_hbm.at[isb.at[0].at[0]], rows.at[0], gsem0)
    pltpu.async_copy(x_hbm.at[isb.at[0].at[1]], rows.at[1], gsem1)

    @pl.loop(0, NSUP, step=2)
    def _sup(sj):
        for half in range(2):
            sup = sj + half
            for i in range(CPS):
                b = i % 2
                pltpu.make_async_copy(x_hbm.at[isb.at[half].at[i]],
                                      rows.at[b], gsem[b]).wait()
                pltpu.sync_copy(rows.at[b], agg.at[idb.at[half].at[i]],
                                add=True)
                if i + 2 < CPS:
                    pltpu.async_copy(x_hbm.at[isb.at[half].at[i + 2]],
                                     rows.at[b], gsem[b])
                else:
                    @pl.when(sup + 1 < NSUP)
                    def _():
                        pltpu.async_copy(
                            x_hbm.at[isb.at[1 - half].at[i + 2 - CPS]],
                            rows.at[b], gsem[b])
            @pl.when(sup + 2 < NSUP)
            def _():
                pltpu.sync_copy(src_hbm.at[tid, sup + 2], isb.at[half])
                pltpu.sync_copy(dst_hbm.at[tid, sup + 2], idb.at[half])

    plsc.subcore_barrier()

    pltpu.sync_copy(agg.at[pl.ds(s * ZPT, ZPT)],
                    out_hbm.at[pl.ds(c * NPAD + s * ZPT, ZPT)])


def _sc_aggregate(x, src3d, dst3d, zeros_blk):
    mesh = plsc.VectorSubcoreMesh(core_axis_name="c", subcore_axis_name="s",
                                  num_cores=NC, num_subcores=NS)
    f = pl.kernel(
        _sc_agg_body,
        out_type=jax.ShapeDtypeStruct((NC * NPAD, D), jnp.float32),
        mesh=mesh,
        scratch_types=[
            pltpu.VMEM((2, CPS, K), jnp.int32),
            pltpu.VMEM((2, CPS, K), jnp.int32),
            pltpu.VMEM((2, K, D), jnp.float32),
            pltpu.VMEM_SHARED((NPAD, D), jnp.float32),
            pltpu.SemaphoreType.DMA,
            pltpu.SemaphoreType.DMA,
        ],
    )
    return f(x, src3d, dst3d, zeros_blk)


RB = 400
NRB = N // RB


def _tc_layer_body(p_ref, x_ref, wr_ref, b_ref, wo_ref, o_ref):
    agg = p_ref[0] + p_ref[1]
    acc = jax.lax.dot_general(agg, wr_ref[...], (((1,), (0,)), ((), ())),
                              preferred_element_type=jnp.float32)
    acc += jax.lax.dot_general(x_ref[...], wo_ref[...], (((1,), (0,)), ((), ())),
                               preferred_element_type=jnp.float32)
    o_ref[...] = jnp.maximum(acc + b_ref[...], 0.0)


def _tc_layer(partials, x, w_rel, b_rel, w_root):
    return pl.pallas_call(
        _tc_layer_body,
        grid=(NRB,),
        in_specs=[
            pl.BlockSpec((2, RB, D), lambda i: (0, i, 0)),
            pl.BlockSpec((RB, D), lambda i: (i, 0)),
            pl.BlockSpec((D, H), lambda i: (0, 0)),
            pl.BlockSpec((1, H), lambda i: (0, 0)),
            pl.BlockSpec((D, H), lambda i: (0, 0)),
        ],
        out_specs=pl.BlockSpec((RB, H), lambda i: (i, 0)),
        out_shape=jax.ShapeDtypeStruct((N, H), jnp.float32),
    )(partials, x, w_rel, b_rel.reshape(1, H), w_root)


def _tc_head_body(p_ref, h1_ref, wr_ref, b_ref, wo_ref, bat_ref, fw_ref,
                  fb_ref, o_ref, sums, counts):
    i = pl.program_id(0)

    @pl.when(i == 0)
    def _():
        sums[...] = jnp.zeros_like(sums)
        counts[...] = jnp.zeros_like(counts)

    agg = p_ref[0] + p_ref[1]
    acc = jax.lax.dot_general(agg, wr_ref[...], (((1,), (0,)), ((), ())),
                              preferred_element_type=jnp.float32)
    acc += jax.lax.dot_general(h1_ref[...], wo_ref[...], (((1,), (0,)), ((), ())),
                               preferred_element_type=jnp.float32)
    h2 = jnp.maximum(acc + b_ref[...], 0.0)

    bat = bat_ref[0, 0, :]
    gids = jax.lax.broadcasted_iota(jnp.int32, (G, RB), 0)
    mask = (bat[None, :] == gids).astype(jnp.float32)
    sums[...] += jax.lax.dot_general(mask, h2, (((1,), (0,)), ((), ())),
                                     preferred_element_type=jnp.float32)
    counts[...] += jax.lax.dot_general(
        mask, jnp.ones((RB, H), jnp.float32), (((1,), (0,)), ((), ())),
        preferred_element_type=jnp.float32)

    @pl.when(i == NRB - 1)
    def _():
        pooled = sums[...] / jnp.maximum(counts[...], 1.0)
        logits = jax.lax.dot_general(pooled, fw_ref[...], (((1,), (0,)), ((), ())),
                                     preferred_element_type=jnp.float32)
        logits += fb_ref[...]
        o_ref[...] = 1.0 / (1.0 + jnp.exp(-logits))


def _tc_head(partials, h1, w_rel, b_rel, w_root, batch3d, fc_w_pad, fc_b_pad):
    return pl.pallas_call(
        _tc_head_body,
        grid=(NRB,),
        in_specs=[
            pl.BlockSpec((2, RB, D), lambda i: (0, i, 0)),
            pl.BlockSpec((RB, H), lambda i: (i, 0)),
            pl.BlockSpec((H, H), lambda i: (0, 0)),
            pl.BlockSpec((1, H), lambda i: (0, 0)),
            pl.BlockSpec((H, H), lambda i: (0, 0)),
            pl.BlockSpec((1, 1, RB), lambda i: (i, 0, 0)),
            pl.BlockSpec((H, H), lambda i: (0, 0)),
            pl.BlockSpec((1, H), lambda i: (0, 0)),
        ],
        out_specs=pl.BlockSpec((G, H), lambda i: (0, 0)),
        out_shape=jax.ShapeDtypeStruct((G, H), jnp.float32),
        scratch_shapes=[
            pltpu.VMEM((G, H), jnp.float32),
            pltpu.VMEM((G, H), jnp.float32),
        ],
    )(partials, h1, w_rel, b_rel.reshape(1, H), w_root, batch3d,
      fc_w_pad, fc_b_pad)


def kernel(x, edge_index, batch, w1_rel, b1_rel, w1_root, w2_rel, b2_rel,
           w2_root, fc_w, fc_b):
    pad = EPTP - EPT
    src3d = jnp.pad(edge_index[0].reshape(NW, EPT),
                    ((0, 0), (0, pad))).reshape(NW, NSUP, CPS, K)
    dst3d = jnp.pad(edge_index[1].reshape(NW, EPT), ((0, 0), (0, pad)),
                    constant_values=TRASH).reshape(NW, NSUP, CPS, K)
    zeros_blk = jnp.zeros((ZR, D), jnp.float32)
    batch3d = batch.reshape(NRB, 1, RB)
    fc_w_pad = jnp.zeros((H, H), jnp.float32).at[:, :C].set(fc_w)
    fc_b_pad = jnp.zeros((1, H), jnp.float32).at[0, :C].set(fc_b)

    p1 = _sc_aggregate(x, src3d, dst3d, zeros_blk).reshape(NC, NPAD, D)
    h1 = _tc_layer(p1, x, w1_rel, b1_rel, w1_root)
    p2 = _sc_aggregate(h1, src3d, dst3d, zeros_blk).reshape(NC, NPAD, D)
    out = _tc_head(p2, h1, w2_rel, b2_rel, w2_root, batch3d, fc_w_pad, fc_b_pad)
    return out[:, :C]

# --- scband reference (transcript-rebuilt; emitter-appended) ---
"""Pipeline reference for scband-gnnmodel-23802708754824 (READ-ONLY COPY).

The authoritative reference and input builder live on the scoring server;
editing this copy changes nothing except your own understanding.
"""

import jax, jax.numpy as jnp
import numpy as np

N = 10000
E = 320000
D = 128
H = 128
C = 10
G = 64


def setup_inputs(seed: int = 0) -> dict:
    key = jax.random.key(seed)
    ks = jax.random.split(key, 12)
    x = jax.random.normal(ks[0], (N, D), dtype=jnp.float32)
    edge_index = jax.random.randint(ks[1], (2, E), 0, N, dtype=jnp.int32)
    batch = jnp.sort(jax.random.randint(ks[2], (N,), 0, G, dtype=jnp.int32))
    s1 = 1.0 / np.sqrt(D)
    s2 = 1.0 / np.sqrt(H)
    w1_rel = jax.random.uniform(ks[3], (D, H), jnp.float32, -s1, s1)
    b1_rel = jnp.zeros((H,), jnp.float32)
    w1_root = jax.random.uniform(ks[4], (D, H), jnp.float32, -s1, s1)
    w2_rel = jax.random.uniform(ks[5], (H, H), jnp.float32, -s2, s2)
    b2_rel = jnp.zeros((H,), jnp.float32)
    w2_root = jax.random.uniform(ks[6], (H, H), jnp.float32, -s2, s2)
    fc_w = jax.random.uniform(ks[7], (H, C), jnp.float32, -s2, s2)
    fc_b = jnp.zeros((C,), jnp.float32)
    return {"x": x, "edge_index": edge_index, "batch": batch,
            "w1_rel": w1_rel, "b1_rel": b1_rel, "w1_root": w1_root,
            "w2_rel": w2_rel, "b2_rel": b2_rel, "w2_root": w2_root,
            "fc_w": fc_w, "fc_b": fc_b}


def _graph_conv(x, edge_index, w_rel, b_rel, w_root):
    # PyG GraphConv: out = lin_rel(sum_{j in N(i)} x_j) + lin_root(x_i)
    src = edge_index[0]
    dst = edge_index[1]
    msgs = jnp.take(x, src, axis=0)
    agg = jax.ops.segment_sum(msgs, dst, num_segments=x.shape[0])
    return agg @ w_rel + b_rel + x @ w_root


def reference(x, edge_index, batch, w1_rel, b1_rel, w1_root, w2_rel, b2_rel, w2_root, fc_w, fc_b):
    h = _graph_conv(x, edge_index, w1_rel, b1_rel, w1_root)
    h = jax.nn.relu(h)
    h = _graph_conv(h, edge_index, w2_rel, b2_rel, w2_root)
    h = jax.nn.relu(h)
    # global_mean_pool over batch assignment
    sums = jax.ops.segment_sum(h, batch, num_segments=G)
    counts = jax.ops.segment_sum(jnp.ones((h.shape[0],), jnp.float32), batch, num_segments=G)
    pooled = sums / jnp.clip(counts, 1.0, None)[:, None]
    logits = pooled @ fc_w + fc_b
    return jax.nn.sigmoid(logits)

if __name__ == "__main__":
    import jax
    _d = setup_inputs()
    print(jax.jit(kernel)(*tuple(_d.values())))

</pallas_src>

<mosaic_0001>
#map = affine_map<(d0, d1) -> (0, 0)>
#map1 = affine_map<(d0, d1) -> (0, 0, 0, 0)>
module attributes {stable_mosaic.version = 14 : i64} {
  func.func @_sc_agg_body(%arg0: i32, %arg1: i32, %arg2: memref<10000x128xf32, #tpu.memory_space<hbm>>, %arg3: memref<32x10x8x128xi32, #tpu.memory_space<hbm>>, %arg4: memref<32x10x8x128xi32, #tpu.memory_space<hbm>>, %arg5: memref<128x128xf32, #tpu.memory_space<hbm>>, %arg6: memref<20480x128xf32, #tpu.memory_space<hbm>>, %arg7: memref<2x8x128xi32, #tpu.memory_space<vmem>>, %arg8: memref<2x8x128xi32, #tpu.memory_space<vmem>>, %arg9: memref<2x128x128xf32, #tpu.memory_space<vmem>>, %arg10: memref<10240x128xf32, #tpu.memory_space<vmem_shared>>, %arg11: memref<!tpu.dma_semaphore, #tpu.memory_space<semaphore_mem>>, %arg12: memref<!tpu.dma_semaphore, #tpu.memory_space<semaphore_mem>>) attributes {dimension_semantics = [#tpu.dimension_semantics<core_parallel>, #tpu.dimension_semantics<subcore_parallel>], iteration_bounds = array<i64: 2, 16>, scalar_prefetch = 0 : i64, scratch_operands = 6 : i64, tpu.core_type = #tpu.core_type<sc_vector_subcore>, window_params = [{transform_indices = #map}, {transform_indices = #map1}, {transform_indices = #map1}, {transform_indices = #map}, {transform_indices = #map}]} {
    %mul3A = arith.constant 16 : i32
    %mul3A_0 = arith.muli %arg0, %mul3A : i32
    %add3A = arith.addi %mul3A_0, %arg1 : i32
    %run_scoped3A = arith.constant 0 : i32
    "tpu.region"() ({
      %run_scoped3A_79 = tpu.sem_alloc : memref<!tpu.dma_semaphore, #tpu.memory_space<semaphore_mem>>
      %dma_start3A_80 = arith.constant 0 : i32
      %dma_start3A_81 = arith.constant 0 : i32
      %dma_start3A_82 = tpu.memref_slice %arg9[%run_scoped3A, %dma_start3A_80, %dma_start3A_81] : memref<2x128x128xf32, #tpu.memory_space<vmem>> -> memref<1x128x128xf32, #tpu.memory_space<vmem>>
      %dma_start3A_83 = tpu.memref_squeeze %dma_start3A_82 : memref<1x128x128xf32, #tpu.memory_space<vmem>> -> memref<128x128xf32, #tpu.memory_space<vmem>>
      %dma_start3A_84 = arith.constant 0 : i32
      %dma_start3A_85 = arith.constant 0 : i32
      %dma_start3A_86 = tpu.memref_slice %arg9[%run_scoped3A, %dma_start3A_84, %dma_start3A_85] : memref<2x128x128xf32, #tpu.memory_space<vmem>> -> memref<1x128x128xf32, #tpu.memory_space<vmem>>
      %dma_start3A_87 = tpu.memref_squeeze %dma_start3A_86 : memref<1x128x128xf32, #tpu.memory_space<vmem>> -> memref<128x128xf32, #tpu.memory_space<vmem>>
      tpu.enqueue_dma source(%arg5 : memref<128x128xf32, #tpu.memory_space<hbm>>) target(%dma_start3A_87 : memref<128x128xf32, #tpu.memory_space<vmem>>) target_semaphore(%run_scoped3A_79 : memref<!tpu.dma_semaphore, #tpu.memory_space<semaphore_mem>>)
      %dma_wait3A = arith.constant 0 : i32
      %dma_wait3A_88 = arith.constant 0 : i32
      %dma_wait3A_89 = tpu.memref_slice %arg9[%run_scoped3A, %dma_wait3A, %dma_wait3A_88] : memref<2x128x128xf32, #tpu.memory_space<vmem>> -> memref<1x128x128xf32, #tpu.memory_space<vmem>>
      %dma_wait3A_90 = tpu.memref_squeeze %dma_wait3A_89 : memref<1x128x128xf32, #tpu.memory_space<vmem>> -> memref<128x128xf32, #tpu.memory_space<vmem>>
      %dma_wait3A_91 = arith.constant 0 : i32
      %dma_wait3A_92 = arith.constant 0 : i32
      %dma_wait3A_93 = tpu.memref_slice %arg9[%run_scoped3A, %dma_wait3A_91, %dma_wait3A_92] : memref<2x128x128xf32, #tpu.memory_space<vmem>> -> memref<1x128x128xf32, #tpu.memory_space<vmem>>
      %dma_wait3A_94 = tpu.memref_squeeze %dma_wait3A_93 : memref<1x128x128xf32, #tpu.memory_space<vmem>> -> memref<128x128xf32, #tpu.memory_space<vmem>>
      tpu.wait_dma2 semaphore(%run_scoped3A_79 : memref<!tpu.dma_semaphore, #tpu.memory_space<semaphore_mem>>) src(%arg5 : memref<128x128xf32, #tpu.memory_space<hbm>>) dst(%dma_wait3A_94 : memref<128x128xf32, #tpu.memory_space<vmem>>)
      tpu.yield
    }) : () -> ()
    %mul3A_1 = arith.constant 640 : i32
    %mul3A_2 = arith.muli %arg1, %mul3A_1 : i32
    %add3A_3 = arith.constant 0 : i32
    %add3A_4 = arith.addi %mul3A_2, %add3A_3 : i32
    %run_scoped3A_5 = arith.constant 0 : i32
    "tpu.region"() ({
      %run_scoped3A_79 = tpu.sem_alloc : memref<!tpu.dma_semaphore, #tpu.memory_space<semaphore_mem>>
      %dma_start3A_80 = arith.constant 0 : i32
      %dma_start3A_81 = arith.constant 0 : i32
      %dma_start3A_82 = tpu.memref_slice %arg9[%run_scoped3A_5, %dma_start3A_80, %dma_start3A_81] : memref<2x128x128xf32, #tpu.memory_space<vmem>> -> memref<1x128x128xf32, #tpu.memory_space<vmem>>
      %dma_start3A_83 = tpu.memref_squeeze %dma_start3A_82 : memref<1x128x128xf32, #tpu.memory_space<vmem>> -> memref<128x128xf32, #tpu.memory_space<vmem>>
      %dma_start3A_84 = arith.constant 0 : i32
      %dma_start3A_85 = tpu.memref_slice %arg10[%add3A_4, %dma_start3A_84] : memref<10240x128xf32, #tpu.memory_space<vmem_shared>> -> memref<128x128xf32, #tpu.memory_space<vmem_shared>>
      %dma_start3A_86 = arith.constant 0 : i32
      %dma_start3A_87 = tpu.memref_slice %arg10[%add3A_4, %dma_start3A_86] : memref<10240x128xf32, #tpu.memory_space<vmem_shared>> -> memref<128x128xf32, #tpu.memory_space<vmem_shared>>
      %dma_start3A_88 = arith.constant 0 : i32
      %dma_start3A_89 = arith.constant 0 : i32
      %dma_start3A_90 = tpu.memref_slice %arg9[%run_scoped3A_5, %dma_start3A_88, %dma_start3A_89] : memref<2x128x128xf32, #tpu.memory_space<vmem>> -> memref<1x128x128xf32, #tpu.memory_space<vmem>>
      %dma_start3A_91 = tpu.memref_squeeze %dma_start3A_90 : memref<1x128x128xf32, #tpu.memory_space<vmem>> -> memref<128x128xf32, #tpu.memory_space<vmem>>
      tpu.enqueue_dma source(%dma_start3A_91 : memref<128x128xf32, #tpu.memory_space<vmem>>) target(%dma_start3A_87 : memref<128x128xf32, #tpu.memory_space<vmem_shared>>) target_semaphore(%run_scoped3A_79 : memref<!tpu.dma_semaphore, #tpu.memory_space<semaphore_mem>>)
      %dma_wait3A = arith.constant 0 : i32
      %dma_wait3A_92 = arith.constant 0 : i32
      %dma_wait3A_93 = tpu.memref_slice %arg9[%run_scoped3A_5, %dma_wait3A, %dma_wait3A_92] : memref<2x128x128xf32, #tpu.memory_space<vmem>> -> memref<1x128x128xf32, #tpu.memory_space<vmem>>
      %dma_wait3A_94 = tpu.memref_squeeze %dma_wait3A_93 : memref<1x128x128xf32, #tpu.memory_space<vmem>> -> memref<128x128xf32, #tpu.memory_space<vmem>>
      %dma_wait3A_95 = arith.constant 0 : i32
      %dma_wait3A_96 = tpu.memref_slice %arg10[%add3A_4, %dma_wait3A_95] : memref<10240x128xf32, #tpu.memory_space<vmem_shared>> -> memref<128x128xf32, #tpu.memory_space<vmem_shared>>
      %dma_wait3A_97 = arith.constant 0 : i32
      %dma_wait3A_98 = tpu.memref_slice %arg10[%add3A_4, %dma_wait3A_97] : memref<10240x128xf32, #tpu.memory_space<vmem_shared>> -> memref<128x128xf32, #tpu.memory_space<vmem_shared>>
      %dma_wait3A_99 = arith.constant 0 : i32
      %dma_wait3A_100 = arith.constant 0 : i32
      %dma_wait3A_101 = tpu.memref_slice %arg9[%run_scoped3A_5, %dma_wait3A_99, %dma_wait3A_100] : memref<2x128x128xf32, #tpu.memory_space<vmem>> -> memref<1x128x128xf32, #tpu.memory_space<vmem>>
      %dma_wait3A_102 = tpu.memref_squeeze %dma_wait3A_101 : memref<1x128x128xf32, #tpu.memory_space<vmem>> -> memref<128x128xf32, #tpu.memory_space<vmem>>
      tpu.wait_dma2 semaphore(%run_scoped3A_79 : memref<!tpu.dma_semaphore, #tpu.memory_space<semaphore_mem>>) src(%dma_wait3A_102 : memref<128x128xf32, #tpu.memory_space<vmem>>) dst(%dma_wait3A_98 : memref<128x128xf32, #tpu.memory_space<vmem_shared>>)
      tpu.yield
    }) : () -> ()
    %mul3A_6 = arith.constant 640 : i32
    %mul3A_7 = arith.muli %arg1, %mul3A_6 : i32
    %add3A_8 = arith.constant 128 : i32
    %add3A_9 = arith.addi %mul3A_7, %add3A_8 : i32
    %run_scoped3A_10 = arith.constant 0 : i32
    "tpu.region"() ({
      %run_scoped3A_79 = tpu.sem_alloc : memref<!tpu.dma_semaphore, #tpu.memory_space<semaphore_mem>>
      %dma_start3A_80 = arith.constant 0 : i32
      %dma_start3A_81 = arith.constant 0 : i32
      %dma_start3A_82 = tpu.memref_slice %arg9[%run_scoped3A_10, %dma_start3A_80, %dma_start3A_81] : memref<2x128x128xf32, #tpu.memory_space<vmem>> -> memref<1x128x128xf32, #tpu.memory_space<vmem>>
      %dma_start3A_83 = tpu.memref_squeeze %dma_start3A_82 : memref<1x128x128xf32, #tpu.memory_space<vmem>> -> memref<128x128xf32, #tpu.memory_space<vmem>>
      %dma_start3A_84 = arith.constant 0 : i32
      %dma_start3A_85 = tpu.memref_slice %arg10[%add3A_9, %dma_start3A_84] : memref<10240x128xf32, #tpu.memory_space<vmem_shared>> -> memref<128x128xf32, #tpu.memory_space<vmem_shared>>
      %dma_start3A_86 = arith.constant 0 : i32
      %dma_start3A_87 = tpu.memref_slice %arg10[%add3A_9, %dma_start3A_86] : memref<10240x128xf32, #tpu.memory_space<vmem_shared>> -> memref<128x128xf32, #tpu.memory_space<vmem_shared>>
      %dma_start3A_88 = arith.constant 0 : i32
      %dma_start3A_89 = arith.constant 0 : i32
      %dma_start3A_90 = tpu.memref_slice %arg9[%run_scoped3A_10, %dma_start3A_88, %dma_start3A_89] : memref<2x128x128xf32, #tpu.memory_space<vmem>> -> memref<1x128x128xf32, #tpu.memory_space<vmem>>
      %dma_start3A_91 = tpu.memref_squeeze %dma_start3A_90 : memref<1x128x128xf32, #tpu.memory_space<vmem>> -> memref<128x128xf32, #tpu.memory_space<vmem>>
      tpu.enqueue_dma source(%dma_start3A_91 : memref<128x128xf32, #tpu.memory_space<vmem>>) target(%dma_start3A_87 : memref<128x128xf32, #tpu.memory_space<vmem_shared>>) target_semaphore(%run_scoped3A_79 : memref<!tpu.dma_semaphore, #tpu.memory_space<semaphore_mem>>)
      %dma_wait3A = arith.constant 0 : i32
      %dma_wait3A_92 = arith.constant 0 : i32
      %dma_wait3A_93 = tpu.memref_slice %arg9[%run_scoped3A_10, %dma_wait3A, %dma_wait3A_92] : memref<2x128x128xf32, #tpu.memory_space<vmem>> -> memref<1x128x128xf32, #tpu.memory_space<vmem>>
      %dma_wait3A_94 = tpu.memref_squeeze %dma_wait3A_93 : memref<1x128x128xf32, #tpu.memory_space<vmem>> -> memref<128x128xf32, #tpu.memory_space<vmem>>
      %dma_wait3A_95 = arith.constant 0 : i32
      %dma_wait3A_96 = tpu.memref_slice %arg10[%add3A_9, %dma_wait3A_95] : memref<10240x128xf32, #tpu.memory_space<vmem_shared>> -> memref<128x128xf32, #tpu.memory_space<vmem_shared>>
      %dma_wait3A_97 = arith.constant 0 : i32
      %dma_wait3A_98 = tpu.memref_slice %arg10[%add3A_9, %dma_wait3A_97] : memref<10240x128xf32, #tpu.memory_space<vmem_shared>> -> memref<128x128xf32, #tpu.memory_space<vmem_shared>>
      %dma_wait3A_99 = arith.constant 0 : i32
      %dma_wait3A_100 = arith.constant 0 : i32
      %dma_wait3A_101 = tpu.memref_slice %arg9[%run_scoped3A_10, %dma_wait3A_99, %dma_wait3A_100] : memref<2x128x128xf32, #tpu.memory_space<vmem>> -> memref<1x128x128xf32, #tpu.memory_space<vmem>>
      %dma_wait3A_102 = tpu.memref_squeeze %dma_wait3A_101 : memref<1x128x128xf32, #tpu.memory_space<vmem>> -> memref<128x128xf32, #tpu.memory_space<vmem>>
      tpu.wait_dma2 semaphore(%run_scoped3A_79 : memref<!tpu.dma_semaphore, #tpu.memory_space<semaphore_mem>>) src(%dma_wait3A_102 : memref<128x128xf32, #tpu.memory_space<vmem>>) dst(%dma_wait3A_98 : memref<128x128xf32, #tpu.memory_space<vmem_shared>>)
      tpu.yield
    }) : () -> ()
    %mul3A_11 = arith.constant 640 : i32
    %mul3A_12 = arith.muli %arg1, %mul3A_11 : i32
    %add3A_13 = arith.constant 256 : i32
    %add3A_14 = arith.addi %mul3A_12, %add3A_13 : i32
    %run_scoped3A_15 = arith.constant 0 : i32
    "tpu.region"() ({
      %run_scoped3A_79 = tpu.sem_alloc : memref<!tpu.dma_semaphore, #tpu.memory_space<semaphore_mem>>
      %dma_start3A_80 = arith.constant 0 : i32
      %dma_start3A_81 = arith.constant 0 : i32
      %dma_start3A_82 = tpu.memref_slice %arg9[%run_scoped3A_15, %dma_start3A_80, %dma_start3A_81] : memref<2x128x128xf32, #tpu.memory_space<vmem>> -> memref<1x128x128xf32, #tpu.memory_space<vmem>>
      %dma_start3A_83 = tpu.memref_squeeze %dma_start3A_82 : memref<1x128x128xf32, #tpu.memory_space<vmem>> -> memref<128x128xf32, #tpu.memory_space<vmem>>
      %dma_start3A_84 = arith.constant 0 : i32
      %dma_start3A_85 = tpu.memref_slice %arg10[%add3A_14, %dma_start3A_84] : memref<10240x128xf32, #tpu.memory_space<vmem_shared>> -> memref<128x128xf32, #tpu.memory_space<vmem_shared>>
      %dma_start3A_86 = arith.constant 0 : i32
      %dma_start3A_87 = tpu.memref_slice %arg10[%add3A_14, %dma_start3A_86] : memref<10240x128xf32, #tpu.memory_space<vmem_shared>> -> memref<128x128xf32, #tpu.memory_space<vmem_shared>>
      %dma_start3A_88 = arith.constant 0 : i32
      %dma_start3A_89 = arith.constant 0 : i32
      %dma_start3A_90 = tpu.memref_slice %arg9[%run_scoped3A_15, %dma_start3A_88, %dma_start3A_89] : memref<2x128x128xf32, #tpu.memory_space<vmem>> -> memref<1x128x128xf32, #tpu.memory_space<vmem>>
      %dma_start3A_91 = tpu.memref_squeeze %dma_start3A_90 : memref<1x128x128xf32, #tpu.memory_space<vmem>> -> memref<128x128xf32, #tpu.memory_space<vmem>>
      tpu.enqueue_dma source(%dma_start3A_91 : memref<128x128xf32, #tpu.memory_space<vmem>>) target(%dma_start3A_87 : memref<128x128xf32, #tpu.memory_space<vmem_shared>>) target_semaphore(%run_scoped3A_79 : memref<!tpu.dma_semaphore, #tpu.memory_space<semaphore_mem>>)
      %dma_wait3A = arith.constant 0 : i32
      %dma_wait3A_92 = arith.constant 0 : i32
      %dma_wait3A_93 = tpu.memref_slice %arg9[%run_scoped3A_15, %dma_wait3A, %dma_wait3A_92] : memref<2x128x128xf32, #tpu.memory_space<vmem>> -> memref<1x128x128xf32, #tpu.memory_space<vmem>>
      %dma_wait3A_94 = tpu.memref_squeeze %dma_wait3A_93 : memref<1x128x128xf32, #tpu.memory_space<vmem>> -> memref<128x128xf32, #tpu.memory_space<vmem>>
      %dma_wait3A_95 = arith.constant 0 : i32
      %dma_wait3A_96 = tpu.memref_slice %arg10[%add3A_14, %dma_wait3A_95] : memref<10240x128xf32, #tpu.memory_space<vmem_shared>> -> memref<128x128xf32, #tpu.memory_space<vmem_shared>>
      %dma_wait3A_97 = arith.constant 0 : i32
      %dma_wait3A_98 = tpu.memref_slice %arg10[%add3A_14, %dma_wait3A_97] : memref<10240x128xf32, #tpu.memory_space<vmem_shared>> -> memref<128x128xf32, #tpu.memory_space<vmem_shared>>
      %dma_wait3A_99 = arith.constant 0 : i32
      %dma_wait3A_100 = arith.constant 0 : i32
      %dma_wait3A_101 = tpu.memref_slice %arg9[%run_scoped3A_15, %dma_wait3A_99, %dma_wait3A_100] : memref<2x128x128xf32, #tpu.memory_space<vmem>> -> memref<1x128x128xf32, #tpu.memory_space<vmem>>
      %dma_wait3A_102 = tpu.memref_squeeze %dma_wait3A_101 : memref<1x128x128xf32, #tpu.memory_space<vmem>> -> memref<128x128xf32, #tpu.memory_space<vmem>>
      tpu.wait_dma2 semaphore(%run_scoped3A_79 : memref<!tpu.dma_semaphore, #tpu.memory_space<semaphore_mem>>) src(%dma_wait3A_102 : memref<128x128xf32, #tpu.memory_space<vmem>>) dst(%dma_wait3A_98 : memref<128x128xf32, #tpu.memory_space<vmem_shared>>)
      tpu.yield
    }) : () -> ()
    %mul3A_16 = arith.constant 640 : i32
    %mul3A_17 = arith.muli %arg1, %mul3A_16 : i32
    %add3A_18 = arith.constant 384 : i32
    %add3A_19 = arith.addi %mul3A_17, %add3A_18 : i32
    %run_scoped3A_20 = arith.constant 0 : i32
    "tpu.region"() ({
      %run_scoped3A_79 = tpu.sem_alloc : memref<!tpu.dma_semaphore, #tpu.memory_space<semaphore_mem>>
      %dma_start3A_80 = arith.constant 0 : i32
      %dma_start3A_81 = arith.constant 0 : i32
      %dma_start3A_82 = tpu.memref_slice %arg9[%run_scoped3A_20, %dma_start3A_80, %dma_start3A_81] : memref<2x128x128xf32, #tpu.memory_space<vmem>> -> memref<1x128x128xf32, #tpu.memory_space<vmem>>
      %dma_start3A_83 = tpu.memref_squeeze %dma_start3A_82 : memref<1x128x128xf32, #tpu.memory_space<vmem>> -> memref<128x128xf32, #tpu.memory_space<vmem>>
      %dma_start3A_84 = arith.constant 0 : i32
      %dma_start3A_85 = tpu.memref_slice %arg10[%add3A_19, %dma_start3A_84] : memref<10240x128xf32, #tpu.memory_space<vmem_shared>> -> memref<128x128xf32, #tpu.memory_space<vmem_shared>>
      %dma_start3A_86 = arith.constant 0 : i32
      %dma_start3A_87 = tpu.memref_slice %arg10[%add3A_19, %dma_start3A_86] : memref<10240x128xf32, #tpu.memory_space<vmem_shared>> -> memref<128x128xf32, #tpu.memory_space<vmem_shared>>
      %dma_start3A_88 = arith.constant 0 : i32
      %dma_start3A_89 = arith.constant 0 : i32
      %dma_start3A_90 = tpu.memref_slice %arg9[%run_scoped3A_20, %dma_start3A_88, %dma_start3A_89] : memref<2x128x128xf32, #tpu.memory_space<vmem>> -> memref<1x128x128xf32, #tpu.memory_space<vmem>>
      %dma_start3A_91 = tpu.memref_squeeze %dma_start3A_90 : memref<1x128x128xf32, #tpu.memory_space<vmem>> -> memref<128x128xf32, #tpu.memory_space<vmem>>
      tpu.enqueue_dma source(%dma_start3A_91 : memref<128x128xf32, #tpu.memory_space<vmem>>) target(%dma_start3A_87 : memref<128x128xf32, #tpu.memory_space<vmem_shared>>) target_semaphore(%run_scoped3A_79 : memref<!tpu.dma_semaphore, #tpu.memory_space<semaphore_mem>>)
      %dma_wait3A = arith.constant 0 : i32
      %dma_wait3A_92 = arith.constant 0 : i32
      %dma_wait3A_93 = tpu.memref_slice %arg9[%run_scoped3A_20, %dma_wait3A, %dma_wait3A_92] : memref<2x128x128xf32, #tpu.memory_space<vmem>> -> memref<1x128x128xf32, #tpu.memory_space<vmem>>
      %dma_wait3A_94 = tpu.memref_squeeze %dma_wait3A_93 : memref<1x128x128xf32, #tpu.memory_space<vmem>> -> memref<128x128xf32, #tpu.memory_space<vmem>>
      %dma_wait3A_95 = arith.constant 0 : i32
      %dma_wait3A_96 = tpu.memref_slice %arg10[%add3A_19, %dma_wait3A_95] : memref<10240x128xf32, #tpu.memory_space<vmem_shared>> -> memref<128x128xf32, #tpu.memory_space<vmem_shared>>
      %dma_wait3A_97 = arith.constant 0 : i32
      %dma_wait3A_98 = tpu.memref_slice %arg10[%add3A_19, %dma_wait3A_97] : memref<10240x128xf32, #tpu.memory_space<vmem_shared>> -> memref<128x128xf32, #tpu.memory_space<vmem_shared>>
      %dma_wait3A_99 = arith.constant 0 : i32
      %dma_wait3A_100 = arith.constant 0 : i32
      %dma_wait3A_101 = tpu.memref_slice %arg9[%run_scoped3A_20, %dma_wait3A_99, %dma_wait3A_100] : memref<2x128x128xf32, #tpu.memory_space<vmem>> -> memref<1x128x128xf32, #tpu.memory_space<vmem>>
      %dma_wait3A_102 = tpu.memref_squeeze %dma_wait3A_101 : memref<1x128x128xf32, #tpu.memory_space<vmem>> -> memref<128x128xf32, #tpu.memory_space<vmem>>
      tpu.wait_dma2 semaphore(%run_scoped3A_79 : memref<!tpu.dma_semaphore, #tpu.memory_space<semaphore_mem>>) src(%dma_wait3A_102 : memref<128x128xf32, #tpu.memory_space<vmem>>) dst(%dma_wait3A_98 : memref<128x128xf32, #tpu.memory_space<vmem_shared>>)
      tpu.yield
    }) : () -> ()
    %mul3A_21 = arith.constant 640 : i32
    %mul3A_22 = arith.muli %arg1, %mul3A_21 : i32
    %add3A_23 = arith.constant 512 : i32
    %add3A_24 = arith.addi %mul3A_22, %add3A_23 : i32
    %run_scoped3A_25 = arith.constant 0 : i32
    "tpu.region"() ({
      %run_scoped3A_79 = tpu.sem_alloc : memref<!tpu.dma_semaphore, #tpu.memory_space<semaphore_mem>>
      %dma_start3A_80 = arith.constant 0 : i32
      %dma_start3A_81 = arith.constant 0 : i32
      %dma_start3A_82 = tpu.memref_slice %arg9[%run_scoped3A_25, %dma_start3A_80, %dma_start3A_81] : memref<2x128x128xf32, #tpu.memory_space<vmem>> -> memref<1x128x128xf32, #tpu.memory_space<vmem>>
      %dma_start3A_83 = tpu.memref_squeeze %dma_start3A_82 : memref<1x128x128xf32, #tpu.memory_space<vmem>> -> memref<128x128xf32, #tpu.memory_space<vmem>>
      %dma_start3A_84 = arith.constant 0 : i32
      %dma_start3A_85 = tpu.memref_slice %arg10[%add3A_24, %dma_start3A_84] : memref<10240x128xf32, #tpu.memory_space<vmem_shared>> -> memref<128x128xf32, #tpu.memory_space<vmem_shared>>
      %dma_start3A_86 = arith.constant 0 : i32
      %dma_start3A_87 = tpu.memref_slice %arg10[%add3A_24, %dma_start3A_86] : memref<10240x128xf32, #tpu.memory_space<vmem_shared>> -> memref<128x128xf32, #tpu.memory_space<vmem_shared>>
      %dma_start3A_88 = arith.constant 0 : i32
      %dma_start3A_89 = arith.constant 0 : i32
      %dma_start3A_90 = tpu.memref_slice %arg9[%run_scoped3A_25, %dma_start3A_88, %dma_start3A_89] : memref<2x128x128xf32, #tpu.memory_space<vmem>> -> memref<1x128x128xf32, #tpu.memory_space<vmem>>
      %dma_start3A_91 = tpu.memref_squeeze %dma_start3A_90 : memref<1x128x128xf32, #tpu.memory_space<vmem>> -> memref<128x128xf32, #tpu.memory_space<vmem>>
      tpu.enqueue_dma source(%dma_start3A_91 : memref<128x128xf32, #tpu.memory_space<vmem>>) target(%dma_start3A_87 : memref<128x128xf32, #tpu.memory_space<vmem_shared>>) target_semaphore(%run_scoped3A_79 : memref<!tpu.dma_semaphore, #tpu.memory_space<semaphore_mem>>)
      %dma_wait3A = arith.constant 0 : i32
      %dma_wait3A_92 = arith.constant 0 : i32
      %dma_wait3A_93 = tpu.memref_slice %arg9[%run_scoped3A_25, %dma_wait3A, %dma_wait3A_92] : memref<2x128x128xf32, #tpu.memory_space<vmem>> -> memref<1x128x128xf32, #tpu.memory_space<vmem>>
      %dma_wait3A_94 = tpu.memref_squeeze %dma_wait3A_93 : memref<1x128x128xf32, #tpu.memory_space<vmem>> -> memref<128x128xf32, #tpu.memory_space<vmem>>
      %dma_wait3A_95 = arith.constant 0 : i32
      %dma_wait3A_96 = tpu.memref_slice %arg10[%add3A_24, %dma_wait3A_95] : memref<10240x128xf32, #tpu.memory_space<vmem_shared>> -> memref<128x128xf32, #tpu.memory_space<vmem_shared>>
      %dma_wait3A_97 = arith.constant 0 : i32
      %dma_wait3A_98 = tpu.memref_slice %arg10[%add3A_24, %dma_wait3A_97] : memref<10240x128xf32, #tpu.memory_space<vmem_shared>> -> memref<128x128xf32, #tpu.memory_space<vmem_shared>>
      %dma_wait3A_99 = arith.constant 0 : i32
      %dma_wait3A_100 = arith.constant 0 : i32
      %dma_wait3A_101 = tpu.memref_slice %arg9[%run_scoped3A_25, %dma_wait3A_99, %dma_wait3A_100] : memref<2x128x128xf32, #tpu.memory_space<vmem>> -> memref<1x128x128xf32, #tpu.memory_space<vmem>>
      %dma_wait3A_102 = tpu.memref_squeeze %dma_wait3A_101 : memref<1x128x128xf32, #tpu.memory_space<vmem>> -> memref<128x128xf32, #tpu.memory_space<vmem>>
      tpu.wait_dma2 semaphore(%run_scoped3A_79 : memref<!tpu.dma_semaphore, #tpu.memory_space<semaphore_mem>>) src(%dma_wait3A_102 : memref<128x128xf32, #tpu.memory_space<vmem>>) dst(%dma_wait3A_98 : memref<128x128xf32, #tpu.memory_space<vmem_shared>>)
      tpu.yield
    }) : () -> ()
    %run_scoped3A_26 = arith.constant 0 : i32
    %run_scoped3A_27 = arith.constant 0 : i32
    "tpu.region"() ({
      %run_scoped3A_79 = tpu.sem_alloc : memref<!tpu.dma_semaphore, #tpu.memory_space<semaphore_mem>>
      %dma_start3A_80 = arith.constant 0 : i32
      %dma_start3A_81 = arith.constant 0 : i32
      %dma_start3A_82 = tpu.memref_slice %arg7[%run_scoped3A_27, %dma_start3A_80, %dma_start3A_81] : memref<2x8x128xi32, #tpu.memory_space<vmem>> -> memref<1x8x128xi32, #tpu.memory_space<vmem>>
      %dma_start3A_83 = tpu.memref_squeeze %dma_start3A_82 : memref<1x8x128xi32, #tpu.memory_space<vmem>> -> memref<8x128xi32, #tpu.memory_space<vmem>>
      %dma_start3A_84 = arith.constant 0 : i32
      %dma_start3A_85 = arith.constant 0 : i32
      %dma_start3A_86 = tpu.memref_slice %arg3[%add3A, %run_scoped3A_26, %dma_start3A_84, %dma_start3A_85] : memref<32x10x8x128xi32, #tpu.memory_space<hbm>> -> memref<1x1x8x128xi32, #tpu.memory_space<hbm>>
      %dma_start3A_87 = tpu.memref_squeeze %dma_start3A_86 : memref<1x1x8x128xi32, #tpu.memory_space<hbm>> -> memref<8x128xi32, #tpu.memory_space<hbm>>
      %dma_start3A_88 = arith.constant 0 : i32
      %dma_start3A_89 = arith.constant 0 : i32
      %dma_start3A_90 = tpu.memref_slice %arg7[%run_scoped3A_27, %dma_start3A_88, %dma_start3A_89] : memref<2x8x128xi32, #tpu.memory_space<vmem>> -> memref<1x8x128xi32, #tpu.memory_space<vmem>>
      %dma_start3A_91 = tpu.memref_squeeze %dma_start3A_90 : memref<1x8x128xi32, #tpu.memory_space<vmem>> -> memref<8x128xi32, #tpu.memory_space<vmem>>
      %dma_start3A_92 = arith.constant 0 : i32
      %dma_start3A_93 = arith.constant 0 : i32
      %dma_start3A_94 = tpu.memref_slice %arg3[%add3A, %run_scoped3A_26, %dma_start3A_92, %dma_start3A_93] : memref<32x10x8x128xi32, #tpu.memory_space<hbm>> -> memref<1x1x8x128xi32, #tpu.memory_space<hbm>>
      %dma_start3A_95 = tpu.memref_squeeze %dma_start3A_94 : memref<1x1x8x128xi32, #tpu.memory_space<hbm>> -> memref<8x128xi32, #tpu.memory_space<hbm>>
      tpu.enqueue_dma source(%dma_start3A_95 : memref<8x128xi32, #tpu.memory_space<hbm>>) target(%dma_start3A_91 : memref<8x128xi32, #tpu.memory_space<vmem>>) target_semaphore(%run_scoped3A_79 : memref<!tpu.dma_semaphore, #tpu.memory_space<semaphore_mem>>)
      %dma_wait3A = arith.constant 0 : i32
      %dma_wait3A_96 = arith.constant 0 : i32
      %dma_wait3A_97 = tpu.memref_slice %arg7[%run_scoped3A_27, %dma_wait3A, %dma_wait3A_96] : memref<2x8x128xi32, #tpu.memory_space<vmem>> -> memref<1x8x128xi32, #tpu.memory_space<vmem>>
      %dma_wait3A_98 = tpu.memref_squeeze %dma_wait3A_97 : memref<1x8x128xi32, #tpu.memory_space<vmem>> -> memref<8x128xi32, #tpu.memory_space<vmem>>
      %dma_wait3A_99 = arith.constant 0 : i32
      %dma_wait3A_100 = arith.constant 0 : i32
      %dma_wait3A_101 = tpu.memref_slice %arg3[%add3A, %run_scoped3A_26, %dma_wait3A_99, %dma_wait3A_100] : memref<32x10x8x128xi32, #tpu.memory_space<hbm>> -> memref<1x1x8x128xi32, #tpu.memory_space<hbm>>
      %dma_wait3A_102 = tpu.memref_squeeze %dma_wait3A_101 : memref<1x1x8x128xi32, #tpu.memory_space<hbm>> -> memref<8x128xi32, #tpu.memory_space<hbm>>
      %dma_wait3A_103 = arith.constant 0 : i32
      %dma_wait3A_104 = arith.constant 0 : i32
      %dma_wait3A_105 = tpu.memref_slice %arg7[%run_scoped3A_27, %dma_wait3A_103, %dma_wait3A_104] : memref<2x8x128xi32, #tpu.memory_space<vmem>> -> memref<1x8x128xi32, #tpu.memory_space<vmem>>
      %dma_wait3A_106 = tpu.memref_squeeze %dma_wait3A_105 : memref<1x8x128xi32, #tpu.memory_space<vmem>> -> memref<8x128xi32, #tpu.memory_space<vmem>>
      %dma_wait3A_107 = arith.constant 0 : i32
      %dma_wait3A_108 = arith.constant 0 : i32
      %dma_wait3A_109 = tpu.memref_slice %arg3[%add3A, %run_scoped3A_26, %dma_wait3A_107, %dma_wait3A_108] : memref<32x10x8x128xi32, #tpu.memory_space<hbm>> -> memref<1x1x8x128xi32, #tpu.memory_space<hbm>>
      %dma_wait3A_110 = tpu.memref_squeeze %dma_wait3A_109 : memref<1x1x8x128xi32, #tpu.memory_space<hbm>> -> memref<8x128xi32, #tpu.memory_space<hbm>>
      tpu.wait_dma2 semaphore(%run_scoped3A_79 : memref<!tpu.dma_semaphore, #tpu.memory_space<semaphore_mem>>) src(%dma_wait3A_110 : memref<8x128xi32, #tpu.memory_space<hbm>>) dst(%dma_wait3A_106 : memref<8x128xi32, #tpu.memory_space<vmem>>)
      tpu.yield
    }) : () -> ()
    %run_scoped3A_28 = arith.constant 0 : i32
    %run_scoped3A_29 = arith.constant 0 : i32
    "tpu.region"() ({
      %run_scoped3A_79 = tpu.sem_alloc : memref<!tpu.dma_semaphore, #tpu.memory_space<semaphore_mem>>
      %dma_start3A_80 = arith.constant 0 : i32
      %dma_start3A_81 = arith.constant 0 : i32
      %dma_start3A_82 = tpu.memref_slice %arg8[%run_scoped3A_29, %dma_start3A_80, %dma_start3A_81] : memref<2x8x128xi32, #tpu.memory_space<vmem>> -> memref<1x8x128xi32, #tpu.memory_space<vmem>>
      %dma_start3A_83 = tpu.memref_squeeze %dma_start3A_82 : memref<1x8x128xi32, #tpu.memory_space<vmem>> -> memref<8x128xi32, #tpu.memory_space<vmem>>
      %dma_start3A_84 = arith.constant 0 : i32
      %dma_start3A_85 = arith.constant 0 : i32
      %dma_start3A_86 = tpu.memref_slice %arg4[%add3A, %run_scoped3A_28, %dma_start3A_84, %dma_start3A_85] : memref<32x10x8x128xi32, #tpu.memory_space<hbm>> -> memref<1x1x8x128xi32, #tpu.memory_space<hbm>>
      %dma_start3A_87 = tpu.memref_squeeze %dma_start3A_86 : memref<1x1x8x128xi32, #tpu.memory_space<hbm>> -> memref<8x128xi32, #tpu.memory_space<hbm>>
      %dma_start3A_88 = arith.constant 0 : i32
      %dma_start3A_89 = arith.constant 0 : i32
      %dma_start3A_90 = tpu.memref_slice %arg8[%run_scoped3A_29, %dma_start3A_88, %dma_start3A_89] : memref<2x8x128xi32, #tpu.memory_space<vmem>> -> memref<1x8x128xi32, #tpu.memory_space<vmem>>
      %dma_start3A_91 = tpu.memref_squeeze %dma_start3A_90 : memref<1x8x128xi32, #tpu.memory_space<vmem>> -> memref<8x128xi32, #tpu.memory_space<vmem>>
      %dma_start3A_92 = arith.constant 0 : i32
      %dma_start3A_93 = arith.constant 0 : i32
      %dma_start3A_94 = tpu.memref_slice %arg4[%add3A, %run_scoped3A_28, %dma_start3A_92, %dma_start3A_93] : memref<32x10x8x128xi32, #tpu.memory_space<hbm>> -> memref<1x1x8x128xi32, #tpu.memory_space<hbm>>
      %dma_start3A_95 = tpu.memref_squeeze %dma_start3A_94 : memref<1x1x8x128xi32, #tpu.memory_space<hbm>> -> memref<8x128xi32, #tpu.memory_space<hbm>>
      tpu.enqueue_dma source(%dma_start3A_95 : memref<8x128xi32, #tpu.memory_space<hbm>>) target(%dma_start3A_91 : memref<8x128xi32, #tpu.memory_space<vmem>>) target_semaphore(%run_scoped3A_79 : memref<!tpu.dma_semaphore, #tpu.memory_space<semaphore_mem>>)
      %dma_wait3A = arith.constant 0 : i32
      %dma_wait3A_96 = arith.constant 0 : i32
      %dma_wait3A_97 = tpu.memref_slice %arg8[%run_scoped3A_29, %dma_wait3A, %dma_wait3A_96] : memref<2x8x128xi32, #tpu.memory_space<vmem>> -> memref<1x8x128xi32, #tpu.memory_space<vmem>>
      %dma_wait3A_98 = tpu.memref_squeeze %dma_wait3A_97 : memref<1x8x128xi32, #tpu.memory_space<vmem>> -> memref<8x128xi32, #tpu.memory_space<vmem>>
      %dma_wait3A_99 = arith.constant 0 : i32
      %dma_wait3A_100 = arith.constant 0 : i32
      %dma_wait3A_101 = tpu.memref_slice %arg4[%add3A, %run_scoped3A_28, %dma_wait3A_99, %dma_wait3A_100] : memref<32x10x8x128xi32, #tpu.memory_space<hbm>> -> memref<1x1x8x128xi32, #tpu.memory_space<hbm>>
      %dma_wait3A_102 = tpu.memref_squeeze %dma_wait3A_101 : memref<1x1x8x128xi32, #tpu.memory_space<hbm>> -> memref<8x128xi32, #tpu.memory_space<hbm>>
      %dma_wait3A_103 = arith.constant 0 : i32
      %dma_wait3A_104 = arith.constant 0 : i32
      %dma_wait3A_105 = tpu.memref_slice %arg8[%run_scoped3A_29, %dma_wait3A_103, %dma_wait3A_104] : memref<2x8x128xi32, #tpu.memory_space<vmem>> -> memref<1x8x128xi32, #tpu.memory_space<vmem>>
      %dma_wait3A_106 = tpu.memref_squeeze %dma_wait3A_105 : memref<1x8x128xi32, #tpu.memory_space<vmem>> -> memref<8x128xi32, #tpu.memory_space<vmem>>
      %dma_wait3A_107 = arith.constant 0 : i32
      %dma_wait3A_108 = arith.constant 0 : i32
      %dma_wait3A_109 = tpu.memref_slice %arg4[%add3A, %run_scoped3A_28, %dma_wait3A_107, %dma_wait3A_108] : memref<32x10x8x128xi32, #tpu.memory_space<hbm>> -> memref<1x1x8x128xi32, #tpu.memory_space<hbm>>
      %dma_wait3A_110 = tpu.memref_squeeze %dma_wait3A_109 : memref<1x1x8x128xi32, #tpu.memory_space<hbm>> -> memref<8x128xi32, #tpu.memory_space<hbm>>
      tpu.wait_dma2 semaphore(%run_scoped3A_79 : memref<!tpu.dma_semaphore, #tpu.memory_space<semaphore_mem>>) src(%dma_wait3A_110 : memref<8x128xi32, #tpu.memory_space<hbm>>) dst(%dma_wait3A_106 : memref<8x128xi32, #tpu.memory_space<vmem>>)
      tpu.yield
    }) : () -> ()
    %run_scoped3A_30 = arith.constant 1 : i32
    %run_scoped3A_31 = arith.constant 1 : i32
    "tpu.region"() ({
      %run_scoped3A_79 = tpu.sem_alloc : memref<!tpu.dma_semaphore, #tpu.memory_space<semaphore_mem>>
      %dma_start3A_80 = arith.constant 0 : i32
      %dma_start3A_81 = arith.constant 0 : i32
      %dma_start3A_82 = tpu.memref_slice %arg7[%run_scoped3A_31, %dma_start3A_80, %dma_start3A_81] : memref<2x8x128xi32, #tpu.memory_space<vmem>> -> memref<1x8x128xi32, #tpu.memory_space<vmem>>
      %dma_start3A_83 = tpu.memref_squeeze %dma_start3A_82 : memref<1x8x128xi32, #tpu.memory_space<vmem>> -> memref<8x128xi32, #tpu.memory_space<vmem>>
      %dma_start3A_84 = arith.constant 0 : i32
      %dma_start3A_85 = arith.constant 0 : i32
      %dma_start3A_86 = tpu.memref_slice %arg3[%add3A, %run_scoped3A_30, %dma_start3A_84, %dma_start3A_85] : memref<32x10x8x128xi32, #tpu.memory_space<hbm>> -> memref<1x1x8x128xi32, #tpu.memory_space<hbm>>
      %dma_start3A_87 = tpu.memref_squeeze %dma_start3A_86 : memref<1x1x8x128xi32, #tpu.memory_space<hbm>> -> memref<8x128xi32, #tpu.memory_space<hbm>>
      %dma_start3A_88 = arith.constant 0 : i32
      %dma_start3A_89 = arith.constant 0 : i32
      %dma_start3A_90 = tpu.memref_slice %arg7[%run_scoped3A_31, %dma_start3A_88, %dma_start3A_89] : memref<2x8x128xi32, #tpu.memory_space<vmem>> -> memref<1x8x128xi32, #tpu.memory_space<vmem>>
      %dma_start3A_91 = tpu.memref_squeeze %dma_start3A_90 : memref<1x8x128xi32, #tpu.memory_space<vmem>> -> memref<8x128xi32, #tpu.memory_space<vmem>>
      %dma_start3A_92 = arith.constant 0 : i32
      %dma_start3A_93 = arith.constant 0 : i32
      %dma_start3A_94 = tpu.memref_slice %arg3[%add3A, %run_scoped3A_30, %dma_start3A_92, %dma_start3A_93] : memref<32x10x8x128xi32, #tpu.memory_space<hbm>> -> memref<1x1x8x128xi32, #tpu.memory_space<hbm>>
      %dma_start3A_95 = tpu.memref_squeeze %dma_start3A_94 : memref<1x1x8x128xi32, #tpu.memory_space<hbm>> -> memref<8x128xi32, #tpu.memory_space<hbm>>
      tpu.enqueue_dma source(%dma_start3A_95 : memref<8x128xi32, #tpu.memory_space<hbm>>) target(%dma_start3A_91 : memref<8x128xi32, #tpu.memory_space<vmem>>) target_semaphore(%run_scoped3A_79 : memref<!tpu.dma_semaphore, #tpu.memory_space<semaphore_mem>>)
      %dma_wait3A = arith.constant 0 : i32
      %dma_wait3A_96 = arith.constant 0 : i32
      %dma_wait3A_97 = tpu.memref_slice %arg7[%run_scoped3A_31, %dma_wait3A, %dma_wait3A_96] : memref<2x8x128xi32, #tpu.memory_space<vmem>> -> memref<1x8x128xi32, #tpu.memory_space<vmem>>
      %dma_wait3A_98 = tpu.memref_squeeze %dma_wait3A_97 : memref<1x8x128xi32, #tpu.memory_space<vmem>> -> memref<8x128xi32, #tpu.memory_space<vmem>>
      %dma_wait3A_99 = arith.constant 0 : i32
      %dma_wait3A_100 = arith.constant 0 : i32
      %dma_wait3A_101 = tpu.memref_slice %arg3[%add3A, %run_scoped3A_30, %dma_wait3A_99, %dma_wait3A_100] : memref<32x10x8x128xi32, #tpu.memory_space<hbm>> -> memref<1x1x8x128xi32, #tpu.memory_space<hbm>>
      %dma_wait3A_102 = tpu.memref_squeeze %dma_wait3A_101 : memref<1x1x8x128xi32, #tpu.memory_space<hbm>> -> memref<8x128xi32, #tpu.memory_space<hbm>>
      %dma_wait3A_103 = arith.constant 0 : i32
      %dma_wait3A_104 = arith.constant 0 : i32
      %dma_wait3A_105 = tpu.memref_slice %arg7[%run_scoped3A_31, %dma_wait3A_103, %dma_wait3A_104] : memref<2x8x128xi32, #tpu.memory_space<vmem>> -> memref<1x8x128xi32, #tpu.memory_space<vmem>>
      %dma_wait3A_106 = tpu.memref_squeeze %dma_wait3A_105 : memref<1x8x128xi32, #tpu.memory_space<vmem>> -> memref<8x128xi32, #tpu.memory_space<vmem>>
      %dma_wait3A_107 = arith.constant 0 : i32
      %dma_wait3A_108 = arith.constant 0 : i32
      %dma_wait3A_109 = tpu.memref_slice %arg3[%add3A, %run_scoped3A_30, %dma_wait3A_107, %dma_wait3A_108] : memref<32x10x8x128xi32, #tpu.memory_space<hbm>> -> memref<1x1x8x128xi32, #tpu.memory_space<hbm>>
      %dma_wait3A_110 = tpu.memref_squeeze %dma_wait3A_109 : memref<1x1x8x128xi32, #tpu.memory_space<hbm>> -> memref<8x128xi32, #tpu.memory_space<hbm>>
      tpu.wait_dma2 semaphore(%run_scoped3A_79 : memref<!tpu.dma_semaphore, #tpu.memory_space<semaphore_mem>>) src(%dma_wait3A_110 : memref<8x128xi32, #tpu.memory_space<hbm>>) dst(%dma_wait3A_106 : memref<8x128xi32, #tpu.memory_space<vmem>>)
      tpu.yield
    }) : () -> ()
    %run_scoped3A_32 = arith.constant 1 : i32
    %run_scoped3A_33 = arith.constant 1 : i32
    "tpu.region"() ({
      %run_scoped3A_79 = tpu.sem_alloc : memref<!tpu.dma_semaphore, #tpu.memory_space<semaphore_mem>>
      %dma_start3A_80 = arith.constant 0 : i32
      %dma_start3A_81 = arith.constant 0 : i32
      %dma_start3A_82 = tpu.memref_slice %arg8[%run_scoped3A_33, %dma_start3A_80, %dma_start3A_81] : memref<2x8x128xi32, #tpu.memory_space<vmem>> -> memref<1x8x128xi32, #tpu.memory_space<vmem>>
      %dma_start3A_83 = tpu.memref_squeeze %dma_start3A_82 : memref<1x8x128xi32, #tpu.memory_space<vmem>> -> memref<8x128xi32, #tpu.memory_space<vmem>>
      %dma_start3A_84 = arith.constant 0 : i32
      %dma_start3A_85 = arith.constant 0 : i32
      %dma_start3A_86 = tpu.memref_slice %arg4[%add3A, %run_scoped3A_32, %dma_start3A_84, %dma_start3A_85] : memref<32x10x8x128xi32, #tpu.memory_space<hbm>> -> memref<1x1x8x128xi32, #tpu.memory_space<hbm>>
      %dma_start3A_87 = tpu.memref_squeeze %dma_start3A_86 : memref<1x1x8x128xi32, #tpu.memory_space<hbm>> -> memref<8x128xi32, #tpu.memory_space<hbm>>
      %dma_start3A_88 = arith.constant 0 : i32
      %dma_start3A_89 = arith.constant 0 : i32
      %dma_start3A_90 = tpu.memref_slice %arg8[%run_scoped3A_33, %dma_start3A_88, %dma_start3A_89] : memref<2x8x128xi32, #tpu.memory_space<vmem>> -> memref<1x8x128xi32, #tpu.memory_space<vmem>>
      %dma_start3A_91 = tpu.memref_squeeze %dma_start3A_90 : memref<1x8x128xi32, #tpu.memory_space<vmem>> -> memref<8x128xi32, #tpu.memory_space<vmem>>
      %dma_start3A_92 = arith.constant 0 : i32
      %dma_start3A_93 = arith.constant 0 : i32
      %dma_start3A_94 = tpu.memref_slice %arg4[%add3A, %run_scoped3A_32, %dma_start3A_92, %dma_start3A_93] : memref<32x10x8x128xi32, #tpu.memory_space<hbm>> -> memref<1x1x8x128xi32, #tpu.memory_space<hbm>>
      %dma_start3A_95 = tpu.memref_squeeze %dma_start3A_94 : memref<1x1x8x128xi32, #tpu.memory_space<hbm>> -> memref<8x128xi32, #tpu.memory_space<hbm>>
      tpu.enqueue_dma source(%dma_start3A_95 : memref<8x128xi32, #tpu.memory_space<hbm>>) target(%dma_start3A_91 : memref<8x128xi32, #tpu.memory_space<vmem>>) target_semaphore(%run_scoped3A_79 : memref<!tpu.dma_semaphore, #tpu.memory_space<semaphore_mem>>)
      %dma_wait3A = arith.constant 0 : i32
      %dma_wait3A_96 = arith.constant 0 : i32
      %dma_wait3A_97 = tpu.memref_slice %arg8[%run_scoped3A_33, %dma_wait3A, %dma_wait3A_96] : memref<2x8x128xi32, #tpu.memory_space<vmem>> -> memref<1x8x128xi32, #tpu.memory_space<vmem>>
      %dma_wait3A_98 = tpu.memref_squeeze %dma_wait3A_97 : memref<1x8x128xi32, #tpu.memory_space<vmem>> -> memref<8x128xi32, #tpu.memory_space<vmem>>
      %dma_wait3A_99 = arith.constant 0 : i32
      %dma_wait3A_100 = arith.constant 0 : i32
      %dma_wait3A_101 = tpu.memref_slice %arg4[%add3A, %run_scoped3A_32, %dma_wait3A_99, %dma_wait3A_100] : memref<32x10x8x128xi32, #tpu.memory_space<hbm>> -> memref<1x1x8x128xi32, #tpu.memory_space<hbm>>
      %dma_wait3A_102 = tpu.memref_squeeze %dma_wait3A_101 : memref<1x1x8x128xi32, #tpu.memory_space<hbm>> -> memref<8x128xi32, #tpu.memory_space<hbm>>
      %dma_wait3A_103 = arith.constant 0 : i32
      %dma_wait3A_104 = arith.constant 0 : i32
      %dma_wait3A_105 = tpu.memref_slice %arg8[%run_scoped3A_33, %dma_wait3A_103, %dma_wait3A_104] : memref<2x8x128xi32, #tpu.memory_space<vmem>> -> memref<1x8x128xi32, #tpu.memory_space<vmem>>
      %dma_wait3A_106 = tpu.memref_squeeze %dma_wait3A_105 : memref<1x8x128xi32, #tpu.memory_space<vmem>> -> memref<8x128xi32, #tpu.memory_space<vmem>>
      %dma_wait3A_107 = arith.constant 0 : i32
      %dma_wait3A_108 = arith.constant 0 : i32
      %dma_wait3A_109 = tpu.memref_slice %arg4[%add3A, %run_scoped3A_32, %dma_wait3A_107, %dma_wait3A_108] : memref<32x10x8x128xi32, #tpu.memory_space<hbm>> -> memref<1x1x8x128xi32, #tpu.memory_space<hbm>>
      %dma_wait3A_110 = tpu.memref_squeeze %dma_wait3A_109 : memref<1x1x8x128xi32, #tpu.memory_space<hbm>> -> memref<8x128xi32, #tpu.memory_space<hbm>>
      tpu.wait_dma2 semaphore(%run_scoped3A_79 : memref<!tpu.dma_semaphore, #tpu.memory_space<semaphore_mem>>) src(%dma_wait3A_110 : memref<8x128xi32, #tpu.memory_space<hbm>>) dst(%dma_wait3A_106 : memref<8x128xi32, #tpu.memory_space<vmem>>)
      tpu.yield
    }) : () -> ()
    %barrier3A = arith.constant 0 : index
    tpu.barrier barrier_id(%barrier3A)
    %dma_start3A = arith.constant 0 : i32
    %dma_start3A_34 = arith.constant 0 : i32
    %dma_start3A_35 = arith.constant 0 : i32
    %dma_start3A_36 = arith.constant 0 : i32
    %dma_start3A_37 = arith.constant 0 : i32
    %dma_start3A_38 = tpu.memref_slice %arg9[%dma_start3A_35, %dma_start3A_36, %dma_start3A_37] : memref<2x128x128xf32, #tpu.memory_space<vmem>> -> memref<1x128x128xf32, #tpu.memory_space<vmem>>
    %dma_start3A_39 = tpu.memref_squeeze %dma_start3A_38 : memref<1x128x128xf32, #tpu.memory_space<vmem>> -> memref<128x128xf32, #tpu.memory_space<vmem>>
    %dma_start3A_40 = arith.constant 0 : i32
    %dma_start3A_41 = arith.constant 0 : i32
    %dma_start3A_42 = tpu.memref_slice %arg7[%dma_start3A, %dma_start3A_40, %dma_start3A_41] : memref<2x8x128xi32, #tpu.memory_space<vmem>> -> memref<1x8x128xi32, #tpu.memory_space<vmem>>
    %dma_start3A_43 = tpu.memref_squeeze %dma_start3A_42 : memref<1x8x128xi32, #tpu.memory_space<vmem>> -> memref<8x128xi32, #tpu.memory_space<vmem>>
    %dma_start3A_44 = arith.constant 0 : i32
    %dma_start3A_45 = tpu.memref_slice %dma_start3A_43[%dma_start3A_34, %dma_start3A_44] : memref<8x128xi32, #tpu.memory_space<vmem>> -> memref<1x128xi32, #tpu.memory_space<vmem>>
    %dma_start3A_46 = tpu.memref_squeeze %dma_start3A_45 : memref<1x128xi32, #tpu.memory_space<vmem>> -> memref<128xi32, #tpu.memory_space<vmem>>
    %dma_start3A_47 = arith.constant 0 : i32
    %dma_start3A_48 = arith.constant 0 : i32
    %dma_start3A_49 = tpu.memref_slice %arg2[%dma_start3A_47, %dma_start3A_48] : memref<10000x128xf32, #tpu.memory_space<hbm>> -> memref<10000x128xf32, #tpu.memory_space<hbm>>
    tpu.enqueue_indirect_dma source(%dma_start3A_49 : memref<10000x128xf32, #tpu.memory_space<hbm>>) target(%dma_start3A_39 : memref<128x128xf32, #tpu.memory_space<vmem>>) offsets(%dma_start3A_46 : memref<128xi32, #tpu.memory_space<vmem>>) semaphore(%arg11 : memref<!tpu.dma_semaphore, #tpu.memory_space<semaphore_mem>>)
    %dma_start3A_50 = arith.constant 0 : i32
    %dma_start3A_51 = arith.constant 1 : i32
    %dma_start3A_52 = arith.constant 1 : i32
    %dma_start3A_53 = arith.constant 0 : i32
    %dma_start3A_54 = arith.constant 0 : i32
    %dma_start3A_55 = tpu.memref_slice %arg9[%dma_start3A_52, %dma_start3A_53, %dma_start3A_54] : memref<2x128x128xf32, #tpu.memory_space<vmem>> -> memref<1x128x128xf32, #tpu.memory_space<vmem>>
    %dma_start3A_56 = tpu.memref_squeeze %dma_start3A_55 : memref<1x128x128xf32, #tpu.memory_space<vmem>> -> memref<128x128xf32, #tpu.memory_space<vmem>>
    %dma_start3A_57 = arith.constant 0 : i32
    %dma_start3A_58 = arith.constant 0 : i32
    %dma_start3A_59 = tpu.memref_slice %arg7[%dma_start3A_50, %dma_start3A_57, %dma_start3A_58] : memref<2x8x128xi32, #tpu.memory_space<vmem>> -> memref<1x8x128xi32, #tpu.memory_space<vmem>>
    %dma_start3A_60 = tpu.memref_squeeze %dma_start3A_59 : memref<1x8x128xi32, #tpu.memory_space<vmem>> -> memref<8x128xi32, #tpu.memory_space<vmem>>
    %dma_start3A_61 = arith.constant 0 : i32
    %dma_start3A_62 = tpu.memref_slice %dma_start3A_60[%dma_start3A_51, %dma_start3A_61] : memref<8x128xi32, #tpu.memory_space<vmem>> -> memref<1x128xi32, #tpu.memory_space<vmem>>
    %dma_start3A_63 = tpu.memref_squeeze %dma_start3A_62 : memref<1x128xi32, #tpu.memory_space<vmem>> -> memref<128xi32, #tpu.memory_space<vmem>>
    %dma_start3A_64 = arith.constant 0 : i32
    %dma_start3A_65 = arith.constant 0 : i32
    %dma_start3A_66 = tpu.memref_slice %arg2[%dma_start3A_64, %dma_start3A_65] : memref<10000x128xf32, #tpu.memory_space<hbm>> -> memref<10000x128xf32, #tpu.memory_space<hbm>>
    tpu.enqueue_indirect_dma source(%dma_start3A_66 : memref<10000x128xf32, #tpu.memory_space<hbm>>) target(%dma_start3A_56 : memref<128x128xf32, #tpu.memory_space<vmem>>) offsets(%dma_start3A_63 : memref<128xi32, #tpu.memory_space<vmem>>) semaphore(%arg12 : memref<!tpu.dma_semaphore, #tpu.memory_space<semaphore_mem>>)
    %scan3A = arith.constant 0 : i32
    %scan3A_67 = arith.constant 5 : i32
    %scan3A_68 = arith.addi %scan3A, %scan3A_67 : i32
    %scan3A_69 = arith.constant 1 : i32
    scf.for %scan3A_79 = %scan3A to %scan3A_68 step %scan3A_69  : i32 {
      %mul3A_80 = arith.constant 2 : i32
      %mul3A_81 = arith.muli %scan3A_79, %mul3A_80 : i32
      %add3A_82 = arith.constant 0 : i32
      %add3A_83 = arith.addi %add3A_82, %mul3A_81 : i32
      %add3A_84 = arith.constant 0 : i32
      %add3A_85 = arith.addi %add3A_83, %add3A_84 : i32
      %dma_wait3A = arith.constant 0 : i32
      %dma_wait3A_86 = arith.constant 0 : i32
      %dma_wait3A_87 = arith.constant 0 : i32
      %dma_wait3A_88 = arith.constant 0 : i32
      %dma_wait3A_89 = arith.constant 0 : i32
      %dma_wait3A_90 = tpu.memref_slice %arg9[%dma_wait3A_87, %dma_wait3A_88, %dma_wait3A_89] : memref<2x128x128xf32, #tpu.memory_space<vmem>> -> memref<1x128x128xf32, #tpu.memory_space<vmem>>
      %dma_wait3A_91 = tpu.memref_squeeze %dma_wait3A_90 : memref<1x128x128xf32, #tpu.memory_space<vmem>> -> memref<128x128xf32, #tpu.memory_space<vmem>>
      %dma_wait3A_92 = arith.constant 0 : i32
      %dma_wait3A_93 = arith.constant 0 : i32
      %dma_wait3A_94 = tpu.memref_slice %arg7[%dma_wait3A, %dma_wait3A_92, %dma_wait3A_93] : memref<2x8x128xi32, #tpu.memory_space<vmem>> -> memref<1x8x128xi32, #tpu.memory_space<vmem>>
      %dma_wait3A_95 = tpu.memref_squeeze %dma_wait3A_94 : memref<1x8x128xi32, #tpu.memory_space<vmem>> -> memref<8x128xi32, #tpu.memory_space<vmem>>
      %dma_wait3A_96 = arith.constant 0 : i32
      %dma_wait3A_97 = tpu.memref_slice %dma_wait3A_95[%dma_wait3A_86, %dma_wait3A_96] : memref<8x128xi32, #tpu.memory_space<vmem>> -> memref<1x128xi32, #tpu.memory_space<vmem>>
      %dma_wait3A_98 = tpu.memref_squeeze %dma_wait3A_97 : memref<1x128xi32, #tpu.memory_space<vmem>> -> memref<128xi32, #tpu.memory_space<vmem>>
      %dma_wait3A_99 = arith.constant 0 : i32
      %dma_wait3A_100 = arith.constant 0 : i32
      %dma_wait3A_101 = tpu.memref_slice %arg2[%dma_wait3A_99, %dma_wait3A_100] : memref<10000x128xf32, #tpu.memory_space<hbm>> -> memref<10000x128xf32, #tpu.memory_space<hbm>>
      tpu.wait_indirect_dma semaphore(%arg11 : memref<!tpu.dma_semaphore, #tpu.memory_space<semaphore_mem>>) src(%dma_wait3A_101 : memref<10000x128xf32, #tpu.memory_space<hbm>>) dst(%dma_wait3A_91 : memref<128x128xf32, #tpu.memory_space<vmem>>)
      %run_scoped3A_102 = arith.constant 0 : i32
      %run_scoped3A_103 = arith.constant 0 : i32
      %run_scoped3A_104 = arith.constant 0 : i32
      "tpu.region"() ({
        %run_scoped3A_650 = tpu.sem_alloc : memref<!tpu.dma_semaphore, #tpu.memory_space<semaphore_mem>>
        %dma_start3A_651 = arith.constant 0 : i32
        %dma_start3A_652 = arith.constant 0 : i32
        %dma_start3A_653 = tpu.memref_slice %arg9[%run_scoped3A_102, %dma_start3A_651, %dma_start3A_652] : memref<2x128x128xf32, #tpu.memory_space<vmem>> -> memref<1x128x128xf32, #tpu.memory_space<vmem>>
        %dma_start3A_654 = tpu.memref_squeeze %dma_start3A_653 : memref<1x128x128xf32, #tpu.memory_space<vmem>> -> memref<128x128xf32, #tpu.memory_space<vmem>>
        %dma_start3A_655 = arith.constant 0 : i32
        %dma_start3A_656 = arith.constant 0 : i32
        %dma_start3A_657 = tpu.memref_slice %arg8[%run_scoped3A_103, %dma_start3A_655, %dma_start3A_656] : memref<2x8x128xi32, #tpu.memory_space<vmem>> -> memref<1x8x128xi32, #tpu.memory_space<vmem>>
        %dma_start3A_658 = tpu.memref_squeeze %dma_start3A_657 : memref<1x8x128xi32, #tpu.memory_space<vmem>> -> memref<8x128xi32, #tpu.memory_space<vmem>>
        %dma_start3A_659 = arith.constant 0 : i32
        %dma_start3A_660 = tpu.memref_slice %dma_start3A_658[%run_scoped3A_104, %dma_start3A_659] : memref<8x128xi32, #tpu.memory_space<vmem>> -> memref<1x128xi32, #tpu.memory_space<vmem>>
        %dma_start3A_661 = tpu.memref_squeeze %dma_start3A_660 : memref<1x128xi32, #tpu.memory_space<vmem>> -> memref<128xi32, #tpu.memory_space<vmem>>
        %dma_start3A_662 = arith.constant 0 : i32
        %dma_start3A_663 = arith.constant 0 : i32
        %dma_start3A_664 = tpu.memref_slice %arg10[%dma_start3A_662, %dma_start3A_663] : memref<10240x128xf32, #tpu.memory_space<vmem_shared>> -> memref<10240x128xf32, #tpu.memory_space<vmem_shared>>
        tpu.enqueue_indirect_dma source(%dma_start3A_654 : memref<128x128xf32, #tpu.memory_space<vmem>>) target(%dma_start3A_664 : memref<10240x128xf32, #tpu.memory_space<vmem_shared>>) offsets(%dma_start3A_661 : memref<128xi32, #tpu.memory_space<vmem>>) semaphore(%run_scoped3A_650 : memref<!tpu.dma_semaphore, #tpu.memory_space<semaphore_mem>>) {add = true}
        %dma_wait3A_665 = arith.constant 0 : i32
        %dma_wait3A_666 = arith.constant 0 : i32
        %dma_wait3A_667 = tpu.memref_slice %arg9[%run_scoped3A_102, %dma_wait3A_665, %dma_wait3A_666] : memref<2x128x128xf32, #tpu.memory_space<vmem>> -> memref<1x128x128xf32, #tpu.memory_space<vmem>>
        %dma_wait3A_668 = tpu.memref_squeeze %dma_wait3A_667 : memref<1x128x128xf32, #tpu.memory_space<vmem>> -> memref<128x128xf32, #tpu.memory_space<vmem>>
        %dma_wait3A_669 = arith.constant 0 : i32
        %dma_wait3A_670 = arith.constant 0 : i32
        %dma_wait3A_671 = tpu.memref_slice %arg8[%run_scoped3A_103, %dma_wait3A_669, %dma_wait3A_670] : memref<2x8x128xi32, #tpu.memory_space<vmem>> -> memref<1x8x128xi32, #tpu.memory_space<vmem>>
        %dma_wait3A_672 = tpu.memref_squeeze %dma_wait3A_671 : memref<1x8x128xi32, #tpu.memory_space<vmem>> -> memref<8x128xi32, #tpu.memory_space<vmem>>
        %dma_wait3A_673 = arith.constant 0 : i32
        %dma_wait3A_674 = tpu.memref_slice %dma_wait3A_672[%run_scoped3A_104, %dma_wait3A_673] : memref<8x128xi32, #tpu.memory_space<vmem>> -> memref<1x128xi32, #tpu.memory_space<vmem>>
        %dma_wait3A_675 = tpu.memref_squeeze %dma_wait3A_674 : memref<1x128xi32, #tpu.memory_space<vmem>> -> memref<128xi32, #tpu.memory_space<vmem>>
        %dma_wait3A_676 = arith.constant 0 : i32
        %dma_wait3A_677 = arith.constant 0 : i32
        %dma_wait3A_678 = tpu.memref_slice %arg10[%dma_wait3A_676, %dma_wait3A_677] : memref<10240x128xf32, #tpu.memory_space<vmem_shared>> -> memref<10240x128xf32, #tpu.memory_space<vmem_shared>>
        tpu.wait_indirect_dma semaphore(%run_scoped3A_650 : memref<!tpu.dma_semaphore, #tpu.memory_space<semaphore_mem>>) src(%dma_wait3A_668 : memref<128x128xf32, #tpu.memory_space<vmem>>) dst(%dma_wait3A_678 : memref<10240x128xf32, #tpu.memory_space<vmem_shared>>)
        tpu.yield
      }) : () -> ()
      %dma_start3A_105 = arith.constant 0 : i32
      %dma_start3A_106 = arith.constant 2 : i32
      %dma_start3A_107 = arith.constant 0 : i32
      %dma_start3A_108 = arith.constant 0 : i32
      %dma_start3A_109 = arith.constant 0 : i32
      %dma_start3A_110 = tpu.memref_slice %arg9[%dma_start3A_107, %dma_start3A_108, %dma_start3A_109] : memref<2x128x128xf32, #tpu.memory_space<vmem>> -> memref<1x128x128xf32, #tpu.memory_space<vmem>>
      %dma_start3A_111 = tpu.memref_squeeze %dma_start3A_110 : memref<1x128x128xf32, #tpu.memory_space<vmem>> -> memref<128x128xf32, #tpu.memory_space<vmem>>
      %dma_start3A_112 = arith.constant 0 : i32
      %dma_start3A_113 = arith.constant 0 : i32
      %dma_start3A_114 = tpu.memref_slice %arg7[%dma_start3A_105, %dma_start3A_112, %dma_start3A_113] : memref<2x8x128xi32, #tpu.memory_space<vmem>> -> memref<1x8x128xi32, #tpu.memory_space<vmem>>
      %dma_start3A_115 = tpu.memref_squeeze %dma_start3A_114 : memref<1x8x128xi32, #tpu.memory_space<vmem>> -> memref<8x128xi32, #tpu.memory_space<vmem>>
      %dma_start3A_116 = arith.constant 0 : i32
      %dma_start3A_117 = tpu.memref_slice %dma_start3A_115[%dma_start3A_106, %dma_start3A_116] : memref<8x128xi32, #tpu.memory_space<vmem>> -> memref<1x128xi32, #tpu.memory_space<vmem>>
      %dma_start3A_118 = tpu.memref_squeeze %dma_start3A_117 : memref<1x128xi32, #tpu.memory_space<vmem>> -> memref<128xi32, #tpu.memory_space<vmem>>
      %dma_start3A_119 = arith.constant 0 : i32
      %dma_start3A_120 = arith.constant 0 : i32
      %dma_start3A_121 = tpu.memref_slice %arg2[%dma_start3A_119, %dma_start3A_120] : memref<10000x128xf32, #tpu.memory_space<hbm>> -> memref<10000x128xf32, #tpu.memory_space<hbm>>
      tpu.enqueue_indirect_dma source(%dma_start3A_121 : memref<10000x128xf32, #tpu.memory_space<hbm>>) target(%dma_start3A_111 : memref<128x128xf32, #tpu.memory_space<vmem>>) offsets(%dma_start3A_118 : memref<128xi32, #tpu.memory_space<vmem>>) semaphore(%arg11 : memref<!tpu.dma_semaphore, #tpu.memory_space<semaphore_mem>>)
      %dma_wait3A_122 = arith.constant 0 : i32
      %dma_wait3A_123 = arith.constant 1 : i32
      %dma_wait3A_124 = arith.constant 1 : i32
      %dma_wait3A_125 = arith.constant 0 : i32
      %dma_wait3A_126 = arith.constant 0 : i32
      %dma_wait3A_127 = tpu.memref_slice %arg9[%dma_wait3A_124, %dma_wait3A_125, %dma_wait3A_126] : memref<2x128x128xf32, #tpu.memory_space<vmem>> -> memref<1x128x128xf32, #tpu.memory_space<vmem>>
      %dma_wait3A_128 = tpu.memref_squeeze %dma_wait3A_127 : memref<1x128x128xf32, #tpu.memory_space<vmem>> -> memref<128x128xf32, #tpu.memory_space<vmem>>
      %dma_wait3A_129 = arith.constant 0 : i32
      %dma_wait3A_130 = arith.constant 0 : i32
      %dma_wait3A_131 = tpu.memref_slice %arg7[%dma_wait3A_122, %dma_wait3A_129, %dma_wait3A_130] : memref<2x8x128xi32, #tpu.memory_space<vmem>> -> memref<1x8x128xi32, #tpu.memory_space<vmem>>
      %dma_wait3A_132 = tpu.memref_squeeze %dma_wait3A_131 : memref<1x8x128xi32, #tpu.memory_space<vmem>> -> memref<8x128xi32, #tpu.memory_space<vmem>>
      %dma_wait3A_133 = arith.constant 0 : i32
      %dma_wait3A_134 = tpu.memref_slice %dma_wait3A_132[%dma_wait3A_123, %dma_wait3A_133] : memref<8x128xi32, #tpu.memory_space<vmem>> -> memref<1x128xi32, #tpu.memory_space<vmem>>
      %dma_wait3A_135 = tpu.memref_squeeze %dma_wait3A_134 : memref<1x128xi32, #tpu.memory_space<vmem>> -> memref<128xi32, #tpu.memory_space<vmem>>
      %dma_wait3A_136 = arith.constant 0 : i32
      %dma_wait3A_137 = arith.constant 0 : i32
      %dma_wait3A_138 = tpu.memref_slice %arg2[%dma_wait3A_136, %dma_wait3A_137] : memref<10000x128xf32, #tpu.memory_space<hbm>> -> memref<10000x128xf32, #tpu.memory_space<hbm>>
      tpu.wait_indirect_dma semaphore(%arg12 : memref<!tpu.dma_semaphore, #tpu.memory_space<semaphore_mem>>) src(%dma_wait3A_138 : memref<10000x128xf32, #tpu.memory_space<hbm>>) dst(%dma_wait3A_128 : memref<128x128xf32, #tpu.memory_space<vmem>>)
      %run_scoped3A_139 = arith.constant 1 : i32
      %run_scoped3A_140 = arith.constant 0 : i32
      %run_scoped3A_141 = arith.constant 1 : i32
      "tpu.region"() ({
        %run_scoped3A_650 = tpu.sem_alloc : memref<!tpu.dma_semaphore, #tpu.memory_space<semaphore_mem>>
        %dma_start3A_651 = arith.constant 0 : i32
        %dma_start3A_652 = arith.constant 0 : i32
        %dma_start3A_653 = tpu.memref_slice %arg9[%run_scoped3A_139, %dma_start3A_651, %dma_start3A_652] : memref<2x128x128xf32, #tpu.memory_space<vmem>> -> memref<1x128x128xf32, #tpu.memory_space<vmem>>
        %dma_start3A_654 = tpu.memref_squeeze %dma_start3A_653 : memref<1x128x128xf32, #tpu.memory_space<vmem>> -> memref<128x128xf32, #tpu.memory_space<vmem>>
        %dma_start3A_655 = arith.constant 0 : i32
        %dma_start3A_656 = arith.constant 0 : i32
        %dma_start3A_657 = tpu.memref_slice %arg8[%run_scoped3A_140, %dma_start3A_655, %dma_start3A_656] : memref<2x8x128xi32, #tpu.memory_space<vmem>> -> memref<1x8x128xi32, #tpu.memory_space<vmem>>
        %dma_start3A_658 = tpu.memref_squeeze %dma_start3A_657 : memref<1x8x128xi32, #tpu.memory_space<vmem>> -> memref<8x128xi32, #tpu.memory_space<vmem>>
        %dma_start3A_659 = arith.constant 0 : i32
        %dma_start3A_660 = tpu.memref_slice %dma_start3A_658[%run_scoped3A_141, %dma_start3A_659] : memref<8x128xi32, #tpu.memory_space<vmem>> -> memref<1x128xi32, #tpu.memory_space<vmem>>
        %dma_start3A_661 = tpu.memref_squeeze %dma_start3A_660 : memref<1x128xi32, #tpu.memory_space<vmem>> -> memref<128xi32, #tpu.memory_space<vmem>>
        %dma_start3A_662 = arith.constant 0 : i32
        %dma_start3A_663 = arith.constant 0 : i32
        %dma_start3A_664 = tpu.memref_slice %arg10[%dma_start3A_662, %dma_start3A_663] : memref<10240x128xf32, #tpu.memory_space<vmem_shared>> -> memref<10240x128xf32, #tpu.memory_space<vmem_shared>>
        tpu.enqueue_indirect_dma source(%dma_start3A_654 : memref<128x128xf32, #tpu.memory_space<vmem>>) target(%dma_start3A_664 : memref<10240x128xf32, #tpu.memory_space<vmem_shared>>) offsets(%dma_start3A_661 : memref<128xi32, #tpu.memory_space<vmem>>) semaphore(%run_scoped3A_650 : memref<!tpu.dma_semaphore, #tpu.memory_space<semaphore_mem>>) {add = true}
        %dma_wait3A_665 = arith.constant 0 : i32
        %dma_wait3A_666 = arith.constant 0 : i32
        %dma_wait3A_667 = tpu.memref_slice %arg9[%run_scoped3A_139, %dma_wait3A_665, %dma_wait3A_666] : memref<2x128x128xf32, #tpu.memory_space<vmem>> -> memref<1x128x128xf32, #tpu.memory_space<vmem>>
        %dma_wait3A_668 = tpu.memref_squeeze %dma_wait3A_667 : memref<1x128x128xf32, #tpu.memory_space<vmem>> -> memref<128x128xf32, #tpu.memory_space<vmem>>
        %dma_wait3A_669 = arith.constant 0 : i32
        %dma_wait3A_670 = arith.constant 0 : i32
        %dma_wait3A_671 = tpu.memref_slice %arg8[%run_scoped3A_140, %dma_wait3A_669, %dma_wait3A_670] : memref<2x8x128xi32, #tpu.memory_space<vmem>> -> memref<1x8x128xi32, #tpu.memory_space<vmem>>
        %dma_wait3A_672 = tpu.memref_squeeze %dma_wait3A_671 : memref<1x8x128xi32, #tpu.memory_space<vmem>> -> memref<8x128xi32, #tpu.memory_space<vmem>>
        %dma_wait3A_673 = arith.constant 0 : i32
        %dma_wait3A_674 = tpu.memref_slice %dma_wait3A_672[%run_scoped3A_141, %dma_wait3A_673] : memref<8x128xi32, #tpu.memory_space<vmem>> -> memref<1x128xi32, #tpu.memory_space<vmem>>
        %dma_wait3A_675 = tpu.memref_squeeze %dma_wait3A_674 : memref<1x128xi32, #tpu.memory_space<vmem>> -> memref<128xi32, #tpu.memory_space<vmem>>
        %dma_wait3A_676 = arith.constant 0 : i32
        %dma_wait3A_677 = arith.constant 0 : i32
        %dma_wait3A_678 = tpu.memref_slice %arg10[%dma_wait3A_676, %dma_wait3A_677] : memref<10240x128xf32, #tpu.memory_space<vmem_shared>> -> memref<10240x128xf32, #tpu.memory_space<vmem_shared>>
        tpu.wait_indirect_dma semaphore(%run_scoped3A_650 : memref<!tpu.dma_semaphore, #tpu.memory_space<semaphore_mem>>) src(%dma_wait3A_668 : memref<128x128xf32, #tpu.memory_space<vmem>>) dst(%dma_wait3A_678 : memref<10240x128xf32, #tpu.memory_space<vmem_shared>>)
        tpu.yield
      }) : () -> ()
      %dma_start3A_142 = arith.constant 0 : i32
      %dma_start3A_143 = arith.constant 3 : i32
      %dma_start3A_144 = arith.constant 1 : i32
      %dma_start3A_145 = arith.constant 0 : i32
      %dma_start3A_146 = arith.constant 0 : i32
      %dma_start3A_147 = tpu.memref_slice %arg9[%dma_start3A_144, %dma_start3A_145, %dma_start3A_146] : memref<2x128x128xf32, #tpu.memory_space<vmem>> -> memref<1x128x128xf32, #tpu.memory_space<vmem>>
      %dma_start3A_148 = tpu.memref_squeeze %dma_start3A_147 : memref<1x128x128xf32, #tpu.memory_space<vmem>> -> memref<128x128xf32, #tpu.memory_space<vmem>>
      %dma_start3A_149 = arith.constant 0 : i32
      %dma_start3A_150 = arith.constant 0 : i32
      %dma_start3A_151 = tpu.memref_slice %arg7[%dma_start3A_142, %dma_start3A_149, %dma_start3A_150] : memref<2x8x128xi32, #tpu.memory_space<vmem>> -> memref<1x8x128xi32, #tpu.memory_space<vmem>>
      %dma_start3A_152 = tpu.memref_squeeze %dma_start3A_151 : memref<1x8x128xi32, #tpu.memory_space<vmem>> -> memref<8x128xi32, #tpu.memory_space<vmem>>
      %dma_start3A_153 = arith.constant 0 : i32
      %dma_start3A_154 = tpu.memref_slice %dma_start3A_152[%dma_start3A_143, %dma_start3A_153] : memref<8x128xi32, #tpu.memory_space<vmem>> -> memref<1x128xi32, #tpu.memory_space<vmem>>
      %dma_start3A_155 = tpu.memref_squeeze %dma_start3A_154 : memref<1x128xi32, #tpu.memory_space<vmem>> -> memref<128xi32, #tpu.memory_space<vmem>>
      %dma_start3A_156 = arith.constant 0 : i32
      %dma_start3A_157 = arith.constant 0 : i32
      %dma_start3A_158 = tpu.memref_slice %arg2[%dma_start3A_156, %dma_start3A_157] : memref<10000x128xf32, #tpu.memory_space<hbm>> -> memref<10000x128xf32, #tpu.memory_space<hbm>>
      tpu.enqueue_indirect_dma source(%dma_start3A_158 : memref<10000x128xf32, #tpu.memory_space<hbm>>) target(%dma_start3A_148 : memref<128x128xf32, #tpu.memory_space<vmem>>) offsets(%dma_start3A_155 : memref<128xi32, #tpu.memory_space<vmem>>) semaphore(%arg12 : memref<!tpu.dma_semaphore, #tpu.memory_space<semaphore_mem>>)
      %dma_wait3A_159 = arith.constant 0 : i32
      %dma_wait3A_160 = arith.constant 2 : i32
      %dma_wait3A_161 = arith.constant 0 : i32
      %dma_wait3A_162 = arith.constant 0 : i32
      %dma_wait3A_163 = arith.constant 0 : i32
      %dma_wait3A_164 = tpu.memref_slice %arg9[%dma_wait3A_161, %dma_wait3A_162, %dma_wait3A_163] : memref<2x128x128xf32, #tpu.memory_space<vmem>> -> memref<1x128x128xf32, #tpu.memory_space<vmem>>
      %dma_wait3A_165 = tpu.memref_squeeze %dma_wait3A_164 : memref<1x128x128xf32, #tpu.memory_space<vmem>> -> memref<128x128xf32, #tpu.memory_space<vmem>>
      %dma_wait3A_166 = arith.constant 0 : i32
      %dma_wait3A_167 = arith.constant 0 : i32
      %dma_wait3A_168 = tpu.memref_slice %arg7[%dma_wait3A_159, %dma_wait3A_166, %dma_wait3A_167] : memref<2x8x128xi32, #tpu.memory_space<vmem>> -> memref<1x8x128xi32, #tpu.memory_space<vmem>>
      %dma_wait3A_169 = tpu.memref_squeeze %dma_wait3A_168 : memref<1x8x128xi32, #tpu.memory_space<vmem>> -> memref<8x128xi32, #tpu.memory_space<vmem>>
      %dma_wait3A_170 = arith.constant 0 : i32
      %dma_wait3A_171 = tpu.memref_slice %dma_wait3A_169[%dma_wait3A_160, %dma_wait3A_170] : memref<8x128xi32, #tpu.memory_space<vmem>> -> memref<1x128xi32, #tpu.memory_space<vmem>>
      %dma_wait3A_172 = tpu.memref_squeeze %dma_wait3A_171 : memref<1x128xi32, #tpu.memory_space<vmem>> -> memref<128xi32, #tpu.memory_space<vmem>>
      %dma_wait3A_173 = arith.constant 0 : i32
      %dma_wait3A_174 = arith.constant 0 : i32
      %dma_wait3A_175 = tpu.memref_slice %arg2[%dma_wait3A_173, %dma_wait3A_174] : memref<10000x128xf32, #tpu.memory_space<hbm>> -> memref<10000x128xf32, #tpu.memory_space<hbm>>
      tpu.wait_indirect_dma semaphore(%arg11 : memref<!tpu.dma_semaphore, #tpu.memory_space<semaphore_mem>>) src(%dma_wait3A_175 : memref<10000x128xf32, #tpu.memory_space<hbm>>) dst(%dma_wait3A_165 : memref<128x128xf32, #tpu.memory_space<vmem>>)
      %run_scoped3A_176 = arith.constant 0 : i32
      %run_scoped3A_177 = arith.constant 0 : i32
      %run_scoped3A_178 = arith.constant 2 : i32
      "tpu.region"() ({
        %run_scoped3A_650 = tpu.sem_alloc : memref<!tpu.dma_semaphore, #tpu.memory_space<semaphore_mem>>
        %dma_start3A_651 = arith.constant 0 : i32
        %dma_start3A_652 = arith.constant 0 : i32
        %dma_start3A_653 = tpu.memref_slice %arg9[%run_scoped3A_176, %dma_start3A_651, %dma_start3A_652] : memref<2x128x128xf32, #tpu.memory_space<vmem>> -> memref<1x128x128xf32, #tpu.memory_space<vmem>>
        %dma_start3A_654 = tpu.memref_squeeze %dma_start3A_653 : memref<1x128x128xf32, #tpu.memory_space<vmem>> -> memref<128x128xf32, #tpu.memory_space<vmem>>
        %dma_start3A_655 = arith.constant 0 : i32
        %dma_start3A_656 = arith.constant 0 : i32
        %dma_start3A_657 = tpu.memref_slice %arg8[%run_scoped3A_177, %dma_start3A_655, %dma_start3A_656] : memref<2x8x128xi32, #tpu.memory_space<vmem>> -> memref<1x8x128xi32, #tpu.memory_space<vmem>>
        %dma_start3A_658 = tpu.memref_squeeze %dma_start3A_657 : memref<1x8x128xi32, #tpu.memory_space<vmem>> -> memref<8x128xi32, #tpu.memory_space<vmem>>
        %dma_start3A_659 = arith.constant 0 : i32
        %dma_start3A_660 = tpu.memref_slice %dma_start3A_658[%run_scoped3A_178, %dma_start3A_659] : memref<8x128xi32, #tpu.memory_space<vmem>> -> memref<1x128xi32, #tpu.memory_space<vmem>>
        %dma_start3A_661 = tpu.memref_squeeze %dma_start3A_660 : memref<1x128xi32, #tpu.memory_space<vmem>> -> memref<128xi32, #tpu.memory_space<vmem>>
        %dma_start3A_662 = arith.constant 0 : i32
        %dma_start3A_663 = arith.constant 0 : i32
        %dma_start3A_664 = tpu.memref_slice %arg10[%dma_start3A_662, %dma_start3A_663] : memref<10240x128xf32, #tpu.memory_space<vmem_shared>> -> memref<10240x128xf32, #tpu.memory_space<vmem_shared>>
        tpu.enqueue_indirect_dma source(%dma_start3A_654 : memref<128x128xf32, #tpu.memory_space<vmem>>) target(%dma_start3A_664 : memref<10240x128xf32, #tpu.memory_space<vmem_shared>>) offsets(%dma_start3A_661 : memref<128xi32, #tpu.memory_space<vmem>>) semaphore(%run_scoped3A_650 : memref<!tpu.dma_semaphore, #tpu.memory_space<semaphore_mem>>) {add = true}
        %dma_wait3A_665 = arith.constant 0 : i32
        %dma_wait3A_666 = arith.constant 0 : i32
        %dma_wait3A_667 = tpu.memref_slice %arg9[%run_scoped3A_176, %dma_wait3A_665, %dma_wait3A_666] : memref<2x128x128xf32, #tpu.memory_space<vmem>> -> memref<1x128x128xf32, #tpu.memory_space<vmem>>
        %dma_wait3A_668 = tpu.memref_squeeze %dma_wait3A_667 : memref<1x128x128xf32, #tpu.memory_space<vmem>> -> memref<128x128xf32, #tpu.memory_space<vmem>>
        %dma_wait3A_669 = arith.constant 0 : i32
        %dma_wait3A_670 = arith.constant 0 : i32
        %dma_wait3A_671 = tpu.memref_slice %arg8[%run_scoped3A_177, %dma_wait3A_669, %dma_wait3A_670] : memref<2x8x128xi32, #tpu.memory_space<vmem>> -> memref<1x8x128xi32, #tpu.memory_space<vmem>>
        %dma_wait3A_672 = tpu.memref_squeeze %dma_wait3A_671 : memref<1x8x128xi32, #tpu.memory_space<vmem>> -> memref<8x128xi32, #tpu.memory_space<vmem>>
        %dma_wait3A_673 = arith.constant 0 : i32
        %dma_wait3A_674 = tpu.memref_slice %dma_wait3A_672[%run_scoped3A_178, %dma_wait3A_673] : memref<8x128xi32, #tpu.memory_space<vmem>> -> memref<1x128xi32, #tpu.memory_space<vmem>>
        %dma_wait3A_675 = tpu.memref_squeeze %dma_wait3A_674 : memref<1x128xi32, #tpu.memory_space<vmem>> -> memref<128xi32, #tpu.memory_space<vmem>>
        %dma_wait3A_676 = arith.constant 0 : i32
        %dma_wait3A_677 = arith.constant 0 : i32
        %dma_wait3A_678 = tpu.memref_slice %arg10[%dma_wait3A_676, %dma_wait3A_677] : memref<10240x128xf32, #tpu.memory_space<vmem_shared>> -> memref<10240x128xf32, #tpu.memory_space<vmem_shared>>
        tpu.wait_indirect_dma semaphore(%run_scoped3A_650 : memref<!tpu.dma_semaphore, #tpu.memory_space<semaphore_mem>>) src(%dma_wait3A_668 : memref<128x128xf32, #tpu.memory_space<vmem>>) dst(%dma_wait3A_678 : memref<10240x128xf32, #tpu.memory_space<vmem_shared>>)
        tpu.yield
      }) : () -> ()
      %dma_start3A_179 = arith.constant 0 : i32
      %dma_start3A_180 = arith.constant 4 : i32
      %dma_start3A_181 = arith.constant 0 : i32
      %dma_start3A_182 = arith.constant 0 : i32
      %dma_start3A_183 = arith.constant 0 : i32
      %dma_start3A_184 = tpu.memref_slice %arg9[%dma_start3A_181, %dma_start3A_182, %dma_start3A_183] : memref<2x128x128xf32, #tpu.memory_space<vmem>> -> memref<1x128x128xf32, #tpu.memory_space<vmem>>
      %dma_start3A_185 = tpu.memref_squeeze %dma_start3A_184 : memref<1x128x128xf32, #tpu.memory_space<vmem>> -> memref<128x128xf32, #tpu.memory_space<vmem>>
      %dma_start3A_186 = arith.constant 0 : i32
      %dma_start3A_187 = arith.constant 0 : i32
      %dma_start3A_188 = tpu.memref_slice %arg7[%dma_start3A_179, %dma_start3A_186, %dma_start3A_187] : memref<2x8x128xi32, #tpu.memory_space<vmem>> -> memref<1x8x128xi32, #tpu.memory_space<vmem>>
      %dma_start3A_189 = tpu.memref_squeeze %dma_start3A_188 : memref<1x8x128xi32, #tpu.memory_space<vmem>> -> memref<8x128xi32, #tpu.memory_space<vmem>>
      %dma_start3A_190 = arith.constant 0 : i32
      %dma_start3A_191 = tpu.memref_slice %dma_start3A_189[%dma_start3A_180, %dma_start3A_190] : memref<8x128xi32, #tpu.memory_space<vmem>> -> memref<1x128xi32, #tpu.memory_space<vmem>>
      %dma_start3A_192 = tpu.memref_squeeze %dma_start3A_191 : memref<1x128xi32, #tpu.memory_space<vmem>> -> memref<128xi32, #tpu.memory_space<vmem>>
      %dma_start3A_193 = arith.constant 0 : i32
      %dma_start3A_194 = arith.constant 0 : i32
      %dma_start3A_195 = tpu.memref_slice %arg2[%dma_start3A_193, %dma_start3A_194] : memref<10000x128xf32, #tpu.memory_space<hbm>> -> memref<10000x128xf32, #tpu.memory_space<hbm>>
      tpu.enqueue_indirect_dma source(%dma_start3A_195 : memref<10000x128xf32, #tpu.memory_space<hbm>>) target(%dma_start3A_185 : memref<128x128xf32, #tpu.memory_space<vmem>>) offsets(%dma_start3A_192 : memref<128xi32, #tpu.memory_space<vmem>>) semaphore(%arg11 : memref<!tpu.dma_semaphore, #tpu.memory_space<semaphore_mem>>)
      %dma_wait3A_196 = arith.constant 0 : i32
      %dma_wait3A_197 = arith.constant 3 : i32
      %dma_wait3A_198 = arith.constant 1 : i32
      %dma_wait3A_199 = arith.constant 0 : i32
      %dma_wait3A_200 = arith.constant 0 : i32
      %dma_wait3A_201 = tpu.memref_slice %arg9[%dma_wait3A_198, %dma_wait3A_199, %dma_wait3A_200] : memref<2x128x128xf32, #tpu.memory_space<vmem>> -> memref<1x128x128xf32, #tpu.memory_space<vmem>>
      %dma_wait3A_202 = tpu.memref_squeeze %dma_wait3A_201 : memref<1x128x128xf32, #tpu.memory_space<vmem>> -> memref<128x128xf32, #tpu.memory_space<vmem>>
      %dma_wait3A_203 = arith.constant 0 : i32
      %dma_wait3A_204 = arith.constant 0 : i32
      %dma_wait3A_205 = tpu.memref_slice %arg7[%dma_wait3A_196, %dma_wait3A_203, %dma_wait3A_204] : memref<2x8x128xi32, #tpu.memory_space<vmem>> -> memref<1x8x128xi32, #tpu.memory_space<vmem>>
      %dma_wait3A_206 = tpu.memref_squeeze %dma_wait3A_205 : memref<1x8x128xi32, #tpu.memory_space<vmem>> -> memref<8x128xi32, #tpu.memory_space<vmem>>
      %dma_wait3A_207 = arith.constant 0 : i32
      %dma_wait3A_208 = tpu.memref_slice %dma_wait3A_206[%dma_wait3A_197, %dma_wait3A_207] : memref<8x128xi32, #tpu.memory_space<vmem>> -> memref<1x128xi32, #tpu.memory_space<vmem>>
      %dma_wait3A_209 = tpu.memref_squeeze %dma_wait3A_208 : memref<1x128xi32, #tpu.memory_space<vmem>> -> memref<128xi32, #tpu.memory_space<vmem>>
      %dma_wait3A_210 = arith.constant 0 : i32
      %dma_wait3A_211 = arith.constant 0 : i32
      %dma_wait3A_212 = tpu.memref_slice %arg2[%dma_wait3A_210, %dma_wait3A_211] : memref<10000x128xf32, #tpu.memory_space<hbm>> -> memref<10000x128xf32, #tpu.memory_space<hbm>>
      tpu.wait_indirect_dma semaphore(%arg12 : memref<!tpu.dma_semaphore, #tpu.memory_space<semaphore_mem>>) src(%dma_wait3A_212 : memref<10000x128xf32, #tpu.memory_space<hbm>>) dst(%dma_wait3A_202 : memref<128x128xf32, #tpu.memory_space<vmem>>)
      %run_scoped3A_213 = arith.constant 1 : i32
      %run_scoped3A_214 = arith.constant 0 : i32
      %run_scoped3A_215 = arith.constant 3 : i32
      "tpu.region"() ({
        %run_scoped3A_650 = tpu.sem_alloc : memref<!tpu.dma_semaphore, #tpu.memory_space<semaphore_mem>>
        %dma_start3A_651 = arith.constant 0 : i32
        %dma_start3A_652 = arith.constant 0 : i32
        %dma_start3A_653 = tpu.memref_slice %arg9[%run_scoped3A_213, %dma_start3A_651, %dma_start3A_652] : memref<2x128x128xf32, #tpu.memory_space<vmem>> -> memref<1x128x128xf32, #tpu.memory_space<vmem>>
        %dma_start3A_654 = tpu.memref_squeeze %dma_start3A_653 : memref<1x128x128xf32, #tpu.memory_space<vmem>> -> memref<128x128xf32, #tpu.memory_space<vmem>>
        %dma_start3A_655 = arith.constant 0 : i32
        %dma_start3A_656 = arith.constant 0 : i32
        %dma_start3A_657 = tpu.memref_slice %arg8[%run_scoped3A_214, %dma_start3A_655, %dma_start3A_656] : memref<2x8x128xi32, #tpu.memory_space<vmem>> -> memref<1x8x128xi32, #tpu.memory_space<vmem>>
        %dma_start3A_658 = tpu.memref_squeeze %dma_start3A_657 : memref<1x8x128xi32, #tpu.memory_space<vmem>> -> memref<8x128xi32, #tpu.memory_space<vmem>>
        %dma_start3A_659 = arith.constant 0 : i32
        %dma_start3A_660 = tpu.memref_slice %dma_start3A_658[%run_scoped3A_215, %dma_start3A_659] : memref<8x128xi32, #tpu.memory_space<vmem>> -> memref<1x128xi32, #tpu.memory_space<vmem>>
        %dma_start3A_661 = tpu.memref_squeeze %dma_start3A_660 : memref<1x128xi32, #tpu.memory_space<vmem>> -> memref<128xi32, #tpu.memory_space<vmem>>
        %dma_start3A_662 = arith.constant 0 : i32
        %dma_start3A_663 = arith.constant 0 : i32
        %dma_start3A_664 = tpu.memref_slice %arg10[%dma_start3A_662, %dma_start3A_663] : memref<10240x128xf32, #tpu.memory_space<vmem_shared>> -> memref<10240x128xf32, #tpu.memory_space<vmem_shared>>
        tpu.enqueue_indirect_dma source(%dma_start3A_654 : memref<128x128xf32, #tpu.memory_space<vmem>>) target(%dma_start3A_664 : memref<10240x128xf32, #tpu.memory_space<vmem_shared>>) offsets(%dma_start3A_661 : memref<128xi32, #tpu.memory_space<vmem>>) semaphore(%run_scoped3A_650 : memref<!tpu.dma_semaphore, #tpu.memory_space<semaphore_mem>>) {add = true}
        %dma_wait3A_665 = arith.constant 0 : i32
        %dma_wait3A_666 = arith.constant 0 : i32
        %dma_wait3A_667 = tpu.memref_slice %arg9[%run_scoped3A_213, %dma_wait3A_665, %dma_wait3A_666] : memref<2x128x128xf32, #tpu.memory_space<vmem>> -> memref<1x128x128xf32, #tpu.memory_space<vmem>>
        %dma_wait3A_668 = tpu.memref_squeeze %dma_wait3A_667 : memref<1x128x128xf32, #tpu.memory_space<vmem>> -> memref<128x128xf32, #tpu.memory_space<vmem>>
        %dma_wait3A_669 = arith.constant 0 : i32
        %dma_wait3A_670 = arith.constant 0 : i32
        %dma_wait3A_671 = tpu.memref_slice %arg8[%run_scoped3A_214, %dma_wait3A_669, %dma_wait3A_670] : memref<2x8x128xi32, #tpu.memory_space<vmem>> -> memref<1x8x128xi32, #tpu.memory_space<vmem>>
        %dma_wait3A_672 = tpu.memref_squeeze %dma_wait3A_671 : memref<1x8x128xi32, #tpu.memory_space<vmem>> -> memref<8x128xi32, #tpu.memory_space<vmem>>
        %dma_wait3A_673 = arith.constant 0 : i32
        %dma_wait3A_674 = tpu.memref_slice %dma_wait3A_672[%run_scoped3A_215, %dma_wait3A_673] : memref<8x128xi32, #tpu.memory_space<vmem>> -> memref<1x128xi32, #tpu.memory_space<vmem>>
        %dma_wait3A_675 = tpu.memref_squeeze %dma_wait3A_674 : memref<1x128xi32, #tpu.memory_space<vmem>> -> memref<128xi32, #tpu.memory_space<vmem>>
        %dma_wait3A_676 = arith.constant 0 : i32
        %dma_wait3A_677 = arith.constant 0 : i32
        %dma_wait3A_678 = tpu.memref_slice %arg10[%dma_wait3A_676, %dma_wait3A_677] : memref<10240x128xf32, #tpu.memory_space<vmem_shared>> -> memref<10240x128xf32, #tpu.memory_space<vmem_shared>>
        tpu.wait_indirect_dma semaphore(%run_scoped3A_650 : memref<!tpu.dma_semaphore, #tpu.memory_space<semaphore_mem>>) src(%dma_wait3A_668 : memref<128x128xf32, #tpu.memory_space<vmem>>) dst(%dma_wait3A_678 : memref<10240x128xf32, #tpu.memory_space<vmem_shared>>)
        tpu.yield
      }) : () -> ()
      %dma_start3A_216 = arith.constant 0 : i32
      %dma_start3A_217 = arith.constant 5 : i32
      %dma_start3A_218 = arith.constant 1 : i32
      %dma_start3A_219 = arith.constant 0 : i32
      %dma_start3A_220 = arith.constant 0 : i32
      %dma_start3A_221 = tpu.memref_slice %arg9[%dma_start3A_218, %dma_start3A_219, %dma_start3A_220] : memref<2x128x128xf32, #tpu.memory_space<vmem>> -> memref<1x128x128xf32, #tpu.memory_space<vmem>>
      %dma_start3A_222 = tpu.memref_squeeze %dma_start3A_221 : memref<1x128x128xf32, #tpu.memory_space<vmem>> -> memref<128x128xf32, #tpu.memory_space<vmem>>
      %dma_start3A_223 = arith.constant 0 : i32
      %dma_start3A_224 = arith.constant 0 : i32
      %dma_start3A_225 = tpu.memref_slice %arg7[%dma_start3A_216, %dma_start3A_223, %dma_start3A_224] : memref<2x8x128xi32, #tpu.memory_space<vmem>> -> memref<1x8x128xi32, #tpu.memory_space<vmem>>
      %dma_start3A_226 = tpu.memref_squeeze %dma_start3A_225 : memref<1x8x128xi32, #tpu.memory_space<vmem>> -> memref<8x128xi32, #tpu.memory_space<vmem>>
      %dma_start3A_227 = arith.constant 0 : i32
      %dma_start3A_228 = tpu.memref_slice %dma_start3A_226[%dma_start3A_217, %dma_start3A_227] : memref<8x128xi32, #tpu.memory_space<vmem>> -> memref<1x128xi32, #tpu.memory_space<vmem>>
      %dma_start3A_229 = tpu.memref_squeeze %dma_start3A_228 : memref<1x128xi32, #tpu.memory_space<vmem>> -> memref<128xi32, #tpu.memory_space<vmem>>
      %dma_start3A_230 = arith.constant 0 : i32
      %dma_start3A_231 = arith.constant 0 : i32
      %dma_start3A_232 = tpu.memref_slice %arg2[%dma_start3A_230, %dma_start3A_231] : memref<10000x128xf32, #tpu.memory_space<hbm>> -> memref<10000x128xf32, #tpu.memory_space<hbm>>
      tpu.enqueue_indirect_dma source(%dma_start3A_232 : memref<10000x128xf32, #tpu.memory_space<hbm>>) target(%dma_start3A_222 : memref<128x128xf32, #tpu.memory_space<vmem>>) offsets(%dma_start3A_229 : memref<128xi32, #tpu.memory_space<vmem>>) semaphore(%arg12 : memref<!tpu.dma_semaphore, #tpu.memory_space<semaphore_mem>>)
      %dma_wait3A_233 = arith.constant 0 : i32
      %dma_wait3A_234 = arith.constant 4 : i32
      %dma_wait3A_235 = arith.constant 0 : i32
      %dma_wait3A_236 = arith.constant 0 : i32
      %dma_wait3A_237 = arith.constant 0 : i32
      %dma_wait3A_238 = tpu.memref_slice %arg9[%dma_wait3A_235, %dma_wait3A_236, %dma_wait3A_237] : memref<2x128x128xf32, #tpu.memory_space<vmem>> -> memref<1x128x128xf32, #tpu.memory_space<vmem>>
      %dma_wait3A_239 = tpu.memref_squeeze %dma_wait3A_238 : memref<1x128x128xf32, #tpu.memory_space<vmem>> -> memref<128x128xf32, #tpu.memory_space<vmem>>
      %dma_wait3A_240 = arith.constant 0 : i32
      %dma_wait3A_241 = arith.constant 0 : i32
      %dma_wait3A_242 = tpu.memref_slice %arg7[%dma_wait3A_233, %dma_wait3A_240, %dma_wait3A_241] : memref<2x8x128xi32, #tpu.memory_space<vmem>> -> memref<1x8x128xi32, #tpu.memory_space<vmem>>
      %dma_wait3A_243 = tpu.memref_squeeze %dma_wait3A_242 : memref<1x8x128xi32, #tpu.memory_space<vmem>> -> memref<8x128xi32, #tpu.memory_space<vmem>>
      %dma_wait3A_244 = arith.constant 0 : i32
      %dma_wait3A_245 = tpu.memref_slice %dma_wait3A_243[%dma_wait3A_234, %dma_wait3A_244] : memref<8x128xi32, #tpu.memory_space<vmem>> -> memref<1x128xi32, #tpu.memory_space<vmem>>
      %dma_wait3A_246 = tpu.memref_squeeze %dma_wait3A_245 : memref<1x128xi32, #tpu.memory_space<vmem>> -> memref<128xi32, #tpu.memory_space<vmem>>
      %dma_wait3A_247 = arith.constant 0 : i32
      %dma_wait3A_248 = arith.constant 0 : i32
      %dma_wait3A_249 = tpu.memref_slice %arg2[%dma_wait3A_247, %dma_wait3A_248] : memref<10000x128xf32, #tpu.memory_space<hbm>> -> memref<10000x128xf32, #tpu.memory_space<hbm>>
      tpu.wait_indirect_dma semaphore(%arg11 : memref<!tpu.dma_semaphore, #tpu.memory_space<semaphore_mem>>) src(%dma_wait3A_249 : memref<10000x128xf32, #tpu.memory_space<hbm>>) dst(%dma_wait3A_239 : memref<128x128xf32, #tpu.memory_space<vmem>>)
      %run_scoped3A_250 = arith.constant 0 : i32
      %run_scoped3A_251 = arith.constant 0 : i32
      %run_scoped3A_252 = arith.constant 4 : i32
      "tpu.region"() ({
        %run_scoped3A_650 = tpu.sem_alloc : memref<!tpu.dma_semaphore, #tpu.memory_space<semaphore_mem>>
        %dma_start3A_651 = arith.constant 0 : i32
        %dma_start3A_652 = arith.constant 0 : i32
        %dma_start3A_653 = tpu.memref_slice %arg9[%run_scoped3A_250, %dma_start3A_651, %dma_start3A_652] : memref<2x128x128xf32, #tpu.memory_space<vmem>> -> memref<1x128x128xf32, #tpu.memory_space<vmem>>
        %dma_start3A_654 = tpu.memref_squeeze %dma_start3A_653 : memref<1x128x128xf32, #tpu.memory_space<vmem>> -> memref<128x128xf32, #tpu.memory_space<vmem>>
        %dma_start3A_655 = arith.constant 0 : i32
        %dma_start3A_656 = arith.constant 0 : i32
        %dma_start3A_657 = tpu.memref_slice %arg8[%run_scoped3A_251, %dma_start3A_655, %dma_start3A_656] : memref<2x8x128xi32, #tpu.memory_space<vmem>> -> memref<1x8x128xi32, #tpu.memory_space<vmem>>
        %dma_start3A_658 = tpu.memref_squeeze %dma_start3A_657 : memref<1x8x128xi32, #tpu.memory_space<vmem>> -> memref<8x128xi32, #tpu.memory_space<vmem>>
        %dma_start3A_659 = arith.constant 0 : i32
        %dma_start3A_660 = tpu.memref_slice %dma_start3A_658[%run_scoped3A_252, %dma_start3A_659] : memref<8x128xi32, #tpu.memory_space<vmem>> -> memref<1x128xi32, #tpu.memory_space<vmem>>
        %dma_start3A_661 = tpu.memref_squeeze %dma_start3A_660 : memref<1x128xi32, #tpu.memory_space<vmem>> -> memref<128xi32, #tpu.memory_space<vmem>>
        %dma_start3A_662 = arith.constant 0 : i32
        %dma_start3A_663 = arith.constant 0 : i32
        %dma_start3A_664 = tpu.memref_slice %arg10[%dma_start3A_662, %dma_start3A_663] : memref<10240x128xf32, #tpu.memory_space<vmem_shared>> -> memref<10240x128xf32, #tpu.memory_space<vmem_shared>>
        tpu.enqueue_indirect_dma source(%dma_start3A_654 : memref<128x128xf32, #tpu.memory_space<vmem>>) target(%dma_start3A_664 : memref<10240x128xf32, #tpu.memory_space<vmem_shared>>) offsets(%dma_start3A_661 : memref<128xi32, #tpu.memory_space<vmem>>) semaphore(%run_scoped3A_650 : memref<!tpu.dma_semaphore, #tpu.memory_space<semaphore_mem>>) {add = true}
        %dma_wait3A_665 = arith.constant 0 : i32
        %dma_wait3A_666 = arith.constant 0 : i32
        %dma_wait3A_667 = tpu.memref_slice %arg9[%run_scoped3A_250, %dma_wait3A_665, %dma_wait3A_666] : memref<2x128x128xf32, #tpu.memory_space<vmem>> -> memref<1x128x128xf32, #tpu.memory_space<vmem>>
        %dma_wait3A_668 = tpu.memref_squeeze %dma_wait3A_667 : memref<1x128x128xf32, #tpu.memory_space<vmem>> -> memref<128x128xf32, #tpu.memory_space<vmem>>
        %dma_wait3A_669 = arith.constant 0 : i32
        %dma_wait3A_670 = arith.constant 0 : i32
        %dma_wait3A_671 = tpu.memref_slice %arg8[%run_scoped3A_251, %dma_wait3A_669, %dma_wait3A_670] : memref<2x8x128xi32, #tpu.memory_space<vmem>> -> memref<1x8x128xi32, #tpu.memory_space<vmem>>
        %dma_wait3A_672 = tpu.memref_squeeze %dma_wait3A_671 : memref<1x8x128xi32, #tpu.memory_space<vmem>> -> memref<8x128xi32, #tpu.memory_space<vmem>>
        %dma_wait3A_673 = arith.constant 0 : i32
        %dma_wait3A_674 = tpu.memref_slice %dma_wait3A_672[%run_scoped3A_252, %dma_wait3A_673] : memref<8x128xi32, #tpu.memory_space<vmem>> -> memref<1x128xi32, #tpu.memory_space<vmem>>
        %dma_wait3A_675 = tpu.memref_squeeze %dma_wait3A_674 : memref<1x128xi32, #tpu.memory_space<vmem>> -> memref<128xi32, #tpu.memory_space<vmem>>
        %dma_wait3A_676 = arith.constant 0 : i32
        %dma_wait3A_677 = arith.constant 0 : i32
        %dma_wait3A_678 = tpu.memref_slice %arg10[%dma_wait3A_676, %dma_wait3A_677] : memref<10240x128xf32, #tpu.memory_space<vmem_shared>> -> memref<10240x128xf32, #tpu.memory_space<vmem_shared>>
        tpu.wait_indirect_dma semaphore(%run_scoped3A_650 : memref<!tpu.dma_semaphore, #tpu.memory_space<semaphore_mem>>) src(%dma_wait3A_668 : memref<128x128xf32, #tpu.memory_space<vmem>>) dst(%dma_wait3A_678 : memref<10240x128xf32, #tpu.memory_space<vmem_shared>>)
        tpu.yield
      }) : () -> ()
      %dma_start3A_253 = arith.constant 0 : i32
      %dma_start3A_254 = arith.constant 6 : i32
      %dma_start3A_255 = arith.constant 0 : i32
      %dma_start3A_256 = arith.constant 0 : i32
      %dma_start3A_257 = arith.constant 0 : i32
      %dma_start3A_258 = tpu.memref_slice %arg9[%dma_start3A_255, %dma_start3A_256, %dma_start3A_257] : memref<2x128x128xf32, #tpu.memory_space<vmem>> -> memref<1x128x128xf32, #tpu.memory_space<vmem>>
      %dma_start3A_259 = tpu.memref_squeeze %dma_start3A_258 : memref<1x128x128xf32, #tpu.memory_space<vmem>> -> memref<128x128xf32, #tpu.memory_space<vmem>>
      %dma_start3A_260 = arith.constant 0 : i32
      %dma_start3A_261 = arith.constant 0 : i32
      %dma_start3A_262 = tpu.memref_slice %arg7[%dma_start3A_253, %dma_start3A_260, %dma_start3A_261] : memref<2x8x128xi32, #tpu.memory_space<vmem>> -> memref<1x8x128xi32, #tpu.memory_space<vmem>>
      %dma_start3A_263 = tpu.memref_squeeze %dma_start3A_262 : memref<1x8x128xi32, #tpu.memory_space<vmem>> -> memref<8x128xi32, #tpu.memory_space<vmem>>
      %dma_start3A_264 = arith.constant 0 : i32
      %dma_start3A_265 = tpu.memref_slice %dma_start3A_263[%dma_start3A_254, %dma_start3A_264] : memref<8x128xi32, #tpu.memory_space<vmem>> -> memref<1x128xi32, #tpu.memory_space<vmem>>
      %dma_start3A_266 = tpu.memref_squeeze %dma_start3A_265 : memref<1x128xi32, #tpu.memory_space<vmem>> -> memref<128xi32, #tpu.memory_space<vmem>>
      %dma_start3A_267 = arith.constant 0 : i32
      %dma_start3A_268 = arith.constant 0 : i32
      %dma_start3A_269 = tpu.memref_slice %arg2[%dma_start3A_267, %dma_start3A_268] : memref<10000x128xf32, #tpu.memory_space<hbm>> -> memref<10000x128xf32, #tpu.memory_space<hbm>>
      tpu.enqueue_indirect_dma source(%dma_start3A_269 : memref<10000x128xf32, #tpu.memory_space<hbm>>) target(%dma_start3A_259 : memref<128x128xf32, #tpu.memory_space<vmem>>) offsets(%dma_start3A_266 : memref<128xi32, #tpu.memory_space<vmem>>) semaphore(%arg11 : memref<!tpu.dma_semaphore, #tpu.memory_space<semaphore_mem>>)
      %dma_wait3A_270 = arith.constant 0 : i32
      %dma_wait3A_271 = arith.constant 5 : i32
      %dma_wait3A_272 = arith.constant 1 : i32
      %dma_wait3A_273 = arith.constant 0 : i32
      %dma_wait3A_274 = arith.constant 0 : i32
      %dma_wait3A_275 = tpu.memref_slice %arg9[%dma_wait3A_272, %dma_wait3A_273, %dma_wait3A_274] : memref<2x128x128xf32, #tpu.memory_space<vmem>> -> memref<1x128x128xf32, #tpu.memory_space<vmem>>
      %dma_wait3A_276 = tpu.memref_squeeze %dma_wait3A_275 : memref<1x128x128xf32, #tpu.memory_space<vmem>> -> memref<128x128xf32, #tpu.memory_space<vmem>>
      %dma_wait3A_277 = arith.constant 0 : i32
      %dma_wait3A_278 = arith.constant 0 : i32
      %dma_wait3A_279 = tpu.memref_slice %arg7[%dma_wait3A_270, %dma_wait3A_277, %dma_wait3A_278] : memref<2x8x128xi32, #tpu.memory_space<vmem>> -> memref<1x8x128xi32, #tpu.memory_space<vmem>>
      %dma_wait3A_280 = tpu.memref_squeeze %dma_wait3A_279 : memref<1x8x128xi32, #tpu.memory_space<vmem>> -> memref<8x128xi32, #tpu.memory_space<vmem>>
      %dma_wait3A_281 = arith.constant 0 : i32
      %dma_wait3A_282 = tpu.memref_slice %dma_wait3A_280[%dma_wait3A_271, %dma_wait3A_281] : memref<8x128xi32, #tpu.memory_space<vmem>> -> memref<1x128xi32, #tpu.memory_space<vmem>>
      %dma_wait3A_283 = tpu.memref_squeeze %dma_wait3A_282 : memref<1x128xi32, #tpu.memory_space<vmem>> -> memref<128xi32, #tpu.memory_space<vmem>>
      %dma_wait3A_284 = arith.constant 0 : i32
      %dma_wait3A_285 = arith.constant 0 : i32
      %dma_wait3A_286 = tpu.memref_slice %arg2[%dma_wait3A_284, %dma_wait3A_285] : memref<10000x128xf32, #tpu.memory_space<hbm>> -> memref<10000x128xf32, #tpu.memory_space<hbm>>
      tpu.wait_indirect_dma semaphore(%arg12 : memref<!tpu.dma_semaphore, #tpu.memory_space<semaphore_mem>>) src(%dma_wait3A_286 : memref<10000x128xf32, #tpu.memory_space<hbm>>) dst(%dma_wait3A_276 : memref<128x128xf32, #tpu.memory_space<vmem>>)
      %run_scoped3A_287 = arith.constant 1 : i32
      %run_scoped3A_288 = arith.constant 0 : i32
      %run_scoped3A_289 = arith.constant 5 : i32
      "tpu.region"() ({
        %run_scoped3A_650 = tpu.sem_alloc : memref<!tpu.dma_semaphore, #tpu.memory_space<semaphore_mem>>
        %dma_start3A_651 = arith.constant 0 : i32
        %dma_start3A_652 = arith.constant 0 : i32
        %dma_start3A_653 = tpu.memref_slice %arg9[%run_scoped3A_287, %dma_start3A_651, %dma_start3A_652] : memref<2x128x128xf32, #tpu.memory_space<vmem>> -> memref<1x128x128xf32, #tpu.memory_space<vmem>>
        %dma_start3A_654 = tpu.memref_squeeze %dma_start3A_653 : memref<1x128x128xf32, #tpu.memory_space<vmem>> -> memref<128x128xf32, #tpu.memory_space<vmem>>
        %dma_start3A_655 = arith.constant 0 : i32
        %dma_start3A_656 = arith.constant 0 : i32
        %dma_start3A_657 = tpu.memref_slice %arg8[%run_scoped3A_288, %dma_start3A_655, %dma_start3A_656] : memref<2x8x128xi32, #tpu.memory_space<vmem>> -> memref<1x8x128xi32, #tpu.memory_space<vmem>>
        %dma_start3A_658 = tpu.memref_squeeze %dma_start3A_657 : memref<1x8x128xi32, #tpu.memory_space<vmem>> -> memref<8x128xi32, #tpu.memory_space<vmem>>
        %dma_start3A_659 = arith.constant 0 : i32
        %dma_start3A_660 = tpu.memref_slice %dma_start3A_658[%run_scoped3A_289, %dma_start3A_659] : memref<8x128xi32, #tpu.memory_space<vmem>> -> memref<1x128xi32, #tpu.memory_space<vmem>>
        %dma_start3A_661 = tpu.memref_squeeze %dma_start3A_660 : memref<1x128xi32, #tpu.memory_space<vmem>> -> memref<128xi32, #tpu.memory_space<vmem>>
        %dma_start3A_662 = arith.constant 0 : i32
        %dma_start3A_663 = arith.constant 0 : i32
        %dma_start3A_664 = tpu.memref_slice %arg10[%dma_start3A_662, %dma_start3A_663] : memref<10240x128xf32, #tpu.memory_space<vmem_shared>> -> memref<10240x128xf32, #tpu.memory_space<vmem_shared>>
        tpu.enqueue_indirect_dma source(%dma_start3A_654 : memref<128x128xf32, #tpu.memory_space<vmem>>) target(%dma_start3A_664 : memref<10240x128xf32, #tpu.memory_space<vmem_shared>>) offsets(%dma_start3A_661 : memref<128xi32, #tpu.memory_space<vmem>>) semaphore(%run_scoped3A_650 : memref<!tpu.dma_semaphore, #tpu.memory_space<semaphore_mem>>) {add = true}
        %dma_wait3A_665 = arith.constant 0 : i32
        %dma_wait3A_666 = arith.constant 0 : i32
        %dma_wait3A_667 = tpu.memref_slice %arg9[%run_scoped3A_287, %dma_wait3A_665, %dma_wait3A_666] : memref<2x128x128xf32, #tpu.memory_space<vmem>> -> memref<1x128x128xf32, #tpu.memory_space<vmem>>
        %dma_wait3A_668 = tpu.memref_squeeze %dma_wait3A_667 : memref<1x128x128xf32, #tpu.memory_space<vmem>> -> memref<128x128xf32, #tpu.memory_space<vmem>>
        %dma_wait3A_669 = arith.constant 0 : i32
        %dma_wait3A_670 = arith.constant 0 : i32
        %dma_wait3A_671 = tpu.memref_slice %arg8[%run_scoped3A_288, %dma_wait3A_669, %dma_wait3A_670] : memref<2x8x128xi32, #tpu.memory_space<vmem>> -> memref<1x8x128xi32, #tpu.memory_space<vmem>>
        %dma_wait3A_672 = tpu.memref_squeeze %dma_wait3A_671 : memref<1x8x128xi32, #tpu.memory_space<vmem>> -> memref<8x128xi32, #tpu.memory_space<vmem>>
        %dma_wait3A_673 = arith.constant 0 : i32
        %dma_wait3A_674 = tpu.memref_slice %dma_wait3A_672[%run_scoped3A_289, %dma_wait3A_673] : memref<8x128xi32, #tpu.memory_space<vmem>> -> memref<1x128xi32, #tpu.memory_space<vmem>>
        %dma_wait3A_675 = tpu.memref_squeeze %dma_wait3A_674 : memref<1x128xi32, #tpu.memory_space<vmem>> -> memref<128xi32, #tpu.memory_space<vmem>>
        %dma_wait3A_676 = arith.constant 0 : i32
        %dma_wait3A_677 = arith.constant 0 : i32
        %dma_wait3A_678 = tpu.memref_slice %arg10[%dma_wait3A_676, %dma_wait3A_677] : memref<10240x128xf32, #tpu.memory_space<vmem_shared>> -> memref<10240x128xf32, #tpu.memory_space<vmem_shared>>
        tpu.wait_indirect_dma semaphore(%run_scoped3A_650 : memref<!tpu.dma_semaphore, #tpu.memory_space<semaphore_mem>>) src(%dma_wait3A_668 : memref<128x128xf32, #tpu.memory_space<vmem>>) dst(%dma_wait3A_678 : memref<10240x128xf32, #tpu.memory_space<vmem_shared>>)
        tpu.yield
      }) : () -> ()
      %dma_start3A_290 = arith.constant 0 : i32
      %dma_start3A_291 = arith.constant 7 : i32
      %dma_start3A_292 = arith.constant 1 : i32
      %dma_start3A_293 = arith.constant 0 : i32
      %dma_start3A_294 = arith.constant 0 : i32
      %dma_start3A_295 = tpu.memref_slice %arg9[%dma_start3A_292, %dma_start3A_293, %dma_start3A_294] : memref<2x128x128xf32, #tpu.memory_space<vmem>> -> memref<1x128x128xf32, #tpu.memory_space<vmem>>
      %dma_start3A_296 = tpu.memref_squeeze %dma_start3A_295 : memref<1x128x128xf32, #tpu.memory_space<vmem>> -> memref<128x128xf32, #tpu.memory_space<vmem>>
      %dma_start3A_297 = arith.constant 0 : i32
      %dma_start3A_298 = arith.constant 0 : i32
      %dma_start3A_299 = tpu.memref_slice %arg7[%dma_start3A_290, %dma_start3A_297, %dma_start3A_298] : memref<2x8x128xi32, #tpu.memory_space<vmem>> -> memref<1x8x128xi32, #tpu.memory_space<vmem>>
      %dma_start3A_300 = tpu.memref_squeeze %dma_start3A_299 : memref<1x8x128xi32, #tpu.memory_space<vmem>> -> memref<8x128xi32, #tpu.memory_space<vmem>>
      %dma_start3A_301 = arith.constant 0 : i32
      %dma_start3A_302 = tpu.memref_slice %dma_start3A_300[%dma_start3A_291, %dma_start3A_301] : memref<8x128xi32, #tpu.memory_space<vmem>> -> memref<1x128xi32, #tpu.memory_space<vmem>>
      %dma_start3A_303 = tpu.memref_squeeze %dma_start3A_302 : memref<1x128xi32, #tpu.memory_space<vmem>> -> memref<128xi32, #tpu.memory_space<vmem>>
      %dma_start3A_304 = arith.constant 0 : i32
      %dma_start3A_305 = arith.constant 0 : i32
      %dma_start3A_306 = tpu.memref_slice %arg2[%dma_start3A_304, %dma_start3A_305] : memref<10000x128xf32, #tpu.memory_space<hbm>> -> memref<10000x128xf32, #tpu.memory_space<hbm>>
      tpu.enqueue_indirect_dma source(%dma_start3A_306 : memref<10000x128xf32, #tpu.memory_space<hbm>>) target(%dma_start3A_296 : memref<128x128xf32, #tpu.memory_space<vmem>>) offsets(%dma_start3A_303 : memref<128xi32, #tpu.memory_space<vmem>>) semaphore(%arg12 : memref<!tpu.dma_semaphore, #tpu.memory_space<semaphore_mem>>)
      %dma_wait3A_307 = arith.constant 0 : i32
      %dma_wait3A_308 = arith.constant 6 : i32
      %dma_wait3A_309 = arith.constant 0 : i32
      %dma_wait3A_310 = arith.constant 0 : i32
      %dma_wait3A_311 = arith.constant 0 : i32
      %dma_wait3A_312 = tpu.memref_slice %arg9[%dma_wait3A_309, %dma_wait3A_310, %dma_wait3A_311] : memref<2x128x128xf32, #tpu.memory_space<vmem>> -> memref<1x128x128xf32, #tpu.memory_space<vmem>>
      %dma_wait3A_313 = tpu.memref_squeeze %dma_wait3A_312 : memref<1x128x128xf32, #tpu.memory_space<vmem>> -> memref<128x128xf32, #tpu.memory_space<vmem>>
      %dma_wait3A_314 = arith.constant 0 : i32
      %dma_wait3A_315 = arith.constant 0 : i32
      %dma_wait3A_316 = tpu.memref_slice %arg7[%dma_wait3A_307, %dma_wait3A_314, %dma_wait3A_315] : memref<2x8x128xi32, #tpu.memory_space<vmem>> -> memref<1x8x128xi32, #tpu.memory_space<vmem>>
      %dma_wait3A_317 = tpu.memref_squeeze %dma_wait3A_316 : memref<1x8x128xi32, #tpu.memory_space<vmem>> -> memref<8x128xi32, #tpu.memory_space<vmem>>
      %dma_wait3A_318 = arith.constant 0 : i32
      %dma_wait3A_319 = tpu.memref_slice %dma_wait3A_317[%dma_wait3A_308, %dma_wait3A_318] : memref<8x128xi32, #tpu.memory_space<vmem>> -> memref<1x128xi32, #tpu.memory_space<vmem>>
      %dma_wait3A_320 = tpu.memref_squeeze %dma_wait3A_319 : memref<1x128xi32, #tpu.memory_space<vmem>> -> memref<128xi32, #tpu.memory_space<vmem>>
      %dma_wait3A_321 = arith.constant 0 : i32
      %dma_wait3A_322 = arith.constant 0 : i32
      %dma_wait3A_323 = tpu.memref_slice %arg2[%dma_wait3A_321, %dma_wait3A_322] : memref<10000x128xf32, #tpu.memory_space<hbm>> -> memref<10000x128xf32, #tpu.memory_space<hbm>>
      tpu.wait_indirect_dma semaphore(%arg11 : memref<!tpu.dma_semaphore, #tpu.memory_space<semaphore_mem>>) src(%dma_wait3A_323 : memref<10000x128xf32, #tpu.memory_space<hbm>>) dst(%dma_wait3A_313 : memref<128x128xf32, #tpu.memory_space<vmem>>)
      %run_scoped3A_324 = arith.constant 0 : i32
      %run_scoped3A_325 = arith.constant 0 : i32
      %run_scoped3A_326 = arith.constant 6 : i32
      "tpu.region"() ({
        %run_scoped3A_650 = tpu.sem_alloc : memref<!tpu.dma_semaphore, #tpu.memory_space<semaphore_mem>>
        %dma_start3A_651 = arith.constant 0 : i32
        %dma_start3A_652 = arith.constant 0 : i32
        %dma_start3A_653 = tpu.memref_slice %arg9[%run_scoped3A_324, %dma_start3A_651, %dma_start3A_652] : memref<2x128x128xf32, #tpu.memory_space<vmem>> -> memref<1x128x128xf32, #tpu.memory_space<vmem>>
        %dma_start3A_654 = tpu.memref_squeeze %dma_start3A_653 : memref<1x128x128xf32, #tpu.memory_space<vmem>> -> memref<128x128xf32, #tpu.memory_space<vmem>>
        %dma_start3A_655 = arith.constant 0 : i32
        %dma_start3A_656 = arith.constant 0 : i32
        %dma_start3A_657 = tpu.memref_slice %arg8[%run_scoped3A_325, %dma_start3A_655, %dma_start3A_656] : memref<2x8x128xi32, #tpu.memory_space<vmem>> -> memref<1x8x128xi32, #tpu.memory_space<vmem>>
        %dma_start3A_658 = tpu.memref_squeeze %dma_start3A_657 : memref<1x8x128xi32, #tpu.memory_space<vmem>> -> memref<8x128xi32, #tpu.memory_space<vmem>>
        %dma_start3A_659 = arith.constant 0 : i32
        %dma_start3A_660 = tpu.memref_slice %dma_start3A_658[%run_scoped3A_326, %dma_start3A_659] : memref<8x128xi32, #tpu.memory_space<vmem>> -> memref<1x128xi32, #tpu.memory_space<vmem>>
        %dma_start3A_661 = tpu.memref_squeeze %dma_start3A_660 : memref<1x128xi32, #tpu.memory_space<vmem>> -> memref<128xi32, #tpu.memory_space<vmem>>
        %dma_start3A_662 = arith.constant 0 : i32
        %dma_start3A_663 = arith.constant 0 : i32
        %dma_start3A_664 = tpu.memref_slice %arg10[%dma_start3A_662, %dma_start3A_663] : memref<10240x128xf32, #tpu.memory_space<vmem_shared>> -> memref<10240x128xf32, #tpu.memory_space<vmem_shared>>
        tpu.enqueue_indirect_dma source(%dma_start3A_654 : memref<128x128xf32, #tpu.memory_space<vmem>>) target(%dma_start3A_664 : memref<10240x128xf32, #tpu.memory_space<vmem_shared>>) offsets(%dma_start3A_661 : memref<128xi32, #tpu.memory_space<vmem>>) semaphore(%run_scoped3A_650 : memref<!tpu.dma_semaphore, #tpu.memory_space<semaphore_mem>>) {add = true}
        %dma_wait3A_665 = arith.constant 0 : i32
        %dma_wait3A_666 = arith.constant 0 : i32
        %dma_wait3A_667 = tpu.memref_slice %arg9[%run_scoped3A_324, %dma_wait3A_665, %dma_wait3A_666] : memref<2x128x128xf32, #tpu.memory_space<vmem>> -> memref<1x128x128xf32, #tpu.memory_space<vmem>>
        %dma_wait3A_668 = tpu.memref_squeeze %dma_wait3A_667 : memref<1x128x128xf32, #tpu.memory_space<vmem>> -> memref<128x128xf32, #tpu.memory_space<vmem>>
        %dma_wait3A_669 = arith.constant 0 : i32
        %dma_wait3A_670 = arith.constant 0 : i32
        %dma_wait3A_671 = tpu.memref_slice %arg8[%run_scoped3A_325, %dma_wait3A_669, %dma_wait3A_670] : memref<2x8x128xi32, #tpu.memory_space<vmem>> -> memref<1x8x128xi32, #tpu.memory_space<vmem>>
        %dma_wait3A_672 = tpu.memref_squeeze %dma_wait3A_671 : memref<1x8x128xi32, #tpu.memory_space<vmem>> -> memref<8x128xi32, #tpu.memory_space<vmem>>
        %dma_wait3A_673 = arith.constant 0 : i32
        %dma_wait3A_674 = tpu.memref_slice %dma_wait3A_672[%run_scoped3A_326, %dma_wait3A_673] : memref<8x128xi32, #tpu.memory_space<vmem>> -> memref<1x128xi32, #tpu.memory_space<vmem>>
        %dma_wait3A_675 = tpu.memref_squeeze %dma_wait3A_674 : memref<1x128xi32, #tpu.memory_space<vmem>> -> memref<128xi32, #tpu.memory_space<vmem>>
        %dma_wait3A_676 = arith.constant 0 : i32
        %dma_wait3A_677 = arith.constant 0 : i32
        %dma_wait3A_678 = tpu.memref_slice %arg10[%dma_wait3A_676, %dma_wait3A_677] : memref<10240x128xf32, #tpu.memory_space<vmem_shared>> -> memref<10240x128xf32, #tpu.memory_space<vmem_shared>>
        tpu.wait_indirect_dma semaphore(%run_scoped3A_650 : memref<!tpu.dma_semaphore, #tpu.memory_space<semaphore_mem>>) src(%dma_wait3A_668 : memref<128x128xf32, #tpu.memory_space<vmem>>) dst(%dma_wait3A_678 : memref<10240x128xf32, #tpu.memory_space<vmem_shared>>)
        tpu.yield
      }) : () -> ()
      %add3A_327 = arith.constant 1 : i32
      %add3A_328 = arith.addi %add3A_85, %add3A_327 : i32
      %lt3A = arith.constant 10 : i32
      %lt3A_329 = arith.cmpi slt, %add3A_328, %lt3A : i32
      %convert_element_type3A = arith.extui %lt3A_329 : i1 to i32
      %cond3A = arith.constant 0 : i32
      %cond3A_330 = arith.cmpi ne, %convert_element_type3A, %cond3A : i32
      scf.if %cond3A_330 {
        %dma_start3A_650 = arith.constant 1 : i32
        %dma_start3A_651 = arith.constant 0 : i32
        %dma_start3A_652 = arith.constant 0 : i32
        %dma_start3A_653 = arith.constant 0 : i32
        %dma_start3A_654 = arith.constant 0 : i32
        %dma_start3A_655 = tpu.memref_slice %arg9[%dma_start3A_652, %dma_start3A_653, %dma_start3A_654] : memref<2x128x128xf32, #tpu.memory_space<vmem>> -> memref<1x128x128xf32, #tpu.memory_space<vmem>>
        %dma_start3A_656 = tpu.memref_squeeze %dma_start3A_655 : memref<1x128x128xf32, #tpu.memory_space<vmem>> -> memref<128x128xf32, #tpu.memory_space<vmem>>
        %dma_start3A_657 = arith.constant 0 : i32
        %dma_start3A_658 = arith.constant 0 : i32
        %dma_start3A_659 = tpu.memref_slice %arg7[%dma_start3A_650, %dma_start3A_657, %dma_start3A_658] : memref<2x8x128xi32, #tpu.memory_space<vmem>> -> memref<1x8x128xi32, #tpu.memory_space<vmem>>
        %dma_start3A_660 = tpu.memref_squeeze %dma_start3A_659 : memref<1x8x128xi32, #tpu.memory_space<vmem>> -> memref<8x128xi32, #tpu.memory_space<vmem>>
        %dma_start3A_661 = arith.constant 0 : i32
        %dma_start3A_662 = tpu.memref_slice %dma_start3A_660[%dma_start3A_651, %dma_start3A_661] : memref<8x128xi32, #tpu.memory_space<vmem>> -> memref<1x128xi32, #tpu.memory_space<vmem>>
        %dma_start3A_663 = tpu.memref_squeeze %dma_start3A_662 : memref<1x128xi32, #tpu.memory_space<vmem>> -> memref<128xi32, #tpu.memory_space<vmem>>
        %dma_start3A_664 = arith.constant 0 : i32
        %dma_start3A_665 = arith.constant 0 : i32
        %dma_start3A_666 = tpu.memref_slice %arg2[%dma_start3A_664, %dma_start3A_665] : memref<10000x128xf32, #tpu.memory_space<hbm>> -> memref<10000x128xf32, #tpu.memory_space<hbm>>
        tpu.enqueue_indirect_dma source(%dma_start3A_666 : memref<10000x128xf32, #tpu.memory_space<hbm>>) target(%dma_start3A_656 : memref<128x128xf32, #tpu.memory_space<vmem>>) offsets(%dma_start3A_663 : memref<128xi32, #tpu.memory_space<vmem>>) semaphore(%arg11 : memref<!tpu.dma_semaphore, #tpu.memory_space<semaphore_mem>>)
      } else {
      }
      %dma_wait3A_331 = arith.constant 0 : i32
      %dma_wait3A_332 = arith.constant 7 : i32
      %dma_wait3A_333 = arith.constant 1 : i32
      %dma_wait3A_334 = arith.constant 0 : i32
      %dma_wait3A_335 = arith.constant 0 : i32
      %dma_wait3A_336 = tpu.memref_slice %arg9[%dma_wait3A_333, %dma_wait3A_334, %dma_wait3A_335] : memref<2x128x128xf32, #tpu.memory_space<vmem>> -> memref<1x128x128xf32, #tpu.memory_space<vmem>>
      %dma_wait3A_337 = tpu.memref_squeeze %dma_wait3A_336 : memref<1x128x128xf32, #tpu.memory_space<vmem>> -> memref<128x128xf32, #tpu.memory_space<vmem>>
      %dma_wait3A_338 = arith.constant 0 : i32
      %dma_wait3A_339 = arith.constant 0 : i32
      %dma_wait3A_340 = tpu.memref_slice %arg7[%dma_wait3A_331, %dma_wait3A_338, %dma_wait3A_339] : memref<2x8x128xi32, #tpu.memory_space<vmem>> -> memref<1x8x128xi32, #tpu.memory_space<vmem>>
      %dma_wait3A_341 = tpu.memref_squeeze %dma_wait3A_340 : memref<1x8x128xi32, #tpu.memory_space<vmem>> -> memref<8x128xi32, #tpu.memory_space<vmem>>
      %dma_wait3A_342 = arith.constant 0 : i32
      %dma_wait3A_343 = tpu.memref_slice %dma_wait3A_341[%dma_wait3A_332, %dma_wait3A_342] : memref<8x128xi32, #tpu.memory_space<vmem>> -> memref<1x128xi32, #tpu.memory_space<vmem>>
      %dma_wait3A_344 = tpu.memref_squeeze %dma_wait3A_343 : memref<1x128xi32, #tpu.memory_space<vmem>> -> memref<128xi32, #tpu.memory_space<vmem>>
      %dma_wait3A_345 = arith.constant 0 : i32
      %dma_wait3A_346 = arith.constant 0 : i32
      %dma_wait3A_347 = tpu.memref_slice %arg2[%dma_wait3A_345, %dma_wait3A_346] : memref<10000x128xf32, #tpu.memory_space<hbm>> -> memref<10000x128xf32, #tpu.memory_space<hbm>>
      tpu.wait_indirect_dma semaphore(%arg12 : memref<!tpu.dma_semaphore, #tpu.memory_space<semaphore_mem>>) src(%dma_wait3A_347 : memref<10000x128xf32, #tpu.memory_space<hbm>>) dst(%dma_wait3A_337 : memref<128x128xf32, #tpu.memory_space<vmem>>)
      %run_scoped3A_348 = arith.constant 1 : i32
      %run_scoped3A_349 = arith.constant 0 : i32
      %run_scoped3A_350 = arith.constant 7 : i32
      "tpu.region"() ({
        %run_scoped3A_650 = tpu.sem_alloc : memref<!tpu.dma_semaphore, #tpu.memory_space<semaphore_mem>>
        %dma_start3A_651 = arith.constant 0 : i32
        %dma_start3A_652 = arith.constant 0 : i32
        %dma_start3A_653 = tpu.memref_slice %arg9[%run_scoped3A_348, %dma_start3A_651, %dma_start3A_652] : memref<2x128x128xf32, #tpu.memory_space<vmem>> -> memref<1x128x128xf32, #tpu.memory_space<vmem>>
        %dma_start3A_654 = tpu.memref_squeeze %dma_start3A_653 : memref<1x128x128xf32, #tpu.memory_space<vmem>> -> memref<128x128xf32, #tpu.memory_space<vmem>>
        %dma_start3A_655 = arith.constant 0 : i32
        %dma_start3A_656 = arith.constant 0 : i32
        %dma_start3A_657 = tpu.memref_slice %arg8[%run_scoped3A_349, %dma_start3A_655, %dma_start3A_656] : memref<2x8x128xi32, #tpu.memory_space<vmem>> -> memref<1x8x128xi32, #tpu.memory_space<vmem>>
        %dma_start3A_658 = tpu.memref_squeeze %dma_start3A_657 : memref<1x8x128xi32, #tpu.memory_space<vmem>> -> memref<8x128xi32, #tpu.memory_space<vmem>>
        %dma_start3A_659 = arith.constant 0 : i32
        %dma_start3A_660 = tpu.memref_slice %dma_start3A_658[%run_scoped3A_350, %dma_start3A_659] : memref<8x128xi32, #tpu.memory_space<vmem>> -> memref<1x128xi32, #tpu.memory_space<vmem>>
        %dma_start3A_661 = tpu.memref_squeeze %dma_start3A_660 : memref<1x128xi32, #tpu.memory_space<vmem>> -> memref<128xi32, #tpu.memory_space<vmem>>
        %dma_start3A_662 = arith.constant 0 : i32
        %dma_start3A_663 = arith.constant 0 : i32
        %dma_start3A_664 = tpu.memref_slice %arg10[%dma_start3A_662, %dma_start3A_663] : memref<10240x128xf32, #tpu.memory_space<vmem_shared>> -> memref<10240x128xf32, #tpu.memory_space<vmem_shared>>
        tpu.enqueue_indirect_dma source(%dma_start3A_654 : memref<128x128xf32, #tpu.memory_space<vmem>>) target(%dma_start3A_664 : memref<10240x128xf32, #tpu.memory_space<vmem_shared>>) offsets(%dma_start3A_661 : memref<128xi32, #tpu.memory_space<vmem>>) semaphore(%run_scoped3A_650 : memref<!tpu.dma_semaphore, #tpu.memory_space<semaphore_mem>>) {add = true}
        %dma_wait3A_665 = arith.constant 0 : i32
        %dma_wait3A_666 = arith.constant 0 : i32
        %dma_wait3A_667 = tpu.memref_slice %arg9[%run_scoped3A_348, %dma_wait3A_665, %dma_wait3A_666] : memref<2x128x128xf32, #tpu.memory_space<vmem>> -> memref<1x128x128xf32, #tpu.memory_space<vmem>>
        %dma_wait3A_668 = tpu.memref_squeeze %dma_wait3A_667 : memref<1x128x128xf32, #tpu.memory_space<vmem>> -> memref<128x128xf32, #tpu.memory_space<vmem>>
        %dma_wait3A_669 = arith.constant 0 : i32
        %dma_wait3A_670 = arith.constant 0 : i32
        %dma_wait3A_671 = tpu.memref_slice %arg8[%run_scoped3A_349, %dma_wait3A_669, %dma_wait3A_670] : memref<2x8x128xi32, #tpu.memory_space<vmem>> -> memref<1x8x128xi32, #tpu.memory_space<vmem>>
        %dma_wait3A_672 = tpu.memref_squeeze %dma_wait3A_671 : memref<1x8x128xi32, #tpu.memory_space<vmem>> -> memref<8x128xi32, #tpu.memory_space<vmem>>
        %dma_wait3A_673 = arith.constant 0 : i32
        %dma_wait3A_674 = tpu.memref_slice %dma_wait3A_672[%run_scoped3A_350, %dma_wait3A_673] : memref<8x128xi32, #tpu.memory_space<vmem>> -> memref<1x128xi32, #tpu.memory_space<vmem>>
        %dma_wait3A_675 = tpu.memref_squeeze %dma_wait3A_674 : memref<1x128xi32, #tpu.memory_space<vmem>> -> memref<128xi32, #tpu.memory_space<vmem>>
        %dma_wait3A_676 = arith.constant 0 : i32
        %dma_wait3A_677 = arith.constant 0 : i32
        %dma_wait3A_678 = tpu.memref_slice %arg10[%dma_wait3A_676, %dma_wait3A_677] : memref<10240x128xf32, #tpu.memory_space<vmem_shared>> -> memref<10240x128xf32, #tpu.memory_space<vmem_shared>>
        tpu.wait_indirect_dma semaphore(%run_scoped3A_650 : memref<!tpu.dma_semaphore, #tpu.memory_space<semaphore_mem>>) src(%dma_wait3A_668 : memref<128x128xf32, #tpu.memory_space<vmem>>) dst(%dma_wait3A_678 : memref<10240x128xf32, #tpu.memory_space<vmem_shared>>)
        tpu.yield
      }) : () -> ()
      %add3A_351 = arith.constant 1 : i32
      %add3A_352 = arith.addi %add3A_85, %add3A_351 : i32
      %lt3A_353 = arith.constant 10 : i32
      %lt3A_354 = arith.cmpi slt, %add3A_352, %lt3A_353 : i32
      %convert_element_type3A_355 = arith.extui %lt3A_354 : i1 to i32
      %cond3A_356 = arith.constant 0 : i32
      %cond3A_357 = arith.cmpi ne, %convert_element_type3A_355, %cond3A_356 : i32
      scf.if %cond3A_357 {
        %dma_start3A_650 = arith.constant 1 : i32
        %dma_start3A_651 = arith.constant 1 : i32
        %dma_start3A_652 = arith.constant 1 : i32
        %dma_start3A_653 = arith.constant 0 : i32
        %dma_start3A_654 = arith.constant 0 : i32
        %dma_start3A_655 = tpu.memref_slice %arg9[%dma_start3A_652, %dma_start3A_653, %dma_start3A_654] : memref<2x128x128xf32, #tpu.memory_space<vmem>> -> memref<1x128x128xf32, #tpu.memory_space<vmem>>
        %dma_start3A_656 = tpu.memref_squeeze %dma_start3A_655 : memref<1x128x128xf32, #tpu.memory_space<vmem>> -> memref<128x128xf32, #tpu.memory_space<vmem>>
        %dma_start3A_657 = arith.constant 0 : i32
        %dma_start3A_658 = arith.constant 0 : i32
        %dma_start3A_659 = tpu.memref_slice %arg7[%dma_start3A_650, %dma_start3A_657, %dma_start3A_658] : memref<2x8x128xi32, #tpu.memory_space<vmem>> -> memref<1x8x128xi32, #tpu.memory_space<vmem>>
        %dma_start3A_660 = tpu.memref_squeeze %dma_start3A_659 : memref<1x8x128xi32, #tpu.memory_space<vmem>> -> memref<8x128xi32, #tpu.memory_space<vmem>>
        %dma_start3A_661 = arith.constant 0 : i32
        %dma_start3A_662 = tpu.memref_slice %dma_start3A_660[%dma_start3A_651, %dma_start3A_661] : memref<8x128xi32, #tpu.memory_space<vmem>> -> memref<1x128xi32, #tpu.memory_space<vmem>>
        %dma_start3A_663 = tpu.memref_squeeze %dma_start3A_662 : memref<1x128xi32, #tpu.memory_space<vmem>> -> memref<128xi32, #tpu.memory_space<vmem>>
        %dma_start3A_664 = arith.constant 0 : i32
        %dma_start3A_665 = arith.constant 0 : i32
        %dma_start3A_666 = tpu.memref_slice %arg2[%dma_start3A_664, %dma_start3A_665] : memref<10000x128xf32, #tpu.memory_space<hbm>> -> memref<10000x128xf32, #tpu.memory_space<hbm>>
        tpu.enqueue_indirect_dma source(%dma_start3A_666 : memref<10000x128xf32, #tpu.memory_space<hbm>>) target(%dma_start3A_656 : memref<128x128xf32, #tpu.memory_space<vmem>>) offsets(%dma_start3A_663 : memref<128xi32, #tpu.memory_space<vmem>>) semaphore(%arg12 : memref<!tpu.dma_semaphore, #tpu.memory_space<semaphore_mem>>)
      } else {
      }
      %add3A_358 = arith.constant 2 : i32
      %add3A_359 = arith.addi %add3A_85, %add3A_358 : i32
      %lt3A_360 = arith.constant 10 : i32
      %lt3A_361 = arith.cmpi slt, %add3A_359, %lt3A_360 : i32
      %convert_element_type3A_362 = arith.extui %lt3A_361 : i1 to i32
      %cond3A_363 = arith.constant 0 : i32
      %cond3A_364 = arith.cmpi ne, %convert_element_type3A_362, %cond3A_363 : i32
      scf.if %cond3A_364 {
        %add3A_650 = arith.constant 2 : i32
        %add3A_651 = arith.addi %add3A_85, %add3A_650 : i32
        %run_scoped3A_652 = arith.constant 0 : i32
        "tpu.region"() ({
          %run_scoped3A_656 = tpu.sem_alloc : memref<!tpu.dma_semaphore, #tpu.memory_space<semaphore_mem>>
          %dma_start3A_657 = arith.constant 0 : i32
          %dma_start3A_658 = arith.constant 0 : i32
          %dma_start3A_659 = tpu.memref_slice %arg7[%run_scoped3A_652, %dma_start3A_657, %dma_start3A_658] : memref<2x8x128xi32, #tpu.memory_space<vmem>> -> memref<1x8x128xi32, #tpu.memory_space<vmem>>
          %dma_start3A_660 = tpu.memref_squeeze %dma_start3A_659 : memref<1x8x128xi32, #tpu.memory_space<vmem>> -> memref<8x128xi32, #tpu.memory_space<vmem>>
          %dma_start3A_661 = arith.constant 0 : i32
          %dma_start3A_662 = arith.constant 0 : i32
          %dma_start3A_663 = tpu.memref_slice %arg3[%add3A, %add3A_651, %dma_start3A_661, %dma_start3A_662] : memref<32x10x8x128xi32, #tpu.memory_space<hbm>> -> memref<1x1x8x128xi32, #tpu.memory_space<hbm>>
          %dma_start3A_664 = tpu.memref_squeeze %dma_start3A_663 : memref<1x1x8x128xi32, #tpu.memory_space<hbm>> -> memref<8x128xi32, #tpu.memory_space<hbm>>
          %dma_start3A_665 = arith.constant 0 : i32
          %dma_start3A_666 = arith.constant 0 : i32
          %dma_start3A_667 = tpu.memref_slice %arg7[%run_scoped3A_652, %dma_start3A_665, %dma_start3A_666] : memref<2x8x128xi32, #tpu.memory_space<vmem>> -> memref<1x8x128xi32, #tpu.memory_space<vmem>>
          %dma_start3A_668 = tpu.memref_squeeze %dma_start3A_667 : memref<1x8x128xi32, #tpu.memory_space<vmem>> -> memref<8x128xi32, #tpu.memory_space<vmem>>
          %dma_start3A_669 = arith.constant 0 : i32
          %dma_start3A_670 = arith.constant 0 : i32
          %dma_start3A_671 = tpu.memref_slice %arg3[%add3A, %add3A_651, %dma_start3A_669, %dma_start3A_670] : memref<32x10x8x128xi32, #tpu.memory_space<hbm>> -> memref<1x1x8x128xi32, #tpu.memory_space<hbm>>
          %dma_start3A_672 = tpu.memref_squeeze %dma_start3A_671 : memref<1x1x8x128xi32, #tpu.memory_space<hbm>> -> memref<8x128xi32, #tpu.memory_space<hbm>>
          tpu.enqueue_dma source(%dma_start3A_672 : memref<8x128xi32, #tpu.memory_space<hbm>>) target(%dma_start3A_668 : memref<8x128xi32, #tpu.memory_space<vmem>>) target_semaphore(%run_scoped3A_656 : memref<!tpu.dma_semaphore, #tpu.memory_space<semaphore_mem>>)
          %dma_wait3A_673 = arith.constant 0 : i32
          %dma_wait3A_674 = arith.constant 0 : i32
          %dma_wait3A_675 = tpu.memref_slice %arg7[%run_scoped3A_652, %dma_wait3A_673, %dma_wait3A_674] : memref<2x8x128xi32, #tpu.memory_space<vmem>> -> memref<1x8x128xi32, #tpu.memory_space<vmem>>
          %dma_wait3A_676 = tpu.memref_squeeze %dma_wait3A_675 : memref<1x8x128xi32, #tpu.memory_space<vmem>> -> memref<8x128xi32, #tpu.memory_space<vmem>>
          %dma_wait3A_677 = arith.constant 0 : i32
          %dma_wait3A_678 = arith.constant 0 : i32
          %dma_wait3A_679 = tpu.memref_slice %arg3[%add3A, %add3A_651, %dma_wait3A_677, %dma_wait3A_678] : memref<32x10x8x128xi32, #tpu.memory_space<hbm>> -> memref<1x1x8x128xi32, #tpu.memory_space<hbm>>
          %dma_wait3A_680 = tpu.memref_squeeze %dma_wait3A_679 : memref<1x1x8x128xi32, #tpu.memory_space<hbm>> -> memref<8x128xi32, #tpu.memory_space<hbm>>
          %dma_wait3A_681 = arith.constant 0 : i32
          %dma_wait3A_682 = arith.constant 0 : i32
          %dma_wait3A_683 = tpu.memref_slice %arg7[%run_scoped3A_652, %dma_wait3A_681, %dma_wait3A_682] : memref<2x8x128xi32, #tpu.memory_space<vmem>> -> memref<1x8x128xi32, #tpu.memory_space<vmem>>
          %dma_wait3A_684 = tpu.memref_squeeze %dma_wait3A_683 : memref<1x8x128xi32, #tpu.memory_space<vmem>> -> memref<8x128xi32, #tpu.memory_space<vmem>>
          %dma_wait3A_685 = arith.constant 0 : i32
          %dma_wait3A_686 = arith.constant 0 : i32
          %dma_wait3A_687 = tpu.memref_slice %arg3[%add3A, %add3A_651, %dma_wait3A_685, %dma_wait3A_686] : memref<32x10x8x128xi32, #tpu.memory_space<hbm>> -> memref<1x1x8x128xi32, #tpu.memory_space<hbm>>
          %dma_wait3A_688 = tpu.memref_squeeze %dma_wait3A_687 : memref<1x1x8x128xi32, #tpu.memory_space<hbm>> -> memref<8x128xi32, #tpu.memory_space<hbm>>
          tpu.wait_dma2 semaphore(%run_scoped3A_656 : memref<!tpu.dma_semaphore, #tpu.memory_space<semaphore_mem>>) src(%dma_wait3A_688 : memref<8x128xi32, #tpu.memory_space<hbm>>) dst(%dma_wait3A_684 : memref<8x128xi32, #tpu.memory_space<vmem>>)
          tpu.yield
        }) : () -> ()
        %add3A_653 = arith.constant 2 : i32
        %add3A_654 = arith.addi %add3A_85, %add3A_653 : i32
        %run_scoped3A_655 = arith.constant 0 : i32
        "tpu.region"() ({
          %run_scoped3A_656 = tpu.sem_alloc : memref<!tpu.dma_semaphore, #tpu.memory_space<semaphore_mem>>
          %dma_start3A_657 = arith.constant 0 : i32
          %dma_start3A_658 = arith.constant 0 : i32
          %dma_start3A_659 = tpu.memref_slice %arg8[%run_scoped3A_655, %dma_start3A_657, %dma_start3A_658] : memref<2x8x128xi32, #tpu.memory_space<vmem>> -> memref<1x8x128xi32, #tpu.memory_space<vmem>>
          %dma_start3A_660 = tpu.memref_squeeze %dma_start3A_659 : memref<1x8x128xi32, #tpu.memory_space<vmem>> -> memref<8x128xi32, #tpu.memory_space<vmem>>
          %dma_start3A_661 = arith.constant 0 : i32
          %dma_start3A_662 = arith.constant 0 : i32
          %dma_start3A_663 = tpu.memref_slice %arg4[%add3A, %add3A_654, %dma_start3A_661, %dma_start3A_662] : memref<32x10x8x128xi32, #tpu.memory_space<hbm>> -> memref<1x1x8x128xi32, #tpu.memory_space<hbm>>
          %dma_start3A_664 = tpu.memref_squeeze %dma_start3A_663 : memref<1x1x8x128xi32, #tpu.memory_space<hbm>> -> memref<8x128xi32, #tpu.memory_space<hbm>>
          %dma_start3A_665 = arith.constant 0 : i32
          %dma_start3A_666 = arith.constant 0 : i32
          %dma_start3A_667 = tpu.memref_slice %arg8[%run_scoped3A_655, %dma_start3A_665, %dma_start3A_666] : memref<2x8x128xi32, #tpu.memory_space<vmem>> -> memref<1x8x128xi32, #tpu.memory_space<vmem>>
          %dma_start3A_668 = tpu.memref_squeeze %dma_start3A_667 : memref<1x8x128xi32, #tpu.memory_space<vmem>> -> memref<8x128xi32, #tpu.memory_space<vmem>>
          %dma_start3A_669 = arith.constant 0 : i32
          %dma_start3A_670 = arith.constant 0 : i32
          %dma_start3A_671 = tpu.memref_slice %arg4[%add3A, %add3A_654, %dma_start3A_669, %dma_start3A_670] : memref<32x10x8x128xi32, #tpu.memory_space<hbm>> -> memref<1x1x8x128xi32, #tpu.memory_space<hbm>>
          %dma_start3A_672 = tpu.memref_squeeze %dma_start3A_671 : memref<1x1x8x128xi32, #tpu.memory_space<hbm>> -> memref<8x128xi32, #tpu.memory_space<hbm>>
          tpu.enqueue_dma source(%dma_start3A_672 : memref<8x128xi32, #tpu.memory_space<hbm>>) target(%dma_start3A_668 : memref<8x128xi32, #tpu.memory_space<vmem>>) target_semaphore(%run_scoped3A_656 : memref<!tpu.dma_semaphore, #tpu.memory_space<semaphore_mem>>)
          %dma_wait3A_673 = arith.constant 0 : i32
          %dma_wait3A_674 = arith.constant 0 : i32
          %dma_wait3A_675 = tpu.memref_slice %arg8[%run_scoped3A_655, %dma_wait3A_673, %dma_wait3A_674] : memref<2x8x128xi32, #tpu.memory_space<vmem>> -> memref<1x8x128xi32, #tpu.memory_space<vmem>>
          %dma_wait3A_676 = tpu.memref_squeeze %dma_wait3A_675 : memref<1x8x128xi32, #tpu.memory_space<vmem>> -> memref<8x128xi32, #tpu.memory_space<vmem>>
          %dma_wait3A_677 = arith.constant 0 : i32
          %dma_wait3A_678 = arith.constant 0 : i32
          %dma_wait3A_679 = tpu.memref_slice %arg4[%add3A, %add3A_654, %dma_wait3A_677, %dma_wait3A_678] : memref<32x10x8x128xi32, #tpu.memory_space<hbm>> -> memref<1x1x8x128xi32, #tpu.memory_space<hbm>>
          %dma_wait3A_680 = tpu.memref_squeeze %dma_wait3A_679 : memref<1x1x8x128xi32, #tpu.memory_space<hbm>> -> memref<8x128xi32, #tpu.memory_space<hbm>>
          %dma_wait3A_681 = arith.constant 0 : i32
          %dma_wait3A_682 = arith.constant 0 : i32
          %dma_wait3A_683 = tpu.memref_slice %arg8[%run_scoped3A_655, %dma_wait3A_681, %dma_wait3A_682] : memref<2x8x128xi32, #tpu.memory_space<vmem>> -> memref<1x8x128xi32, #tpu.memory_space<vmem>>
          %dma_wait3A_684 = tpu.memref_squeeze %dma_wait3A_683 : memref<1x8x128xi32, #tpu.memory_space<vmem>> -> memref<8x128xi32, #tpu.memory_space<vmem>>
          %dma_wait3A_685 = arith.constant 0 : i32
          %dma_wait3A_686 = arith.constant 0 : i32
          %dma_wait3A_687 = tpu.memref_slice %arg4[%add3A, %add3A_654, %dma_wait3A_685, %dma_wait3A_686] : memref<32x10x8x128xi32, #tpu.memory_space<hbm>> -> memref<1x1x8x128xi32, #tpu.memory_space<hbm>>
          %dma_wait3A_688 = tpu.memref_squeeze %dma_wait3A_687 : memref<1x1x8x128xi32, #tpu.memory_space<hbm>> -> memref<8x128xi32, #tpu.memory_space<hbm>>
          tpu.wait_dma2 semaphore(%run_scoped3A_656 : memref<!tpu.dma_semaphore, #tpu.memory_space<semaphore_mem>>) src(%dma_wait3A_688 : memref<8x128xi32, #tpu.memory_space<hbm>>) dst(%dma_wait3A_684 : memref<8x128xi32, #tpu.memory_space<vmem>>)
          tpu.yield
        }) : () -> ()
      } else {
      }
      %add3A_365 = arith.constant 1 : i32
      %add3A_366 = arith.addi %add3A_83, %add3A_365 : i32
      %dma_wait3A_367 = arith.constant 1 : i32
      %dma_wait3A_368 = arith.constant 0 : i32
      %dma_wait3A_369 = arith.constant 0 : i32
      %dma_wait3A_370 = arith.constant 0 : i32
      %dma_wait3A_371 = arith.constant 0 : i32
      %dma_wait3A_372 = tpu.memref_slice %arg9[%dma_wait3A_369, %dma_wait3A_370, %dma_wait3A_371] : memref<2x128x128xf32, #tpu.memory_space<vmem>> -> memref<1x128x128xf32, #tpu.memory_space<vmem>>
      %dma_wait3A_373 = tpu.memref_squeeze %dma_wait3A_372 : memref<1x128x128xf32, #tpu.memory_space<vmem>> -> memref<128x128xf32, #tpu.memory_space<vmem>>
      %dma_wait3A_374 = arith.constant 0 : i32
      %dma_wait3A_375 = arith.constant 0 : i32
      %dma_wait3A_376 = tpu.memref_slice %arg7[%dma_wait3A_367, %dma_wait3A_374, %dma_wait3A_375] : memref<2x8x128xi32, #tpu.memory_space<vmem>> -> memref<1x8x128xi32, #tpu.memory_space<vmem>>
      %dma_wait3A_377 = tpu.memref_squeeze %dma_wait3A_376 : memref<1x8x128xi32, #tpu.memory_space<vmem>> -> memref<8x128xi32, #tpu.memory_space<vmem>>
      %dma_wait3A_378 = arith.constant 0 : i32
      %dma_wait3A_379 = tpu.memref_slice %dma_wait3A_377[%dma_wait3A_368, %dma_wait3A_378] : memref<8x128xi32, #tpu.memory_space<vmem>> -> memref<1x128xi32, #tpu.memory_space<vmem>>
      %dma_wait3A_380 = tpu.memref_squeeze %dma_wait3A_379 : memref<1x128xi32, #tpu.memory_space<vmem>> -> memref<128xi32, #tpu.memory_space<vmem>>
      %dma_wait3A_381 = arith.constant 0 : i32
      %dma_wait3A_382 = arith.constant 0 : i32
      %dma_wait3A_383 = tpu.memref_slice %arg2[%dma_wait3A_381, %dma_wait3A_382] : memref<10000x128xf32, #tpu.memory_space<hbm>> -> memref<10000x128xf32, #tpu.memory_space<hbm>>
      tpu.wait_indirect_dma semaphore(%arg11 : memref<!tpu.dma_semaphore, #tpu.memory_space<semaphore_mem>>) src(%dma_wait3A_383 : memref<10000x128xf32, #tpu.memory_space<hbm>>) dst(%dma_wait3A_373 : memref<128x128xf32, #tpu.memory_space<vmem>>)
      %run_scoped3A_384 = arith.constant 0 : i32
      %run_scoped3A_385 = arith.constant 1 : i32
      %run_scoped3A_386 = arith.constant 0 : i32
      "tpu.region"() ({
        %run_scoped3A_650 = tpu.sem_alloc : memref<!tpu.dma_semaphore, #tpu.memory_space<semaphore_mem>>
        %dma_start3A_651 = arith.constant 0 : i32
        %dma_start3A_652 = arith.constant 0 : i32
        %dma_start3A_653 = tpu.memref_slice %arg9[%run_scoped3A_384, %dma_start3A_651, %dma_start3A_652] : memref<2x128x128xf32, #tpu.memory_space<vmem>> -> memref<1x128x128xf32, #tpu.memory_space<vmem>>
        %dma_start3A_654 = tpu.memref_squeeze %dma_start3A_653 : memref<1x128x128xf32, #tpu.memory_space<vmem>> -> memref<128x128xf32, #tpu.memory_space<vmem>>
        %dma_start3A_655 = arith.constant 0 : i32
        %dma_start3A_656 = arith.constant 0 : i32
        %dma_start3A_657 = tpu.memref_slice %arg8[%run_scoped3A_385, %dma_start3A_655, %dma_start3A_656] : memref<2x8x128xi32, #tpu.memory_space<vmem>> -> memref<1x8x128xi32, #tpu.memory_space<vmem>>
        %dma_start3A_658 = tpu.memref_squeeze %dma_start3A_657 : memref<1x8x128xi32, #tpu.memory_space<vmem>> -> memref<8x128xi32, #tpu.memory_space<vmem>>
        %dma_start3A_659 = arith.constant 0 : i32
        %dma_start3A_660 = tpu.memref_slice %dma_start3A_658[%run_scoped3A_386, %dma_start3A_659] : memref<8x128xi32, #tpu.memory_space<vmem>> -> memref<1x128xi32, #tpu.memory_space<vmem>>
        %dma_start3A_661 = tpu.memref_squeeze %dma_start3A_660 : memref<1x128xi32, #tpu.memory_space<vmem>> -> memref<128xi32, #tpu.memory_space<vmem>>
        %dma_start3A_662 = arith.constant 0 : i32
        %dma_start3A_663 = arith.constant 0 : i32
        %dma_start3A_664 = tpu.memref_slice %arg10[%dma_start3A_662, %dma_start3A_663] : memref<10240x128xf32, #tpu.memory_space<vmem_shared>> -> memref<10240x128xf32, #tpu.memory_space<vmem_shared>>
        tpu.enqueue_indirect_dma source(%dma_start3A_654 : memref<128x128xf32, #tpu.memory_space<vmem>>) target(%dma_start3A_664 : memref<10240x128xf32, #tpu.memory_space<vmem_shared>>) offsets(%dma_start3A_661 : memref<128xi32, #tpu.memory_space<vmem>>) semaphore(%run_scoped3A_650 : memref<!tpu.dma_semaphore, #tpu.memory_space<semaphore_mem>>) {add = true}
        %dma_wait3A_665 = arith.constant 0 : i32
        %dma_wait3A_666 = arith.constant 0 : i32
        %dma_wait3A_667 = tpu.memref_slice %arg9[%run_scoped3A_384, %dma_wait3A_665, %dma_wait3A_666] : memref<2x128x128xf32, #tpu.memory_space<vmem>> -> memref<1x128x128xf32, #tpu.memory_space<vmem>>
        %dma_wait3A_668 = tpu.memref_squeeze %dma_wait3A_667 : memref<1x128x128xf32, #tpu.memory_space<vmem>> -> memref<128x128xf32, #tpu.memory_space<vmem>>
        %dma_wait3A_669 = arith.constant 0 : i32
        %dma_wait3A_670 = arith.constant 0 : i32
        %dma_wait3A_671 = tpu.memref_slice %arg8[%run_scoped3A_385, %dma_wait3A_669, %dma_wait3A_670] : memref<2x8x128xi32, #tpu.memory_space<vmem>> -> memref<1x8x128xi32, #tpu.memory_space<vmem>>
        %dma_wait3A_672 = tpu.memref_squeeze %dma_wait3A_671 : memref<1x8x128xi32, #tpu.memory_space<vmem>> -> memref<8x128xi32, #tpu.memory_space<vmem>>
        %dma_wait3A_673 = arith.constant 0 : i32
        %dma_wait3A_674 = tpu.memref_slice %dma_wait3A_672[%run_scoped3A_386, %dma_wait3A_673] : memref<8x128xi32, #tpu.memory_space<vmem>> -> memref<1x128xi32, #tpu.memory_space<vmem>>
        %dma_wait3A_675 = tpu.memref_squeeze %dma_wait3A_674 : memref<1x128xi32, #tpu.memory_space<vmem>> -> memref<128xi32, #tpu.memory_space<vmem>>
        %dma_wait3A_676 = arith.constant 0 : i32
        %dma_wait3A_677 = arith.constant 0 : i32
        %dma_wait3A_678 = tpu.memref_slice %arg10[%dma_wait3A_676, %dma_wait3A_677] : memref<10240x128xf32, #tpu.memory_space<vmem_shared>> -> memref<10240x128xf32, #tpu.memory_space<vmem_shared>>
        tpu.wait_indirect_dma semaphore(%run_scoped3A_650 : memref<!tpu.dma_semaphore, #tpu.memory_space<semaphore_mem>>) src(%dma_wait3A_668 : memref<128x128xf32, #tpu.memory_space<vmem>>) dst(%dma_wait3A_678 : memref<10240x128xf32, #tpu.memory_space<vmem_shared>>)
        tpu.yield
      }) : () -> ()
      %dma_start3A_387 = arith.constant 1 : i32
      %dma_start3A_388 = arith.constant 2 : i32
      %dma_start3A_389 = arith.constant 0 : i32
      %dma_start3A_390 = arith.constant 0 : i32
      %dma_start3A_391 = arith.constant 0 : i32
      %dma_start3A_392 = tpu.memref_slice %arg9[%dma_start3A_389, %dma_start3A_390, %dma_start3A_391] : memref<2x128x128xf32, #tpu.memory_space<vmem>> -> memref<1x128x128xf32, #tpu.memory_space<vmem>>
      %dma_start3A_393 = tpu.memref_squeeze %dma_start3A_392 : memref<1x128x128xf32, #tpu.memory_space<vmem>> -> memref<128x128xf32, #tpu.memory_space<vmem>>
      %dma_start3A_394 = arith.constant 0 : i32
      %dma_start3A_395 = arith.constant 0 : i32
      %dma_start3A_396 = tpu.memref_slice %arg7[%dma_start3A_387, %dma_start3A_394, %dma_start3A_395] : memref<2x8x128xi32, #tpu.memory_space<vmem>> -> memref<1x8x128xi32, #tpu.memory_space<vmem>>
      %dma_start3A_397 = tpu.memref_squeeze %dma_start3A_396 : memref<1x8x128xi32, #tpu.memory_space<vmem>> -> memref<8x128xi32, #tpu.memory_space<vmem>>
      %dma_start3A_398 = arith.constant 0 : i32
      %dma_start3A_399 = tpu.memref_slice %dma_start3A_397[%dma_start3A_388, %dma_start3A_398] : memref<8x128xi32, #tpu.memory_space<vmem>> -> memref<1x128xi32, #tpu.memory_space<vmem>>
      %dma_start3A_400 = tpu.memref_squeeze %dma_start3A_399 : memref<1x128xi32, #tpu.memory_space<vmem>> -> memref<128xi32, #tpu.memory_space<vmem>>
      %dma_start3A_401 = arith.constant 0 : i32
      %dma_start3A_402 = arith.constant 0 : i32
      %dma_start3A_403 = tpu.memref_slice %arg2[%dma_start3A_401, %dma_start3A_402] : memref<10000x128xf32, #tpu.memory_space<hbm>> -> memref<10000x128xf32, #tpu.memory_space<hbm>>
      tpu.enqueue_indirect_dma source(%dma_start3A_403 : memref<10000x128xf32, #tpu.memory_space<hbm>>) target(%dma_start3A_393 : memref<128x128xf32, #tpu.memory_space<vmem>>) offsets(%dma_start3A_400 : memref<128xi32, #tpu.memory_space<vmem>>) semaphore(%arg11 : memref<!tpu.dma_semaphore, #tpu.memory_space<semaphore_mem>>)
      %dma_wait3A_404 = arith.constant 1 : i32
      %dma_wait3A_405 = arith.constant 1 : i32
      %dma_wait3A_406 = arith.constant 1 : i32
      %dma_wait3A_407 = arith.constant 0 : i32
      %dma_wait3A_408 = arith.constant 0 : i32
      %dma_wait3A_409 = tpu.memref_slice %arg9[%dma_wait3A_406, %dma_wait3A_407, %dma_wait3A_408] : memref<2x128x128xf32, #tpu.memory_space<vmem>> -> memref<1x128x128xf32, #tpu.memory_space<vmem>>
      %dma_wait3A_410 = tpu.memref_squeeze %dma_wait3A_409 : memref<1x128x128xf32, #tpu.memory_space<vmem>> -> memref<128x128xf32, #tpu.memory_space<vmem>>
      %dma_wait3A_411 = arith.constant 0 : i32
      %dma_wait3A_412 = arith.constant 0 : i32
      %dma_wait3A_413 = tpu.memref_slice %arg7[%dma_wait3A_404, %dma_wait3A_411, %dma_wait3A_412] : memref<2x8x128xi32, #tpu.memory_space<vmem>> -> memref<1x8x128xi32, #tpu.memory_space<vmem>>
      %dma_wait3A_414 = tpu.memref_squeeze %dma_wait3A_413 : memref<1x8x128xi32, #tpu.memory_space<vmem>> -> memref<8x128xi32, #tpu.memory_space<vmem>>
      %dma_wait3A_415 = arith.constant 0 : i32
      %dma_wait3A_416 = tpu.memref_slice %dma_wait3A_414[%dma_wait3A_405, %dma_wait3A_415] : memref<8x128xi32, #tpu.memory_space<vmem>> -> memref<1x128xi32, #tpu.memory_space<vmem>>
      %dma_wait3A_417 = tpu.memref_squeeze %dma_wait3A_416 : memref<1x128xi32, #tpu.memory_space<vmem>> -> memref<128xi32, #tpu.memory_space<vmem>>
      %dma_wait3A_418 = arith.constant 0 : i32
      %dma_wait3A_419 = arith.constant 0 : i32
      %dma_wait3A_420 = tpu.memref_slice %arg2[%dma_wait3A_418, %dma_wait3A_419] : memref<10000x128xf32, #tpu.memory_space<hbm>> -> memref<10000x128xf32, #tpu.memory_space<hbm>>
      tpu.wait_indirect_dma semaphore(%arg12 : memref<!tpu.dma_semaphore, #tpu.memory_space<semaphore_mem>>) src(%dma_wait3A_420 : memref<10000x128xf32, #tpu.memory_space<hbm>>) dst(%dma_wait3A_410 : memref<128x128xf32, #tpu.memory_space<vmem>>)
      %run_scoped3A_421 = arith.constant 1 : i32
      %run_scoped3A_422 = arith.constant 1 : i32
      %run_scoped3A_423 = arith.constant 1 : i32
      "tpu.region"() ({
        %run_scoped3A_650 = tpu.sem_alloc : memref<!tpu.dma_semaphore, #tpu.memory_space<semaphore_mem>>
        %dma_start3A_651 = arith.constant 0 : i32
        %dma_start3A_652 = arith.constant 0 : i32
        %dma_start3A_653 = tpu.memref_slice %arg9[%run_scoped3A_421, %dma_start3A_651, %dma_start3A_652] : memref<2x128x128xf32, #tpu.memory_space<vmem>> -> memref<1x128x128xf32, #tpu.memory_space<vmem>>
        %dma_start3A_654 = tpu.memref_squeeze %dma_start3A_653 : memref<1x128x128xf32, #tpu.memory_space<vmem>> -> memref<128x128xf32, #tpu.memory_space<vmem>>
        %dma_start3A_655 = arith.constant 0 : i32
        %dma_start3A_656 = arith.constant 0 : i32
        %dma_start3A_657 = tpu.memref_slice %arg8[%run_scoped3A_422, %dma_start3A_655, %dma_start3A_656] : memref<2x8x128xi32, #tpu.memory_space<vmem>> -> memref<1x8x128xi32, #tpu.memory_space<vmem>>
        %dma_start3A_658 = tpu.memref_squeeze %dma_start3A_657 : memref<1x8x128xi32, #tpu.memory_space<vmem>> -> memref<8x128xi32, #tpu.memory_space<vmem>>
        %dma_start3A_659 = arith.constant 0 : i32
        %dma_start3A_660 = tpu.memref_slice %dma_start3A_658[%run_scoped3A_423, %dma_start3A_659] : memref<8x128xi32, #tpu.memory_space<vmem>> -> memref<1x128xi32, #tpu.memory_space<vmem>>
        %dma_start3A_661 = tpu.memref_squeeze %dma_start3A_660 : memref<1x128xi32, #tpu.memory_space<vmem>> -> memref<128xi32, #tpu.memory_space<vmem>>
        %dma_start3A_662 = arith.constant 0 : i32
        %dma_start3A_663 = arith.constant 0 : i32
        %dma_start3A_664 = tpu.memref_slice %arg10[%dma_start3A_662, %dma_start3A_663] : memref<10240x128xf32, #tpu.memory_space<vmem_shared>> -> memref<10240x128xf32, #tpu.memory_space<vmem_shared>>
        tpu.enqueue_indirect_dma source(%dma_start3A_654 : memref<128x128xf32, #tpu.memory_space<vmem>>) target(%dma_start3A_664 : memref<10240x128xf32, #tpu.memory_space<vmem_shared>>) offsets(%dma_start3A_661 : memref<128xi32, #tpu.memory_space<vmem>>) semaphore(%run_scoped3A_650 : memref<!tpu.dma_semaphore, #tpu.memory_space<semaphore_mem>>) {add = true}
        %dma_wait3A_665 = arith.constant 0 : i32
        %dma_wait3A_666 = arith.constant 0 : i32
        %dma_wait3A_667 = tpu.memref_slice %arg9[%run_scoped3A_421, %dma_wait3A_665, %dma_wait3A_666] : memref<2x128x128xf32, #tpu.memory_space<vmem>> -> memref<1x128x128xf32, #tpu.memory_space<vmem>>
        %dma_wait3A_668 = tpu.memref_squeeze %dma_wait3A_667 : memref<1x128x128xf32, #tpu.memory_space<vmem>> -> memref<128x128xf32, #tpu.memory_space<vmem>>
        %dma_wait3A_669 = arith.constant 0 : i32
        %dma_wait3A_670 = arith.constant 0 : i32
        %dma_wait3A_671 = tpu.memref_slice %arg8[%run_scoped3A_422, %dma_wait3A_669, %dma_wait3A_670] : memref<2x8x128xi32, #tpu.memory_space<vmem>> -> memref<1x8x128xi32, #tpu.memory_space<vmem>>
        %dma_wait3A_672 = tpu.memref_squeeze %dma_wait3A_671 : memref<1x8x128xi32, #tpu.memory_space<vmem>> -> memref<8x128xi32, #tpu.memory_space<vmem>>
        %dma_wait3A_673 = arith.constant 0 : i32
        %dma_wait3A_674 = tpu.memref_slice %dma_wait3A_672[%run_scoped3A_423, %dma_wait3A_673] : memref<8x128xi32, #tpu.memory_space<vmem>> -> memref<1x128xi32, #tpu.memory_space<vmem>>
        %dma_wait3A_675 = tpu.memref_squeeze %dma_wait3A_674 : memref<1x128xi32, #tpu.memory_space<vmem>> -> memref<128xi32, #tpu.memory_space<vmem>>
        %dma_wait3A_676 = arith.constant 0 : i32
        %dma_wait3A_677 = arith.constant 0 : i32
        %dma_wait3A_678 = tpu.memref_slice %arg10[%dma_wait3A_676, %dma_wait3A_677] : memref<10240x128xf32, #tpu.memory_space<vmem_shared>> -> memref<10240x128xf32, #tpu.memory_space<vmem_shared>>
        tpu.wait_indirect_dma semaphore(%run_scoped3A_650 : memref<!tpu.dma_semaphore, #tpu.memory_space<semaphore_mem>>) src(%dma_wait3A_668 : memref<128x128xf32, #tpu.memory_space<vmem>>) dst(%dma_wait3A_678 : memref<10240x128xf32, #tpu.memory_space<vmem_shared>>)
        tpu.yield
      }) : () -> ()
      %dma_start3A_424 = arith.constant 1 : i32
      %dma_start3A_425 = arith.constant 3 : i32
      %dma_start3A_426 = arith.constant 1 : i32
      %dma_start3A_427 = arith.constant 0 : i32
      %dma_start3A_428 = arith.constant 0 : i32
      %dma_start3A_429 = tpu.memref_slice %arg9[%dma_start3A_426, %dma_start3A_427, %dma_start3A_428] : memref<2x128x128xf32, #tpu.memory_space<vmem>> -> memref<1x128x128xf32, #tpu.memory_space<vmem>>
      %dma_start3A_430 = tpu.memref_squeeze %dma_start3A_429 : memref<1x128x128xf32, #tpu.memory_space<vmem>> -> memref<128x128xf32, #tpu.memory_space<vmem>>
      %dma_start3A_431 = arith.constant 0 : i32
      %dma_start3A_432 = arith.constant 0 : i32
      %dma_start3A_433 = tpu.memref_slice %arg7[%dma_start3A_424, %dma_start3A_431, %dma_start3A_432] : memref<2x8x128xi32, #tpu.memory_space<vmem>> -> memref<1x8x128xi32, #tpu.memory_space<vmem>>
      %dma_start3A_434 = tpu.memref_squeeze %dma_start3A_433 : memref<1x8x128xi32, #tpu.memory_space<vmem>> -> memref<8x128xi32, #tpu.memory_space<vmem>>
      %dma_start3A_435 = arith.constant 0 : i32
      %dma_start3A_436 = tpu.memref_slice %dma_start3A_434[%dma_start3A_425, %dma_start3A_435] : memref<8x128xi32, #tpu.memory_space<vmem>> -> memref<1x128xi32, #tpu.memory_space<vmem>>
      %dma_start3A_437 = tpu.memref_squeeze %dma_start3A_436 : memref<1x128xi32, #tpu.memory_space<vmem>> -> memref<128xi32, #tpu.memory_space<vmem>>
      %dma_start3A_438 = arith.constant 0 : i32
      %dma_start3A_439 = arith.constant 0 : i32
      %dma_start3A_440 = tpu.memref_slice %arg2[%dma_start3A_438, %dma_start3A_439] : memref<10000x128xf32, #tpu.memory_space<hbm>> -> memref<10000x128xf32, #tpu.memory_space<hbm>>
      tpu.enqueue_indirect_dma source(%dma_start3A_440 : memref<10000x128xf32, #tpu.memory_space<hbm>>) target(%dma_start3A_430 : memref<128x128xf32, #tpu.memory_space<vmem>>) offsets(%dma_start3A_437 : memref<128xi32, #tpu.memory_space<vmem>>) semaphore(%arg12 : memref<!tpu.dma_semaphore, #tpu.memory_space<semaphore_mem>>)
      %dma_wait3A_441 = arith.constant 1 : i32
      %dma_wait3A_442 = arith.constant 2 : i32
      %dma_wait3A_443 = arith.constant 0 : i32
      %dma_wait3A_444 = arith.constant 0 : i32
      %dma_wait3A_445 = arith.constant 0 : i32
      %dma_wait3A_446 = tpu.memref_slice %arg9[%dma_wait3A_443, %dma_wait3A_444, %dma_wait3A_445] : memref<2x128x128xf32, #tpu.memory_space<vmem>> -> memref<1x128x128xf32, #tpu.memory_space<vmem>>
      %dma_wait3A_447 = tpu.memref_squeeze %dma_wait3A_446 : memref<1x128x128xf32, #tpu.memory_space<vmem>> -> memref<128x128xf32, #tpu.memory_space<vmem>>
      %dma_wait3A_448 = arith.constant 0 : i32
      %dma_wait3A_449 = arith.constant 0 : i32
      %dma_wait3A_450 = tpu.memref_slice %arg7[%dma_wait3A_441, %dma_wait3A_448, %dma_wait3A_449] : memref<2x8x128xi32, #tpu.memory_space<vmem>> -> memref<1x8x128xi32, #tpu.memory_space<vmem>>
      %dma_wait3A_451 = tpu.memref_squeeze %dma_wait3A_450 : memref<1x8x128xi32, #tpu.memory_space<vmem>> -> memref<8x128xi32, #tpu.memory_space<vmem>>
      %dma_wait3A_452 = arith.constant 0 : i32
      %dma_wait3A_453 = tpu.memref_slice %dma_wait3A_451[%dma_wait3A_442, %dma_wait3A_452] : memref<8x128xi32, #tpu.memory_space<vmem>> -> memref<1x128xi32, #tpu.memory_space<vmem>>
      %dma_wait3A_454 = tpu.memref_squeeze %dma_wait3A_453 : memref<1x128xi32, #tpu.memory_space<vmem>> -> memref<128xi32, #tpu.memory_space<vmem>>
      %dma_wait3A_455 = arith.constant 0 : i32
      %dma_wait3A_456 = arith.constant 0 : i32
      %dma_wait3A_457 = tpu.memref_slice %arg2[%dma_wait3A_455, %dma_wait3A_456] : memref<10000x128xf32, #tpu.memory_space<hbm>> -> memref<10000x128xf32, #tpu.memory_space<hbm>>
      tpu.wait_indirect_dma semaphore(%arg11 : memref<!tpu.dma_semaphore, #tpu.memory_space<semaphore_mem>>) src(%dma_wait3A_457 : memref<10000x128xf32, #tpu.memory_space<hbm>>) dst(%dma_wait3A_447 : memref<128x128xf32, #tpu.memory_space<vmem>>)
      %run_scoped3A_458 = arith.constant 0 : i32
      %run_scoped3A_459 = arith.constant 1 : i32
      %run_scoped3A_460 = arith.constant 2 : i32
      "tpu.region"() ({
        %run_scoped3A_650 = tpu.sem_alloc : memref<!tpu.dma_semaphore, #tpu.memory_space<semaphore_mem>>
        %dma_start3A_651 = arith.constant 0 : i32
        %dma_start3A_652 = arith.constant 0 : i32
        %dma_start3A_653 = tpu.memref_slice %arg9[%run_scoped3A_458, %dma_start3A_651, %dma_start3A_652] : memref<2x128x128xf32, #tpu.memory_space<vmem>> -> memref<1x128x128xf32, #tpu.memory_space<vmem>>
        %dma_start3A_654 = tpu.memref_squeeze %dma_start3A_653 : memref<1x128x128xf32, #tpu.memory_space<vmem>> -> memref<128x128xf32, #tpu.memory_space<vmem>>
        %dma_start3A_655 = arith.constant 0 : i32
        %dma_start3A_656 = arith.constant 0 : i32
        %dma_start3A_657 = tpu.memref_slice %arg8[%run_scoped3A_459, %dma_start3A_655, %dma_start3A_656] : memref<2x8x128xi32, #tpu.memory_space<vmem>> -> memref<1x8x128xi32, #tpu.memory_space<vmem>>
        %dma_start3A_658 = tpu.memref_squeeze %dma_start3A_657 : memref<1x8x128xi32, #tpu.memory_space<vmem>> -> memref<8x128xi32, #tpu.memory_space<vmem>>
        %dma_start3A_659 = arith.constant 0 : i32
        %dma_start3A_660 = tpu.memref_slice %dma_start3A_658[%run_scoped3A_460, %dma_start3A_659] : memref<8x128xi32, #tpu.memory_space<vmem>> -> memref<1x128xi32, #tpu.memory_space<vmem>>
        %dma_start3A_661 = tpu.memref_squeeze %dma_start3A_660 : memref<1x128xi32, #tpu.memory_space<vmem>> -> memref<128xi32, #tpu.memory_space<vmem>>
        %dma_start3A_662 = arith.constant 0 : i32
        %dma_start3A_663 = arith.constant 0 : i32
        %dma_start3A_664 = tpu.memref_slice %arg10[%dma_start3A_662, %dma_start3A_663] : memref<10240x128xf32, #tpu.memory_space<vmem_shared>> -> memref<10240x128xf32, #tpu.memory_space<vmem_shared>>
        tpu.enqueue_indirect_dma source(%dma_start3A_654 : memref<128x128xf32, #tpu.memory_space<vmem>>) target(%dma_start3A_664 : memref<10240x128xf32, #tpu.memory_space<vmem_shared>>) offsets(%dma_start3A_661 : memref<128xi32, #tpu.memory_space<vmem>>) semaphore(%run_scoped3A_650 : memref<!tpu.dma_semaphore, #tpu.memory_space<semaphore_mem>>) {add = true}
        %dma_wait3A_665 = arith.constant 0 : i32
        %dma_wait3A_666 = arith.constant 0 : i32
        %dma_wait3A_667 = tpu.memref_slice %arg9[%run_scoped3A_458, %dma_wait3A_665, %dma_wait3A_666] : memref<2x128x128xf32, #tpu.memory_space<vmem>> -> memref<1x128x128xf32, #tpu.memory_space<vmem>>
        %dma_wait3A_668 = tpu.memref_squeeze %dma_wait3A_667 : memref<1x128x128xf32, #tpu.memory_space<vmem>> -> memref<128x128xf32, #tpu.memory_space<vmem>>
        %dma_wait3A_669 = arith.constant 0 : i32
        %dma_wait3A_670 = arith.constant 0 : i32
        %dma_wait3A_671 = tpu.memref_slice %arg8[%run_scoped3A_459, %dma_wait3A_669, %dma_wait3A_670] : memref<2x8x128xi32, #tpu.memory_space<vmem>> -> memref<1x8x128xi32, #tpu.memory_space<vmem>>
        %dma_wait3A_672 = tpu.memref_squeeze %dma_wait3A_671 : memref<1x8x128xi32, #tpu.memory_space<vmem>> -> memref<8x128xi32, #tpu.memory_space<vmem>>
        %dma_wait3A_673 = arith.constant 0 : i32
        %dma_wait3A_674 = tpu.memref_slice %dma_wait3A_672[%run_scoped3A_460, %dma_wait3A_673] : memref<8x128xi32, #tpu.memory_space<vmem>> -> memref<1x128xi32, #tpu.memory_space<vmem>>
        %dma_wait3A_675 = tpu.memref_squeeze %dma_wait3A_674 : memref<1x128xi32, #tpu.memory_space<vmem>> -> memref<128xi32, #tpu.memory_space<vmem>>
        %dma_wait3A_676 = arith.constant 0 : i32
        %dma_wait3A_677 = arith.constant 0 : i32
        %dma_wait3A_678 = tpu.memref_slice %arg10[%dma_wait3A_676, %dma_wait3A_677] : memref<10240x128xf32, #tpu.memory_space<vmem_shared>> -> memref<10240x128xf32, #tpu.memory_space<vmem_shared>>
        tpu.wait_indirect_dma semaphore(%run_scoped3A_650 : memref<!tpu.dma_semaphore, #tpu.memory_space<semaphore_mem>>) src(%dma_wait3A_668 : memref<128x128xf32, #tpu.memory_space<vmem>>) dst(%dma_wait3A_678 : memref<10240x128xf32, #tpu.memory_space<vmem_shared>>)
        tpu.yield
      }) : () -> ()
      %dma_start3A_461 = arith.constant 1 : i32
      %dma_start3A_462 = arith.constant 4 : i32
      %dma_start3A_463 = arith.constant 0 : i32
      %dma_start3A_464 = arith.constant 0 : i32
      %dma_start3A_465 = arith.constant 0 : i32
      %dma_start3A_466 = tpu.memref_slice %arg9[%dma_start3A_463, %dma_start3A_464, %dma_start3A_465] : memref<2x128x128xf32, #tpu.memory_space<vmem>> -> memref<1x128x128xf32, #tpu.memory_space<vmem>>
      %dma_start3A_467 = tpu.memref_squeeze %dma_start3A_466 : memref<1x128x128xf32, #tpu.memory_space<vmem>> -> memref<128x128xf32, #tpu.memory_space<vmem>>
      %dma_start3A_468 = arith.constant 0 : i32
      %dma_start3A_469 = arith.constant 0 : i32
      %dma_start3A_470 = tpu.memref_slice %arg7[%dma_start3A_461, %dma_start3A_468, %dma_start3A_469] : memref<2x8x128xi32, #tpu.memory_space<vmem>> -> memref<1x8x128xi32, #tpu.memory_space<vmem>>
      %dma_start3A_471 = tpu.memref_squeeze %dma_start3A_470 : memref<1x8x128xi32, #tpu.memory_space<vmem>> -> memref<8x128xi32, #tpu.memory_space<vmem>>
      %dma_start3A_472 = arith.constant 0 : i32
      %dma_start3A_473 = tpu.memref_slice %dma_start3A_471[%dma_start3A_462, %dma_start3A_472] : memref<8x128xi32, #tpu.memory_space<vmem>> -> memref<1x128xi32, #tpu.memory_space<vmem>>
      %dma_start3A_474 = tpu.memref_squeeze %dma_start3A_473 : memref<1x128xi32, #tpu.memory_space<vmem>> -> memref<128xi32, #tpu.memory_space<vmem>>
      %dma_start3A_475 = arith.constant 0 : i32
      %dma_start3A_476 = arith.constant 0 : i32
      %dma_start3A_477 = tpu.memref_slice %arg2[%dma_start3A_475, %dma_start3A_476] : memref<10000x128xf32, #tpu.memory_space<hbm>> -> memref<10000x128xf32, #tpu.memory_space<hbm>>
      tpu.enqueue_indirect_dma source(%dma_start3A_477 : memref<10000x128xf32, #tpu.memory_space<hbm>>) target(%dma_start3A_467 : memref<128x128xf32, #tpu.memory_space<vmem>>) offsets(%dma_start3A_474 : memref<128xi32, #tpu.memory_space<vmem>>) semaphore(%arg11 : memref<!tpu.dma_semaphore, #tpu.memory_space<semaphore_mem>>)
      %dma_wait3A_478 = arith.constant 1 : i32
      %dma_wait3A_479 = arith.constant 3 : i32
      %dma_wait3A_480 = arith.constant 1 : i32
      %dma_wait3A_481 = arith.constant 0 : i32
      %dma_wait3A_482 = arith.constant 0 : i32
      %dma_wait3A_483 = tpu.memref_slice %arg9[%dma_wait3A_480, %dma_wait3A_481, %dma_wait3A_482] : memref<2x128x128xf32, #tpu.memory_space<vmem>> -> memref<1x128x128xf32, #tpu.memory_space<vmem>>
      %dma_wait3A_484 = tpu.memref_squeeze %dma_wait3A_483 : memref<1x128x128xf32, #tpu.memory_space<vmem>> -> memref<128x128xf32, #tpu.memory_space<vmem>>
      %dma_wait3A_485 = arith.constant 0 : i32
      %dma_wait3A_486 = arith.constant 0 : i32
      %dma_wait3A_487 = tpu.memref_slice %arg7[%dma_wait3A_478, %dma_wait3A_485, %dma_wait3A_486] : memref<2x8x128xi32, #tpu.memory_space<vmem>> -> memref<1x8x128xi32, #tpu.memory_space<vmem>>
      %dma_wait3A_488 = tpu.memref_squeeze %dma_wait3A_487 : memref<1x8x128xi32, #tpu.memory_space<vmem>> -> memref<8x128xi32, #tpu.memory_space<vmem>>
      %dma_wait3A_489 = arith.constant 0 : i32
      %dma_wait3A_490 = tpu.memref_slice %dma_wait3A_488[%dma_wait3A_479, %dma_wait3A_489] : memref<8x128xi32, #tpu.memory_space<vmem>> -> memref<1x128xi32, #tpu.memory_space<vmem>>
      %dma_wait3A_491 = tpu.memref_squeeze %dma_wait3A_490 : memref<1x128xi32, #tpu.memory_space<vmem>> -> memref<128xi32, #tpu.memory_space<vmem>>
      %dma_wait3A_492 = arith.constant 0 : i32
      %dma_wait3A_493 = arith.constant 0 : i32
      %dma_wait3A_494 = tpu.memref_slice %arg2[%dma_wait3A_492, %dma_wait3A_493] : memref<10000x128xf32, #tpu.memory_space<hbm>> -> memref<10000x128xf32, #tpu.memory_space<hbm>>
      tpu.wait_indirect_dma semaphore(%arg12 : memref<!tpu.dma_semaphore, #tpu.memory_space<semaphore_mem>>) src(%dma_wait3A_494 : memref<10000x128xf32, #tpu.memory_space<hbm>>) dst(%dma_wait3A_484 : memref<128x128xf32, #tpu.memory_space<vmem>>)
      %run_scoped3A_495 = arith.constant 1 : i32
      %run_scoped3A_496 = arith.constant 1 : i32
      %run_scoped3A_497 = arith.constant 3 : i32
      "tpu.region"() ({
        %run_scoped3A_650 = tpu.sem_alloc : memref<!tpu.dma_semaphore, #tpu.memory_space<semaphore_mem>>
        %dma_start3A_651 = arith.constant 0 : i32
        %dma_start3A_652 = arith.constant 0 : i32
        %dma_start3A_653 = tpu.memref_slice %arg9[%run_scoped3A_495, %dma_start3A_651, %dma_start3A_652] : memref<2x128x128xf32, #tpu.memory_space<vmem>> -> memref<1x128x128xf32, #tpu.memory_space<vmem>>
        %dma_start3A_654 = tpu.memref_squeeze %dma_start3A_653 : memref<1x128x128xf32, #tpu.memory_space<vmem>> -> memref<128x128xf32, #tpu.memory_space<vmem>>
        %dma_start3A_655 = arith.constant 0 : i32
        %dma_start3A_656 = arith.constant 0 : i32
        %dma_start3A_657 = tpu.memref_slice %arg8[%run_scoped3A_496, %dma_start3A_655, %dma_start3A_656] : memref<2x8x128xi32, #tpu.memory_space<vmem>> -> memref<1x8x128xi32, #tpu.memory_space<vmem>>
        %dma_start3A_658 = tpu.memref_squeeze %dma_start3A_657 : memref<1x8x128xi32, #tpu.memory_space<vmem>> -> memref<8x128xi32, #tpu.memory_space<vmem>>
        %dma_start3A_659 = arith.constant 0 : i32
        %dma_start3A_660 = tpu.memref_slice %dma_start3A_658[%run_scoped3A_497, %dma_start3A_659] : memref<8x128xi32, #tpu.memory_space<vmem>> -> memref<1x128xi32, #tpu.memory_space<vmem>>
        %dma_start3A_661 = tpu.memref_squeeze %dma_start3A_660 : memref<1x128xi32, #tpu.memory_space<vmem>> -> memref<128xi32, #tpu.memory_space<vmem>>
        %dma_start3A_662 = arith.constant 0 : i32
        %dma_start3A_663 = arith.constant 0 : i32
        %dma_start3A_664 = tpu.memref_slice %arg10[%dma_start3A_662, %dma_start3A_663] : memref<10240x128xf32, #tpu.memory_space<vmem_shared>> -> memref<10240x128xf32, #tpu.memory_space<vmem_shared>>
        tpu.enqueue_indirect_dma source(%dma_start3A_654 : memref<128x128xf32, #tpu.memory_space<vmem>>) target(%dma_start3A_664 : memref<10240x128xf32, #tpu.memory_space<vmem_shared>>) offsets(%dma_start3A_661 : memref<128xi32, #tpu.memory_space<vmem>>) semaphore(%run_scoped3A_650 : memref<!tpu.dma_semaphore, #tpu.memory_space<semaphore_mem>>) {add = true}
        %dma_wait3A_665 = arith.constant 0 : i32
        %dma_wait3A_666 = arith.constant 0 : i32
        %dma_wait3A_667 = tpu.memref_slice %arg9[%run_scoped3A_495, %dma_wait3A_665, %dma_wait3A_666] : memref<2x128x128xf32, #tpu.memory_space<vmem>> -> memref<1x128x128xf32, #tpu.memory_space<vmem>>
        %dma_wait3A_668 = tpu.memref_squeeze %dma_wait3A_667 : memref<1x128x128xf32, #tpu.memory_space<vmem>> -> memref<128x128xf32, #tpu.memory_space<vmem>>
        %dma_wait3A_669 = arith.constant 0 : i32
        %dma_wait3A_670 = arith.constant 0 : i32
        %dma_wait3A_671 = tpu.memref_slice %arg8[%run_scoped3A_496, %dma_wait3A_669, %dma_wait3A_670] : memref<2x8x128xi32, #tpu.memory_space<vmem>> -> memref<1x8x128xi32, #tpu.memory_space<vmem>>
        %dma_wait3A_672 = tpu.memref_squeeze %dma_wait3A_671 : memref<1x8x128xi32, #tpu.memory_space<vmem>> -> memref<8x128xi32, #tpu.memory_space<vmem>>
        %dma_wait3A_673 = arith.constant 0 : i32
        %dma_wait3A_674 = tpu.memref_slice %dma_wait3A_672[%run_scoped3A_497, %dma_wait3A_673] : memref<8x128xi32, #tpu.memory_space<vmem>> -> memref<1x128xi32, #tpu.memory_space<vmem>>
        %dma_wait3A_675 = tpu.memref_squeeze %dma_wait3A_674 : memref<1x128xi32, #tpu.memory_space<vmem>> -> memref<128xi32, #tpu.memory_space<vmem>>
        %dma_wait3A_676 = arith.constant 0 : i32
        %dma_wait3A_677 = arith.constant 0 : i32
        %dma_wait3A_678 = tpu.memref_slice %arg10[%dma_wait3A_676, %dma_wait3A_677] : memref<10240x128xf32, #tpu.memory_space<vmem_shared>> -> memref<10240x128xf32, #tpu.memory_space<vmem_shared>>
        tpu.wait_indirect_dma semaphore(%run_scoped3A_650 : memref<!tpu.dma_semaphore, #tpu.memory_space<semaphore_mem>>) src(%dma_wait3A_668 : memref<128x128xf32, #tpu.memory_space<vmem>>) dst(%dma_wait3A_678 : memref<10240x128xf32, #tpu.memory_space<vmem_shared>>)
        tpu.yield
      }) : () -> ()
      %dma_start3A_498 = arith.constant 1 : i32
      %dma_start3A_499 = arith.constant 5 : i32
      %dma_start3A_500 = arith.constant 1 : i32
      %dma_start3A_501 = arith.constant 0 : i32
      %dma_start3A_502 = arith.constant 0 : i32
      %dma_start3A_503 = tpu.memref_slice %arg9[%dma_start3A_500, %dma_start3A_501, %dma_start3A_502] : memref<2x128x128xf32, #tpu.memory_space<vmem>> -> memref<1x128x128xf32, #tpu.memory_space<vmem>>
      %dma_start3A_504 = tpu.memref_squeeze %dma_start3A_503 : memref<1x128x128xf32, #tpu.memory_space<vmem>> -> memref<128x128xf32, #tpu.memory_space<vmem>>
      %dma_start3A_505 = arith.constant 0 : i32
      %dma_start3A_506 = arith.constant 0 : i32
      %dma_start3A_507 = tpu.memref_slice %arg7[%dma_start3A_498, %dma_start3A_505, %dma_start3A_506] : memref<2x8x128xi32, #tpu.memory_space<vmem>> -> memref<1x8x128xi32, #tpu.memory_space<vmem>>
      %dma_start3A_508 = tpu.memref_squeeze %dma_start3A_507 : memref<1x8x128xi32, #tpu.memory_space<vmem>> -> memref<8x128xi32, #tpu.memory_space<vmem>>
      %dma_start3A_509 = arith.constant 0 : i32
      %dma_start3A_510 = tpu.memref_slice %dma_start3A_508[%dma_start3A_499, %dma_start3A_509] : memref<8x128xi32, #tpu.memory_space<vmem>> -> memref<1x128xi32, #tpu.memory_space<vmem>>
      %dma_start3A_511 = tpu.memref_squeeze %dma_start3A_510 : memref<1x128xi32, #tpu.memory_space<vmem>> -> memref<128xi32, #tpu.memory_space<vmem>>
      %dma_start3A_512 = arith.constant 0 : i32
      %dma_start3A_513 = arith.constant 0 : i32
      %dma_start3A_514 = tpu.memref_slice %arg2[%dma_start3A_512, %dma_start3A_513] : memref<10000x128xf32, #tpu.memory_space<hbm>> -> memref<10000x128xf32, #tpu.memory_space<hbm>>
      tpu.enqueue_indirect_dma source(%dma_start3A_514 : memref<10000x128xf32, #tpu.memory_space<hbm>>) target(%dma_start3A_504 : memref<128x128xf32, #tpu.memory_space<vmem>>) offsets(%dma_start3A_511 : memref<128xi32, #tpu.memory_space<vmem>>) semaphore(%arg12 : memref<!tpu.dma_semaphore, #tpu.memory_space<semaphore_mem>>)
      %dma_wait3A_515 = arith.constant 1 : i32
      %dma_wait3A_516 = arith.constant 4 : i32
      %dma_wait3A_517 = arith.constant 0 : i32
      %dma_wait3A_518 = arith.constant 0 : i32
      %dma_wait3A_519 = arith.constant 0 : i32
      %dma_wait3A_520 = tpu.memref_slice %arg9[%dma_wait3A_517, %dma_wait3A_518, %dma_wait3A_519] : memref<2x128x128xf32, #tpu.memory_space<vmem>> -> memref<1x128x128xf32, #tpu.memory_space<vmem>>
      %dma_wait3A_521 = tpu.memref_squeeze %dma_wait3A_520 : memref<1x128x128xf32, #tpu.memory_space<vmem>> -> memref<128x128xf32, #tpu.memory_space<vmem>>
      %dma_wait3A_522 = arith.constant 0 : i32
      %dma_wait3A_523 = arith.constant 0 : i32
      %dma_wait3A_524 = tpu.memref_slice %arg7[%dma_wait3A_515, %dma_wait3A_522, %dma_wait3A_523] : memref<2x8x128xi32, #tpu.memory_space<vmem>> -> memref<1x8x128xi32, #tpu.memory_space<vmem>>
      %dma_wait3A_525 = tpu.memref_squeeze %dma_wait3A_524 : memref<1x8x128xi32, #tpu.memory_space<vmem>> -> memref<8x128xi32, #tpu.memory_space<vmem>>
      %dma_wait3A_526 = arith.constant 0 : i32
      %dma_wait3A_527 = tpu.memref_slice %dma_wait3A_525[%dma_wait3A_516, %dma_wait3A_526] : memref<8x128xi32, #tpu.memory_space<vmem>> -> memref<1x128xi32, #tpu.memory_space<vmem>>
      %dma_wait3A_528 = tpu.memref_squeeze %dma_wait3A_527 : memref<1x128xi32, #tpu.memory_space<vmem>> -> memref<128xi32, #tpu.memory_space<vmem>>
      %dma_wait3A_529 = arith.constant 0 : i32
      %dma_wait3A_530 = arith.constant 0 : i32
      %dma_wait3A_531 = tpu.memref_slice %arg2[%dma_wait3A_529, %dma_wait3A_530] : memref<10000x128xf32, #tpu.memory_space<hbm>> -> memref<10000x128xf32, #tpu.memory_space<hbm>>
      tpu.wait_indirect_dma semaphore(%arg11 : memref<!tpu.dma_semaphore, #tpu.memory_space<semaphore_mem>>) src(%dma_wait3A_531 : memref<10000x128xf32, #tpu.memory_space<hbm>>) dst(%dma_wait3A_521 : memref<128x128xf32, #tpu.memory_space<vmem>>)
      %run_scoped3A_532 = arith.constant 0 : i32
      %run_scoped3A_533 = arith.constant 1 : i32
      %run_scoped3A_534 = arith.constant 4 : i32
      "tpu.region"() ({
        %run_scoped3A_650 = tpu.sem_alloc : memref<!tpu.dma_semaphore, #tpu.memory_space<semaphore_mem>>
        %dma_start3A_651 = arith.constant 0 : i32
        %dma_start3A_652 = arith.constant 0 : i32
        %dma_start3A_653 = tpu.memref_slice %arg9[%run_scoped3A_532, %dma_start3A_651, %dma_start3A_652] : memref<2x128x128xf32, #tpu.memory_space<vmem>> -> memref<1x128x128xf32, #tpu.memory_space<vmem>>
        %dma_start3A_654 = tpu.memref_squeeze %dma_start3A_653 : memref<1x128x128xf32, #tpu.memory_space<vmem>> -> memref<128x128xf32, #tpu.memory_space<vmem>>
        %dma_start3A_655 = arith.constant 0 : i32
        %dma_start3A_656 = arith.constant 0 : i32
        %dma_start3A_657 = tpu.memref_slice %arg8[%run_scoped3A_533, %dma_start3A_655, %dma_start3A_656] : memref<2x8x128xi32, #tpu.memory_space<vmem>> -> memref<1x8x128xi32, #tpu.memory_space<vmem>>
        %dma_start3A_658 = tpu.memref_squeeze %dma_start3A_657 : memref<1x8x128xi32, #tpu.memory_space<vmem>> -> memref<8x128xi32, #tpu.memory_space<vmem>>
        %dma_start3A_659 = arith.constant 0 : i32
        %dma_start3A_660 = tpu.memref_slice %dma_start3A_658[%run_scoped3A_534, %dma_start3A_659] : memref<8x128xi32, #tpu.memory_space<vmem>> -> memref<1x128xi32, #tpu.memory_space<vmem>>
        %dma_start3A_661 = tpu.memref_squeeze %dma_start3A_660 : memref<1x128xi32, #tpu.memory_space<vmem>> -> memref<128xi32, #tpu.memory_space<vmem>>
        %dma_start3A_662 = arith.constant 0 : i32
        %dma_start3A_663 = arith.constant 0 : i32
        %dma_start3A_664 = tpu.memref_slice %arg10[%dma_start3A_662, %dma_start3A_663] : memref<10240x128xf32, #tpu.memory_space<vmem_shared>> -> memref<10240x128xf32, #tpu.memory_space<vmem_shared>>
        tpu.enqueue_indirect_dma source(%dma_start3A_654 : memref<128x128xf32, #tpu.memory_space<vmem>>) target(%dma_start3A_664 : memref<10240x128xf32, #tpu.memory_space<vmem_shared>>) offsets(%dma_start3A_661 : memref<128xi32, #tpu.memory_space<vmem>>) semaphore(%run_scoped3A_650 : memref<!tpu.dma_semaphore, #tpu.memory_space<semaphore_mem>>) {add = true}
        %dma_wait3A_665 = arith.constant 0 : i32
        %dma_wait3A_666 = arith.constant 0 : i32
        %dma_wait3A_667 = tpu.memref_slice %arg9[%run_scoped3A_532, %dma_wait3A_665, %dma_wait3A_666] : memref<2x128x128xf32, #tpu.memory_space<vmem>> -> memref<1x128x128xf32, #tpu.memory_space<vmem>>
        %dma_wait3A_668 = tpu.memref_squeeze %dma_wait3A_667 : memref<1x128x128xf32, #tpu.memory_space<vmem>> -> memref<128x128xf32, #tpu.memory_space<vmem>>
        %dma_wait3A_669 = arith.constant 0 : i32
        %dma_wait3A_670 = arith.constant 0 : i32
        %dma_wait3A_671 = tpu.memref_slice %arg8[%run_scoped3A_533, %dma_wait3A_669, %dma_wait3A_670] : memref<2x8x128xi32, #tpu.memory_space<vmem>> -> memref<1x8x128xi32, #tpu.memory_space<vmem>>
        %dma_wait3A_672 = tpu.memref_squeeze %dma_wait3A_671 : memref<1x8x128xi32, #tpu.memory_space<vmem>> -> memref<8x128xi32, #tpu.memory_space<vmem>>
        %dma_wait3A_673 = arith.constant 0 : i32
        %dma_wait3A_674 = tpu.memref_slice %dma_wait3A_672[%run_scoped3A_534, %dma_wait3A_673] : memref<8x128xi32, #tpu.memory_space<vmem>> -> memref<1x128xi32, #tpu.memory_space<vmem>>
        %dma_wait3A_675 = tpu.memref_squeeze %dma_wait3A_674 : memref<1x128xi32, #tpu.memory_space<vmem>> -> memref<128xi32, #tpu.memory_space<vmem>>
        %dma_wait3A_676 = arith.constant 0 : i32
        %dma_wait3A_677 = arith.constant 0 : i32
        %dma_wait3A_678 = tpu.memref_slice %arg10[%dma_wait3A_676, %dma_wait3A_677] : memref<10240x128xf32, #tpu.memory_space<vmem_shared>> -> memref<10240x128xf32, #tpu.memory_space<vmem_shared>>
        tpu.wait_indirect_dma semaphore(%run_scoped3A_650 : memref<!tpu.dma_semaphore, #tpu.memory_space<semaphore_mem>>) src(%dma_wait3A_668 : memref<128x128xf32, #tpu.memory_space<vmem>>) dst(%dma_wait3A_678 : memref<10240x128xf32, #tpu.memory_space<vmem_shared>>)
        tpu.yield
      }) : () -> ()
      %dma_start3A_535 = arith.constant 1 : i32
      %dma_start3A_536 = arith.constant 6 : i32
      %dma_start3A_537 = arith.constant 0 : i32
      %dma_start3A_538 = arith.constant 0 : i32
      %dma_start3A_539 = arith.constant 0 : i32
      %dma_start3A_540 = tpu.memref_slice %arg9[%dma_start3A_537, %dma_start3A_538, %dma_start3A_539] : memref<2x128x128xf32, #tpu.memory_space<vmem>> -> memref<1x128x128xf32, #tpu.memory_space<vmem>>
      %dma_start3A_541 = tpu.memref_squeeze %dma_start3A_540 : memref<1x128x128xf32, #tpu.memory_space<vmem>> -> memref<128x128xf32, #tpu.memory_space<vmem>>
      %dma_start3A_542 = arith.constant 0 : i32
      %dma_start3A_543 = arith.constant 0 : i32
      %dma_start3A_544 = tpu.memref_slice %arg7[%dma_start3A_535, %dma_start3A_542, %dma_start3A_543] : memref<2x8x128xi32, #tpu.memory_space<vmem>> -> memref<1x8x128xi32, #tpu.memory_space<vmem>>
      %dma_start3A_545 = tpu.memref_squeeze %dma_start3A_544 : memref<1x8x128xi32, #tpu.memory_space<vmem>> -> memref<8x128xi32, #tpu.memory_space<vmem>>
      %dma_start3A_546 = arith.constant 0 : i32
      %dma_start3A_547 = tpu.memref_slice %dma_start3A_545[%dma_start3A_536, %dma_start3A_546] : memref<8x128xi32, #tpu.memory_space<vmem>> -> memref<1x128xi32, #tpu.memory_space<vmem>>
      %dma_start3A_548 = tpu.memref_squeeze %dma_start3A_547 : memref<1x128xi32, #tpu.memory_space<vmem>> -> memref<128xi32, #tpu.memory_space<vmem>>
      %dma_start3A_549 = arith.constant 0 : i32
      %dma_start3A_550 = arith.constant 0 : i32
      %dma_start3A_551 = tpu.memref_slice %arg2[%dma_start3A_549, %dma_start3A_550] : memref<10000x128xf32, #tpu.memory_space<hbm>> -> memref<10000x128xf32, #tpu.memory_space<hbm>>
      tpu.enqueue_indirect_dma source(%dma_start3A_551 : memref<10000x128xf32, #tpu.memory_space<hbm>>) target(%dma_start3A_541 : memref<128x128xf32, #tpu.memory_space<vmem>>) offsets(%dma_start3A_548 : memref<128xi32, #tpu.memory_space<vmem>>) semaphore(%arg11 : memref<!tpu.dma_semaphore, #tpu.memory_space<semaphore_mem>>)
      %dma_wait3A_552 = arith.constant 1 : i32
      %dma_wait3A_553 = arith.constant 5 : i32
      %dma_wait3A_554 = arith.constant 1 : i32
      %dma_wait3A_555 = arith.constant 0 : i32
      %dma_wait3A_556 = arith.constant 0 : i32
      %dma_wait3A_557 = tpu.memref_slice %arg9[%dma_wait3A_554, %dma_wait3A_555, %dma_wait3A_556] : memref<2x128x128xf32, #tpu.memory_space<vmem>> -> memref<1x128x128xf32, #tpu.memory_space<vmem>>
      %dma_wait3A_558 = tpu.memref_squeeze %dma_wait3A_557 : memref<1x128x128xf32, #tpu.memory_space<vmem>> -> memref<128x128xf32, #tpu.memory_space<vmem>>
      %dma_wait3A_559 = arith.constant 0 : i32
      %dma_wait3A_560 = arith.constant 0 : i32
      %dma_wait3A_561 = tpu.memref_slice %arg7[%dma_wait3A_552, %dma_wait3A_559, %dma_wait3A_560] : memref<2x8x128xi32, #tpu.memory_space<vmem>> -> memref<1x8x128xi32, #tpu.memory_space<vmem>>
      %dma_wait3A_562 = tpu.memref_squeeze %dma_wait3A_561 : memref<1x8x128xi32, #tpu.memory_space<vmem>> -> memref<8x128xi32, #tpu.memory_space<vmem>>
      %dma_wait3A_563 = arith.constant 0 : i32
      %dma_wait3A_564 = tpu.memref_slice %dma_wait3A_562[%dma_wait3A_553, %dma_wait3A_563] : memref<8x128xi32, #tpu.memory_space<vmem>> -> memref<1x128xi32, #tpu.memory_space<vmem>>
      %dma_wait3A_565 = tpu.memref_squeeze %dma_wait3A_564 : memref<1x128xi32, #tpu.memory_space<vmem>> -> memref<128xi32, #tpu.memory_space<vmem>>
      %dma_wait3A_566 = arith.constant 0 : i32
      %dma_wait3A_567 = arith.constant 0 : i32
      %dma_wait3A_568 = tpu.memref_slice %arg2[%dma_wait3A_566, %dma_wait3A_567] : memref<10000x128xf32, #tpu.memory_space<hbm>> -> memref<10000x128xf32, #tpu.memory_space<hbm>>
      tpu.wait_indirect_dma semaphore(%arg12 : memref<!tpu.dma_semaphore, #tpu.memory_space<semaphore_mem>>) src(%dma_wait3A_568 : memref<10000x128xf32, #tpu.memory_space<hbm>>) dst(%dma_wait3A_558 : memref<128x128xf32, #tpu.memory_space<vmem>>)
      %run_scoped3A_569 = arith.constant 1 : i32
      %run_scoped3A_570 = arith.constant 1 : i32
      %run_scoped3A_571 = arith.constant 5 : i32
      "tpu.region"() ({
        %run_scoped3A_650 = tpu.sem_alloc : memref<!tpu.dma_semaphore, #tpu.memory_space<semaphore_mem>>
        %dma_start3A_651 = arith.constant 0 : i32
        %dma_start3A_652 = arith.constant 0 : i32
        %dma_start3A_653 = tpu.memref_slice %arg9[%run_scoped3A_569, %dma_start3A_651, %dma_start3A_652] : memref<2x128x128xf32, #tpu.memory_space<vmem>> -> memref<1x128x128xf32, #tpu.memory_space<vmem>>
        %dma_start3A_654 = tpu.memref_squeeze %dma_start3A_653 : memref<1x128x128xf32, #tpu.memory_space<vmem>> -> memref<128x128xf32, #tpu.memory_space<vmem>>
        %dma_start3A_655 = arith.constant 0 : i32
        %dma_start3A_656 = arith.constant 0 : i32
        %dma_start3A_657 = tpu.memref_slice %arg8[%run_scoped3A_570, %dma_start3A_655, %dma_start3A_656] : memref<2x8x128xi32, #tpu.memory_space<vmem>> -> memref<1x8x128xi32, #tpu.memory_space<vmem>>
        %dma_start3A_658 = tpu.memref_squeeze %dma_start3A_657 : memref<1x8x128xi32, #tpu.memory_space<vmem>> -> memref<8x128xi32, #tpu.memory_space<vmem>>
        %dma_start3A_659 = arith.constant 0 : i32
        %dma_start3A_660 = tpu.memref_slice %dma_start3A_658[%run_scoped3A_571, %dma_start3A_659] : memref<8x128xi32, #tpu.memory_space<vmem>> -> memref<1x128xi32, #tpu.memory_space<vmem>>
        %dma_start3A_661 = tpu.memref_squeeze %dma_start3A_660 : memref<1x128xi32, #tpu.memory_space<vmem>> -> memref<128xi32, #tpu.memory_space<vmem>>
        %dma_start3A_662 = arith.constant 0 : i32
        %dma_start3A_663 = arith.constant 0 : i32
        %dma_start3A_664 = tpu.memref_slice %arg10[%dma_start3A_662, %dma_start3A_663] : memref<10240x128xf32, #tpu.memory_space<vmem_shared>> -> memref<10240x128xf32, #tpu.memory_space<vmem_shared>>
        tpu.enqueue_indirect_dma source(%dma_start3A_654 : memref<128x128xf32, #tpu.memory_space<vmem>>) target(%dma_start3A_664 : memref<10240x128xf32, #tpu.memory_space<vmem_shared>>) offsets(%dma_start3A_661 : memref<128xi32, #tpu.memory_space<vmem>>) semaphore(%run_scoped3A_650 : memref<!tpu.dma_semaphore, #tpu.memory_space<semaphore_mem>>) {add = true}
        %dma_wait3A_665 = arith.constant 0 : i32
        %dma_wait3A_666 = arith.constant 0 : i32
        %dma_wait3A_667 = tpu.memref_slice %arg9[%run_scoped3A_569, %dma_wait3A_665, %dma_wait3A_666] : memref<2x128x128xf32, #tpu.memory_space<vmem>> -> memref<1x128x128xf32, #tpu.memory_space<vmem>>
        %dma_wait3A_668 = tpu.memref_squeeze %dma_wait3A_667 : memref<1x128x128xf32, #tpu.memory_space<vmem>> -> memref<128x128xf32, #tpu.memory_space<vmem>>
        %dma_wait3A_669 = arith.constant 0 : i32
        %dma_wait3A_670 = arith.constant 0 : i32
        %dma_wait3A_671 = tpu.memref_slice %arg8[%run_scoped3A_570, %dma_wait3A_669, %dma_wait3A_670] : memref<2x8x128xi32, #tpu.memory_space<vmem>> -> memref<1x8x128xi32, #tpu.memory_space<vmem>>
        %dma_wait3A_672 = tpu.memref_squeeze %dma_wait3A_671 : memref<1x8x128xi32, #tpu.memory_space<vmem>> -> memref<8x128xi32, #tpu.memory_space<vmem>>
        %dma_wait3A_673 = arith.constant 0 : i32
        %dma_wait3A_674 = tpu.memref_slice %dma_wait3A_672[%run_scoped3A_571, %dma_wait3A_673] : memref<8x128xi32, #tpu.memory_space<vmem>> -> memref<1x128xi32, #tpu.memory_space<vmem>>
        %dma_wait3A_675 = tpu.memref_squeeze %dma_wait3A_674 : memref<1x128xi32, #tpu.memory_space<vmem>> -> memref<128xi32, #tpu.memory_space<vmem>>
        %dma_wait3A_676 = arith.constant 0 : i32
        %dma_wait3A_677 = arith.constant 0 : i32
        %dma_wait3A_678 = tpu.memref_slice %arg10[%dma_wait3A_676, %dma_wait3A_677] : memref<10240x128xf32, #tpu.memory_space<vmem_shared>> -> memref<10240x128xf32, #tpu.memory_space<vmem_shared>>
        tpu.wait_indirect_dma semaphore(%run_scoped3A_650 : memref<!tpu.dma_semaphore, #tpu.memory_space<semaphore_mem>>) src(%dma_wait3A_668 : memref<128x128xf32, #tpu.memory_space<vmem>>) dst(%dma_wait3A_678 : memref<10240x128xf32, #tpu.memory_space<vmem_shared>>)
        tpu.yield
      }) : () -> ()
      %dma_start3A_572 = arith.constant 1 : i32
      %dma_start3A_573 = arith.constant 7 : i32
      %dma_start3A_574 = arith.constant 1 : i32
      %dma_start3A_575 = arith.constant 0 : i32
      %dma_start3A_576 = arith.constant 0 : i32
      %dma_start3A_577 = tpu.memref_slice %arg9[%dma_start3A_574, %dma_start3A_575, %dma_start3A_576] : memref<2x128x128xf32, #tpu.memory_space<vmem>> -> memref<1x128x128xf32, #tpu.memory_space<vmem>>
      %dma_start3A_578 = tpu.memref_squeeze %dma_start3A_577 : memref<1x128x128xf32, #tpu.memory_space<vmem>> -> memref<128x128xf32, #tpu.memory_space<vmem>>
      %dma_start3A_579 = arith.constant 0 : i32
      %dma_start3A_580 = arith.constant 0 : i32
      %dma_start3A_581 = tpu.memref_slice %arg7[%dma_start3A_572, %dma_start3A_579, %dma_start3A_580] : memref<2x8x128xi32, #tpu.memory_space<vmem>> -> memref<1x8x128xi32, #tpu.memory_space<vmem>>
      %dma_start3A_582 = tpu.memref_squeeze %dma_start3A_581 : memref<1x8x128xi32, #tpu.memory_space<vmem>> -> memref<8x128xi32, #tpu.memory_space<vmem>>
      %dma_start3A_583 = arith.constant 0 : i32
      %dma_start3A_584 = tpu.memref_slice %dma_start3A_582[%dma_start3A_573, %dma_start3A_583] : memref<8x128xi32, #tpu.memory_space<vmem>> -> memref<1x128xi32, #tpu.memory_space<vmem>>
      %dma_start3A_585 = tpu.memref_squeeze %dma_start3A_584 : memref<1x128xi32, #tpu.memory_space<vmem>> -> memref<128xi32, #tpu.memory_space<vmem>>
      %dma_start3A_586 = arith.constant 0 : i32
      %dma_start3A_587 = arith.constant 0 : i32
      %dma_start3A_588 = tpu.memref_slice %arg2[%dma_start3A_586, %dma_start3A_587] : memref<10000x128xf32, #tpu.memory_space<hbm>> -> memref<10000x128xf32, #tpu.memory_space<hbm>>
      tpu.enqueue_indirect_dma source(%dma_start3A_588 : memref<10000x128xf32, #tpu.memory_space<hbm>>) target(%dma_start3A_578 : memref<128x128xf32, #tpu.memory_space<vmem>>) offsets(%dma_start3A_585 : memref<128xi32, #tpu.memory_space<vmem>>) semaphore(%arg12 : memref<!tpu.dma_semaphore, #tpu.memory_space<semaphore_mem>>)
      %dma_wait3A_589 = arith.constant 1 : i32
      %dma_wait3A_590 = arith.constant 6 : i32
      %dma_wait3A_591 = arith.constant 0 : i32
      %dma_wait3A_592 = arith.constant 0 : i32
      %dma_wait3A_593 = arith.constant 0 : i32
      %dma_wait3A_594 = tpu.memref_slice %arg9[%dma_wait3A_591, %dma_wait3A_592, %dma_wait3A_593] : memref<2x128x128xf32, #tpu.memory_space<vmem>> -> memref<1x128x128xf32, #tpu.memory_space<vmem>>
      %dma_wait3A_595 = tpu.memref_squeeze %dma_wait3A_594 : memref<1x128x128xf32, #tpu.memory_space<vmem>> -> memref<128x128xf32, #tpu.memory_space<vmem>>
      %dma_wait3A_596 = arith.constant 0 : i32
      %dma_wait3A_597 = arith.constant 0 : i32
      %dma_wait3A_598 = tpu.memref_slice %arg7[%dma_wait3A_589, %dma_wait3A_596, %dma_wait3A_597] : memref<2x8x128xi32, #tpu.memory_space<vmem>> -> memref<1x8x128xi32, #tpu.memory_space<vmem>>
      %dma_wait3A_599 = tpu.memref_squeeze %dma_wait3A_598 : memref<1x8x128xi32, #tpu.memory_space<vmem>> -> memref<8x128xi32, #tpu.memory_space<vmem>>
      %dma_wait3A_600 = arith.constant 0 : i32
      %dma_wait3A_601 = tpu.memref_slice %dma_wait3A_599[%dma_wait3A_590, %dma_wait3A_600] : memref<8x128xi32, #tpu.memory_space<vmem>> -> memref<1x128xi32, #tpu.memory_space<vmem>>
      %dma_wait3A_602 = tpu.memref_squeeze %dma_wait3A_601 : memref<1x128xi32, #tpu.memory_space<vmem>> -> memref<128xi32, #tpu.memory_space<vmem>>
      %dma_wait3A_603 = arith.constant 0 : i32
      %dma_wait3A_604 = arith.constant 0 : i32
      %dma_wait3A_605 = tpu.memref_slice %arg2[%dma_wait3A_603, %dma_wait3A_604] : memref<10000x128xf32, #tpu.memory_space<hbm>> -> memref<10000x128xf32, #tpu.memory_space<hbm>>
      tpu.wait_indirect_dma semaphore(%arg11 : memref<!tpu.dma_semaphore, #tpu.memory_space<semaphore_mem>>) src(%dma_wait3A_605 : memref<10000x128xf32, #tpu.memory_space<hbm>>) dst(%dma_wait3A_595 : memref<128x128xf32, #tpu.memory_space<vmem>>)
      %run_scoped3A_606 = arith.constant 0 : i32
      %run_scoped3A_607 = arith.constant 1 : i32
      %run_scoped3A_608 = arith.constant 6 : i32
      "tpu.region"() ({
        %run_scoped3A_650 = tpu.sem_alloc : memref<!tpu.dma_semaphore, #tpu.memory_space<semaphore_mem>>
        %dma_start3A_651 = arith.constant 0 : i32
        %dma_start3A_652 = arith.constant 0 : i32
        %dma_start3A_653 = tpu.memref_slice %arg9[%run_scoped3A_606, %dma_start3A_651, %dma_start3A_652] : memref<2x128x128xf32, #tpu.memory_space<vmem>> -> memref<1x128x128xf32, #tpu.memory_space<vmem>>
        %dma_start3A_654 = tpu.memref_squeeze %dma_start3A_653 : memref<1x128x128xf32, #tpu.memory_space<vmem>> -> memref<128x128xf32, #tpu.memory_space<vmem>>
        %dma_start3A_655 = arith.constant 0 : i32
        %dma_start3A_656 = arith.constant 0 : i32
        %dma_start3A_657 = tpu.memref_slice %arg8[%run_scoped3A_607, %dma_start3A_655, %dma_start3A_656] : memref<2x8x128xi32, #tpu.memory_space<vmem>> -> memref<1x8x128xi32, #tpu.memory_space<vmem>>
        %dma_start3A_658 = tpu.memref_squeeze %dma_start3A_657 : memref<1x8x128xi32, #tpu.memory_space<vmem>> -> memref<8x128xi32, #tpu.memory_space<vmem>>
        %dma_start3A_659 = arith.constant 0 : i32
        %dma_start3A_660 = tpu.memref_slice %dma_start3A_658[%run_scoped3A_608, %dma_start3A_659] : memref<8x128xi32, #tpu.memory_space<vmem>> -> memref<1x128xi32, #tpu.memory_space<vmem>>
        %dma_start3A_661 = tpu.memref_squeeze %dma_start3A_660 : memref<1x128xi32, #tpu.memory_space<vmem>> -> memref<128xi32, #tpu.memory_space<vmem>>
        %dma_start3A_662 = arith.constant 0 : i32
        %dma_start3A_663 = arith.constant 0 : i32
        %dma_start3A_664 = tpu.memref_slice %arg10[%dma_start3A_662, %dma_start3A_663] : memref<10240x128xf32, #tpu.memory_space<vmem_shared>> -> memref<10240x128xf32, #tpu.memory_space<vmem_shared>>
        tpu.enqueue_indirect_dma source(%dma_start3A_654 : memref<128x128xf32, #tpu.memory_space<vmem>>) target(%dma_start3A_664 : memref<10240x128xf32, #tpu.memory_space<vmem_shared>>) offsets(%dma_start3A_661 : memref<128xi32, #tpu.memory_space<vmem>>) semaphore(%run_scoped3A_650 : memref<!tpu.dma_semaphore, #tpu.memory_space<semaphore_mem>>) {add = true}
        %dma_wait3A_665 = arith.constant 0 : i32
        %dma_wait3A_666 = arith.constant 0 : i32
        %dma_wait3A_667 = tpu.memref_slice %arg9[%run_scoped3A_606, %dma_wait3A_665, %dma_wait3A_666] : memref<2x128x128xf32, #tpu.memory_space<vmem>> -> memref<1x128x128xf32, #tpu.memory_space<vmem>>
        %dma_wait3A_668 = tpu.memref_squeeze %dma_wait3A_667 : memref<1x128x128xf32, #tpu.memory_space<vmem>> -> memref<128x128xf32, #tpu.memory_space<vmem>>
        %dma_wait3A_669 = arith.constant 0 : i32
        %dma_wait3A_670 = arith.constant 0 : i32
        %dma_wait3A_671 = tpu.memref_slice %arg8[%run_scoped3A_607, %dma_wait3A_669, %dma_wait3A_670] : memref<2x8x128xi32, #tpu.memory_space<vmem>> -> memref<1x8x128xi32, #tpu.memory_space<vmem>>
        %dma_wait3A_672 = tpu.memref_squeeze %dma_wait3A_671 : memref<1x8x128xi32, #tpu.memory_space<vmem>> -> memref<8x128xi32, #tpu.memory_space<vmem>>
        %dma_wait3A_673 = arith.constant 0 : i32
        %dma_wait3A_674 = tpu.memref_slice %dma_wait3A_672[%run_scoped3A_608, %dma_wait3A_673] : memref<8x128xi32, #tpu.memory_space<vmem>> -> memref<1x128xi32, #tpu.memory_space<vmem>>
        %dma_wait3A_675 = tpu.memref_squeeze %dma_wait3A_674 : memref<1x128xi32, #tpu.memory_space<vmem>> -> memref<128xi32, #tpu.memory_space<vmem>>
        %dma_wait3A_676 = arith.constant 0 : i32
        %dma_wait3A_677 = arith.constant 0 : i32
        %dma_wait3A_678 = tpu.memref_slice %arg10[%dma_wait3A_676, %dma_wait3A_677] : memref<10240x128xf32, #tpu.memory_space<vmem_shared>> -> memref<10240x128xf32, #tpu.memory_space<vmem_shared>>
        tpu.wait_indirect_dma semaphore(%run_scoped3A_650 : memref<!tpu.dma_semaphore, #tpu.memory_space<semaphore_mem>>) src(%dma_wait3A_668 : memref<128x128xf32, #tpu.memory_space<vmem>>) dst(%dma_wait3A_678 : memref<10240x128xf32, #tpu.memory_space<vmem_shared>>)
        tpu.yield
      }) : () -> ()
      %add3A_609 = arith.constant 1 : i32
      %add3A_610 = arith.addi %add3A_366, %add3A_609 : i32
      %lt3A_611 = arith.constant 10 : i32
      %lt3A_612 = arith.cmpi slt, %add3A_610, %lt3A_611 : i32
      %convert_element_type3A_613 = arith.extui %lt3A_612 : i1 to i32
      %cond3A_614 = arith.constant 0 : i32
      %cond3A_615 = arith.cmpi ne, %convert_element_type3A_613, %cond3A_614 : i32
      scf.if %cond3A_615 {
        %dma_start3A_650 = arith.constant 0 : i32
        %dma_start3A_651 = arith.constant 0 : i32
        %dma_start3A_652 = arith.constant 0 : i32
        %dma_start3A_653 = arith.constant 0 : i32
        %dma_start3A_654 = arith.constant 0 : i32
        %dma_start3A_655 = tpu.memref_slice %arg9[%dma_start3A_652, %dma_start3A_653, %dma_start3A_654] : memref<2x128x128xf32, #tpu.memory_space<vmem>> -> memref<1x128x128xf32, #tpu.memory_space<vmem>>
        %dma_start3A_656 = tpu.memref_squeeze %dma_start3A_655 : memref<1x128x128xf32, #tpu.memory_space<vmem>> -> memref<128x128xf32, #tpu.memory_space<vmem>>
        %dma_start3A_657 = arith.constant 0 : i32
        %dma_start3A_658 = arith.constant 0 : i32
        %dma_start3A_659 = tpu.memref_slice %arg7[%dma_start3A_650, %dma_start3A_657, %dma_start3A_658] : memref<2x8x128xi32, #tpu.memory_space<vmem>> -> memref<1x8x128xi32, #tpu.memory_space<vmem>>
        %dma_start3A_660 = tpu.memref_squeeze %dma_start3A_659 : memref<1x8x128xi32, #tpu.memory_space<vmem>> -> memref<8x128xi32, #tpu.memory_space<vmem>>
        %dma_start3A_661 = arith.constant 0 : i32
        %dma_start3A_662 = tpu.memref_slice %dma_start3A_660[%dma_start3A_651, %dma_start3A_661] : memref<8x128xi32, #tpu.memory_space<vmem>> -> memref<1x128xi32, #tpu.memory_space<vmem>>
        %dma_start3A_663 = tpu.memref_squeeze %dma_start3A_662 : memref<1x128xi32, #tpu.memory_space<vmem>> -> memref<128xi32, #tpu.memory_space<vmem>>
        %dma_start3A_664 = arith.constant 0 : i32
        %dma_start3A_665 = arith.constant 0 : i32
        %dma_start3A_666 = tpu.memref_slice %arg2[%dma_start3A_664, %dma_start3A_665] : memref<10000x128xf32, #tpu.memory_space<hbm>> -> memref<10000x128xf32, #tpu.memory_space<hbm>>
        tpu.enqueue_indirect_dma source(%dma_start3A_666 : memref<10000x128xf32, #tpu.memory_space<hbm>>) target(%dma_start3A_656 : memref<128x128xf32, #tpu.memory_space<vmem>>) offsets(%dma_start3A_663 : memref<128xi32, #tpu.memory_space<vmem>>) semaphore(%arg11 : memref<!tpu.dma_semaphore, #tpu.memory_space<semaphore_mem>>)
      } else {
      }
      %dma_wait3A_616 = arith.constant 1 : i32
      %dma_wait3A_617 = arith.constant 7 : i32
      %dma_wait3A_618 = arith.constant 1 : i32
      %dma_wait3A_619 = arith.constant 0 : i32
      %dma_wait3A_620 = arith.constant 0 : i32
      %dma_wait3A_621 = tpu.memref_slice %arg9[%dma_wait3A_618, %dma_wait3A_619, %dma_wait3A_620] : memref<2x128x128xf32, #tpu.memory_space<vmem>> -> memref<1x128x128xf32, #tpu.memory_space<vmem>>
      %dma_wait3A_622 = tpu.memref_squeeze %dma_wait3A_621 : memref<1x128x128xf32, #tpu.memory_space<vmem>> -> memref<128x128xf32, #tpu.memory_space<vmem>>
      %dma_wait3A_623 = arith.constant 0 : i32
      %dma_wait3A_624 = arith.constant 0 : i32
      %dma_wait3A_625 = tpu.memref_slice %arg7[%dma_wait3A_616, %dma_wait3A_623, %dma_wait3A_624] : memref<2x8x128xi32, #tpu.memory_space<vmem>> -> memref<1x8x128xi32, #tpu.memory_space<vmem>>
      %dma_wait3A_626 = tpu.memref_squeeze %dma_wait3A_625 : memref<1x8x128xi32, #tpu.memory_space<vmem>> -> memref<8x128xi32, #tpu.memory_space<vmem>>
      %dma_wait3A_627 = arith.constant 0 : i32
      %dma_wait3A_628 = tpu.memref_slice %dma_wait3A_626[%dma_wait3A_617, %dma_wait3A_627] : memref<8x128xi32, #tpu.memory_space<vmem>> -> memref<1x128xi32, #tpu.memory_space<vmem>>
      %dma_wait3A_629 = tpu.memref_squeeze %dma_wait3A_628 : memref<1x128xi32, #tpu.memory_space<vmem>> -> memref<128xi32, #tpu.memory_space<vmem>>
      %dma_wait3A_630 = arith.constant 0 : i32
      %dma_wait3A_631 = arith.constant 0 : i32
      %dma_wait3A_632 = tpu.memref_slice %arg2[%dma_wait3A_630, %dma_wait3A_631] : memref<10000x128xf32, #tpu.memory_space<hbm>> -> memref<10000x128xf32, #tpu.memory_space<hbm>>
      tpu.wait_indirect_dma semaphore(%arg12 : memref<!tpu.dma_semaphore, #tpu.memory_space<semaphore_mem>>) src(%dma_wait3A_632 : memref<10000x128xf32, #tpu.memory_space<hbm>>) dst(%dma_wait3A_622 : memref<128x128xf32, #tpu.memory_space<vmem>>)
      %run_scoped3A_633 = arith.constant 1 : i32
      %run_scoped3A_634 = arith.constant 1 : i32
      %run_scoped3A_635 = arith.constant 7 : i32
      "tpu.region"() ({
        %run_scoped3A_650 = tpu.sem_alloc : memref<!tpu.dma_semaphore, #tpu.memory_space<semaphore_mem>>
        %dma_start3A_651 = arith.constant 0 : i32
        %dma_start3A_652 = arith.constant 0 : i32
        %dma_start3A_653 = tpu.memref_slice %arg9[%run_scoped3A_633, %dma_start3A_651, %dma_start3A_652] : memref<2x128x128xf32, #tpu.memory_space<vmem>> -> memref<1x128x128xf32, #tpu.memory_space<vmem>>
        %dma_start3A_654 = tpu.memref_squeeze %dma_start3A_653 : memref<1x128x128xf32, #tpu.memory_space<vmem>> -> memref<128x128xf32, #tpu.memory_space<vmem>>
        %dma_start3A_655 = arith.constant 0 : i32
        %dma_start3A_656 = arith.constant 0 : i32
        %dma_start3A_657 = tpu.memref_slice %arg8[%run_scoped3A_634, %dma_start3A_655, %dma_start3A_656] : memref<2x8x128xi32, #tpu.memory_space<vmem>> -> memref<1x8x128xi32, #tpu.memory_space<vmem>>
        %dma_start3A_658 = tpu.memref_squeeze %dma_start3A_657 : memref<1x8x128xi32, #tpu.memory_space<vmem>> -> memref<8x128xi32, #tpu.memory_space<vmem>>
        %dma_start3A_659 = arith.constant 0 : i32
        %dma_start3A_660 = tpu.memref_slice %dma_start3A_658[%run_scoped3A_635, %dma_start3A_659] : memref<8x128xi32, #tpu.memory_space<vmem>> -> memref<1x128xi32, #tpu.memory_space<vmem>>
        %dma_start3A_661 = tpu.memref_squeeze %dma_start3A_660 : memref<1x128xi32, #tpu.memory_space<vmem>> -> memref<128xi32, #tpu.memory_space<vmem>>
        %dma_start3A_662 = arith.constant 0 : i32
        %dma_start3A_663 = arith.constant 0 : i32
        %dma_start3A_664 = tpu.memref_slice %arg10[%dma_start3A_662, %dma_start3A_663] : memref<10240x128xf32, #tpu.memory_space<vmem_shared>> -> memref<10240x128xf32, #tpu.memory_space<vmem_shared>>
        tpu.enqueue_indirect_dma source(%dma_start3A_654 : memref<128x128xf32, #tpu.memory_space<vmem>>) target(%dma_start3A_664 : memref<10240x128xf32, #tpu.memory_space<vmem_shared>>) offsets(%dma_start3A_661 : memref<128xi32, #tpu.memory_space<vmem>>) semaphore(%run_scoped3A_650 : memref<!tpu.dma_semaphore, #tpu.memory_space<semaphore_mem>>) {add = true}
        %dma_wait3A_665 = arith.constant 0 : i32
        %dma_wait3A_666 = arith.constant 0 : i32
        %dma_wait3A_667 = tpu.memref_slice %arg9[%run_scoped3A_633, %dma_wait3A_665, %dma_wait3A_666] : memref<2x128x128xf32, #tpu.memory_space<vmem>> -> memref<1x128x128xf32, #tpu.memory_space<vmem>>
        %dma_wait3A_668 = tpu.memref_squeeze %dma_wait3A_667 : memref<1x128x128xf32, #tpu.memory_space<vmem>> -> memref<128x128xf32, #tpu.memory_space<vmem>>
        %dma_wait3A_669 = arith.constant 0 : i32
        %dma_wait3A_670 = arith.constant 0 : i32
        %dma_wait3A_671 = tpu.memref_slice %arg8[%run_scoped3A_634, %dma_wait3A_669, %dma_wait3A_670] : memref<2x8x128xi32, #tpu.memory_space<vmem>> -> memref<1x8x128xi32, #tpu.memory_space<vmem>>
        %dma_wait3A_672 = tpu.memref_squeeze %dma_wait3A_671 : memref<1x8x128xi32, #tpu.memory_space<vmem>> -> memref<8x128xi32, #tpu.memory_space<vmem>>
        %dma_wait3A_673 = arith.constant 0 : i32
        %dma_wait3A_674 = tpu.memref_slice %dma_wait3A_672[%run_scoped3A_635, %dma_wait3A_673] : memref<8x128xi32, #tpu.memory_space<vmem>> -> memref<1x128xi32, #tpu.memory_space<vmem>>
        %dma_wait3A_675 = tpu.memref_squeeze %dma_wait3A_674 : memref<1x128xi32, #tpu.memory_space<vmem>> -> memref<128xi32, #tpu.memory_space<vmem>>
        %dma_wait3A_676 = arith.constant 0 : i32
        %dma_wait3A_677 = arith.constant 0 : i32
        %dma_wait3A_678 = tpu.memref_slice %arg10[%dma_wait3A_676, %dma_wait3A_677] : memref<10240x128xf32, #tpu.memory_space<vmem_shared>> -> memref<10240x128xf32, #tpu.memory_space<vmem_shared>>
        tpu.wait_indirect_dma semaphore(%run_scoped3A_650 : memref<!tpu.dma_semaphore, #tpu.memory_space<semaphore_mem>>) src(%dma_wait3A_668 : memref<128x128xf32, #tpu.memory_space<vmem>>) dst(%dma_wait3A_678 : memref<10240x128xf32, #tpu.memory_space<vmem_shared>>)
        tpu.yield
      }) : () -> ()
      %add3A_636 = arith.constant 1 : i32
      %add3A_637 = arith.addi %add3A_366, %add3A_636 : i32
      %lt3A_638 = arith.constant 10 : i32
      %lt3A_639 = arith.cmpi slt, %add3A_637, %lt3A_638 : i32
      %convert_element_type3A_640 = arith.extui %lt3A_639 : i1 to i32
      %cond3A_641 = arith.constant 0 : i32
      %cond3A_642 = arith.cmpi ne, %convert_element_type3A_640, %cond3A_641 : i32
      scf.if %cond3A_642 {
        %dma_start3A_650 = arith.constant 0 : i32
        %dma_start3A_651 = arith.constant 1 : i32
        %dma_start3A_652 = arith.constant 1 : i32
        %dma_start3A_653 = arith.constant 0 : i32
        %dma_start3A_654 = arith.constant 0 : i32
        %dma_start3A_655 = tpu.memref_slice %arg9[%dma_start3A_652, %dma_start3A_653, %dma_start3A_654] : memref<2x128x128xf32, #tpu.memory_space<vmem>> -> memref<1x128x128xf32, #tpu.memory_space<vmem>>
        %dma_start3A_656 = tpu.memref_squeeze %dma_start3A_655 : memref<1x128x128xf32, #tpu.memory_space<vmem>> -> memref<128x128xf32, #tpu.memory_space<vmem>>
        %dma_start3A_657 = arith.constant 0 : i32
        %dma_start3A_658 = arith.constant 0 : i32
        %dma_start3A_659 = tpu.memref_slice %arg7[%dma_start3A_650, %dma_start3A_657, %dma_start3A_658] : memref<2x8x128xi32, #tpu.memory_space<vmem>> -> memref<1x8x128xi32, #tpu.memory_space<vmem>>
        %dma_start3A_660 = tpu.memref_squeeze %dma_start3A_659 : memref<1x8x128xi32, #tpu.memory_space<vmem>> -> memref<8x128xi32, #tpu.memory_space<vmem>>
        %dma_start3A_661 = arith.constant 0 : i32
        %dma_start3A_662 = tpu.memref_slice %dma_start3A_660[%dma_start3A_651, %dma_start3A_661] : memref<8x128xi32, #tpu.memory_space<vmem>> -> memref<1x128xi32, #tpu.memory_space<vmem>>
        %dma_start3A_663 = tpu.memref_squeeze %dma_start3A_662 : memref<1x128xi32, #tpu.memory_space<vmem>> -> memref<128xi32, #tpu.memory_space<vmem>>
        %dma_start3A_664 = arith.constant 0 : i32
        %dma_start3A_665 = arith.constant 0 : i32
        %dma_start3A_666 = tpu.memref_slice %arg2[%dma_start3A_664, %dma_start3A_665] : memref<10000x128xf32, #tpu.memory_space<hbm>> -> memref<10000x128xf32, #tpu.memory_space<hbm>>
        tpu.enqueue_indirect_dma source(%dma_start3A_666 : memref<10000x128xf32, #tpu.memory_space<hbm>>) target(%dma_start3A_656 : memref<128x128xf32, #tpu.memory_space<vmem>>) offsets(%dma_start3A_663 : memref<128xi32, #tpu.memory_space<vmem>>) semaphore(%arg12 : memref<!tpu.dma_semaphore, #tpu.memory_space<semaphore_mem>>)
      } else {
      }
      %add3A_643 = arith.constant 2 : i32
      %add3A_644 = arith.addi %add3A_366, %add3A_643 : i32
      %lt3A_645 = arith.constant 10 : i32
      %lt3A_646 = arith.cmpi slt, %add3A_644, %lt3A_645 : i32
      %convert_element_type3A_647 = arith.extui %lt3A_646 : i1 to i32
      %cond3A_648 = arith.constant 0 : i32
      %cond3A_649 = arith.cmpi ne, %convert_element_type3A_647, %cond3A_648 : i32
      scf.if %cond3A_649 {
        %add3A_650 = arith.constant 2 : i32
        %add3A_651 = arith.addi %add3A_366, %add3A_650 : i32
        %run_scoped3A_652 = arith.constant 1 : i32
        "tpu.region"() ({
          %run_scoped3A_656 = tpu.sem_alloc : memref<!tpu.dma_semaphore, #tpu.memory_space<semaphore_mem>>
          %dma_start3A_657 = arith.constant 0 : i32
          %dma_start3A_658 = arith.constant 0 : i32
          %dma_start3A_659 = tpu.memref_slice %arg7[%run_scoped3A_652, %dma_start3A_657, %dma_start3A_658] : memref<2x8x128xi32, #tpu.memory_space<vmem>> -> memref<1x8x128xi32, #tpu.memory_space<vmem>>
          %dma_start3A_660 = tpu.memref_squeeze %dma_start3A_659 : memref<1x8x128xi32, #tpu.memory_space<vmem>> -> memref<8x128xi32, #tpu.memory_space<vmem>>
          %dma_start3A_661 = arith.constant 0 : i32
          %dma_start3A_662 = arith.constant 0 : i32
          %dma_start3A_663 = tpu.memref_slice %arg3[%add3A, %add3A_651, %dma_start3A_661, %dma_start3A_662] : memref<32x10x8x128xi32, #tpu.memory_space<hbm>> -> memref<1x1x8x128xi32, #tpu.memory_space<hbm>>
          %dma_start3A_664 = tpu.memref_squeeze %dma_start3A_663 : memref<1x1x8x128xi32, #tpu.memory_space<hbm>> -> memref<8x128xi32, #tpu.memory_space<hbm>>
          %dma_start3A_665 = arith.constant 0 : i32
          %dma_start3A_666 = arith.constant 0 : i32
          %dma_start3A_667 = tpu.memref_slice %arg7[%run_scoped3A_652, %dma_start3A_665, %dma_start3A_666] : memref<2x8x128xi32, #tpu.memory_space<vmem>> -> memref<1x8x128xi32, #tpu.memory_space<vmem>>
          %dma_start3A_668 = tpu.memref_squeeze %dma_start3A_667 : memref<1x8x128xi32, #tpu.memory_space<vmem>> -> memref<8x128xi32, #tpu.memory_space<vmem>>
          %dma_start3A_669 = arith.constant 0 : i32
          %dma_start3A_670 = arith.constant 0 : i32
          %dma_start3A_671 = tpu.memref_slice %arg3[%add3A, %add3A_651, %dma_start3A_669, %dma_start3A_670] : memref<32x10x8x128xi32, #tpu.memory_space<hbm>> -> memref<1x1x8x128xi32, #tpu.memory_space<hbm>>
          %dma_start3A_672 = tpu.memref_squeeze %dma_start3A_671 : memref<1x1x8x128xi32, #tpu.memory_space<hbm>> -> memref<8x128xi32, #tpu.memory_space<hbm>>
          tpu.enqueue_dma source(%dma_start3A_672 : memref<8x128xi32, #tpu.memory_space<hbm>>) target(%dma_start3A_668 : memref<8x128xi32, #tpu.memory_space<vmem>>) target_semaphore(%run_scoped3A_656 : memref<!tpu.dma_semaphore, #tpu.memory_space<semaphore_mem>>)
          %dma_wait3A_673 = arith.constant 0 : i32
          %dma_wait3A_674 = arith.constant 0 : i32
          %dma_wait3A_675 = tpu.memref_slice %arg7[%run_scoped3A_652, %dma_wait3A_673, %dma_wait3A_674] : memref<2x8x128xi32, #tpu.memory_space<vmem>> -> memref<1x8x128xi32, #tpu.memory_space<vmem>>
          %dma_wait3A_676 = tpu.memref_squeeze %dma_wait3A_675 : memref<1x8x128xi32, #tpu.memory_space<vmem>> -> memref<8x128xi32, #tpu.memory_space<vmem>>
          %dma_wait3A_677 = arith.constant 0 : i32
          %dma_wait3A_678 = arith.constant 0 : i32
          %dma_wait3A_679 = tpu.memref_slice %arg3[%add3A, %add3A_651, %dma_wait3A_677, %dma_wait3A_678] : memref<32x10x8x128xi32, #tpu.memory_space<hbm>> -> memref<1x1x8x128xi32, #tpu.memory_space<hbm>>
          %dma_wait3A_680 = tpu.memref_squeeze %dma_wait3A_679 : memref<1x1x8x128xi32, #tpu.memory_space<hbm>> -> memref<8x128xi32, #tpu.memory_space<hbm>>
          %dma_wait3A_681 = arith.constant 0 : i32
          %dma_wait3A_682 = arith.constant 0 : i32
          %dma_wait3A_683 = tpu.memref_slice %arg7[%run_scoped3A_652, %dma_wait3A_681, %dma_wait3A_682] : memref<2x8x128xi32, #tpu.memory_space<vmem>> -> memref<1x8x128xi32, #tpu.memory_space<vmem>>
          %dma_wait3A_684 = tpu.memref_squeeze %dma_wait3A_683 : memref<1x8x128xi32, #tpu.memory_space<vmem>> -> memref<8x128xi32, #tpu.memory_space<vmem>>
          %dma_wait3A_685 = arith.constant 0 : i32
          %dma_wait3A_686 = arith.constant 0 : i32
          %dma_wait3A_687 = tpu.memref_slice %arg3[%add3A, %add3A_651, %dma_wait3A_685, %dma_wait3A_686] : memref<32x10x8x128xi32, #tpu.memory_space<hbm>> -> memref<1x1x8x128xi32, #tpu.memory_space<hbm>>
          %dma_wait3A_688 = tpu.memref_squeeze %dma_wait3A_687 : memref<1x1x8x128xi32, #tpu.memory_space<hbm>> -> memref<8x128xi32, #tpu.memory_space<hbm>>
          tpu.wait_dma2 semaphore(%run_scoped3A_656 : memref<!tpu.dma_semaphore, #tpu.memory_space<semaphore_mem>>) src(%dma_wait3A_688 : memref<8x128xi32, #tpu.memory_space<hbm>>) dst(%dma_wait3A_684 : memref<8x128xi32, #tpu.memory_space<vmem>>)
          tpu.yield
        }) : () -> ()
        %add3A_653 = arith.constant 2 : i32
        %add3A_654 = arith.addi %add3A_366, %add3A_653 : i32
        %run_scoped3A_655 = arith.constant 1 : i32
        "tpu.region"() ({
          %run_scoped3A_656 = tpu.sem_alloc : memref<!tpu.dma_semaphore, #tpu.memory_space<semaphore_mem>>
          %dma_start3A_657 = arith.constant 0 : i32
          %dma_start3A_658 = arith.constant 0 : i32
          %dma_start3A_659 = tpu.memref_slice %arg8[%run_scoped3A_655, %dma_start3A_657, %dma_start3A_658] : memref<2x8x128xi32, #tpu.memory_space<vmem>> -> memref<1x8x128xi32, #tpu.memory_space<vmem>>
          %dma_start3A_660 = tpu.memref_squeeze %dma_start3A_659 : memref<1x8x128xi32, #tpu.memory_space<vmem>> -> memref<8x128xi32, #tpu.memory_space<vmem>>
          %dma_start3A_661 = arith.constant 0 : i32
          %dma_start3A_662 = arith.constant 0 : i32
          %dma_start3A_663 = tpu.memref_slice %arg4[%add3A, %add3A_654, %dma_start3A_661, %dma_start3A_662] : memref<32x10x8x128xi32, #tpu.memory_space<hbm>> -> memref<1x1x8x128xi32, #tpu.memory_space<hbm>>
          %dma_start3A_664 = tpu.memref_squeeze %dma_start3A_663 : memref<1x1x8x128xi32, #tpu.memory_space<hbm>> -> memref<8x128xi32, #tpu.memory_space<hbm>>
          %dma_start3A_665 = arith.constant 0 : i32
          %dma_start3A_666 = arith.constant 0 : i32
          %dma_start3A_667 = tpu.memref_slice %arg8[%run_scoped3A_655, %dma_start3A_665, %dma_start3A_666] : memref<2x8x128xi32, #tpu.memory_space<vmem>> -> memref<1x8x128xi32, #tpu.memory_space<vmem>>
          %dma_start3A_668 = tpu.memref_squeeze %dma_start3A_667 : memref<1x8x128xi32, #tpu.memory_space<vmem>> -> memref<8x128xi32, #tpu.memory_space<vmem>>
          %dma_start3A_669 = arith.constant 0 : i32
          %dma_start3A_670 = arith.constant 0 : i32
          %dma_start3A_671 = tpu.memref_slice %arg4[%add3A, %add3A_654, %dma_start3A_669, %dma_start3A_670] : memref<32x10x8x128xi32, #tpu.memory_space<hbm>> -> memref<1x1x8x128xi32, #tpu.memory_space<hbm>>
          %dma_start3A_672 = tpu.memref_squeeze %dma_start3A_671 : memref<1x1x8x128xi32, #tpu.memory_space<hbm>> -> memref<8x128xi32, #tpu.memory_space<hbm>>
          tpu.enqueue_dma source(%dma_start3A_672 : memref<8x128xi32, #tpu.memory_space<hbm>>) target(%dma_start3A_668 : memref<8x128xi32, #tpu.memory_space<vmem>>) target_semaphore(%run_scoped3A_656 : memref<!tpu.dma_semaphore, #tpu.memory_space<semaphore_mem>>)
          %dma_wait3A_673 = arith.constant 0 : i32
          %dma_wait3A_674 = arith.constant 0 : i32
          %dma_wait3A_675 = tpu.memref_slice %arg8[%run_scoped3A_655, %dma_wait3A_673, %dma_wait3A_674] : memref<2x8x128xi32, #tpu.memory_space<vmem>> -> memref<1x8x128xi32, #tpu.memory_space<vmem>>
          %dma_wait3A_676 = tpu.memref_squeeze %dma_wait3A_675 : memref<1x8x128xi32, #tpu.memory_space<vmem>> -> memref<8x128xi32, #tpu.memory_space<vmem>>
          %dma_wait3A_677 = arith.constant 0 : i32
          %dma_wait3A_678 = arith.constant 0 : i32
          %dma_wait3A_679 = tpu.memref_slice %arg4[%add3A, %add3A_654, %dma_wait3A_677, %dma_wait3A_678] : memref<32x10x8x128xi32, #tpu.memory_space<hbm>> -> memref<1x1x8x128xi32, #tpu.memory_space<hbm>>
          %dma_wait3A_680 = tpu.memref_squeeze %dma_wait3A_679 : memref<1x1x8x128xi32, #tpu.memory_space<hbm>> -> memref<8x128xi32, #tpu.memory_space<hbm>>
          %dma_wait3A_681 = arith.constant 0 : i32
          %dma_wait3A_682 = arith.constant 0 : i32
          %dma_wait3A_683 = tpu.memref_slice %arg8[%run_scoped3A_655, %dma_wait3A_681, %dma_wait3A_682] : memref<2x8x128xi32, #tpu.memory_space<vmem>> -> memref<1x8x128xi32, #tpu.memory_space<vmem>>
          %dma_wait3A_684 = tpu.memref_squeeze %dma_wait3A_683 : memref<1x8x128xi32, #tpu.memory_space<vmem>> -> memref<8x128xi32, #tpu.memory_space<vmem>>
          %dma_wait3A_685 = arith.constant 0 : i32
          %dma_wait3A_686 = arith.constant 0 : i32
          %dma_wait3A_687 = tpu.memref_slice %arg4[%add3A, %add3A_654, %dma_wait3A_685, %dma_wait3A_686] : memref<32x10x8x128xi32, #tpu.memory_space<hbm>> -> memref<1x1x8x128xi32, #tpu.memory_space<hbm>>
          %dma_wait3A_688 = tpu.memref_squeeze %dma_wait3A_687 : memref<1x1x8x128xi32, #tpu.memory_space<hbm>> -> memref<8x128xi32, #tpu.memory_space<hbm>>
          tpu.wait_dma2 semaphore(%run_scoped3A_656 : memref<!tpu.dma_semaphore, #tpu.memory_space<semaphore_mem>>) src(%dma_wait3A_688 : memref<8x128xi32, #tpu.memory_space<hbm>>) dst(%dma_wait3A_684 : memref<8x128xi32, #tpu.memory_space<vmem>>)
          tpu.yield
        }) : () -> ()
      } else {
      }
    }
    %scan3A_70 = arith.constant 5 : i32
    %barrier3A_71 = arith.constant 0 : index
    tpu.barrier barrier_id(%barrier3A_71)
    %mul3A_72 = arith.constant 640 : i32
    %mul3A_73 = arith.muli %arg1, %mul3A_72 : i32
    %mul3A_74 = arith.constant 10240 : i32
    %mul3A_75 = arith.muli %arg0, %mul3A_74 : i32
    %mul3A_76 = arith.constant 640 : i32
    %mul3A_77 = arith.muli %arg1, %mul3A_76 : i32
    %add3A_78 = arith.addi %mul3A_75, %mul3A_77 : i32
    "tpu.region"() ({
      %run_scoped3A_79 = tpu.sem_alloc : memref<!tpu.dma_semaphore, #tpu.memory_space<semaphore_mem>>
      %dma_start3A_80 = arith.constant 0 : i32
      %dma_start3A_81 = tpu.memref_slice %arg6[%add3A_78, %dma_start3A_80] : memref<20480x128xf32, #tpu.memory_space<hbm>> -> memref<640x128xf32, #tpu.memory_space<hbm>>
      %dma_start3A_82 = arith.constant 0 : i32
      %dma_start3A_83 = tpu.memref_slice %arg10[%mul3A_73, %dma_start3A_82] : memref<10240x128xf32, #tpu.memory_space<vmem_shared>> -> memref<640x128xf32, #tpu.memory_space<vmem_shared>>
      tpu.enqueue_dma source(%dma_start3A_83 : memref<640x128xf32, #tpu.memory_space<vmem_shared>>) target(%dma_start3A_81 : memref<640x128xf32, #tpu.memory_space<hbm>>) target_semaphore(%run_scoped3A_79 : memref<!tpu.dma_semaphore, #tpu.memory_space<semaphore_mem>>)
      %dma_wait3A = arith.constant 0 : i32
      %dma_wait3A_84 = tpu.memref_slice %arg6[%add3A_78, %dma_wait3A] : memref<20480x128xf32, #tpu.memory_space<hbm>> -> memref<640x128xf32, #tpu.memory_space<hbm>>
      %dma_wait3A_85 = arith.constant 0 : i32
      %dma_wait3A_86 = tpu.memref_slice %arg10[%mul3A_73, %dma_wait3A_85] : memref<10240x128xf32, #tpu.memory_space<vmem_shared>> -> memref<640x128xf32, #tpu.memory_space<vmem_shared>>
      tpu.wait_dma2 semaphore(%run_scoped3A_79 : memref<!tpu.dma_semaphore, #tpu.memory_space<semaphore_mem>>) src(%dma_wait3A_86 : memref<640x128xf32, #tpu.memory_space<vmem_shared>>) dst(%dma_wait3A_84 : memref<640x128xf32, #tpu.memory_space<hbm>>)
      tpu.yield
    }) : () -> ()
    return
  }
}

#map = affine_map<(d0, d1) -> (0, 0)>
#map1 = affine_map<(d0, d1) -> (0, 0, 0, 0)>
module attributes {stable_mosaic.version = 14 : i64} {
  func.func @_sc_agg_body(%arg0: i32, %arg1: i32, %arg2: memref<10000x128xf32, #tpu.memory_space<hbm>>, %arg3: memref<32x10x8x128xi32, #tpu.memory_space<hbm>>, %arg4: memref<32x10x8x128xi32, #tpu.memory_space<hbm>>, %arg5: memref<128x128xf32, #tpu.memory_space<hbm>>, %arg6: memref<20480x128xf32, #tpu.memory_space<hbm>>, %arg7: memref<2x8x128xi32, #tpu.memory_space<vmem>>, %arg8: memref<2x8x128xi32, #tpu.memory_space<vmem>>, %arg9: memref<2x128x128xf32, #tpu.memory_space<vmem>>, %arg10: memref<10240x128xf32, #tpu.memory_space<vmem_shared>>, %arg11: memref<!tpu.dma_semaphore, #tpu.memory_space<semaphore_mem>>, %arg12: memref<!tpu.dma_semaphore, #tpu.memory_space<semaphore_mem>>) attributes {dimension_semantics = [#tpu.dimension_semantics<core_parallel>, #tpu.dimension_semantics<subcore_parallel>], iteration_bounds = array<i64: 2, 16>, scalar_prefetch = 0 : i64, scratch_operands = 6 : i64, tpu.core_type = #tpu.core_type<sc_vector_subcore>, window_params = [{transform_indices = #map}, {transform_indices = #map1}, {transform_indices = #map1}, {transform_indices = #map}, {transform_indices = #map}]} {
    %mul3A = arith.constant 16 : i32
    %mul3A_0 = arith.muli %arg0, %mul3A : i32
    %add3A = arith.addi %mul3A_0, %arg1 : i32
    %run_scoped3A = arith.constant 0 : i32
    "tpu.region"() ({
      %run_scoped3A_79 = tpu.sem_alloc : memref<!tpu.dma_semaphore, #tpu.memory_space<semaphore_mem>>
      %dma_start3A_80 = arith.constant 0 : i32
      %dma_start3A_81 = arith.constant 0 : i32
      %dma_start3A_82 = tpu.memref_slice %arg9[%run_scoped3A, %dma_start3A_80, %dma_start3A_81] : memref<2x128x128xf32, #tpu.memory_space<vmem>> -> memref<1x128x128xf32, #tpu.memory_space<vmem>>
      %dma_start3A_83 = tpu.memref_squeeze %dma_start3A_82 : memref<1x128x128xf32, #tpu.memory_space<vmem>> -> memref<128x128xf32, #tpu.memory_space<vmem>>
      %dma_start3A_84 = arith.constant 0 : i32
      %dma_start3A_85 = arith.constant 0 : i32
      %dma_start3A_86 = tpu.memref_slice %arg9[%run_scoped3A, %dma_start3A_84, %dma_start3A_85] : memref<2x128x128xf32, #tpu.memory_space<vmem>> -> memref<1x128x128xf32, #tpu.memory_space<vmem>>
      %dma_start3A_87 = tpu.memref_squeeze %dma_start3A_86 : memref<1x128x128xf32, #tpu.memory_space<vmem>> -> memref<128x128xf32, #tpu.memory_space<vmem>>
      tpu.enqueue_dma source(%arg5 : memref<128x128xf32, #tpu.memory_space<hbm>>) target(%dma_start3A_87 : memref<128x128xf32, #tpu.memory_space<vmem>>) target_semaphore(%run_scoped3A_79 : memref<!tpu.dma_semaphore, #tpu.memory_space<semaphore_mem>>)
      %dma_wait3A = arith.constant 0 : i32
      %dma_wait3A_88 = arith.constant 0 : i32
      %dma_wait3A_89 = tpu.memref_slice %arg9[%run_scoped3A, %dma_wait3A, %dma_wait3A_88] : memref<2x128x128xf32, #tpu.memory_space<vmem>> -> memref<1x128x128xf32, #tpu.memory_space<vmem>>
      %dma_wait3A_90 = tpu.memref_squeeze %dma_wait3A_89 : memref<1x128x128xf32, #tpu.memory_space<vmem>> -> memref<128x128xf32, #tpu.memory_space<vmem>>
      %dma_wait3A_91 = arith.constant 0 : i32
      %dma_wait3A_92 = arith.constant 0 : i32
      %dma_wait3A_93 = tpu.memref_slice %arg9[%run_scoped3A, %dma_wait3A_91, %dma_wait3A_92] : memref<2x128x128xf32, #tpu.memory_space<vmem>> -> memref<1x128x128xf32, #tpu.memory_space<vmem>>
      %dma_wait3A_94 = tpu.memref_squeeze %dma_wait3A_93 : memref<1x128x128xf32, #tpu.memory_space<vmem>> -> memref<128x128xf32, #tpu.memory_space<vmem>>
      tpu.wait_dma2 semaphore(%run_scoped3A_79 : memref<!tpu.dma_semaphore, #tpu.memory_space<semaphore_mem>>) src(%arg5 : memref<128x128xf32, #tpu.memory_space<hbm>>) dst(%dma_wait3A_94 : memref<128x128xf32, #tpu.memory_space<vmem>>)
      tpu.yield
    }) : () -> ()
    %mul3A_1 = arith.constant 640 : i32
    %mul3A_2 = arith.muli %arg1, %mul3A_1 : i32
    %add3A_3 = arith.constant 0 : i32
    %add3A_4 = arith.addi %mul3A_2, %add3A_3 : i32
    %run_scoped3A_5 = arith.constant 0 : i32
    "tpu.region"() ({
      %run_scoped3A_79 = tpu.sem_alloc : memref<!tpu.dma_semaphore, #tpu.memory_space<semaphore_mem>>
      %dma_start3A_80 = arith.constant 0 : i32
      %dma_start3A_81 = arith.constant 0 : i32
      %dma_start3A_82 = tpu.memref_slice %arg9[%run_scoped3A_5, %dma_start3A_80, %dma_start3A_81] : memref<2x128x128xf32, #tpu.memory_space<vmem>> -> memref<1x128x128xf32, #tpu.memory_space<vmem>>
      %dma_start3A_83 = tpu.memref_squeeze %dma_start3A_82 : memref<1x128x128xf32, #tpu.memory_space<vmem>> -> memref<128x128xf32, #tpu.memory_space<vmem>>
      %dma_start3A_84 = arith.constant 0 : i32
      %dma_start3A_85 = tpu.memref_slice %arg10[%add3A_4, %dma_start3A_84] : memref<10240x128xf32, #tpu.memory_space<vmem_shared>> -> memref<128x128xf32, #tpu.memory_space<vmem_shared>>
      %dma_start3A_86 = arith.constant 0 : i32
      %dma_start3A_87 = tpu.memref_slice %arg10[%add3A_4, %dma_start3A_86] : memref<10240x128xf32, #tpu.memory_space<vmem_shared>> -> memref<128x128xf32, #tpu.memory_space<vmem_shared>>
      %dma_start3A_88 = arith.constant 0 : i32
      %dma_start3A_89 = arith.constant 0 : i32
      %dma_start3A_90 = tpu.memref_slice %arg9[%run_scoped3A_5, %dma_start3A_88, %dma_start3A_89] : memref<2x128x128xf32, #tpu.memory_space<vmem>> -> memref<1x128x128xf32, #tpu.memory_space<vmem>>
      %dma_start3A_91 = tpu.memref_squeeze %dma_start3A_90 : memref<1x128x128xf32, #tpu.memory_space<vmem>> -> memref<128x128xf32, #tpu.memory_space<vmem>>
      tpu.enqueue_dma source(%dma_start3A_91 : memref<128x128xf32, #tpu.memory_space<vmem>>) target(%dma_start3A_87 : memref<128x128xf32, #tpu.memory_space<vmem_shared>>) target_semaphore(%run_scoped3A_79 : memref<!tpu.dma_semaphore, #tpu.memory_space<semaphore_mem>>)
      %dma_wait3A = arith.constant 0 : i32
      %dma_wait3A_92 = arith.constant 0 : i32
      %dma_wait3A_93 = tpu.memref_slice %arg9[%run_scoped3A_5, %dma_wait3A, %dma_wait3A_92] : memref<2x128x128xf32, #tpu.memory_space<vmem>> -> memref<1x128x128xf32, #tpu.memory_space<vmem>>
      %dma_wait3A_94 = tpu.memref_squeeze %dma_wait3A_93 : memref<1x128x128xf32, #tpu.memory_space<vmem>> -> memref<128x128xf32, #tpu.memory_space<vmem>>
      %dma_wait3A_95 = arith.constant 0 : i32
      %dma_wait3A_96 = tpu.memref_slice %arg10[%add3A_4, %dma_wait3A_95] : memref<10240x128xf32, #tpu.memory_space<vmem_shared>> -> memref<128x128xf32, #tpu.memory_space<vmem_shared>>
      %dma_wait3A_97 = arith.constant 0 : i32
      %dma_wait3A_98 = tpu.memref_slice %arg10[%add3A_4, %dma_wait3A_97] : memref<10240x128xf32, #tpu.memory_space<vmem_shared>> -> memref<128x128xf32, #tpu.memory_space<vmem_shared>>
      %dma_wait3A_99 = arith.constant 0 : i32
      %dma_wait3A_100 = arith.constant 0 : i32
      %dma_wait3A_101 = tpu.memref_slice %arg9[%run_scoped3A_5, %dma_wait3A_99, %dma_wait3A_100] : memref<2x128x128xf32, #tpu.memory_space<vmem>> -> memref<1x128x128xf32, #tpu.memory_space<vmem>>
      %dma_wait3A_102 = tpu.memref_squeeze %dma_wait3A_101 : memref<1x128x128xf32, #tpu.memory_space<vmem>> -> memref<128x128xf32, #tpu.memory_space<vmem>>
      tpu.wait_dma2 semaphore(%run_scoped3A_79 : memref<!tpu.dma_semaphore, #tpu.memory_space<semaphore_mem>>) src(%dma_wait3A_102 : memref<128x128xf32, #tpu.memory_space<vmem>>) dst(%dma_wait3A_98 : memref<128x128xf32, #tpu.memory_space<vmem_shared>>)
      tpu.yield
    }) : () -> ()
    %mul3A_6 = arith.constant 640 : i32
    %mul3A_7 = arith.muli %arg1, %mul3A_6 : i32
    %add3A_8 = arith.constant 128 : i32
    %add3A_9 = arith.addi %mul3A_7, %add3A_8 : i32
    %run_scoped3A_10 = arith.constant 0 : i32
    "tpu.region"() ({
      %run_scoped3A_79 = tpu.sem_alloc : memref<!tpu.dma_semaphore, #tpu.memory_space<semaphore_mem>>
      %dma_start3A_80 = arith.constant 0 : i32
      %dma_start3A_81 = arith.constant 0 : i32
      %dma_start3A_82 = tpu.memref_slice %arg9[%run_scoped3A_10, %dma_start3A_80, %dma_start3A_81] : memref<2x128x128xf32, #tpu.memory_space<vmem>> -> memref<1x128x128xf32, #tpu.memory_space<vmem>>
      %dma_start3A_83 = tpu.memref_squeeze %dma_start3A_82 : memref<1x128x128xf32, #tpu.memory_space<vmem>> -> memref<128x128xf32, #tpu.memory_space<vmem>>
      %dma_start3A_84 = arith.constant 0 : i32
      %dma_start3A_85 = tpu.memref_slice %arg10[%add3A_9, %dma_start3A_84] : memref<10240x128xf32, #tpu.memory_space<vmem_shared>> -> memref<128x128xf32, #tpu.memory_space<vmem_shared>>
      %dma_start3A_86 = arith.constant 0 : i32
      %dma_start3A_87 = tpu.memref_slice %arg10[%add3A_9, %dma_start3A_86] : memref<10240x128xf32, #tpu.memory_space<vmem_shared>> -> memref<128x128xf32, #tpu.memory_space<vmem_shared>>
      %dma_start3A_88 = arith.constant 0 : i32
      %dma_start3A_89 = arith.constant 0 : i32
      %dma_start3A_90 = tpu.memref_slice %arg9[%run_scoped3A_10, %dma_start3A_88, %dma_start3A_89] : memref<2x128x128xf32, #tpu.memory_space<vmem>> -> memref<1x128x128xf32, #tpu.memory_space<vmem>>
      %dma_start3A_91 = tpu.memref_squeeze %dma_start3A_90 : memref<1x128x128xf32, #tpu.memory_space<vmem>> -> memref<128x128xf32, #tpu.memory_space<vmem>>
      tpu.enqueue_dma source(%dma_start3A_91 : memref<128x128xf32, #tpu.memory_space<vmem>>) target(%dma_start3A_87 : memref<128x128xf32, #tpu.memory_space<vmem_shared>>) target_semaphore(%run_scoped3A_79 : memref<!tpu.dma_semaphore, #tpu.memory_space<semaphore_mem>>)
      %dma_wait3A = arith.constant 0 : i32
      %dma_wait3A_92 = arith.constant 0 : i32
      %dma_wait3A_93 = tpu.memref_slice %arg9[%run_scoped3A_10, %dma_wait3A, %dma_wait3A_92] : memref<2x128x128xf32, #tpu.memory_space<vmem>> -> memref<1x128x128xf32, #tpu.memory_space<vmem>>
      %dma_wait3A_94 = tpu.memref_squeeze %dma_wait3A_93 : memref<1x128x128xf32, #tpu.memory_space<vmem>> -> memref<128x128xf32, #tpu.memory_space<vmem>>
      %dma_wait3A_95 = arith.constant 0 : i32
      %dma_wait3A_96 = tpu.memref_slice %arg10[%add3A_9, %dma_wait3A_95] : memref<10240x128xf32, #tpu.memory_space<vmem_shared>> -> memref<128x128xf32, #tpu.memory_space<vmem_shared>>
      %dma_wait3A_97 = arith.constant 0 : i32
      %dma_wait3A_98 = tpu.memref_slice %arg10[%add3A_9, %dma_wait3A_97] : memref<10240x128xf32, #tpu.memory_space<vmem_shared>> -> memref<128x128xf32, #tpu.memory_space<vmem_shared>>
      %dma_wait3A_99 = arith.constant 0 : i32
      %dma_wait3A_100 = arith.constant 0 : i32
      %dma_wait3A_101 = tpu.memref_slice %arg9[%run_scoped3A_10, %dma_wait3A_99, %dma_wait3A_100] : memref<2x128x128xf32, #tpu.memory_space<vmem>> -> memref<1x128x128xf32, #tpu.memory_space<vmem>>
      %dma_wait3A_102 = tpu.memref_squeeze %dma_wait3A_101 : memref<1x128x128xf32, #tpu.memory_space<vmem>> -> memref<128x128xf32, #tpu.memory_space<vmem>>
      tpu.wait_dma2 semaphore(%run_scoped3A_79 : memref<!tpu.dma_semaphore, #tpu.memory_space<semaphore_mem>>) src(%dma_wait3A_102 : memref<128x128xf32, #tpu.memory_space<vmem>>) dst(%dma_wait3A_98 : memref<128x128xf32, #tpu.memory_space<vmem_shared>>)
      tpu.yield
    }) : () -> ()
    %mul3A_11 = arith.constant 640 : i32
    %mul3A_12 = arith.muli %arg1, %mul3A_11 : i32
    %add3A_13 = arith.constant 256 : i32
    %add3A_14 = arith.addi %mul3A_12, %add3A_13 : i32
    %run_scoped3A_15 = arith.constant 0 : i32
    "tpu.region"() ({
      %run_scoped3A_79 = tpu.sem_alloc : memref<!tpu.dma_semaphore, #tpu.memory_space<semaphore_mem>>
      %dma_start3A_80 = arith.constant 0 : i32
      %dma_start3A_81 = arith.constant 0 : i32
      %dma_start3A_82 = tpu.memref_slice %arg9[%run_scoped3A_15, %dma_start3A_80, %dma_start3A_81] : memref<2x128x128xf32, #tpu.memory_space<vmem>> -> memref<1x128x128xf32, #tpu.memory_space<vmem>>
      %dma_start3A_83 = tpu.memref_squeeze %dma_start3A_82 : memref<1x128x128xf32, #tpu.memory_space<vmem>> -> memref<128x128xf32, #tpu.memory_space<vmem>>
      %dma_start3A_84 = arith.constant 0 : i32
      %dma_start3A_85 = tpu.memref_slice %arg10[%add3A_14, %dma_start3A_84] : memref<10240x128xf32, #tpu.memory_space<vmem_shared>> -> memref<128x128xf32, #tpu.memory_space<vmem_shared>>
      %dma_start3A_86 = arith.constant 0 : i32
      %dma_start3A_87 = tpu.memref_slice %arg10[%add3A_14, %dma_start3A_86] : memref<10240x128xf32, #tpu.memory_space<vmem_shared>> -> memref<128x128xf32, #tpu.memory_space<vmem_shared>>
      %dma_start3A_88 = arith.constant 0 : i32
      %dma_start3A_89 = arith.constant 0 : i32
      %dma_start3A_90 = tpu.memref_slice %arg9[%run_scoped3A_15, %dma_start3A_88, %dma_start3A_89] : memref<2x128x128xf32, #tpu.memory_space<vmem>> -> memref<1x128x128xf32, #tpu.memory_space<vmem>>
      %dma_start3A_91 = tpu.memref_squeeze %dma_start3A_90 : memref<1x128x128xf32, #tpu.memory_space<vmem>> -> memref<128x128xf32, #tpu.memory_space<vmem>>
      tpu.enqueue_dma source(%dma_start3A_91 : memref<128x128xf32, #tpu.memory_space<vmem>>) target(%dma_start3A_87 : memref<128x128xf32, #tpu.memory_space<vmem_shared>>) target_semaphore(%run_scoped3A_79 : memref<!tpu.dma_semaphore, #tpu.memory_space<semaphore_mem>>)
      %dma_wait3A = arith.constant 0 : i32
      %dma_wait3A_92 = arith.constant 0 : i32
      %dma_wait3A_93 = tpu.memref_slice %arg9[%run_scoped3A_15, %dma_wait3A, %dma_wait3A_92] : memref<2x128x128xf32, #tpu.memory_space<vmem>> -> memref<1x128x128xf32, #tpu.memory_space<vmem>>
      %dma_wait3A_94 = tpu.memref_squeeze %dma_wait3A_93 : memref<1x128x128xf32, #tpu.memory_space<vmem>> -> memref<128x128xf32, #tpu.memory_space<vmem>>
      %dma_wait3A_95 = arith.constant 0 : i32
      %dma_wait3A_96 = tpu.memref_slice %arg10[%add3A_14, %dma_wait3A_95] : memref<10240x128xf32, #tpu.memory_space<vmem_shared>> -> memref<128x128xf32, #tpu.memory_space<vmem_shared>>
      %dma_wait3A_97 = arith.constant 0 : i32
      %dma_wait3A_98 = tpu.memref_slice %arg10[%add3A_14, %dma_wait3A_97] : memref<10240x128xf32, #tpu.memory_space<vmem_shared>> -> memref<128x128xf32, #tpu.memory_space<vmem_shared>>
      %dma_wait3A_99 = arith.constant 0 : i32
      %dma_wait3A_100 = arith.constant 0 : i32
      %dma_wait3A_101 = tpu.memref_slice %arg9[%run_scoped3A_15, %dma_wait3A_99, %dma_wait3A_100] : memref<2x128x128xf32, #tpu.memory_space<vmem>> -> memref<1x128x128xf32, #tpu.memory_space<vmem>>
      %dma_wait3A_102 = tpu.memref_squeeze %dma_wait3A_101 : memref<1x128x128xf32, #tpu.memory_space<vmem>> -> memref<128x128xf32, #tpu.memory_space<vmem>>
      tpu.wait_dma2 semaphore(%run_scoped3A_79 : memref<!tpu.dma_semaphore, #tpu.memory_space<semaphore_mem>>) src(%dma_wait3A_102 : memref<128x128xf32, #tpu.memory_space<vmem>>) dst(%dma_wait3A_98 : memref<128x128xf32, #tpu.memory_space<vmem_shared>>)
      tpu.yield
    }) : () -> ()
    %mul3A_16 = arith.constant 640 : i32
    %mul3A_17 = arith.muli %arg1, %mul3A_16 : i32
    %add3A_18 = arith.constant 384 : i32
    %add3A_19 = arith.addi %mul3A_17, %add3A_18 : i32
    %run_scoped3A_20 = arith.constant 0 : i32
    "tpu.region"() ({
      %run_scoped3A_79 = tpu.sem_alloc : memref<!tpu.dma_semaphore, #tpu.memory_space<semaphore_mem>>
      %dma_start3A_80 = arith.constant 0 : i32
      %dma_start3A_81 = arith.constant 0 : i32
      %dma_start3A_82 = tpu.memref_slice %arg9[%run_scoped3A_20, %dma_start3A_80, %dma_start3A_81] : memref<2x128x128xf32, #tpu.memory_space<vmem>> -> memref<1x128x128xf32, #tpu.memory_space<vmem>>
      %dma_start3A_83 = tpu.memref_squeeze %dma_start3A_82 : memref<1x128x128xf32, #tpu.memory_space<vmem>> -> memref<128x128xf32, #tpu.memory_space<vmem>>
      %dma_start3A_84 = arith.constant 0 : i32
      %dma_start3A_85 = tpu.memref_slice %arg10[%add3A_19, %dma_start3A_84] : memref<10240x128xf32, #tpu.memory_space<vmem_shared>> -> memref<128x128xf32, #tpu.memory_space<vmem_shared>>
      %dma_start3A_86 = arith.constant 0 : i32
      %dma_start3A_87 = tpu.memref_slice %arg10[%add3A_19, %dma_start3A_86] : memref<10240x128xf32, #tpu.memory_space<vmem_shared>> -> memref<128x128xf32, #tpu.memory_space<vmem_shared>>
      %dma_start3A_88 = arith.constant 0 : i32
      %dma_start3A_89 = arith.constant 0 : i32
      %dma_start3A_90 = tpu.memref_slice %arg9[%run_scoped3A_20, %dma_start3A_88, %dma_start3A_89] : memref<2x128x128xf32, #tpu.memory_space<vmem>> -> memref<1x128x128xf32, #tpu.memory_space<vmem>>
      %dma_start3A_91 = tpu.memref_squeeze %dma_start3A_90 : memref<1x128x128xf32, #tpu.memory_space<vmem>> -> memref<128x128xf32, #tpu.memory_space<vmem>>
      tpu.enqueue_dma source(%dma_start3A_91 : memref<128x128xf32, #tpu.memory_space<vmem>>) target(%dma_start3A_87 : memref<128x128xf32, #tpu.memory_space<vmem_shared>>) target_semaphore(%run_scoped3A_79 : memref<!tpu.dma_semaphore, #tpu.memory_space<semaphore_mem>>)
      %dma_wait3A = arith.constant 0 : i32
      %dma_wait3A_92 = arith.constant 0 : i32
      %dma_wait3A_93 = tpu.memref_slice %arg9[%run_scoped3A_20, %dma_wait3A, %dma_wait3A_92] : memref<2x128x128xf32, #tpu.memory_space<vmem>> -> memref<1x128x128xf32, #tpu.memory_space<vmem>>
      %dma_wait3A_94 = tpu.memref_squeeze %dma_wait3A_93 : memref<1x128x128xf32, #tpu.memory_space<vmem>> -> memref<128x128xf32, #tpu.memory_space<vmem>>
      %dma_wait3A_95 = arith.constant 0 : i32
      %dma_wait3A_96 = tpu.memref_slice %arg10[%add3A_19, %dma_wait3A_95] : memref<10240x128xf32, #tpu.memory_space<vmem_shared>> -> memref<128x128xf32, #tpu.memory_space<vmem_shared>>
      %dma_wait3A_97 = arith.constant 0 : i32
      %dma_wait3A_98 = tpu.memref_slice %arg10[%add3A_19, %dma_wait3A_97] : memref<10240x128xf32, #tpu.memory_space<vmem_shared>> -> memref<128x128xf32, #tpu.memory_space<vmem_shared>>
      %dma_wait3A_99 = arith.constant 0 : i32
      %dma_wait3A_100 = arith.constant 0 : i32
      %dma_wait3A_101 = tpu.memref_slice %arg9[%run_scoped3A_20, %dma_wait3A_99, %dma_wait3A_100] : memref<2x128x128xf32, #tpu.memory_space<vmem>> -> memref<1x128x128xf32, #tpu.memory_space<vmem>>
      %dma_wait3A_102 = tpu.memref_squeeze %dma_wait3A_101 : memref<1x128x128xf32, #tpu.memory_space<vmem>> -> memref<128x128xf32, #tpu.memory_space<vmem>>
      tpu.wait_dma2 semaphore(%run_scoped3A_79 : memref<!tpu.dma_semaphore, #tpu.memory_space<semaphore_mem>>) src(%dma_wait3A_102 : memref<128x128xf32, #tpu.memory_space<vmem>>) dst(%dma_wait3A_98 : memref<128x128xf32, #tpu.memory_space<vmem_shared>>)
      tpu.yield
    }) : () -> ()
    %mul3A_21 = arith.constant 640 : i32
    %mul3A_22 = arith.muli %arg1, %mul3A_21 : i32
    %add3A_23 = arith.constant 512 : i32
    %add3A_24 = arith.addi %mul3A_22, %add3A_23 : i32
    %run_scoped3A_25 = arith.constant 0 : i32
    "tpu.region"() ({
      %run_scoped3A_79 = tpu.sem_alloc : memref<!tpu.dma_semaphore, #tpu.memory_space<semaphore_mem>>
      %dma_start3A_80 = arith.constant 0 : i32
      %dma_start3A_81 = arith.constant 0 : i32
      %dma_start3A_82 = tpu.memref_slice %arg9[%run_scoped3A_25, %dma_start3A_80, %dma_start3A_81] : memref<2x128x128xf32, #tpu.memory_space<vmem>> -> memref<1x128x128xf32, #tpu.memory_space<vmem>>
      %dma_start3A_83 = tpu.memref_squeeze %dma_start3A_82 : memref<1x128x128xf32, #tpu.memory_space<vmem>> -> memref<128x128xf32, #tpu.memory_space<vmem>>
      %dma_start3A_84 = arith.constant 0 : i32
      %dma_start3A_85 = tpu.memref_slice %arg10[%add3A_24, %dma_start3A_84] : memref<10240x128xf32, #tpu.memory_space<vmem_shared>> -> memref<128x128xf32, #tpu.memory_space<vmem_shared>>
      %dma_start3A_86 = arith.constant 0 : i32
      %dma_start3A_87 = tpu.memref_slice %arg10[%add3A_24, %dma_start3A_86] : memref<10240x128xf32, #tpu.memory_space<vmem_shared>> -> memref<128x128xf32, #tpu.memory_space<vmem_shared>>
      %dma_start3A_88 = arith.constant 0 : i32
      %dma_start3A_89 = arith.constant 0 : i32
      %dma_start3A_90 = tpu.memref_slice %arg9[%run_scoped3A_25, %dma_start3A_88, %dma_start3A_89] : memref<2x128x128xf32, #tpu.memory_space<vmem>> -> memref<1x128x128xf32, #tpu.memory_space<vmem>>
      %dma_start3A_91 = tpu.memref_squeeze %dma_start3A_90 : memref<1x128x128xf32, #tpu.memory_space<vmem>> -> memref<128x128xf32, #tpu.memory_space<vmem>>
      tpu.enqueue_dma source(%dma_start3A_91 : memref<128x128xf32, #tpu.memory_space<vmem>>) target(%dma_start3A_87 : memref<128x128xf32, #tpu.memory_space<vmem_shared>>) target_semaphore(%run_scoped3A_79 : memref<!tpu.dma_semaphore, #tpu.memory_space<semaphore_mem>>)
      %dma_wait3A = arith.constant 0 : i32
      %dma_wait3A_92 = arith.constant 0 : i32
      %dma_wait3A_93 = tpu.memref_slice %arg9[%run_scoped3A_25, %dma_wait3A, %dma_wait3A_92] : memref<2x128x128xf32, #tpu.memory_space<vmem>> -> memref<1x128x128xf32, #tpu.memory_space<vmem>>
      %dma_wait3A_94 = tpu.memref_squeeze %dma_wait3A_93 : memref<1x128x128xf32, #tpu.memory_space<vmem>> -> memref<128x128xf32, #tpu.memory_space<vmem>>
      %dma_wait3A_95 = arith.constant 0 : i32
      %dma_wait3A_96 = tpu.memref_slice %arg10[%add3A_24, %dma_wait3A_95] : memref<10240x128xf32, #tpu.memory_space<vmem_shared>> -> memref<128x128xf32, #tpu.memory_space<vmem_shared>>
      %dma_wait3A_97 = arith.constant 0 : i32
      %dma_wait3A_98 = tpu.memref_slice %arg10[%add3A_24, %dma_wait3A_97] : memref<10240x128xf32, #tpu.memory_space<vmem_shared>> -> memref<128x128xf32, #tpu.memory_space<vmem_shared>>
      %dma_wait3A_99 = arith.constant 0 : i32
      %dma_wait3A_100 = arith.constant 0 : i32
      %dma_wait3A_101 = tpu.memref_slice %arg9[%run_scoped3A_25, %dma_wait3A_99, %dma_wait3A_100] : memref<2x128x128xf32, #tpu.memory_space<vmem>> -> memref<1x128x128xf32, #tpu.memory_space<vmem>>
      %dma_wait3A_102 = tpu.memref_squeeze %dma_wait3A_101 : memref<1x128x128xf32, #tpu.memory_space<vmem>> -> memref<128x128xf32, #tpu.memory_space<vmem>>
      tpu.wait_dma2 semaphore(%run_scoped3A_79 : memref<!tpu.dma_semaphore, #tpu.memory_space<semaphore_mem>>) src(%dma_wait3A_102 : memref<128x128xf32, #tpu.memory_space<vmem>>) dst(%dma_wait3A_98 : memref<128x128xf32, #tpu.memory_space<vmem_shared>>)
      tpu.yield
    }) : () -> ()
    %run_scoped3A_26 = arith.constant 0 : i32
    %run_scoped3A_27 = arith.constant 0 : i32
    "tpu.region"() ({
      %run_scoped3A_79 = tpu.sem_alloc : memref<!tpu.dma_semaphore, #tpu.memory_space<semaphore_mem>>
      %dma_start3A_80 = arith.constant 0 : i32
      %dma_start3A_81 = arith.constant 0 : i32
      %dma_start3A_82 = tpu.memref_slice %arg7[%run_scoped3A_27, %dma_start3A_80, %dma_start3A_81] : memref<2x8x128xi32, #tpu.memory_space<vmem>> -> memref<1x8x128xi32, #tpu.memory_space<vmem>>
      %dma_start3A_83 = tpu.memref_squeeze %dma_start3A_82 : memref<1x8x128xi32, #tpu.memory_space<vmem>> -> memref<8x128xi32, #tpu.memory_space<vmem>>
      %dma_start3A_84 = arith.constant 0 : i32
      %dma_start3A_85 = arith.constant 0 : i32
      %dma_start3A_86 = tpu.memref_slice %arg3[%add3A, %run_scoped3A_26, %dma_start3A_84, %dma_start3A_85] : memref<32x10x8x128xi32, #tpu.memory_space<hbm>> -> memref<1x1x8x128xi32, #tpu.memory_space<hbm>>
      %dma_start3A_87 = tpu.memref_squeeze %dma_start3A_86 : memref<1x1x8x128xi32, #tpu.memory_space<hbm>> -> memref<8x128xi32, #tpu.memory_space<hbm>>
      %dma_start3A_88 = arith.constant 0 : i32
      %dma_start3A_89 = arith.constant 0 : i32
      %dma_start3A_90 = tpu.memref_slice %arg7[%run_scoped3A_27, %dma_start3A_88, %dma_start3A_89] : memref<2x8x128xi32, #tpu.memory_space<vmem>> -> memref<1x8x128xi32, #tpu.memory_space<vmem>>
      %dma_start3A_91 = tpu.memref_squeeze %dma_start3A_90 : memref<1x8x128xi32, #tpu.memory_space<vmem>> -> memref<8x128xi32, #tpu.memory_space<vmem>>
      %dma_start3A_92 = arith.constant 0 : i32
      %dma_start3A_93 = arith.constant 0 : i32
      %dma_start3A_94 = tpu.memref_slice %arg3[%add3A, %run_scoped3A_26, %dma_start3A_92, %dma_start3A_93] : memref<32x10x8x128xi32, #tpu.memory_space<hbm>> -> memref<1x1x8x128xi32, #tpu.memory_space<hbm>>
      %dma_start3A_95 = tpu.memref_squeeze %dma_start3A_94 : memref<1x1x8x128xi32, #tpu.memory_space<hbm>> -> memref<8x128xi32, #tpu.memory_space<hbm>>
      tpu.enqueue_dma source(%dma_start3A_95 : memref<8x128xi32, #tpu.memory_space<hbm>>) target(%dma_start3A_91 : memref<8x128xi32, #tpu.memory_space<vmem>>) target_semaphore(%run_scoped3A_79 : memref<!tpu.dma_semaphore, #tpu.memory_space<semaphore_mem>>)
      %dma_wait3A = arith.constant 0 : i32
      %dma_wait3A_96 = arith.constant 0 : i32
      %dma_wait3A_97 = tpu.memref_slice %arg7[%run_scoped3A_27, %dma_wait3A, %dma_wait3A_96] : memref<2x8x128xi32, #tpu.memory_space<vmem>> -> memref<1x8x128xi32, #tpu.memory_space<vmem>>
      %dma_wait3A_98 = tpu.memref_squeeze %dma_wait3A_97 : memref<1x8x128xi32, #tpu.memory_space<vmem>> -> memref<8x128xi32, #tpu.memory_space<vmem>>
      %dma_wait3A_99 = arith.constant 0 : i32
      %dma_wait3A_100 = arith.constant 0 : i32
      %dma_wait3A_101 = tpu.memref_slice %arg3[%add3A, %run_scoped3A_26, %dma_wait3A_99, %dma_wait3A_100] : memref<32x10x8x128xi32, #tpu.memory_space<hbm>> -> memref<1x1x8x128xi32, #tpu.memory_space<hbm>>
      %dma_wait3A_102 = tpu.memref_squeeze %dma_wait3A_101 : memref<1x1x8x128xi32, #tpu.memory_space<hbm>> -> memref<8x128xi32, #tpu.memory_space<hbm>>
      %dma_wait3A_103 = arith.constant 0 : i32
      %dma_wait3A_104 = arith.constant 0 : i32
      %dma_wait3A_105 = tpu.memref_slice %arg7[%run_scoped3A_27, %dma_wait3A_103, %dma_wait3A_104] : memref<2x8x128xi32, #tpu.memory_space<vmem>> -> memref<1x8x128xi32, #tpu.memory_space<vmem>>
      %dma_wait3A_106 = tpu.memref_squeeze %dma_wait3A_105 : memref<1x8x128xi32, #tpu.memory_space<vmem>> -> memref<8x128xi32, #tpu.memory_space<vmem>>
      %dma_wait3A_107 = arith.constant 0 : i32
      %dma_wait3A_108 = arith.constant 0 : i32
      %dma_wait3A_109 = tpu.memref_slice %arg3[%add3A, %run_scoped3A_26, %dma_wait3A_107, %dma_wait3A_108] : memref<32x10x8x128xi32, #tpu.memory_space<hbm>> -> memref<1x1x8x128xi32, #tpu.memory_space<hbm>>
      %dma_wait3A_110 = tpu.memref_squeeze %dma_wait3A_109 : memref<1x1x8x128xi32, #tpu.memory_space<hbm>> -> memref<8x128xi32, #tpu.memory_space<hbm>>
      tpu.wait_dma2 semaphore(%run_scoped3A_79 : memref<!tpu.dma_semaphore, #tpu.memory_space<semaphore_mem>>) src(%dma_wait3A_110 : memref<8x128xi32, #tpu.memory_space<hbm>>) dst(%dma_wait3A_106 : memref<8x128xi32, #tpu.memory_space<vmem>>)
      tpu.yield
    }) : () -> ()
    %run_scoped3A_28 = arith.constant 0 : i32
    %run_scoped3A_29 = arith.constant 0 : i32
    "tpu.region"() ({
      %run_scoped3A_79 = tpu.sem_alloc : memref<!tpu.dma_semaphore, #tpu.memory_space<semaphore_mem>>
      %dma_start3A_80 = arith.constant 0 : i32
      %dma_start3A_81 = arith.constant 0 : i32
      %dma_start3A_82 = tpu.memref_slice %arg8[%run_scoped3A_29, %dma_start3A_80, %dma_start3A_81] : memref<2x8x128xi32, #tpu.memory_space<vmem>> -> memref<1x8x128xi32, #tpu.memory_space<vmem>>
      %dma_start3A_83 = tpu.memref_squeeze %dma_start3A_82 : memref<1x8x128xi32, #tpu.memory_space<vmem>> -> memref<8x128xi32, #tpu.memory_space<vmem>>
      %dma_start3A_84 = arith.constant 0 : i32
      %dma_start3A_85 = arith.constant 0 : i32
      %dma_start3A_86 = tpu.memref_slice %arg4[%add3A, %run_scoped3A_28, %dma_start3A_84, %dma_start3A_85] : memref<32x10x8x128xi32, #tpu.memory_space<hbm>> -> memref<1x1x8x128xi32, #tpu.memory_space<hbm>>
      %dma_start3A_87 = tpu.memref_squeeze %dma_start3A_86 : memref<1x1x8x128xi32, #tpu.memory_space<hbm>> -> memref<8x128xi32, #tpu.memory_space<hbm>>
      %dma_start3A_88 = arith.constant 0 : i32
      %dma_start3A_89 = arith.constant 0 : i32
      %dma_start3A_90 = tpu.memref_slice %arg8[%run_scoped3A_29, %dma_start3A_88, %dma_start3A_89] : memref<2x8x128xi32, #tpu.memory_space<vmem>> -> memref<1x8x128xi32, #tpu.memory_space<vmem>>
      %dma_start3A_91 = tpu.memref_squeeze %dma_start3A_90 : memref<1x8x128xi32, #tpu.memory_space<vmem>> -> memref<8x128xi32, #tpu.memory_space<vmem>>
      %dma_start3A_92 = arith.constant 0 : i32
      %dma_start3A_93 = arith.constant 0 : i32
      %dma_start3A_94 = tpu.memref_slice %arg4[%add3A, %run_scoped3A_28, %dma_start3A_92, %dma_start3A_93] : memref<32x10x8x128xi32, #tpu.memory_space<hbm>> -> memref<1x1x8x128xi32, #tpu.memory_space<hbm>>
      %dma_start3A_95 = tpu.memref_squeeze %dma_start3A_94 : memref<1x1x8x128xi32, #tpu.memory_space<hbm>> -> memref<8x128xi32, #tpu.memory_space<hbm>>
      tpu.enqueue_dma source(%dma_start3A_95 : memref<8x128xi32, #tpu.memory_space<hbm>>) target(%dma_start3A_91 : memref<8x128xi32, #tpu.memory_space<vmem>>) target_semaphore(%run_scoped3A_79 : memref<!tpu.dma_semaphore, #tpu.memory_space<semaphore_mem>>)
      %dma_wait3A = arith.constant 0 : i32
      %dma_wait3A_96 = arith.constant 0 : i32
      %dma_wait3A_97 = tpu.memref_slice %arg8[%run_scoped3A_29, %dma_wait3A, %dma_wait3A_96] : memref<2x8x128xi32, #tpu.memory_space<vmem>> -> memref<1x8x128xi32, #tpu.memory_space<vmem>>
      %dma_wait3A_98 = tpu.memref_squeeze %dma_wait3A_97 : memref<1x8x128xi32, #tpu.memory_space<vmem>> -> memref<8x128xi32, #tpu.memory_space<vmem>>
      %dma_wait3A_99 = arith.constant 0 : i32
      %dma_wait3A_100 = arith.constant 0 : i32
      %dma_wait3A_101 = tpu.memref_slice %arg4[%add3A, %run_scoped3A_28, %dma_wait3A_99, %dma_wait3A_100] : memref<32x10x8x128xi32, #tpu.memory_space<hbm>> -> memref<1x1x8x128xi32, #tpu.memory_space<hbm>>
      %dma_wait3A_102 = tpu.memref_squeeze %dma_wait3A_101 : memref<1x1x8x128xi32, #tpu.memory_space<hbm>> -> memref<8x128xi32, #tpu.memory_space<hbm>>
      %dma_wait3A_103 = arith.constant 0 : i32
      %dma_wait3A_104 = arith.constant 0 : i32
      %dma_wait3A_105 = tpu.memref_slice %arg8[%run_scoped3A_29, %dma_wait3A_103, %dma_wait3A_104] : memref<2x8x128xi32, #tpu.memory_space<vmem>> -> memref<1x8x128xi32, #tpu.memory_space<vmem>>
      %dma_wait3A_106 = tpu.memref_squeeze %dma_wait3A_105 : memref<1x8x128xi32, #tpu.memory_space<vmem>> -> memref<8x128xi32, #tpu.memory_space<vmem>>
      %dma_wait3A_107 = arith.constant 0 : i32
      %dma_wait3A_108 = arith.constant 0 : i32
      %dma_wait3A_109 = tpu.memref_slice %arg4[%add3A, %run_scoped3A_28, %dma_wait3A_107, %dma_wait3A_108] : memref<32x10x8x128xi32, #tpu.memory_space<hbm>> -> memref<1x1x8x128xi32, #tpu.memory_space<hbm>>
      %dma_wait3A_110 = tpu.memref_squeeze %dma_wait3A_109 : memref<1x1x8x128xi32, #tpu.memory_space<hbm>> -> memref<8x128xi32, #tpu.memory_space<hbm>>
      tpu.wait_dma2 semaphore(%run_scoped3A_79 : memref<!tpu.dma_semaphore, #tpu.memory_space<semaphore_mem>>) src(%dma_wait3A_110 : memref<8x128xi32, #tpu.memory_space<hbm>>) dst(%dma_wait3A_106 : memref<8x128xi32, #tpu.memory_space<vmem>>)
      tpu.yield
    }) : () -> ()
    %run_scoped3A_30 = arith.constant 1 : i32
    %run_scoped3A_31 = arith.constant 1 : i32
    "tpu.region"() ({
      %run_scoped3A_79 = tpu.sem_alloc : memref<!tpu.dma_semaphore, #tpu.memory_space<semaphore_mem>>
      %dma_start3A_80 = arith.constant 0 : i32
      %dma_start3A_81 = arith.constant 0 : i32
      %dma_start3A_82 = tpu.memref_slice %arg7[%run_scoped3A_31, %dma_start3A_80, %dma_start3A_81] : memref<2x8x128xi32, #tpu.memory_space<vmem>> -> memref<1x8x128xi32, #tpu.memory_space<vmem>>
      %dma_start3A_83 = tpu.memref_squeeze %dma_start3A_82 : memref<1x8x128xi32, #tpu.memory_space<vmem>> -> memref<8x128xi32, #tpu.memory_space<vmem>>
      %dma_start3A_84 = arith.constant 0 : i32
      %dma_start3A_85 = arith.constant 0 : i32
      %dma_start3A_86 = tpu.memref_slice %arg3[%add3A, %run_scoped3A_30, %dma_start3A_84, %dma_start3A_85] : memref<32x10x8x128xi32, #tpu.memory_space<hbm>> -> memref<1x1x8x128xi32, #tpu.memory_space<hbm>>
      %dma_start3A_87 = tpu.memref_squeeze %dma_start3A_86 : memref<1x1x8x128xi32, #tpu.memory_space<hbm>> -> memref<8x128xi32, #tpu.memory_space<hbm>>
      %dma_start3A_88 = arith.constant 0 : i32
      %dma_start3A_89 = arith.constant 0 : i32
      %dma_start3A_90 = tpu.memref_slice %arg7[%run_scoped3A_31, %dma_start3A_88, %dma_start3A_89] : memref<2x8x128xi32, #tpu.memory_space<vmem>> -> memref<1x8x128xi32, #tpu.memory_space<vmem>>
      %dma_start3A_91 = tpu.memref_squeeze %dma_start3A_90 : memref<1x8x128xi32, #tpu.memory_space<vmem>> -> memref<8x128xi32, #tpu.memory_space<vmem>>
      %dma_start3A_92 = arith.constant 0 : i32
      %dma_start3A_93 = arith.constant 0 : i32
      %dma_start3A_94 = tpu.memref_slice %arg3[%add3A, %run_scoped3A_30, %dma_start3A_92, %dma_start3A_93] : memref<32x10x8x128xi32, #tpu.memory_space<hbm>> -> memref<1x1x8x128xi32, #tpu.memory_space<hbm>>
      %dma_start3A_95 = tpu.memref_squeeze %dma_start3A_94 : memref<1x1x8x128xi32, #tpu.memory_space<hbm>> -> memref<8x128xi32, #tpu.memory_space<hbm>>
      tpu.enqueue_dma source(%dma_start3A_95 : memref<8x128xi32, #tpu.memory_space<hbm>>) target(%dma_start3A_91 : memref<8x128xi32, #tpu.memory_space<vmem>>) target_semaphore(%run_scoped3A_79 : memref<!tpu.dma_semaphore, #tpu.memory_space<semaphore_mem>>)
      %dma_wait3A = arith.constant 0 : i32
      %dma_wait3A_96 = arith.constant 0 : i32
      %dma_wait3A_97 = tpu.memref_slice %arg7[%run_scoped3A_31, %dma_wait3A, %dma_wait3A_96] : memref<2x8x128xi32, #tpu.memory_space<vmem>> -> memref<1x8x128xi32, #tpu.memory_space<vmem>>
      %dma_wait3A_98 = tpu.memref_squeeze %dma_wait3A_97 : memref<1x8x128xi32, #tpu.memory_space<vmem>> -> memref<8x128xi32, #tpu.memory_space<vmem>>
      %dma_wait3A_99 = arith.constant 0 : i32
      %dma_wait3A_100 = arith.constant 0 : i32
      %dma_wait3A_101 = tpu.memref_slice %arg3[%add3A, %run_scoped3A_30, %dma_wait3A_99, %dma_wait3A_100] : memref<32x10x8x128xi32, #tpu.memory_space<hbm>> -> memref<1x1x8x128xi32, #tpu.memory_space<hbm>>
      %dma_wait3A_102 = tpu.memref_squeeze %dma_wait3A_101 : memref<1x1x8x128xi32, #tpu.memory_space<hbm>> -> memref<8x128xi32, #tpu.memory_space<hbm>>
      %dma_wait3A_103 = arith.constant 0 : i32
      %dma_wait3A_104 = arith.constant 0 : i32
      %dma_wait3A_105 = tpu.memref_slice %arg7[%run_scoped3A_31, %dma_wait3A_103, %dma_wait3A_104] : memref<2x8x128xi32, #tpu.memory_space<vmem>> -> memref<1x8x128xi32, #tpu.memory_space<vmem>>
      %dma_wait3A_106 = tpu.memref_squeeze %dma_wait3A_105 : memref<1x8x128xi32, #tpu.memory_space<vmem>> -> memref<8x128xi32, #tpu.memory_space<vmem>>
      %dma_wait3A_107 = arith.constant 0 : i32
      %dma_wait3A_108 = arith.constant 0 : i32
      %dma_wait3A_109 = tpu.memref_slice %arg3[%add3A, %run_scoped3A_30, %dma_wait3A_107, %dma_wait3A_108] : memref<32x10x8x128xi32, #tpu.memory_space<hbm>> -> memref<1x1x8x128xi32, #tpu.memory_space<hbm>>
      %dma_wait3A_110 = tpu.memref_squeeze %dma_wait3A_109 : memref<1x1x8x128xi32, #tpu.memory_space<hbm>> -> memref<8x128xi32, #tpu.memory_space<hbm>>
      tpu.wait_dma2 semaphore(%run_scoped3A_79 : memref<!tpu.dma_semaphore, #tpu.memory_space<semaphore_mem>>) src(%dma_wait3A_110 : memref<8x128xi32, #tpu.memory_space<hbm>>) dst(%dma_wait3A_106 : memref<8x128xi32, #tpu.memory_space<vmem>>)
      tpu.yield
    }) : () -> ()
    %run_scoped3A_32 = arith.constant 1 : i32
    %run_scoped3A_33 = arith.constant 1 : i32
    "tpu.region"() ({
      %run_scoped3A_79 = tpu.sem_alloc : memref<!tpu.dma_semaphore, #tpu.memory_space<semaphore_mem>>
      %dma_start3A_80 = arith.constant 0 : i32
      %dma_start3A_81 = arith.constant 0 : i32
      %dma_start3A_82 = tpu.memref_slice %arg8[%run_scoped3A_33, %dma_start3A_80, %dma_start3A_81] : memref<2x8x128xi32, #tpu.memory_space<vmem>> -> memref<1x8x128xi32, #tpu.memory_space<vmem>>
      %dma_start3A_83 = tpu.memref_squeeze %dma_start3A_82 : memref<1x8x128xi32, #tpu.memory_space<vmem>> -> memref<8x128xi32, #tpu.memory_space<vmem>>
      %dma_start3A_84 = arith.constant 0 : i32
      %dma_start3A_85 = arith.constant 0 : i32
      %dma_start3A_86 = tpu.memref_slice %arg4[%add3A, %run_scoped3A_32, %dma_start3A_84, %dma_start3A_85] : memref<32x10x8x128xi32, #tpu.memory_space<hbm>> -> memref<1x1x8x128xi32, #tpu.memory_space<hbm>>
      %dma_start3A_87 = tpu.memref_squeeze %dma_start3A_86 : memref<1x1x8x128xi32, #tpu.memory_space<hbm>> -> memref<8x128xi32, #tpu.memory_space<hbm>>
      %dma_start3A_88 = arith.constant 0 : i32
      %dma_start3A_89 = arith.constant 0 : i32
      %dma_start3A_90 = tpu.memref_slice %arg8[%run_scoped3A_33, %dma_start3A_88, %dma_start3A_89] : memref<2x8x128xi32, #tpu.memory_space<vmem>> -> memref<1x8x128xi32, #tpu.memory_space<vmem>>
      %dma_start3A_91 = tpu.memref_squeeze %dma_start3A_90 : memref<1x8x128xi32, #tpu.memory_space<vmem>> -> memref<8x128xi32, #tpu.memory_space<vmem>>
      %dma_start3A_92 = arith.constant 0 : i32
      %dma_start3A_93 = arith.constant 0 : i32
      %dma_start3A_94 = tpu.memref_slice %arg4[%add3A, %run_scoped3A_32, %dma_start3A_92, %dma_start3A_93] : memref<32x10x8x128xi32, #tpu.memory_space<hbm>> -> memref<1x1x8x128xi32, #tpu.memory_space<hbm>>
      %dma_start3A_95 = tpu.memref_squeeze %dma_start3A_94 : memref<1x1x8x128xi32, #tpu.memory_space<hbm>> -> memref<8x128xi32, #tpu.memory_space<hbm>>
      tpu.enqueue_dma source(%dma_start3A_95 : memref<8x128xi32, #tpu.memory_space<hbm>>) target(%dma_start3A_91 : memref<8x128xi32, #tpu.memory_space<vmem>>) target_semaphore(%run_scoped3A_79 : memref<!tpu.dma_semaphore, #tpu.memory_space<semaphore_mem>>)
      %dma_wait3A = arith.constant 0 : i32
      %dma_wait3A_96 = arith.constant 0 : i32
      %dma_wait3A_97 = tpu.memref_slice %arg8[%run_scoped3A_33, %dma_wait3A, %dma_wait3A_96] : memref<2x8x128xi32, #tpu.memory_space<vmem>> -> memref<1x8x128xi32, #tpu.memory_space<vmem>>
      %dma_wait3A_98 = tpu.memref_squeeze %dma_wait3A_97 : memref<1x8x128xi32, #tpu.memory_space<vmem>> -> memref<8x128xi32, #tpu.memory_space<vmem>>
      %dma_wait3A_99 = arith.constant 0 : i32
      %dma_wait3A_100 = arith.constant 0 : i32
      %dma_wait3A_101 = tpu.memref_slice %arg4[%add3A, %run_scoped3A_32, %dma_wait3A_99, %dma_wait3A_100] : memref<32x10x8x128xi32, #tpu.memory_space<hbm>> -> memref<1x1x8x128xi32, #tpu.memory_space<hbm>>
      %dma_wait3A_102 = tpu.memref_squeeze %dma_wait3A_101 : memref<1x1x8x128xi32, #tpu.memory_space<hbm>> -> memref<8x128xi32, #tpu.memory_space<hbm>>
      %dma_wait3A_103 = arith.constant 0 : i32
      %dma_wait3A_104 = arith.constant 0 : i32
      %dma_wait3A_105 = tpu.memref_slice %arg8[%run_scoped3A_33, %dma_wait3A_103, %dma_wait3A_104] : memref<2x8x128xi32, #tpu.memory_space<vmem>> -> memref<1x8x128xi32, #tpu.memory_space<vmem>>
      %dma_wait3A_106 = tpu.memref_squeeze %dma_wait3A_105 : memref<1x8x128xi32, #tpu.memory_space<vmem>> -> memref<8x128xi32, #tpu.memory_space<vmem>>
      %dma_wait3A_107 = arith.constant 0 : i32
      %dma_wait3A_108 = arith.constant 0 : i32
      %dma_wait3A_109 = tpu.memref_slice %arg4[%add3A, %run_scoped3A_32, %dma_wait3A_107, %dma_wait3A_108] : memref<32x10x8x128xi32, #tpu.memory_space<hbm>> -> memref<1x1x8x128xi32, #tpu.memory_space<hbm>>
      %dma_wait3A_110 = tpu.memref_squeeze %dma_wait3A_109 : memref<1x1x8x128xi32, #tpu.memory_space<hbm>> -> memref<8x128xi32, #tpu.memory_space<hbm>>
      tpu.wait_dma2 semaphore(%run_scoped3A_79 : memref<!tpu.dma_semaphore, #tpu.memory_space<semaphore_mem>>) src(%dma_wait3A_110 : memref<8x128xi32, #tpu.memory_space<hbm>>) dst(%dma_wait3A_106 : memref<8x128xi32, #tpu.memory_space<vmem>>)
      tpu.yield
    }) : () -> ()
    %barrier3A = arith.constant 0 : index
    tpu.barrier barrier_id(%barrier3A)
    %dma_start3A = arith.constant 0 : i32
    %dma_start3A_34 = arith.constant 0 : i32
    %dma_start3A_35 = arith.constant 0 : i32
    %dma_start3A_36 = arith.constant 0 : i32
    %dma_start3A_37 = arith.constant 0 : i32
    %dma_start3A_38 = tpu.memref_slice %arg9[%dma_start3A_35, %dma_start3A_36, %dma_start3A_37] : memref<2x128x128xf32, #tpu.memory_space<vmem>> -> memref<1x128x128xf32, #tpu.memory_space<vmem>>
    %dma_start3A_39 = tpu.memref_squeeze %dma_start3A_38 : memref<1x128x128xf32, #tpu.memory_space<vmem>> -> memref<128x128xf32, #tpu.memory_space<vmem>>
    %dma_start3A_40 = arith.constant 0 : i32
    %dma_start3A_41 = arith.constant 0 : i32
    %dma_start3A_42 = tpu.memref_slice %arg7[%dma_start3A, %dma_start3A_40, %dma_start3A_41] : memref<2x8x128xi32, #tpu.memory_space<vmem>> -> memref<1x8x128xi32, #tpu.memory_space<vmem>>
    %dma_start3A_43 = tpu.memref_squeeze %dma_start3A_42 : memref<1x8x128xi32, #tpu.memory_space<vmem>> -> memref<8x128xi32, #tpu.memory_space<vmem>>
    %dma_start3A_44 = arith.constant 0 : i32
    %dma_start3A_45 = tpu.memref_slice %dma_start3A_43[%dma_start3A_34, %dma_start3A_44] : memref<8x128xi32, #tpu.memory_space<vmem>> -> memref<1x128xi32, #tpu.memory_space<vmem>>
    %dma_start3A_46 = tpu.memref_squeeze %dma_start3A_45 : memref<1x128xi32, #tpu.memory_space<vmem>> -> memref<128xi32, #tpu.memory_space<vmem>>
    %dma_start3A_47 = arith.constant 0 : i32
    %dma_start3A_48 = arith.constant 0 : i32
    %dma_start3A_49 = tpu.memref_slice %arg2[%dma_start3A_47, %dma_start3A_48] : memref<10000x128xf32, #tpu.memory_space<hbm>> -> memref<10000x128xf32, #tpu.memory_space<hbm>>
    tpu.enqueue_indirect_dma source(%dma_start3A_49 : memref<10000x128xf32, #tpu.memory_space<hbm>>) target(%dma_start3A_39 : memref<128x128xf32, #tpu.memory_space<vmem>>) offsets(%dma_start3A_46 : memref<128xi32, #tpu.memory_space<vmem>>) semaphore(%arg11 : memref<!tpu.dma_semaphore, #tpu.memory_space<semaphore_mem>>)
    %dma_start3A_50 = arith.constant 0 : i32
    %dma_start3A_51 = arith.constant 1 : i32
    %dma_start3A_52 = arith.constant 1 : i32
    %dma_start3A_53 = arith.constant 0 : i32
    %dma_start3A_54 = arith.constant 0 : i32
    %dma_start3A_55 = tpu.memref_slice %arg9[%dma_start3A_52, %dma_start3A_53, %dma_start3A_54] : memref<2x128x128xf32, #tpu.memory_space<vmem>> -> memref<1x128x128xf32, #tpu.memory_space<vmem>>
    %dma_start3A_56 = tpu.memref_squeeze %dma_start3A_55 : memref<1x128x128xf32, #tpu.memory_space<vmem>> -> memref<128x128xf32, #tpu.memory_space<vmem>>
    %dma_start3A_57 = arith.constant 0 : i32
    %dma_start3A_58 = arith.constant 0 : i32
    %dma_start3A_59 = tpu.memref_slice %arg7[%dma_start3A_50, %dma_start3A_57, %dma_start3A_58] : memref<2x8x128xi32, #tpu.memory_space<vmem>> -> memref<1x8x128xi32, #tpu.memory_space<vmem>>
    %dma_start3A_60 = tpu.memref_squeeze %dma_start3A_59 : memref<1x8x128xi32, #tpu.memory_space<vmem>> -> memref<8x128xi32, #tpu.memory_space<vmem>>
    %dma_start3A_61 = arith.constant 0 : i32
    %dma_start3A_62 = tpu.memref_slice %dma_start3A_60[%dma_start3A_51, %dma_start3A_61] : memref<8x128xi32, #tpu.memory_space<vmem>> -> memref<1x128xi32, #tpu.memory_space<vmem>>
    %dma_start3A_63 = tpu.memref_squeeze %dma_start3A_62 : memref<1x128xi32, #tpu.memory_space<vmem>> -> memref<128xi32, #tpu.memory_space<vmem>>
    %dma_start3A_64 = arith.constant 0 : i32
    %dma_start3A_65 = arith.constant 0 : i32
    %dma_start3A_66 = tpu.memref_slice %arg2[%dma_start3A_64, %dma_start3A_65] : memref<10000x128xf32, #tpu.memory_space<hbm>> -> memref<10000x128xf32, #tpu.memory_space<hbm>>
    tpu.enqueue_indirect_dma source(%dma_start3A_66 : memref<10000x128xf32, #tpu.memory_space<hbm>>) target(%dma_start3A_56 : memref<128x128xf32, #tpu.memory_space<vmem>>) offsets(%dma_start3A_63 : memref<128xi32, #tpu.memory_space<vmem>>) semaphore(%arg12 : memref<!tpu.dma_semaphore, #tpu.memory_space<semaphore_mem>>)
    %scan3A = arith.constant 0 : i32
    %scan3A_67 = arith.constant 5 : i32
    %scan3A_68 = arith.addi %scan3A, %scan3A_67 : i32
    %scan3A_69 = arith.constant 1 : i32
    scf.for %scan3A_79 = %scan3A to %scan3A_68 step %scan3A_69  : i32 {
      %mul3A_80 = arith.constant 2 : i32
      %mul3A_81 = arith.muli %scan3A_79, %mul3A_80 : i32
      %add3A_82 = arith.constant 0 : i32
      %add3A_83 = arith.addi %add3A_82, %mul3A_81 : i32
      %add3A_84 = arith.constant 0 : i32
      %add3A_85 = arith.addi %add3A_83, %add3A_84 : i32
      %dma_wait3A = arith.constant 0 : i32
      %dma_wait3A_86 = arith.constant 0 : i32
      %dma_wait3A_87 = arith.constant 0 : i32
      %dma_wait3A_88 = arith.constant 0 : i32
      %dma_wait3A_89 = arith.constant 0 : i32
      %dma_wait3A_90 = tpu.memref_slice %arg9[%dma_wait3A_87, %dma_wait3A_88, %dma_wait3A_89] : memref<2x128x128xf32, #tpu.memory_space<vmem>> -> memref<1x128x128xf32, #tpu.memory_space<vmem>>
      %dma_wait3A_91 = tpu.memref_squeeze %dma_wait3A_90 : memref<1x128x128xf32, #tpu.memory_space<vmem>> -> memref<128x128xf32, #tpu.memory_space<vmem>>
      %dma_wait3A_92 = arith.constant 0 : i32
      %dma_wait3A_93 = arith.constant 0 : i32
      %dma_wait3A_94 = tpu.memref_slice %arg7[%dma_wait3A, %dma_wait3A_92, %dma_wait3A_93] : memref<2x8x128xi32, #tpu.memory_space<vmem>> -> memref<1x8x128xi32, #tpu.memory_space<vmem>>
      %dma_wait3A_95 = tpu.memref_squeeze %dma_wait3A_94 : memref<1x8x128xi32, #tpu.memory_space<vmem>> -> memref<8x128xi32, #tpu.memory_space<vmem>>
      %dma_wait3A_96 = arith.constant 0 : i32
      %dma_wait3A_97 = tpu.memref_slice %dma_wait3A_95[%dma_wait3A_86, %dma_wait3A_96] : memref<8x128xi32, #tpu.memory_space<vmem>> -> memref<1x128xi32, #tpu.memory_space<vmem>>
      %dma_wait3A_98 = tpu.memref_squeeze %dma_wait3A_97 : memref<1x128xi32, #tpu.memory_space<vmem>> -> memref<128xi32, #tpu.memory_space<vmem>>
      %dma_wait3A_99 = arith.constant 0 : i32
      %dma_wait3A_100 = arith.constant 0 : i32
      %dma_wait3A_101 = tpu.memref_slice %arg2[%dma_wait3A_99, %dma_wait3A_100] : memref<10000x128xf32, #tpu.memory_space<hbm>> -> memref<10000x128xf32, #tpu.memory_space<hbm>>
      tpu.wait_indirect_dma semaphore(%arg11 : memref<!tpu.dma_semaphore, #tpu.memory_space<semaphore_mem>>) src(%dma_wait3A_101 : memref<10000x128xf32, #tpu.memory_space<hbm>>) dst(%dma_wait3A_91 : memref<128x128xf32, #tpu.memory_space<vmem>>)
      %run_scoped3A_102 = arith.constant 0 : i32
      %run_scoped3A_103 = arith.constant 0 : i32
      %run_scoped3A_104 = arith.constant 0 : i32
      "tpu.region"() ({
        %run_scoped3A_650 = tpu.sem_alloc : memref<!tpu.dma_semaphore, #tpu.memory_space<semaphore_mem>>
        %dma_start3A_651 = arith.constant 0 : i32
        %dma_start3A_652 = arith.constant 0 : i32
        %dma_start3A_653 = tpu.memref_slice %arg9[%run_scoped3A_102, %dma_start3A_651, %dma_start3A_652] : memref<2x128x128xf32, #tpu.memory_space<vmem>> -> memref<1x128x128xf32, #tpu.memory_space<vmem>>
        %dma_start3A_654 = tpu.memref_squeeze %dma_start3A_653 : memref<1x128x128xf32, #tpu.memory_space<vmem>> -> memref<128x128xf32, #tpu.memory_space<vmem>>
        %dma_start3A_655 = arith.constant 0 : i32
        %dma_start3A_656 = arith.constant 0 : i32
        %dma_start3A_657 = tpu.memref_slice %arg8[%run_scoped3A_103, %dma_start3A_655, %dma_start3A_656] : memref<2x8x128xi32, #tpu.memory_space<vmem>> -> memref<1x8x128xi32, #tpu.memory_space<vmem>>
        %dma_start3A_658 = tpu.memref_squeeze %dma_start3A_657 : memref<1x8x128xi32, #tpu.memory_space<vmem>> -> memref<8x128xi32, #tpu.memory_space<vmem>>
        %dma_start3A_659 = arith.constant 0 : i32
        %dma_start3A_660 = tpu.memref_slice %dma_start3A_658[%run_scoped3A_104, %dma_start3A_659] : memref<8x128xi32, #tpu.memory_space<vmem>> -> memref<1x128xi32, #tpu.memory_space<vmem>>
        %dma_start3A_661 = tpu.memref_squeeze %dma_start3A_660 : memref<1x128xi32, #tpu.memory_space<vmem>> -> memref<128xi32, #tpu.memory_space<vmem>>
        %dma_start3A_662 = arith.constant 0 : i32
        %dma_start3A_663 = arith.constant 0 : i32
        %dma_start3A_664 = tpu.memref_slice %arg10[%dma_start3A_662, %dma_start3A_663] : memref<10240x128xf32, #tpu.memory_space<vmem_shared>> -> memref<10240x128xf32, #tpu.memory_space<vmem_shared>>
        tpu.enqueue_indirect_dma source(%dma_start3A_654 : memref<128x128xf32, #tpu.memory_space<vmem>>) target(%dma_start3A_664 : memref<10240x128xf32, #tpu.memory_space<vmem_shared>>) offsets(%dma_start3A_661 : memref<128xi32, #tpu.memory_space<vmem>>) semaphore(%run_scoped3A_650 : memref<!tpu.dma_semaphore, #tpu.memory_space<semaphore_mem>>) {add = true}
        %dma_wait3A_665 = arith.constant 0 : i32
        %dma_wait3A_666 = arith.constant 0 : i32
        %dma_wait3A_667 = tpu.memref_slice %arg9[%run_scoped3A_102, %dma_wait3A_665, %dma_wait3A_666] : memref<2x128x128xf32, #tpu.memory_space<vmem>> -> memref<1x128x128xf32, #tpu.memory_space<vmem>>
        %dma_wait3A_668 = tpu.memref_squeeze %dma_wait3A_667 : memref<1x128x128xf32, #tpu.memory_space<vmem>> -> memref<128x128xf32, #tpu.memory_space<vmem>>
        %dma_wait3A_669 = arith.constant 0 : i32
        %dma_wait3A_670 = arith.constant 0 : i32
        %dma_wait3A_671 = tpu.memref_slice %arg8[%run_scoped3A_103, %dma_wait3A_669, %dma_wait3A_670] : memref<2x8x128xi32, #tpu.memory_space<vmem>> -> memref<1x8x128xi32, #tpu.memory_space<vmem>>
        %dma_wait3A_672 = tpu.memref_squeeze %dma_wait3A_671 : memref<1x8x128xi32, #tpu.memory_space<vmem>> -> memref<8x128xi32, #tpu.memory_space<vmem>>
        %dma_wait3A_673 = arith.constant 0 : i32
        %dma_wait3A_674 = tpu.memref_slice %dma_wait3A_672[%run_scoped3A_104, %dma_wait3A_673] : memref<8x128xi32, #tpu.memory_space<vmem>> -> memref<1x128xi32, #tpu.memory_space<vmem>>
        %dma_wait3A_675 = tpu.memref_squeeze %dma_wait3A_674 : memref<1x128xi32, #tpu.memory_space<vmem>> -> memref<128xi32, #tpu.memory_space<vmem>>
        %dma_wait3A_676 = arith.constant 0 : i32
        %dma_wait3A_677 = arith.constant 0 : i32
        %dma_wait3A_678 = tpu.memref_slice %arg10[%dma_wait3A_676, %dma_wait3A_677] : memref<10240x128xf32, #tpu.memory_space<vmem_shared>> -> memref<10240x128xf32, #tpu.memory_space<vmem_shared>>
        tpu.wait_indirect_dma semaphore(%run_scoped3A_650 : memref<!tpu.dma_semaphore, #tpu.memory_space<semaphore_mem>>) src(%dma_wait3A_668 : memref<128x128xf32, #tpu.memory_space<vmem>>) dst(%dma_wait3A_678 : memref<10240x128xf32, #tpu.memory_space<vmem_shared>>)
        tpu.yield
      }) : () -> ()
      %dma_start3A_105 = arith.constant 0 : i32
      %dma_start3A_106 = arith.constant 2 : i32
      %dma_start3A_107 = arith.constant 0 : i32
      %dma_start3A_108 = arith.constant 0 : i32
      %dma_start3A_109 = arith.constant 0 : i32
      %dma_start3A_110 = tpu.memref_slice %arg9[%dma_start3A_107, %dma_start3A_108, %dma_start3A_109] : memref<2x128x128xf32, #tpu.memory_space<vmem>> -> memref<1x128x128xf32, #tpu.memory_space<vmem>>
      %dma_start3A_111 = tpu.memref_squeeze %dma_start3A_110 : memref<1x128x128xf32, #tpu.memory_space<vmem>> -> memref<128x128xf32, #tpu.memory_space<vmem>>
      %dma_start3A_112 = arith.constant 0 : i32
      %dma_start3A_113 = arith.constant 0 : i32
      %dma_start3A_114 = tpu.memref_slice %arg7[%dma_start3A_105, %dma_start3A_112, %dma_start3A_113] : memref<2x8x128xi32, #tpu.memory_space<vmem>> -> memref<1x8x128xi32, #tpu.memory_space<vmem>>
      %dma_start3A_115 = tpu.memref_squeeze %dma_start3A_114 : memref<1x8x128xi32, #tpu.memory_space<vmem>> -> memref<8x128xi32, #tpu.memory_space<vmem>>
      %dma_start3A_116 = arith.constant 0 : i32
      %dma_start3A_117 = tpu.memref_slice %dma_start3A_115[%dma_start3A_106, %dma_start3A_116] : memref<8x128xi32, #tpu.memory_space<vmem>> -> memref<1x128xi32, #tpu.memory_space<vmem>>
      %dma_start3A_118 = tpu.memref_squeeze %dma_start3A_117 : memref<1x128xi32, #tpu.memory_space<vmem>> -> memref<128xi32, #tpu.memory_space<vmem>>
      %dma_start3A_119 = arith.constant 0 : i32
      %dma_start3A_120 = arith.constant 0 : i32
      %dma_start3A_121 = tpu.memref_slice %arg2[%dma_start3A_119, %dma_start3A_120] : memref<10000x128xf32, #tpu.memory_space<hbm>> -> memref<10000x128xf32, #tpu.memory_space<hbm>>
      tpu.enqueue_indirect_dma source(%dma_start3A_121 : memref<10000x128xf32, #tpu.memory_space<hbm>>) target(%dma_start3A_111 : memref<128x128xf32, #tpu.memory_space<vmem>>) offsets(%dma_start3A_118 : memref<128xi32, #tpu.memory_space<vmem>>) semaphore(%arg11 : memref<!tpu.dma_semaphore, #tpu.memory_space<semaphore_mem>>)
      %dma_wait3A_122 = arith.constant 0 : i32
      %dma_wait3A_123 = arith.constant 1 : i32
      %dma_wait3A_124 = arith.constant 1 : i32
      %dma_wait3A_125 = arith.constant 0 : i32
      %dma_wait3A_126 = arith.constant 0 : i32
      %dma_wait3A_127 = tpu.memref_slice %arg9[%dma_wait3A_124, %dma_wait3A_125, %dma_wait3A_126] : memref<2x128x128xf32, #tpu.memory_space<vmem>> -> memref<1x128x128xf32, #tpu.memory_space<vmem>>
      %dma_wait3A_128 = tpu.memref_squeeze %dma_wait3A_127 : memref<1x128x128xf32, #tpu.memory_space<vmem>> -> memref<128x128xf32, #tpu.memory_space<vmem>>
      %dma_wait3A_129 = arith.constant 0 : i32
      %dma_wait3A_130 = arith.constant 0 : i32
      %dma_wait3A_131 = tpu.memref_slice %arg7[%dma_wait3A_122, %dma_wait3A_129, %dma_wait3A_130] : memref<2x8x128xi32, #tpu.memory_space<vmem>> -> memref<1x8x128xi32, #tpu.memory_space<vmem>>
      %dma_wait3A_132 = tpu.memref_squeeze %dma_wait3A_131 : memref<1x8x128xi32, #tpu.memory_space<vmem>> -> memref<8x128xi32, #tpu.memory_space<vmem>>
      %dma_wait3A_133 = arith.constant 0 : i32
      %dma_wait3A_134 = tpu.memref_slice %dma_wait3A_132[%dma_wait3A_123, %dma_wait3A_133] : memref<8x128xi32, #tpu.memory_space<vmem>> -> memref<1x128xi32, #tpu.memory_space<vmem>>
      %dma_wait3A_135 = tpu.memref_squeeze %dma_wait3A_134 : memref<1x128xi32, #tpu.memory_space<vmem>> -> memref<128xi32, #tpu.memory_space<vmem>>
      %dma_wait3A_136 = arith.constant 0 : i32
      %dma_wait3A_137 = arith.constant 0 : i32
      %dma_wait3A_138 = tpu.memref_slice %arg2[%dma_wait3A_136, %dma_wait3A_137] : memref<10000x128xf32, #tpu.memory_space<hbm>> -> memref<10000x128xf32, #tpu.memory_space<hbm>>
      tpu.wait_indirect_dma semaphore(%arg12 : memref<!tpu.dma_semaphore, #tpu.memory_space<semaphore_mem>>) src(%dma_wait3A_138 : memref<10000x128xf32, #tpu.memory_space<hbm>>) dst(%dma_wait3A_128 : memref<128x128xf32, #tpu.memory_space<vmem>>)
      %run_scoped3A_139 = arith.constant 1 : i32
      %run_scoped3A_140 = arith.constant 0 : i32
      %run_scoped3A_141 = arith.constant 1 : i32
      "tpu.region"() ({
        %run_scoped3A_650 = tpu.sem_alloc : memref<!tpu.dma_semaphore, #tpu.memory_space<semaphore_mem>>
        %dma_start3A_651 = arith.constant 0 : i32
        %dma_start3A_652 = arith.constant 0 : i32
        %dma_start3A_653 = tpu.memref_slice %arg9[%run_scoped3A_139, %dma_start3A_651, %dma_start3A_652] : memref<2x128x128xf32, #tpu.memory_space<vmem>> -> memref<1x128x128xf32, #tpu.memory_space<vmem>>
        %dma_start3A_654 = tpu.memref_squeeze %dma_start3A_653 : memref<1x128x128xf32, #tpu.memory_space<vmem>> -> memref<128x128xf32, #tpu.memory_space<vmem>>
        %dma_start3A_655 = arith.constant 0 : i32
        %dma_start3A_656 = arith.constant 0 : i32
        %dma_start3A_657 = tpu.memref_slice %arg8[%run_scoped3A_140, %dma_start3A_655, %dma_start3A_656] : memref<2x8x128xi32, #tpu.memory_space<vmem>> -> memref<1x8x128xi32, #tpu.memory_space<vmem>>
        %dma_start3A_658 = tpu.memref_squeeze %dma_start3A_657 : memref<1x8x128xi32, #tpu.memory_space<vmem>> -> memref<8x128xi32, #tpu.memory_space<vmem>>
        %dma_start3A_659 = arith.constant 0 : i32
        %dma_start3A_660 = tpu.memref_slice %dma_start3A_658[%run_scoped3A_141, %dma_start3A_659] : memref<8x128xi32, #tpu.memory_space<vmem>> -> memref<1x128xi32, #tpu.memory_space<vmem>>
        %dma_start3A_661 = tpu.memref_squeeze %dma_start3A_660 : memref<1x128xi32, #tpu.memory_space<vmem>> -> memref<128xi32, #tpu.memory_space<vmem>>
        %dma_start3A_662 = arith.constant 0 : i32
        %dma_start3A_663 = arith.constant 0 : i32
        %dma_start3A_664 = tpu.memref_slice %arg10[%dma_start3A_662, %dma_start3A_663] : memref<10240x128xf32, #tpu.memory_space<vmem_shared>> -> memref<10240x128xf32, #tpu.memory_space<vmem_shared>>
        tpu.enqueue_indirect_dma source(%dma_start3A_654 : memref<128x128xf32, #tpu.memory_space<vmem>>) target(%dma_start3A_664 : memref<10240x128xf32, #tpu.memory_space<vmem_shared>>) offsets(%dma_start3A_661 : memref<128xi32, #tpu.memory_space<vmem>>) semaphore(%run_scoped3A_650 : memref<!tpu.dma_semaphore, #tpu.memory_space<semaphore_mem>>) {add = true}
        %dma_wait3A_665 = arith.constant 0 : i32
        %dma_wait3A_666 = arith.constant 0 : i32
        %dma_wait3A_667 = tpu.memref_slice %arg9[%run_scoped3A_139, %dma_wait3A_665, %dma_wait3A_666] : memref<2x128x128xf32, #tpu.memory_space<vmem>> -> memref<1x128x128xf32, #tpu.memory_space<vmem>>
        %dma_wait3A_668 = tpu.memref_squeeze %dma_wait3A_667 : memref<1x128x128xf32, #tpu.memory_space<vmem>> -> memref<128x128xf32, #tpu.memory_space<vmem>>
        %dma_wait3A_669 = arith.constant 0 : i32
        %dma_wait3A_670 = arith.constant 0 : i32
        %dma_wait3A_671 = tpu.memref_slice %arg8[%run_scoped3A_140, %dma_wait3A_669, %dma_wait3A_670] : memref<2x8x128xi32, #tpu.memory_space<vmem>> -> memref<1x8x128xi32, #tpu.memory_space<vmem>>
        %dma_wait3A_672 = tpu.memref_squeeze %dma_wait3A_671 : memref<1x8x128xi32, #tpu.memory_space<vmem>> -> memref<8x128xi32, #tpu.memory_space<vmem>>
        %dma_wait3A_673 = arith.constant 0 : i32
        %dma_wait3A_674 = tpu.memref_slice %dma_wait3A_672[%run_scoped3A_141, %dma_wait3A_673] : memref<8x128xi32, #tpu.memory_space<vmem>> -> memref<1x128xi32, #tpu.memory_space<vmem>>
        %dma_wait3A_675 = tpu.memref_squeeze %dma_wait3A_674 : memref<1x128xi32, #tpu.memory_space<vmem>> -> memref<128xi32, #tpu.memory_space<vmem>>
        %dma_wait3A_676 = arith.constant 0 : i32
        %dma_wait3A_677 = arith.constant 0 : i32
        %dma_wait3A_678 = tpu.memref_slice %arg10[%dma_wait3A_676, %dma_wait3A_677] : memref<10240x128xf32, #tpu.memory_space<vmem_shared>> -> memref<10240x128xf32, #tpu.memory_space<vmem_shared>>
        tpu.wait_indirect_dma semaphore(%run_scoped3A_650 : memref<!tpu.dma_semaphore, #tpu.memory_space<semaphore_mem>>) src(%dma_wait3A_668 : memref<128x128xf32, #tpu.memory_space<vmem>>) dst(%dma_wait3A_678 : memref<10240x128xf32, #tpu.memory_space<vmem_shared>>)
        tpu.yield
      }) : () -> ()
      %dma_start3A_142 = arith.constant 0 : i32
      %dma_start3A_143 = arith.constant 3 : i32
      %dma_start3A_144 = arith.constant 1 : i32
      %dma_start3A_145 = arith.constant 0 : i32
      %dma_start3A_146 = arith.constant 0 : i32
      %dma_start3A_147 = tpu.memref_slice %arg9[%dma_start3A_144, %dma_start3A_145, %dma_start3A_146] : memref<2x128x128xf32, #tpu.memory_space<vmem>> -> memref<1x128x128xf32, #tpu.memory_space<vmem>>
      %dma_start3A_148 = tpu.memref_squeeze %dma_start3A_147 : memref<1x128x128xf32, #tpu.memory_space<vmem>> -> memref<128x128xf32, #tpu.memory_space<vmem>>
      %dma_start3A_149 = arith.constant 0 : i32
      %dma_start3A_150 = arith.constant 0 : i32
      %dma_start3A_151 = tpu.memref_slice %arg7[%dma_start3A_142, %dma_start3A_149, %dma_start3A_150] : memref<2x8x128xi32, #tpu.memory_space<vmem>> -> memref<1x8x128xi32, #tpu.memory_space<vmem>>
      %dma_start3A_152 = tpu.memref_squeeze %dma_start3A_151 : memref<1x8x128xi32, #tpu.memory_space<vmem>> -> memref<8x128xi32, #tpu.memory_space<vmem>>
      %dma_start3A_153 = arith.constant 0 : i32
      %dma_start3A_154 = tpu.memref_slice %dma_start3A_152[%dma_start3A_143, %dma_start3A_153] : memref<8x128xi32, #tpu.memory_space<vmem>> -> memref<1x128xi32, #tpu.memory_space<vmem>>
      %dma_start3A_155 = tpu.memref_squeeze %dma_start3A_154 : memref<1x128xi32, #tpu.memory_space<vmem>> -> memref<128xi32, #tpu.memory_space<vmem>>
      %dma_start3A_156 = arith.constant 0 : i32
      %dma_start3A_157 = arith.constant 0 : i32
      %dma_start3A_158 = tpu.memref_slice %arg2[%dma_start3A_156, %dma_start3A_157] : memref<10000x128xf32, #tpu.memory_space<hbm>> -> memref<10000x128xf32, #tpu.memory_space<hbm>>
      tpu.enqueue_indirect_dma source(%dma_start3A_158 : memref<10000x128xf32, #tpu.memory_space<hbm>>) target(%dma_start3A_148 : memref<128x128xf32, #tpu.memory_space<vmem>>) offsets(%dma_start3A_155 : memref<128xi32, #tpu.memory_space<vmem>>) semaphore(%arg12 : memref<!tpu.dma_semaphore, #tpu.memory_space<semaphore_mem>>)
      %dma_wait3A_159 = arith.constant 0 : i32
      %dma_wait3A_160 = arith.constant 2 : i32
      %dma_wait3A_161 = arith.constant 0 : i32
      %dma_wait3A_162 = arith.constant 0 : i32
      %dma_wait3A_163 = arith.constant 0 : i32
      %dma_wait3A_164 = tpu.memref_slice %arg9[%dma_wait3A_161, %dma_wait3A_162, %dma_wait3A_163] : memref<2x128x128xf32, #tpu.memory_space<vmem>> -> memref<1x128x128xf32, #tpu.memory_space<vmem>>
      %dma_wait3A_165 = tpu.memref_squeeze %dma_wait3A_164 : memref<1x128x128xf32, #tpu.memory_space<vmem>> -> memref<128x128xf32, #tpu.memory_space<vmem>>
      %dma_wait3A_166 = arith.constant 0 : i32
      %dma_wait3A_167 = arith.constant 0 : i32
      %dma_wait3A_168 = tpu.memref_slice %arg7[%dma_wait3A_159, %dma_wait3A_166, %dma_wait3A_167] : memref<2x8x128xi32, #tpu.memory_space<vmem>> -> memref<1x8x128xi32, #tpu.memory_space<vmem>>
      %dma_wait3A_169 = tpu.memref_squeeze %dma_wait3A_168 : memref<1x8x128xi32, #tpu.memory_space<vmem>> -> memref<8x128xi32, #tpu.memory_space<vmem>>
      %dma_wait3A_170 = arith.constant 0 : i32
      %dma_wait3A_171 = tpu.memref_slice %dma_wait3A_169[%dma_wait3A_160, %dma_wait3A_170] : memref<8x128xi32, #tpu.memory_space<vmem>> -> memref<1x128xi32, #tpu.memory_space<vmem>>
      %dma_wait3A_172 = tpu.memref_squeeze %dma_wait3A_171 : memref<1x128xi32, #tpu.memory_space<vmem>> -> memref<128xi32, #tpu.memory_space<vmem>>
      %dma_wait3A_173 = arith.constant 0 : i32
      %dma_wait3A_174 = arith.constant 0 : i32
      %dma_wait3A_175 = tpu.memref_slice %arg2[%dma_wait3A_173, %dma_wait3A_174] : memref<10000x128xf32, #tpu.memory_space<hbm>> -> memref<10000x128xf32, #tpu.memory_space<hbm>>
      tpu.wait_indirect_dma semaphore(%arg11 : memref<!tpu.dma_semaphore, #tpu.memory_space<semaphore_mem>>) src(%dma_wait3A_175 : memref<10000x128xf32, #tpu.memory_space<hbm>>) dst(%dma_wait3A_165 : memref<128x128xf32, #tpu.memory_space<vmem>>)
      %run_scoped3A_176 = arith.constant 0 : i32
      %run_scoped3A_177 = arith.constant 0 : i32
      %run_scoped3A_178 = arith.constant 2 : i32
      "tpu.region"() ({
        %run_scoped3A_650 = tpu.sem_alloc : memref<!tpu.dma_semaphore, #tpu.memory_space<semaphore_mem>>
        %dma_start3A_651 = arith.constant 0 : i32
        %dma_start3A_652 = arith.constant 0 : i32
        %dma_start3A_653 = tpu.memref_slice %arg9[%run_scoped3A_176, %dma_start3A_651, %dma_start3A_652] : memref<2x128x128xf32, #tpu.memory_space<vmem>> -> memref<1x128x128xf32, #tpu.memory_space<vmem>>
        %dma_start3A_654 = tpu.memref_squeeze %dma_start3A_653 : memref<1x128x128xf32, #tpu.memory_space<vmem>> -> memref<128x128xf32, #tpu.memory_space<vmem>>
        %dma_start3A_655 = arith.constant 0 : i32
        %dma_start3A_656 = arith.constant 0 : i32
        %dma_start3A_657 = tpu.memref_slice %arg8[%run_scoped3A_177, %dma_start3A_655, %dma_start3A_656] : memref<2x8x128xi32, #tpu.memory_space<vmem>> -> memref<1x8x128xi32, #tpu.memory_space<vmem>>
        %dma_start3A_658 = tpu.memref_squeeze %dma_start3A_657 : memref<1x8x128xi32, #tpu.memory_space<vmem>> -> memref<8x128xi32, #tpu.memory_space<vmem>>
        %dma_start3A_659 = arith.constant 0 : i32
        %dma_start3A_660 = tpu.memref_slice %dma_start3A_658[%run_scoped3A_178, %dma_start3A_659] : memref<8x128xi32, #tpu.memory_space<vmem>> -> memref<1x128xi32, #tpu.memory_space<vmem>>
        %dma_start3A_661 = tpu.memref_squeeze %dma_start3A_660 : memref<1x128xi32, #tpu.memory_space<vmem>> -> memref<128xi32, #tpu.memory_space<vmem>>
        %dma_start3A_662 = arith.constant 0 : i32
        %dma_start3A_663 = arith.constant 0 : i32
        %dma_start3A_664 = tpu.memref_slice %arg10[%dma_start3A_662, %dma_start3A_663] : memref<10240x128xf32, #tpu.memory_space<vmem_shared>> -> memref<10240x128xf32, #tpu.memory_space<vmem_shared>>
        tpu.enqueue_indirect_dma source(%dma_start3A_654 : memref<128x128xf32, #tpu.memory_space<vmem>>) target(%dma_start3A_664 : memref<10240x128xf32, #tpu.memory_space<vmem_shared>>) offsets(%dma_start3A_661 : memref<128xi32, #tpu.memory_space<vmem>>) semaphore(%run_scoped3A_650 : memref<!tpu.dma_semaphore, #tpu.memory_space<semaphore_mem>>) {add = true}
        %dma_wait3A_665 = arith.constant 0 : i32
        %dma_wait3A_666 = arith.constant 0 : i32
        %dma_wait3A_667 = tpu.memref_slice %arg9[%run_scoped3A_176, %dma_wait3A_665, %dma_wait3A_666] : memref<2x128x128xf32, #tpu.memory_space<vmem>> -> memref<1x128x128xf32, #tpu.memory_space<vmem>>
        %dma_wait3A_668 = tpu.memref_squeeze %dma_wait3A_667 : memref<1x128x128xf32, #tpu.memory_space<vmem>> -> memref<128x128xf32, #tpu.memory_space<vmem>>
        %dma_wait3A_669 = arith.constant 0 : i32
        %dma_wait3A_670 = arith.constant 0 : i32
        %dma_wait3A_671 = tpu.memref_slice %arg8[%run_scoped3A_177, %dma_wait3A_669, %dma_wait3A_670] : memref<2x8x128xi32, #tpu.memory_space<vmem>> -> memref<1x8x128xi32, #tpu.memory_space<vmem>>
        %dma_wait3A_672 = tpu.memref_squeeze %dma_wait3A_671 : memref<1x8x128xi32, #tpu.memory_space<vmem>> -> memref<8x128xi32, #tpu.memory_space<vmem>>
        %dma_wait3A_673 = arith.constant 0 : i32
        %dma_wait3A_674 = tpu.memref_slice %dma_wait3A_672[%run_scoped3A_178, %dma_wait3A_673] : memref<8x128xi32, #tpu.memory_space<vmem>> -> memref<1x128xi32, #tpu.memory_space<vmem>>
        %dma_wait3A_675 = tpu.memref_squeeze %dma_wait3A_674 : memref<1x128xi32, #tpu.memory_space<vmem>> -> memref<128xi32, #tpu.memory_space<vmem>>
        %dma_wait3A_676 = arith.constant 0 : i32
        %dma_wait3A_677 = arith.constant 0 : i32
        %dma_wait3A_678 = tpu.memref_slice %arg10[%dma_wait3A_676, %dma_wait3A_677] : memref<10240x128xf32, #tpu.memory_space<vmem_shared>> -> memref<10240x128xf32, #tpu.memory_space<vmem_shared>>
        tpu.wait_indirect_dma semaphore(%run_scoped3A_650 : memref<!tpu.dma_semaphore, #tpu.memory_space<semaphore_mem>>) src(%dma_wait3A_668 : memref<128x128xf32, #tpu.memory_space<vmem>>) dst(%dma_wait3A_678 : memref<10240x128xf32, #tpu.memory_space<vmem_shared>>)
        tpu.yield
      }) : () -> ()
      %dma_start3A_179 = arith.constant 0 : i32
      %dma_start3A_180 = arith.constant 4 : i32
      %dma_start3A_181 = arith.constant 0 : i32
      %dma_start3A_182 = arith.constant 0 : i32
      %dma_start3A_183 = arith.constant 0 : i32
      %dma_start3A_184 = tpu.memref_slice %arg9[%dma_start3A_181, %dma_start3A_182, %dma_start3A_183] : memref<2x128x128xf32, #tpu.memory_space<vmem>> -> memref<1x128x128xf32, #tpu.memory_space<vmem>>
      %dma_start3A_185 = tpu.memref_squeeze %dma_start3A_184 : memref<1x128x128xf32, #tpu.memory_space<vmem>> -> memref<128x128xf32, #tpu.memory_space<vmem>>
      %dma_start3A_186 = arith.constant 0 : i32
      %dma_start3A_187 = arith.constant 0 : i32
      %dma_start3A_188 = tpu.memref_slice %arg7[%dma_start3A_179, %dma_start3A_186, %dma_start3A_187] : memref<2x8x128xi32, #tpu.memory_space<vmem>> -> memref<1x8x128xi32, #tpu.memory_space<vmem>>
      %dma_start3A_189 = tpu.memref_squeeze %dma_start3A_188 : memref<1x8x128xi32, #tpu.memory_space<vmem>> -> memref<8x128xi32, #tpu.memory_space<vmem>>
      %dma_start3A_190 = arith.constant 0 : i32
      %dma_start3A_191 = tpu.memref_slice %dma_start3A_189[%dma_start3A_180, %dma_start3A_190] : memref<8x128xi32, #tpu.memory_space<vmem>> -> memref<1x128xi32, #tpu.memory_space<vmem>>
      %dma_start3A_192 = tpu.memref_squeeze %dma_start3A_191 : memref<1x128xi32, #tpu.memory_space<vmem>> -> memref<128xi32, #tpu.memory_space<vmem>>
      %dma_start3A_193 = arith.constant 0 : i32
      %dma_start3A_194 = arith.constant 0 : i32
      %dma_start3A_195 = tpu.memref_slice %arg2[%dma_start3A_193, %dma_start3A_194] : memref<10000x128xf32, #tpu.memory_space<hbm>> -> memref<10000x128xf32, #tpu.memory_space<hbm>>
      tpu.enqueue_indirect_dma source(%dma_start3A_195 : memref<10000x128xf32, #tpu.memory_space<hbm>>) target(%dma_start3A_185 : memref<128x128xf32, #tpu.memory_space<vmem>>) offsets(%dma_start3A_192 : memref<128xi32, #tpu.memory_space<vmem>>) semaphore(%arg11 : memref<!tpu.dma_semaphore, #tpu.memory_space<semaphore_mem>>)
      %dma_wait3A_196 = arith.constant 0 : i32
      %dma_wait3A_197 = arith.constant 3 : i32
      %dma_wait3A_198 = arith.constant 1 : i32
      %dma_wait3A_199 = arith.constant 0 : i32
      %dma_wait3A_200 = arith.constant 0 : i32
      %dma_wait3A_201 = tpu.memref_slice %arg9[%dma_wait3A_198, %dma_wait3A_199, %dma_wait3A_200] : memref<2x128x128xf32, #tpu.memory_space<vmem>> -> memref<1x128x128xf32, #tpu.memory_space<vmem>>
      %dma_wait3A_202 = tpu.memref_squeeze %dma_wait3A_201 : memref<1x128x128xf32, #tpu.memory_space<vmem>> -> memref<128x128xf32, #tpu.memory_space<vmem>>
      %dma_wait3A_203 = arith.constant 0 : i32
      %dma_wait3A_204 = arith.constant 0 : i32
      %dma_wait3A_205 = tpu.memref_slice %arg7[%dma_wait3A_196, %dma_wait3A_203, %dma_wait3A_204] : memref<2x8x128xi32, #tpu.memory_space<vmem>> -> memref<1x8x128xi32, #tpu.memory_space<vmem>>
      %dma_wait3A_206 = tpu.memref_squeeze %dma_wait3A_205 : memref<1x8x128xi32, #tpu.memory_space<vmem>> -> memref<8x128xi32, #tpu.memory_space<vmem>>
      %dma_wait3A_207 = arith.constant 0 : i32
      %dma_wait3A_208 = tpu.memref_slice %dma_wait3A_206[%dma_wait3A_197, %dma_wait3A_207] : memref<8x128xi32, #tpu.memory_space<vmem>> -> memref<1x128xi32, #tpu.memory_space<vmem>>
      %dma_wait3A_209 = tpu.memref_squeeze %dma_wait3A_208 : memref<1x128xi32, #tpu.memory_space<vmem>> -> memref<128xi32, #tpu.memory_space<vmem>>
      %dma_wait3A_210 = arith.constant 0 : i32
      %dma_wait3A_211 = arith.constant 0 : i32
      %dma_wait3A_212 = tpu.memref_slice %arg2[%dma_wait3A_210, %dma_wait3A_211] : memref<10000x128xf32, #tpu.memory_space<hbm>> -> memref<10000x128xf32, #tpu.memory_space<hbm>>
      tpu.wait_indirect_dma semaphore(%arg12 : memref<!tpu.dma_semaphore, #tpu.memory_space<semaphore_mem>>) src(%dma_wait3A_212 : memref<10000x128xf32, #tpu.memory_space<hbm>>) dst(%dma_wait3A_202 : memref<128x128xf32, #tpu.memory_space<vmem>>)
      %run_scoped3A_213 = arith.constant 1 : i32
      %run_scoped3A_214 = arith.constant 0 : i32
      %run_scoped3A_215 = arith.constant 3 : i32
      "tpu.region"() ({
        %run_scoped3A_650 = tpu.sem_alloc : memref<!tpu.dma_semaphore, #tpu.memory_space<semaphore_mem>>
        %dma_start3A_651 = arith.constant 0 : i32
        %dma_start3A_652 = arith.constant 0 : i32
        %dma_start3A_653 = tpu.memref_slice %arg9[%run_scoped3A_213, %dma_start3A_651, %dma_start3A_652] : memref<2x128x128xf32, #tpu.memory_space<vmem>> -> memref<1x128x128xf32, #tpu.memory_space<vmem>>
        %dma_start3A_654 = tpu.memref_squeeze %dma_start3A_653 : memref<1x128x128xf32, #tpu.memory_space<vmem>> -> memref<128x128xf32, #tpu.memory_space<vmem>>
        %dma_start3A_655 = arith.constant 0 : i32
        %dma_start3A_656 = arith.constant 0 : i32
        %dma_start3A_657 = tpu.memref_slice %arg8[%run_scoped3A_214, %dma_start3A_655, %dma_start3A_656] : memref<2x8x128xi32, #tpu.memory_space<vmem>> -> memref<1x8x128xi32, #tpu.memory_space<vmem>>
        %dma_start3A_658 = tpu.memref_squeeze %dma_start3A_657 : memref<1x8x128xi32, #tpu.memory_space<vmem>> -> memref<8x128xi32, #tpu.memory_space<vmem>>
        %dma_start3A_659 = arith.constant 0 : i32
        %dma_start3A_660 = tpu.memref_slice %dma_start3A_658[%run_scoped3A_215, %dma_start3A_659] : memref<8x128xi32, #tpu.memory_space<vmem>> -> memref<1x128xi32, #tpu.memory_space<vmem>>
        %dma_start3A_661 = tpu.memref_squeeze %dma_start3A_660 : memref<1x128xi32, #tpu.memory_space<vmem>> -> memref<128xi32, #tpu.memory_space<vmem>>
        %dma_start3A_662 = arith.constant 0 : i32
        %dma_start3A_663 = arith.constant 0 : i32
        %dma_start3A_664 = tpu.memref_slice %arg10[%dma_start3A_662, %dma_start3A_663] : memref<10240x128xf32, #tpu.memory_space<vmem_shared>> -> memref<10240x128xf32, #tpu.memory_space<vmem_shared>>
        tpu.enqueue_indirect_dma source(%dma_start3A_654 : memref<128x128xf32, #tpu.memory_space<vmem>>) target(%dma_start3A_664 : memref<10240x128xf32, #tpu.memory_space<vmem_shared>>) offsets(%dma_start3A_661 : memref<128xi32, #tpu.memory_space<vmem>>) semaphore(%run_scoped3A_650 : memref<!tpu.dma_semaphore, #tpu.memory_space<semaphore_mem>>) {add = true}
        %dma_wait3A_665 = arith.constant 0 : i32
        %dma_wait3A_666 = arith.constant 0 : i32
        %dma_wait3A_667 = tpu.memref_slice %arg9[%run_scoped3A_213, %dma_wait3A_665, %dma_wait3A_666] : memref<2x128x128xf32, #tpu.memory_space<vmem>> -> memref<1x128x128xf32, #tpu.memory_space<vmem>>
        %dma_wait3A_668 = tpu.memref_squeeze %dma_wait3A_667 : memref<1x128x128xf32, #tpu.memory_space<vmem>> -> memref<128x128xf32, #tpu.memory_space<vmem>>
        %dma_wait3A_669 = arith.constant 0 : i32
        %dma_wait3A_670 = arith.constant 0 : i32
        %dma_wait3A_671 = tpu.memref_slice %arg8[%run_scoped3A_214, %dma_wait3A_669, %dma_wait3A_670] : memref<2x8x128xi32, #tpu.memory_space<vmem>> -> memref<1x8x128xi32, #tpu.memory_space<vmem>>
        %dma_wait3A_672 = tpu.memref_squeeze %dma_wait3A_671 : memref<1x8x128xi32, #tpu.memory_space<vmem>> -> memref<8x128xi32, #tpu.memory_space<vmem>>
        %dma_wait3A_673 = arith.constant 0 : i32
        %dma_wait3A_674 = tpu.memref_slice %dma_wait3A_672[%run_scoped3A_215, %dma_wait3A_673] : memref<8x128xi32, #tpu.memory_space<vmem>> -> memref<1x128xi32, #tpu.memory_space<vmem>>
        %dma_wait3A_675 = tpu.memref_squeeze %dma_wait3A_674 : memref<1x128xi32, #tpu.memory_space<vmem>> -> memref<128xi32, #tpu.memory_space<vmem>>
        %dma_wait3A_676 = arith.constant 0 : i32
        %dma_wait3A_677 = arith.constant 0 : i32
        %dma_wait3A_678 = tpu.memref_slice %arg10[%dma_wait3A_676, %dma_wait3A_677] : memref<10240x128xf32, #tpu.memory_space<vmem_shared>> -> memref<10240x128xf32, #tpu.memory_space<vmem_shared>>
        tpu.wait_indirect_dma semaphore(%run_scoped3A_650 : memref<!tpu.dma_semaphore, #tpu.memory_space<semaphore_mem>>) src(%dma_wait3A_668 : memref<128x128xf32, #tpu.memory_space<vmem>>) dst(%dma_wait3A_678 : memref<10240x128xf32, #tpu.memory_space<vmem_shared>>)
        tpu.yield
      }) : () -> ()
      %dma_start3A_216 = arith.constant 0 : i32
      %dma_start3A_217 = arith.constant 5 : i32
      %dma_start3A_218 = arith.constant 1 : i32
      %dma_start3A_219 = arith.constant 0 : i32
      %dma_start3A_220 = arith.constant 0 : i32
      %dma_start3A_221 = tpu.memref_slice %arg9[%dma_start3A_218, %dma_start3A_219, %dma_start3A_220] : memref<2x128x128xf32, #tpu.memory_space<vmem>> -> memref<1x128x128xf32, #tpu.memory_space<vmem>>
      %dma_start3A_222 = tpu.memref_squeeze %dma_start3A_221 : memref<1x128x128xf32, #tpu.memory_space<vmem>> -> memref<128x128xf32, #tpu.memory_space<vmem>>
      %dma_start3A_223 = arith.constant 0 : i32
      %dma_start3A_224 = arith.constant 0 : i32
      %dma_start3A_225 = tpu.memref_slice %arg7[%dma_start3A_216, %dma_start3A_223, %dma_start3A_224] : memref<2x8x128xi32, #tpu.memory_space<vmem>> -> memref<1x8x128xi32, #tpu.memory_space<vmem>>
      %dma_start3A_226 = tpu.memref_squeeze %dma_start3A_225 : memref<1x8x128xi32, #tpu.memory_space<vmem>> -> memref<8x128xi32, #tpu.memory_space<vmem>>
      %dma_start3A_227 = arith.constant 0 : i32
      %dma_start3A_228 = tpu.memref_slice %dma_start3A_226[%dma_start3A_217, %dma_start3A_227] : memref<8x128xi32, #tpu.memory_space<vmem>> -> memref<1x128xi32, #tpu.memory_space<vmem>>
      %dma_start3A_229 = tpu.memref_squeeze %dma_start3A_228 : memref<1x128xi32, #tpu.memory_space<vmem>> -> memref<128xi32, #tpu.memory_space<vmem>>
      %dma_start3A_230 = arith.constant 0 : i32
      %dma_start3A_231 = arith.constant 0 : i32
      %dma_start3A_232 = tpu.memref_slice %arg2[%dma_start3A_230, %dma_start3A_231] : memref<10000x128xf32, #tpu.memory_space<hbm>> -> memref<10000x128xf32, #tpu.memory_space<hbm>>
      tpu.enqueue_indirect_dma source(%dma_start3A_232 : memref<10000x128xf32, #tpu.memory_space<hbm>>) target(%dma_start3A_222 : memref<128x128xf32, #tpu.memory_space<vmem>>) offsets(%dma_start3A_229 : memref<128xi32, #tpu.memory_space<vmem>>) semaphore(%arg12 : memref<!tpu.dma_semaphore, #tpu.memory_space<semaphore_mem>>)
      %dma_wait3A_233 = arith.constant 0 : i32
      %dma_wait3A_234 = arith.constant 4 : i32
      %dma_wait3A_235 = arith.constant 0 : i32
      %dma_wait3A_236 = arith.constant 0 : i32
      %dma_wait3A_237 = arith.constant 0 : i32
      %dma_wait3A_238 = tpu.memref_slice %arg9[%dma_wait3A_235, %dma_wait3A_236, %dma_wait3A_237] : memref<2x128x128xf32, #tpu.memory_space<vmem>> -> memref<1x128x128xf32, #tpu.memory_space<vmem>>
      %dma_wait3A_239 = tpu.memref_squeeze %dma_wait3A_238 : memref<1x128x128xf32, #tpu.memory_space<vmem>> -> memref<128x128xf32, #tpu.memory_space<vmem>>
      %dma_wait3A_240 = arith.constant 0 : i32
      %dma_wait3A_241 = arith.constant 0 : i32
      %dma_wait3A_242 = tpu.memref_slice %arg7[%dma_wait3A_233, %dma_wait3A_240, %dma_wait3A_241] : memref<2x8x128xi32, #tpu.memory_space<vmem>> -> memref<1x8x128xi32, #tpu.memory_space<vmem>>
      %dma_wait3A_243 = tpu.memref_squeeze %dma_wait3A_242 : memref<1x8x128xi32, #tpu.memory_space<vmem>> -> memref<8x128xi32, #tpu.memory_space<vmem>>
      %dma_wait3A_244 = arith.constant 0 : i32
      %dma_wait3A_245 = tpu.memref_slice %dma_wait3A_243[%dma_wait3A_234, %dma_wait3A_244] : memref<8x128xi32, #tpu.memory_space<vmem>> -> memref<1x128xi32, #tpu.memory_space<vmem>>
      %dma_wait3A_246 = tpu.memref_squeeze %dma_wait3A_245 : memref<1x128xi32, #tpu.memory_space<vmem>> -> memref<128xi32, #tpu.memory_space<vmem>>
      %dma_wait3A_247 = arith.constant 0 : i32
      %dma_wait3A_248 = arith.constant 0 : i32
      %dma_wait3A_249 = tpu.memref_slice %arg2[%dma_wait3A_247, %dma_wait3A_248] : memref<10000x128xf32, #tpu.memory_space<hbm>> -> memref<10000x128xf32, #tpu.memory_space<hbm>>
      tpu.wait_indirect_dma semaphore(%arg11 : memref<!tpu.dma_semaphore, #tpu.memory_space<semaphore_mem>>) src(%dma_wait3A_249 : memref<10000x128xf32, #tpu.memory_space<hbm>>) dst(%dma_wait3A_239 : memref<128x128xf32, #tpu.memory_space<vmem>>)
      %run_scoped3A_250 = arith.constant 0 : i32
      %run_scoped3A_251 = arith.constant 0 : i32
      %run_scoped3A_252 = arith.constant 4 : i32
      "tpu.region"() ({
        %run_scoped3A_650 = tpu.sem_alloc : memref<!tpu.dma_semaphore, #tpu.memory_space<semaphore_mem>>
        %dma_start3A_651 = arith.constant 0 : i32
        %dma_start3A_652 = arith.constant 0 : i32
        %dma_start3A_653 = tpu.memref_slice %arg9[%run_scoped3A_250, %dma_start3A_651, %dma_start3A_652] : memref<2x128x128xf32, #tpu.memory_space<vmem>> -> memref<1x128x128xf32, #tpu.memory_space<vmem>>
        %dma_start3A_654 = tpu.memref_squeeze %dma_start3A_653 : memref<1x128x128xf32, #tpu.memory_space<vmem>> -> memref<128x128xf32, #tpu.memory_space<vmem>>
        %dma_start3A_655 = arith.constant 0 : i32
        %dma_start3A_656 = arith.constant 0 : i32
        %dma_start3A_657 = tpu.memref_slice %arg8[%run_scoped3A_251, %dma_start3A_655, %dma_start3A_656] : memref<2x8x128xi32, #tpu.memory_space<vmem>> -> memref<1x8x128xi32, #tpu.memory_space<vmem>>
        %dma_start3A_658 = tpu.memref_squeeze %dma_start3A_657 : memref<1x8x128xi32, #tpu.memory_space<vmem>> -> memref<8x128xi32, #tpu.memory_space<vmem>>
        %dma_start3A_659 = arith.constant 0 : i32
        %dma_start3A_660 = tpu.memref_slice %dma_start3A_658[%run_scoped3A_252, %dma_start3A_659] : memref<8x128xi32, #tpu.memory_space<vmem>> -> memref<1x128xi32, #tpu.memory_space<vmem>>
        %dma_start3A_661 = tpu.memref_squeeze %dma_start3A_660 : memref<1x128xi32, #tpu.memory_space<vmem>> -> memref<128xi32, #tpu.memory_space<vmem>>
        %dma_start3A_662 = arith.constant 0 : i32
        %dma_start3A_663 = arith.constant 0 : i32
        %dma_start3A_664 = tpu.memref_slice %arg10[%dma_start3A_662, %dma_start3A_663] : memref<10240x128xf32, #tpu.memory_space<vmem_shared>> -> memref<10240x128xf32, #tpu.memory_space<vmem_shared>>
        tpu.enqueue_indirect_dma source(%dma_start3A_654 : memref<128x128xf32, #tpu.memory_space<vmem>>) target(%dma_start3A_664 : memref<10240x128xf32, #tpu.memory_space<vmem_shared>>) offsets(%dma_start3A_661 : memref<128xi32, #tpu.memory_space<vmem>>) semaphore(%run_scoped3A_650 : memref<!tpu.dma_semaphore, #tpu.memory_space<semaphore_mem>>) {add = true}
        %dma_wait3A_665 = arith.constant 0 : i32
        %dma_wait3A_666 = arith.constant 0 : i32
        %dma_wait3A_667 = tpu.memref_slice %arg9[%run_scoped3A_250, %dma_wait3A_665, %dma_wait3A_666] : memref<2x128x128xf32, #tpu.memory_space<vmem>> -> memref<1x128x128xf32, #tpu.memory_space<vmem>>
        %dma_wait3A_668 = tpu.memref_squeeze %dma_wait3A_667 : memref<1x128x128xf32, #tpu.memory_space<vmem>> -> memref<128x128xf32, #tpu.memory_space<vmem>>
        %dma_wait3A_669 = arith.constant 0 : i32
        %dma_wait3A_670 = arith.constant 0 : i32
        %dma_wait3A_671 = tpu.memref_slice %arg8[%run_scoped3A_251, %dma_wait3A_669, %dma_wait3A_670] : memref<2x8x128xi32, #tpu.memory_space<vmem>> -> memref<1x8x128xi32, #tpu.memory_space<vmem>>
        %dma_wait3A_672 = tpu.memref_squeeze %dma_wait3A_671 : memref<1x8x128xi32, #tpu.memory_space<vmem>> -> memref<8x128xi32, #tpu.memory_space<vmem>>
        %dma_wait3A_673 = arith.constant 0 : i32
        %dma_wait3A_674 = tpu.memref_slice %dma_wait3A_672[%run_scoped3A_252, %dma_wait3A_673] : memref<8x128xi32, #tpu.memory_space<vmem>> -> memref<1x128xi32, #tpu.memory_space<vmem>>
        %dma_wait3A_675 = tpu.memref_squeeze %dma_wait3A_674 : memref<1x128xi32, #tpu.memory_space<vmem>> -> memref<128xi32, #tpu.memory_space<vmem>>
        %dma_wait3A_676 = arith.constant 0 : i32
        %dma_wait3A_677 = arith.constant 0 : i32
        %dma_wait3A_678 = tpu.memref_slice %arg10[%dma_wait3A_676, %dma_wait3A_677] : memref<10240x128xf32, #tpu.memory_space<vmem_shared>> -> memref<10240x128xf32, #tpu.memory_space<vmem_shared>>
        tpu.wait_indirect_dma semaphore(%run_scoped3A_650 : memref<!tpu.dma_semaphore, #tpu.memory_space<semaphore_mem>>) src(%dma_wait3A_668 : memref<128x128xf32, #tpu.memory_space<vmem>>) dst(%dma_wait3A_678 : memref<10240x128xf32, #tpu.memory_space<vmem_shared>>)
        tpu.yield
      }) : () -> ()
      %dma_start3A_253 = arith.constant 0 : i32
      %dma_start3A_254 = arith.constant 6 : i32
      %dma_start3A_255 = arith.constant 0 : i32
      %dma_start3A_256 = arith.constant 0 : i32
      %dma_start3A_257 = arith.constant 0 : i32
      %dma_start3A_258 = tpu.memref_slice %arg9[%dma_start3A_255, %dma_start3A_256, %dma_start3A_257] : memref<2x128x128xf32, #tpu.memory_space<vmem>> -> memref<1x128x128xf32, #tpu.memory_space<vmem>>
      %dma_start3A_259 = tpu.memref_squeeze %dma_start3A_258 : memref<1x128x128xf32, #tpu.memory_space<vmem>> -> memref<128x128xf32, #tpu.memory_space<vmem>>
      %dma_start3A_260 = arith.constant 0 : i32
      %dma_start3A_261 = arith.constant 0 : i32
      %dma_start3A_262 = tpu.memref_slice %arg7[%dma_start3A_253, %dma_start3A_260, %dma_start3A_261] : memref<2x8x128xi32, #tpu.memory_space<vmem>> -> memref<1x8x128xi32, #tpu.memory_space<vmem>>
      %dma_start3A_263 = tpu.memref_squeeze %dma_start3A_262 : memref<1x8x128xi32, #tpu.memory_space<vmem>> -> memref<8x128xi32, #tpu.memory_space<vmem>>
      %dma_start3A_264 = arith.constant 0 : i32
      %dma_start3A_265 = tpu.memref_slice %dma_start3A_263[%dma_start3A_254, %dma_start3A_264] : memref<8x128xi32, #tpu.memory_space<vmem>> -> memref<1x128xi32, #tpu.memory_space<vmem>>
      %dma_start3A_266 = tpu.memref_squeeze %dma_start3A_265 : memref<1x128xi32, #tpu.memory_space<vmem>> -> memref<128xi32, #tpu.memory_space<vmem>>
      %dma_start3A_267 = arith.constant 0 : i32
      %dma_start3A_268 = arith.constant 0 : i32
      %dma_start3A_269 = tpu.memref_slice %arg2[%dma_start3A_267, %dma_start3A_268] : memref<10000x128xf32, #tpu.memory_space<hbm>> -> memref<10000x128xf32, #tpu.memory_space<hbm>>
      tpu.enqueue_indirect_dma source(%dma_start3A_269 : memref<10000x128xf32, #tpu.memory_space<hbm>>) target(%dma_start3A_259 : memref<128x128xf32, #tpu.memory_space<vmem>>) offsets(%dma_start3A_266 : memref<128xi32, #tpu.memory_space<vmem>>) semaphore(%arg11 : memref<!tpu.dma_semaphore, #tpu.memory_space<semaphore_mem>>)
      %dma_wait3A_270 = arith.constant 0 : i32
      %dma_wait3A_271 = arith.constant 5 : i32
      %dma_wait3A_272 = arith.constant 1 : i32
      %dma_wait3A_273 = arith.constant 0 : i32
      %dma_wait3A_274 = arith.constant 0 : i32
      %dma_wait3A_275 = tpu.memref_slice %arg9[%dma_wait3A_272, %dma_wait3A_273, %dma_wait3A_274] : memref<2x128x128xf32, #tpu.memory_space<vmem>> -> memref<1x128x128xf32, #tpu.memory_space<vmem>>
      %dma_wait3A_276 = tpu.memref_squeeze %dma_wait3A_275 : memref<1x128x128xf32, #tpu.memory_space<vmem>> -> memref<128x128xf32, #tpu.memory_space<vmem>>
      %dma_wait3A_277 = arith.constant 0 : i32
      %dma_wait3A_278 = arith.constant 0 : i32
      %dma_wait3A_279 = tpu.memref_slice %arg7[%dma_wait3A_270, %dma_wait3A_277, %dma_wait3A_278] : memref<2x8x128xi32, #tpu.memory_space<vmem>> -> memref<1x8x128xi32, #tpu.memory_space<vmem>>
      %dma_wait3A_280 = tpu.memref_squeeze %dma_wait3A_279 : memref<1x8x128xi32, #tpu.memory_space<vmem>> -> memref<8x128xi32, #tpu.memory_space<vmem>>
      %dma_wait3A_281 = arith.constant 0 : i32
      %dma_wait3A_282 = tpu.memref_slice %dma_wait3A_280[%dma_wait3A_271, %dma_wait3A_281] : memref<8x128xi32, #tpu.memory_space<vmem>> -> memref<1x128xi32, #tpu.memory_space<vmem>>
      %dma_wait3A_283 = tpu.memref_squeeze %dma_wait3A_282 : memref<1x128xi32, #tpu.memory_space<vmem>> -> memref<128xi32, #tpu.memory_space<vmem>>
      %dma_wait3A_284 = arith.constant 0 : i32
      %dma_wait3A_285 = arith.constant 0 : i32
      %dma_wait3A_286 = tpu.memref_slice %arg2[%dma_wait3A_284, %dma_wait3A_285] : memref<10000x128xf32, #tpu.memory_space<hbm>> -> memref<10000x128xf32, #tpu.memory_space<hbm>>
      tpu.wait_indirect_dma semaphore(%arg12 : memref<!tpu.dma_semaphore, #tpu.memory_space<semaphore_mem>>) src(%dma_wait3A_286 : memref<10000x128xf32, #tpu.memory_space<hbm>>) dst(%dma_wait3A_276 : memref<128x128xf32, #tpu.memory_space<vmem>>)
      %run_scoped3A_287 = arith.constant 1 : i32
      %run_scoped3A_288 = arith.constant 0 : i32
      %run_scoped3A_289 = arith.constant 5 : i32
      "tpu.region"() ({
        %run_scoped3A_650 = tpu.sem_alloc : memref<!tpu.dma_semaphore, #tpu.memory_space<semaphore_mem>>
        %dma_start3A_651 = arith.constant 0 : i32
        %dma_start3A_652 = arith.constant 0 : i32
        %dma_start3A_653 = tpu.memref_slice %arg9[%run_scoped3A_287, %dma_start3A_651, %dma_start3A_652] : memref<2x128x128xf32, #tpu.memory_space<vmem>> -> memref<1x128x128xf32, #tpu.memory_space<vmem>>
        %dma_start3A_654 = tpu.memref_squeeze %dma_start3A_653 : memref<1x128x128xf32, #tpu.memory_space<vmem>> -> memref<128x128xf32, #tpu.memory_space<vmem>>
        %dma_start3A_655 = arith.constant 0 : i32
        %dma_start3A_656 = arith.constant 0 : i32
        %dma_start3A_657 = tpu.memref_slice %arg8[%run_scoped3A_288, %dma_start3A_655, %dma_start3A_656] : memref<2x8x128xi32, #tpu.memory_space<vmem>> -> memref<1x8x128xi32, #tpu.memory_space<vmem>>
        %dma_start3A_658 = tpu.memref_squeeze %dma_start3A_657 : memref<1x8x128xi32, #tpu.memory_space<vmem>> -> memref<8x128xi32, #tpu.memory_space<vmem>>
        %dma_start3A_659 = arith.constant 0 : i32
        %dma_start3A_660 = tpu.memref_slice %dma_start3A_658[%run_scoped3A_289, %dma_start3A_659] : memref<8x128xi32, #tpu.memory_space<vmem>> -> memref<1x128xi32, #tpu.memory_space<vmem>>
        %dma_start3A_661 = tpu.memref_squeeze %dma_start3A_660 : memref<1x128xi32, #tpu.memory_space<vmem>> -> memref<128xi32, #tpu.memory_space<vmem>>
        %dma_start3A_662 = arith.constant 0 : i32
        %dma_start3A_663 = arith.constant 0 : i32
        %dma_start3A_664 = tpu.memref_slice %arg10[%dma_start3A_662, %dma_start3A_663] : memref<10240x128xf32, #tpu.memory_space<vmem_shared>> -> memref<10240x128xf32, #tpu.memory_space<vmem_shared>>
        tpu.enqueue_indirect_dma source(%dma_start3A_654 : memref<128x128xf32, #tpu.memory_space<vmem>>) target(%dma_start3A_664 : memref<10240x128xf32, #tpu.memory_space<vmem_shared>>) offsets(%dma_start3A_661 : memref<128xi32, #tpu.memory_space<vmem>>) semaphore(%run_scoped3A_650 : memref<!tpu.dma_semaphore, #tpu.memory_space<semaphore_mem>>) {add = true}
        %dma_wait3A_665 = arith.constant 0 : i32
        %dma_wait3A_666 = arith.constant 0 : i32
        %dma_wait3A_667 = tpu.memref_slice %arg9[%run_scoped3A_287, %dma_wait3A_665, %dma_wait3A_666] : memref<2x128x128xf32, #tpu.memory_space<vmem>> -> memref<1x128x128xf32, #tpu.memory_space<vmem>>
        %dma_wait3A_668 = tpu.memref_squeeze %dma_wait3A_667 : memref<1x128x128xf32, #tpu.memory_space<vmem>> -> memref<128x128xf32, #tpu.memory_space<vmem>>
        %dma_wait3A_669 = arith.constant 0 : i32
        %dma_wait3A_670 = arith.constant 0 : i32
        %dma_wait3A_671 = tpu.memref_slice %arg8[%run_scoped3A_288, %dma_wait3A_669, %dma_wait3A_670] : memref<2x8x128xi32, #tpu.memory_space<vmem>> -> memref<1x8x128xi32, #tpu.memory_space<vmem>>
        %dma_wait3A_672 = tpu.memref_squeeze %dma_wait3A_671 : memref<1x8x128xi32, #tpu.memory_space<vmem>> -> memref<8x128xi32, #tpu.memory_space<vmem>>
        %dma_wait3A_673 = arith.constant 0 : i32
        %dma_wait3A_674 = tpu.memref_slice %dma_wait3A_672[%run_scoped3A_289, %dma_wait3A_673] : memref<8x128xi32, #tpu.memory_space<vmem>> -> memref<1x128xi32, #tpu.memory_space<vmem>>
        %dma_wait3A_675 = tpu.memref_squeeze %dma_wait3A_674 : memref<1x128xi32, #tpu.memory_space<vmem>> -> memref<128xi32, #tpu.memory_space<vmem>>
        %dma_wait3A_676 = arith.constant 0 : i32
        %dma_wait3A_677 = arith.constant 0 : i32
        %dma_wait3A_678 = tpu.memref_slice %arg10[%dma_wait3A_676, %dma_wait3A_677] : memref<10240x128xf32, #tpu.memory_space<vmem_shared>> -> memref<10240x128xf32, #tpu.memory_space<vmem_shared>>
        tpu.wait_indirect_dma semaphore(%run_scoped3A_650 : memref<!tpu.dma_semaphore, #tpu.memory_space<semaphore_mem>>) src(%dma_wait3A_668 : memref<128x128xf32, #tpu.memory_space<vmem>>) dst(%dma_wait3A_678 : memref<10240x128xf32, #tpu.memory_space<vmem_shared>>)
        tpu.yield
      }) : () -> ()
      %dma_start3A_290 = arith.constant 0 : i32
      %dma_start3A_291 = arith.constant 7 : i32
      %dma_start3A_292 = arith.constant 1 : i32
      %dma_start3A_293 = arith.constant 0 : i32
      %dma_start3A_294 = arith.constant 0 : i32
      %dma_start3A_295 = tpu.memref_slice %arg9[%dma_start3A_292, %dma_start3A_293, %dma_start3A_294] : memref<2x128x128xf32, #tpu.memory_space<vmem>> -> memref<1x128x128xf32, #tpu.memory_space<vmem>>
      %dma_start3A_296 = tpu.memref_squeeze %dma_start3A_295 : memref<1x128x128xf32, #tpu.memory_space<vmem>> -> memref<128x128xf32, #tpu.memory_space<vmem>>
      %dma_start3A_297 = arith.constant 0 : i32
      %dma_start3A_298 = arith.constant 0 : i32
      %dma_start3A_299 = tpu.memref_slice %arg7[%dma_start3A_290, %dma_start3A_297, %dma_start3A_298] : memref<2x8x128xi32, #tpu.memory_space<vmem>> -> memref<1x8x128xi32, #tpu.memory_space<vmem>>
      %dma_start3A_300 = tpu.memref_squeeze %dma_start3A_299 : memref<1x8x128xi32, #tpu.memory_space<vmem>> -> memref<8x128xi32, #tpu.memory_space<vmem>>
      %dma_start3A_301 = arith.constant 0 : i32
      %dma_start3A_302 = tpu.memref_slice %dma_start3A_300[%dma_start3A_291, %dma_start3A_301] : memref<8x128xi32, #tpu.memory_space<vmem>> -> memref<1x128xi32, #tpu.memory_space<vmem>>
      %dma_start3A_303 = tpu.memref_squeeze %dma_start3A_302 : memref<1x128xi32, #tpu.memory_space<vmem>> -> memref<128xi32, #tpu.memory_space<vmem>>
      %dma_start3A_304 = arith.constant 0 : i32
      %dma_start3A_305 = arith.constant 0 : i32
      %dma_start3A_306 = tpu.memref_slice %arg2[%dma_start3A_304, %dma_start3A_305] : memref<10000x128xf32, #tpu.memory_space<hbm>> -> memref<10000x128xf32, #tpu.memory_space<hbm>>
      tpu.enqueue_indirect_dma source(%dma_start3A_306 : memref<10000x128xf32, #tpu.memory_space<hbm>>) target(%dma_start3A_296 : memref<128x128xf32, #tpu.memory_space<vmem>>) offsets(%dma_start3A_303 : memref<128xi32, #tpu.memory_space<vmem>>) semaphore(%arg12 : memref<!tpu.dma_semaphore, #tpu.memory_space<semaphore_mem>>)
      %dma_wait3A_307 = arith.constant 0 : i32
      %dma_wait3A_308 = arith.constant 6 : i32
      %dma_wait3A_309 = arith.constant 0 : i32
      %dma_wait3A_310 = arith.constant 0 : i32
      %dma_wait3A_311 = arith.constant 0 : i32
      %dma_wait3A_312 = tpu.memref_slice %arg9[%dma_wait3A_309, %dma_wait3A_310, %dma_wait3A_311] : memref<2x128x128xf32, #tpu.memory_space<vmem>> -> memref<1x128x128xf32, #tpu.memory_space<vmem>>
      %dma_wait3A_313 = tpu.memref_squeeze %dma_wait3A_312 : memref<1x128x128xf32, #tpu.memory_space<vmem>> -> memref<128x128xf32, #tpu.memory_space<vmem>>
      %dma_wait3A_314 = arith.constant 0 : i32
      %dma_wait3A_315 = arith.constant 0 : i32
      %dma_wait3A_316 = tpu.memref_slice %arg7[%dma_wait3A_307, %dma_wait3A_314, %dma_wait3A_315] : memref<2x8x128xi32, #tpu.memory_space<vmem>> -> memref<1x8x128xi32, #tpu.memory_space<vmem>>
      %dma_wait3A_317 = tpu.memref_squeeze %dma_wait3A_316 : memref<1x8x128xi32, #tpu.memory_space<vmem>> -> memref<8x128xi32, #tpu.memory_space<vmem>>
      %dma_wait3A_318 = arith.constant 0 : i32
      %dma_wait3A_319 = tpu.memref_slice %dma_wait3A_317[%dma_wait3A_308, %dma_wait3A_318] : memref<8x128xi32, #tpu.memory_space<vmem>> -> memref<1x128xi32, #tpu.memory_space<vmem>>
      %dma_wait3A_320 = tpu.memref_squeeze %dma_wait3A_319 : memref<1x128xi32, #tpu.memory_space<vmem>> -> memref<128xi32, #tpu.memory_space<vmem>>
      %dma_wait3A_321 = arith.constant 0 : i32
      %dma_wait3A_322 = arith.constant 0 : i32
      %dma_wait3A_323 = tpu.memref_slice %arg2[%dma_wait3A_321, %dma_wait3A_322] : memref<10000x128xf32, #tpu.memory_space<hbm>> -> memref<10000x128xf32, #tpu.memory_space<hbm>>
      tpu.wait_indirect_dma semaphore(%arg11 : memref<!tpu.dma_semaphore, #tpu.memory_space<semaphore_mem>>) src(%dma_wait3A_323 : memref<10000x128xf32, #tpu.memory_space<hbm>>) dst(%dma_wait3A_313 : memref<128x128xf32, #tpu.memory_space<vmem>>)
      %run_scoped3A_324 = arith.constant 0 : i32
      %run_scoped3A_325 = arith.constant 0 : i32
      %run_scoped3A_326 = arith.constant 6 : i32
      "tpu.region"() ({
        %run_scoped3A_650 = tpu.sem_alloc : memref<!tpu.dma_semaphore, #tpu.memory_space<semaphore_mem>>
        %dma_start3A_651 = arith.constant 0 : i32
        %dma_start3A_652 = arith.constant 0 : i32
        %dma_start3A_653 = tpu.memref_slice %arg9[%run_scoped3A_324, %dma_start3A_651, %dma_start3A_652] : memref<2x128x128xf32, #tpu.memory_space<vmem>> -> memref<1x128x128xf32, #tpu.memory_space<vmem>>
        %dma_start3A_654 = tpu.memref_squeeze %dma_start3A_653 : memref<1x128x128xf32, #tpu.memory_space<vmem>> -> memref<128x128xf32, #tpu.memory_space<vmem>>
        %dma_start3A_655 = arith.constant 0 : i32
        %dma_start3A_656 = arith.constant 0 : i32
        %dma_start3A_657 = tpu.memref_slice %arg8[%run_scoped3A_325, %dma_start3A_655, %dma_start3A_656] : memref<2x8x128xi32, #tpu.memory_space<vmem>> -> memref<1x8x128xi32, #tpu.memory_space<vmem>>
        %dma_start3A_658 = tpu.memref_squeeze %dma_start3A_657 : memref<1x8x128xi32, #tpu.memory_space<vmem>> -> memref<8x128xi32, #tpu.memory_space<vmem>>
        %dma_start3A_659 = arith.constant 0 : i32
        %dma_start3A_660 = tpu.memref_slice %dma_start3A_658[%run_scoped3A_326, %dma_start3A_659] : memref<8x128xi32, #tpu.memory_space<vmem>> -> memref<1x128xi32, #tpu.memory_space<vmem>>
        %dma_start3A_661 = tpu.memref_squeeze %dma_start3A_660 : memref<1x128xi32, #tpu.memory_space<vmem>> -> memref<128xi32, #tpu.memory_space<vmem>>
        %dma_start3A_662 = arith.constant 0 : i32
        %dma_start3A_663 = arith.constant 0 : i32
        %dma_start3A_664 = tpu.memref_slice %arg10[%dma_start3A_662, %dma_start3A_663] : memref<10240x128xf32, #tpu.memory_space<vmem_shared>> -> memref<10240x128xf32, #tpu.memory_space<vmem_shared>>
        tpu.enqueue_indirect_dma source(%dma_start3A_654 : memref<128x128xf32, #tpu.memory_space<vmem>>) target(%dma_start3A_664 : memref<10240x128xf32, #tpu.memory_space<vmem_shared>>) offsets(%dma_start3A_661 : memref<128xi32, #tpu.memory_space<vmem>>) semaphore(%run_scoped3A_650 : memref<!tpu.dma_semaphore, #tpu.memory_space<semaphore_mem>>) {add = true}
        %dma_wait3A_665 = arith.constant 0 : i32
        %dma_wait3A_666 = arith.constant 0 : i32
        %dma_wait3A_667 = tpu.memref_slice %arg9[%run_scoped3A_324, %dma_wait3A_665, %dma_wait3A_666] : memref<2x128x128xf32, #tpu.memory_space<vmem>> -> memref<1x128x128xf32, #tpu.memory_space<vmem>>
        %dma_wait3A_668 = tpu.memref_squeeze %dma_wait3A_667 : memref<1x128x128xf32, #tpu.memory_space<vmem>> -> memref<128x128xf32, #tpu.memory_space<vmem>>
        %dma_wait3A_669 = arith.constant 0 : i32
        %dma_wait3A_670 = arith.constant 0 : i32
        %dma_wait3A_671 = tpu.memref_slice %arg8[%run_scoped3A_325, %dma_wait3A_669, %dma_wait3A_670] : memref<2x8x128xi32, #tpu.memory_space<vmem>> -> memref<1x8x128xi32, #tpu.memory_space<vmem>>
        %dma_wait3A_672 = tpu.memref_squeeze %dma_wait3A_671 : memref<1x8x128xi32, #tpu.memory_space<vmem>> -> memref<8x128xi32, #tpu.memory_space<vmem>>
        %dma_wait3A_673 = arith.constant 0 : i32
        %dma_wait3A_674 = tpu.memref_slice %dma_wait3A_672[%run_scoped3A_326, %dma_wait3A_673] : memref<8x128xi32, #tpu.memory_space<vmem>> -> memref<1x128xi32, #tpu.memory_space<vmem>>
        %dma_wait3A_675 = tpu.memref_squeeze %dma_wait3A_674 : memref<1x128xi32, #tpu.memory_space<vmem>> -> memref<128xi32, #tpu.memory_space<vmem>>
        %dma_wait3A_676 = arith.constant 0 : i32
        %dma_wait3A_677 = arith.constant 0 : i32
        %dma_wait3A_678 = tpu.memref_slice %arg10[%dma_wait3A_676, %dma_wait3A_677] : memref<10240x128xf32, #tpu.memory_space<vmem_shared>> -> memref<10240x128xf32, #tpu.memory_space<vmem_shared>>
        tpu.wait_indirect_dma semaphore(%run_scoped3A_650 : memref<!tpu.dma_semaphore, #tpu.memory_space<semaphore_mem>>) src(%dma_wait3A_668 : memref<128x128xf32, #tpu.memory_space<vmem>>) dst(%dma_wait3A_678 : memref<10240x128xf32, #tpu.memory_space<vmem_shared>>)
        tpu.yield
      }) : () -> ()
      %add3A_327 = arith.constant 1 : i32
      %add3A_328 = arith.addi %add3A_85, %add3A_327 : i32
      %lt3A = arith.constant 10 : i32
      %lt3A_329 = arith.cmpi slt, %add3A_328, %lt3A : i32
      %convert_element_type3A = arith.extui %lt3A_329 : i1 to i32
      %cond3A = arith.constant 0 : i32
      %cond3A_330 = arith.cmpi ne, %convert_element_type3A, %cond3A : i32
      scf.if %cond3A_330 {
        %dma_start3A_650 = arith.constant 1 : i32
        %dma_start3A_651 = arith.constant 0 : i32
        %dma_start3A_652 = arith.constant 0 : i32
        %dma_start3A_653 = arith.constant 0 : i32
        %dma_start3A_654 = arith.constant 0 : i32
        %dma_start3A_655 = tpu.memref_slice %arg9[%dma_start3A_652, %dma_start3A_653, %dma_start3A_654] : memref<2x128x128xf32, #tpu.memory_space<vmem>> -> memref<1x128x128xf32, #tpu.memory_space<vmem>>
        %dma_start3A_656 = tpu.memref_squeeze %dma_start3A_655 : memref<1x128x128xf32, #tpu.memory_space<vmem>> -> memref<128x128xf32, #tpu.memory_space<vmem>>
        %dma_start3A_657 = arith.constant 0 : i32
        %dma_start3A_658 = arith.constant 0 : i32
        %dma_start3A_659 = tpu.memref_slice %arg7[%dma_start3A_650, %dma_start3A_657, %dma_start3A_658] : memref<2x8x128xi32, #tpu.memory_space<vmem>> -> memref<1x8x128xi32, #tpu.memory_space<vmem>>
        %dma_start3A_660 = tpu.memref_squeeze %dma_start3A_659 : memref<1x8x128xi32, #tpu.memory_space<vmem>> -> memref<8x128xi32, #tpu.memory_space<vmem>>
        %dma_start3A_661 = arith.constant 0 : i32
        %dma_start3A_662 = tpu.memref_slice %dma_start3A_660[%dma_start3A_651, %dma_start3A_661] : memref<8x128xi32, #tpu.memory_space<vmem>> -> memref<1x128xi32, #tpu.memory_space<vmem>>
        %dma_start3A_663 = tpu.memref_squeeze %dma_start3A_662 : memref<1x128xi32, #tpu.memory_space<vmem>> -> memref<128xi32, #tpu.memory_space<vmem>>
        %dma_start3A_664 = arith.constant 0 : i32
        %dma_start3A_665 = arith.constant 0 : i32
        %dma_start3A_666 = tpu.memref_slice %arg2[%dma_start3A_664, %dma_start3A_665] : memref<10000x128xf32, #tpu.memory_space<hbm>> -> memref<10000x128xf32, #tpu.memory_space<hbm>>
        tpu.enqueue_indirect_dma source(%dma_start3A_666 : memref<10000x128xf32, #tpu.memory_space<hbm>>) target(%dma_start3A_656 : memref<128x128xf32, #tpu.memory_space<vmem>>) offsets(%dma_start3A_663 : memref<128xi32, #tpu.memory_space<vmem>>) semaphore(%arg11 : memref<!tpu.dma_semaphore, #tpu.memory_space<semaphore_mem>>)
      } else {
      }
      %dma_wait3A_331 = arith.constant 0 : i32
      %dma_wait3A_332 = arith.constant 7 : i32
      %dma_wait3A_333 = arith.constant 1 : i32
      %dma_wait3A_334 = arith.constant 0 : i32
      %dma_wait3A_335 = arith.constant 0 : i32
      %dma_wait3A_336 = tpu.memref_slice %arg9[%dma_wait3A_333, %dma_wait3A_334, %dma_wait3A_335] : memref<2x128x128xf32, #tpu.memory_space<vmem>> -> memref<1x128x128xf32, #tpu.memory_space<vmem>>
      %dma_wait3A_337 = tpu.memref_squeeze %dma_wait3A_336 : memref<1x128x128xf32, #tpu.memory_space<vmem>> -> memref<128x128xf32, #tpu.memory_space<vmem>>
      %dma_wait3A_338 = arith.constant 0 : i32
      %dma_wait3A_339 = arith.constant 0 : i32
      %dma_wait3A_340 = tpu.memref_slice %arg7[%dma_wait3A_331, %dma_wait3A_338, %dma_wait3A_339] : memref<2x8x128xi32, #tpu.memory_space<vmem>> -> memref<1x8x128xi32, #tpu.memory_space<vmem>>
      %dma_wait3A_341 = tpu.memref_squeeze %dma_wait3A_340 : memref<1x8x128xi32, #tpu.memory_space<vmem>> -> memref<8x128xi32, #tpu.memory_space<vmem>>
      %dma_wait3A_342 = arith.constant 0 : i32
      %dma_wait3A_343 = tpu.memref_slice %dma_wait3A_341[%dma_wait3A_332, %dma_wait3A_342] : memref<8x128xi32, #tpu.memory_space<vmem>> -> memref<1x128xi32, #tpu.memory_space<vmem>>
      %dma_wait3A_344 = tpu.memref_squeeze %dma_wait3A_343 : memref<1x128xi32, #tpu.memory_space<vmem>> -> memref<128xi32, #tpu.memory_space<vmem>>
      %dma_wait3A_345 = arith.constant 0 : i32
      %dma_wait3A_346 = arith.constant 0 : i32
      %dma_wait3A_347 = tpu.memref_slice %arg2[%dma_wait3A_345, %dma_wait3A_346] : memref<10000x128xf32, #tpu.memory_space<hbm>> -> memref<10000x128xf32, #tpu.memory_space<hbm>>
      tpu.wait_indirect_dma semaphore(%arg12 : memref<!tpu.dma_semaphore, #tpu.memory_space<semaphore_mem>>) src(%dma_wait3A_347 : memref<10000x128xf32, #tpu.memory_space<hbm>>) dst(%dma_wait3A_337 : memref<128x128xf32, #tpu.memory_space<vmem>>)
      %run_scoped3A_348 = arith.constant 1 : i32
      %run_scoped3A_349 = arith.constant 0 : i32
      %run_scoped3A_350 = arith.constant 7 : i32
      "tpu.region"() ({
        %run_scoped3A_650 = tpu.sem_alloc : memref<!tpu.dma_semaphore, #tpu.memory_space<semaphore_mem>>
        %dma_start3A_651 = arith.constant 0 : i32
        %dma_start3A_652 = arith.constant 0 : i32
        %dma_start3A_653 = tpu.memref_slice %arg9[%run_scoped3A_348, %dma_start3A_651, %dma_start3A_652] : memref<2x128x128xf32, #tpu.memory_space<vmem>> -> memref<1x128x128xf32, #tpu.memory_space<vmem>>
        %dma_start3A_654 = tpu.memref_squeeze %dma_start3A_653 : memref<1x128x128xf32, #tpu.memory_space<vmem>> -> memref<128x128xf32, #tpu.memory_space<vmem>>
        %dma_start3A_655 = arith.constant 0 : i32
        %dma_start3A_656 = arith.constant 0 : i32
        %dma_start3A_657 = tpu.memref_slice %arg8[%run_scoped3A_349, %dma_start3A_655, %dma_start3A_656] : memref<2x8x128xi32, #tpu.memory_space<vmem>> -> memref<1x8x128xi32, #tpu.memory_space<vmem>>
        %dma_start3A_658 = tpu.memref_squeeze %dma_start3A_657 : memref<1x8x128xi32, #tpu.memory_space<vmem>> -> memref<8x128xi32, #tpu.memory_space<vmem>>
        %dma_start3A_659 = arith.constant 0 : i32
        %dma_start3A_660 = tpu.memref_slice %dma_start3A_658[%run_scoped3A_350, %dma_start3A_659] : memref<8x128xi32, #tpu.memory_space<vmem>> -> memref<1x128xi32, #tpu.memory_space<vmem>>
        %dma_start3A_661 = tpu.memref_squeeze %dma_start3A_660 : memref<1x128xi32, #tpu.memory_space<vmem>> -> memref<128xi32, #tpu.memory_space<vmem>>
        %dma_start3A_662 = arith.constant 0 : i32
        %dma_start3A_663 = arith.constant 0 : i32
        %dma_start3A_664 = tpu.memref_slice %arg10[%dma_start3A_662, %dma_start3A_663] : memref<10240x128xf32, #tpu.memory_space<vmem_shared>> -> memref<10240x128xf32, #tpu.memory_space<vmem_shared>>
        tpu.enqueue_indirect_dma source(%dma_start3A_654 : memref<128x128xf32, #tpu.memory_space<vmem>>) target(%dma_start3A_664 : memref<10240x128xf32, #tpu.memory_space<vmem_shared>>) offsets(%dma_start3A_661 : memref<128xi32, #tpu.memory_space<vmem>>) semaphore(%run_scoped3A_650 : memref<!tpu.dma_semaphore, #tpu.memory_space<semaphore_mem>>) {add = true}
        %dma_wait3A_665 = arith.constant 0 : i32
        %dma_wait3A_666 = arith.constant 0 : i32
        %dma_wait3A_667 = tpu.memref_slice %arg9[%run_scoped3A_348, %dma_wait3A_665, %dma_wait3A_666] : memref<2x128x128xf32, #tpu.memory_space<vmem>> -> memref<1x128x128xf32, #tpu.memory_space<vmem>>
        %dma_wait3A_668 = tpu.memref_squeeze %dma_wait3A_667 : memref<1x128x128xf32, #tpu.memory_space<vmem>> -> memref<128x128xf32, #tpu.memory_space<vmem>>
        %dma_wait3A_669 = arith.constant 0 : i32
        %dma_wait3A_670 = arith.constant 0 : i32
        %dma_wait3A_671 = tpu.memref_slice %arg8[%run_scoped3A_349, %dma_wait3A_669, %dma_wait3A_670] : memref<2x8x128xi32, #tpu.memory_space<vmem>> -> memref<1x8x128xi32, #tpu.memory_space<vmem>>
        %dma_wait3A_672 = tpu.memref_squeeze %dma_wait3A_671 : memref<1x8x128xi32, #tpu.memory_space<vmem>> -> memref<8x128xi32, #tpu.memory_space<vmem>>
        %dma_wait3A_673 = arith.constant 0 : i32
        %dma_wait3A_674 = tpu.memref_slice %dma_wait3A_672[%run_scoped3A_350, %dma_wait3A_673] : memref<8x128xi32, #tpu.memory_space<vmem>> -> memref<1x128xi32, #tpu.memory_space<vmem>>
        %dma_wait3A_675 = tpu.memref_squeeze %dma_wait3A_674 : memref<1x128xi32, #tpu.memory_space<vmem>> -> memref<128xi32, #tpu.memory_space<vmem>>
        %dma_wait3A_676 = arith.constant 0 : i32
        %dma_wait3A_677 = arith.constant 0 : i32
        %dma_wait3A_678 = tpu.memref_slice %arg10[%dma_wait3A_676, %dma_wait3A_677] : memref<10240x128xf32, #tpu.memory_space<vmem_shared>> -> memref<10240x128xf32, #tpu.memory_space<vmem_shared>>
        tpu.wait_indirect_dma semaphore(%run_scoped3A_650 : memref<!tpu.dma_semaphore, #tpu.memory_space<semaphore_mem>>) src(%dma_wait3A_668 : memref<128x128xf32, #tpu.memory_space<vmem>>) dst(%dma_wait3A_678 : memref<10240x128xf32, #tpu.memory_space<vmem_shared>>)
        tpu.yield
      }) : () -> ()
      %add3A_351 = arith.constant 1 : i32
      %add3A_352 = arith.addi %add3A_85, %add3A_351 : i32
      %lt3A_353 = arith.constant 10 : i32
      %lt3A_354 = arith.cmpi slt, %add3A_352, %lt3A_353 : i32
      %convert_element_type3A_355 = arith.extui %lt3A_354 : i1 to i32
      %cond3A_356 = arith.constant 0 : i32
      %cond3A_357 = arith.cmpi ne, %convert_element_type3A_355, %cond3A_356 : i32
      scf.if %cond3A_357 {
        %dma_start3A_650 = arith.constant 1 : i32
        %dma_start3A_651 = arith.constant 1 : i32
        %dma_start3A_652 = arith.constant 1 : i32
        %dma_start3A_653 = arith.constant 0 : i32
        %dma_start3A_654 = arith.constant 0 : i32
        %dma_start3A_655 = tpu.memref_slice %arg9[%dma_start3A_652, %dma_start3A_653, %dma_start3A_654] : memref<2x128x128xf32, #tpu.memory_space<vmem>> -> memref<1x128x128xf32, #tpu.memory_space<vmem>>
        %dma_start3A_656 = tpu.memref_squeeze %dma_start3A_655 : memref<1x128x128xf32, #tpu.memory_space<vmem>> -> memref<128x128xf32, #tpu.memory_space<vmem>>
        %dma_start3A_657 = arith.constant 0 : i32
        %dma_start3A_658 = arith.constant 0 : i32
        %dma_start3A_659 = tpu.memref_slice %arg7[%dma_start3A_650, %dma_start3A_657, %dma_start3A_658] : memref<2x8x128xi32, #tpu.memory_space<vmem>> -> memref<1x8x128xi32, #tpu.memory_space<vmem>>
        %dma_start3A_660 = tpu.memref_squeeze %dma_start3A_659 : memref<1x8x128xi32, #tpu.memory_space<vmem>> -> memref<8x128xi32, #tpu.memory_space<vmem>>
        %dma_start3A_661 = arith.constant 0 : i32
        %dma_start3A_662 = tpu.memref_slice %dma_start3A_660[%dma_start3A_651, %dma_start3A_661] : memref<8x128xi32, #tpu.memory_space<vmem>> -> memref<1x128xi32, #tpu.memory_space<vmem>>
        %dma_start3A_663 = tpu.memref_squeeze %dma_start3A_662 : memref<1x128xi32, #tpu.memory_space<vmem>> -> memref<128xi32, #tpu.memory_space<vmem>>
        %dma_start3A_664 = arith.constant 0 : i32
        %dma_start3A_665 = arith.constant 0 : i32
        %dma_start3A_666 = tpu.memref_slice %arg2[%dma_start3A_664, %dma_start3A_665] : memref<10000x128xf32, #tpu.memory_space<hbm>> -> memref<10000x128xf32, #tpu.memory_space<hbm>>
        tpu.enqueue_indirect_dma source(%dma_start3A_666 : memref<10000x128xf32, #tpu.memory_space<hbm>>) target(%dma_start3A_656 : memref<128x128xf32, #tpu.memory_space<vmem>>) offsets(%dma_start3A_663 : memref<128xi32, #tpu.memory_space<vmem>>) semaphore(%arg12 : memref<!tpu.dma_semaphore, #tpu.memory_space<semaphore_mem>>)
      } else {
      }
      %add3A_358 = arith.constant 2 : i32
      %add3A_359 = arith.addi %add3A_85, %add3A_358 : i32
      %lt3A_360 = arith.constant 10 : i32
      %lt3A_361 = arith.cmpi slt, %add3A_359, %lt3A_360 : i32
      %convert_element_type3A_362 = arith.extui %lt3A_361 : i1 to i32
      %cond3A_363 = arith.constant 0 : i32
      %cond3A_364 = arith.cmpi ne, %convert_element_type3A_362, %cond3A_363 : i32
      scf.if %cond3A_364 {
        %add3A_650 = arith.constant 2 : i32
        %add3A_651 = arith.addi %add3A_85, %add3A_650 : i32
        %run_scoped3A_652 = arith.constant 0 : i32
        "tpu.region"() ({
          %run_scoped3A_656 = tpu.sem_alloc : memref<!tpu.dma_semaphore, #tpu.memory_space<semaphore_mem>>
          %dma_start3A_657 = arith.constant 0 : i32
          %dma_start3A_658 = arith.constant 0 : i32
          %dma_start3A_659 = tpu.memref_slice %arg7[%run_scoped3A_652, %dma_start3A_657, %dma_start3A_658] : memref<2x8x128xi32, #tpu.memory_space<vmem>> -> memref<1x8x128xi32, #tpu.memory_space<vmem>>
          %dma_start3A_660 = tpu.memref_squeeze %dma_start3A_659 : memref<1x8x128xi32, #tpu.memory_space<vmem>> -> memref<8x128xi32, #tpu.memory_space<vmem>>
          %dma_start3A_661 = arith.constant 0 : i32
          %dma_start3A_662 = arith.constant 0 : i32
          %dma_start3A_663 = tpu.memref_slice %arg3[%add3A, %add3A_651, %dma_start3A_661, %dma_start3A_662] : memref<32x10x8x128xi32, #tpu.memory_space<hbm>> -> memref<1x1x8x128xi32, #tpu.memory_space<hbm>>
          %dma_start3A_664 = tpu.memref_squeeze %dma_start3A_663 : memref<1x1x8x128xi32, #tpu.memory_space<hbm>> -> memref<8x128xi32, #tpu.memory_space<hbm>>
          %dma_start3A_665 = arith.constant 0 : i32
          %dma_start3A_666 = arith.constant 0 : i32
          %dma_start3A_667 = tpu.memref_slice %arg7[%run_scoped3A_652, %dma_start3A_665, %dma_start3A_666] : memref<2x8x128xi32, #tpu.memory_space<vmem>> -> memref<1x8x128xi32, #tpu.memory_space<vmem>>
          %dma_start3A_668 = tpu.memref_squeeze %dma_start3A_667 : memref<1x8x128xi32, #tpu.memory_space<vmem>> -> memref<8x128xi32, #tpu.memory_space<vmem>>
          %dma_start3A_669 = arith.constant 0 : i32
          %dma_start3A_670 = arith.constant 0 : i32
          %dma_start3A_671 = tpu.memref_slice %arg3[%add3A, %add3A_651, %dma_start3A_669, %dma_start3A_670] : memref<32x10x8x128xi32, #tpu.memory_space<hbm>> -> memref<1x1x8x128xi32, #tpu.memory_space<hbm>>
          %dma_start3A_672 = tpu.memref_squeeze %dma_start3A_671 : memref<1x1x8x128xi32, #tpu.memory_space<hbm>> -> memref<8x128xi32, #tpu.memory_space<hbm>>
          tpu.enqueue_dma source(%dma_start3A_672 : memref<8x128xi32, #tpu.memory_space<hbm>>) target(%dma_start3A_668 : memref<8x128xi32, #tpu.memory_space<vmem>>) target_semaphore(%run_scoped3A_656 : memref<!tpu.dma_semaphore, #tpu.memory_space<semaphore_mem>>)
          %dma_wait3A_673 = arith.constant 0 : i32
          %dma_wait3A_674 = arith.constant 0 : i32
          %dma_wait3A_675 = tpu.memref_slice %arg7[%run_scoped3A_652, %dma_wait3A_673, %dma_wait3A_674] : memref<2x8x128xi32, #tpu.memory_space<vmem>> -> memref<1x8x128xi32, #tpu.memory_space<vmem>>
          %dma_wait3A_676 = tpu.memref_squeeze %dma_wait3A_675 : memref<1x8x128xi32, #tpu.memory_space<vmem>> -> memref<8x128xi32, #tpu.memory_space<vmem>>
          %dma_wait3A_677 = arith.constant 0 : i32
          %dma_wait3A_678 = arith.constant 0 : i32
          %dma_wait3A_679 = tpu.memref_slice %arg3[%add3A, %add3A_651, %dma_wait3A_677, %dma_wait3A_678] : memref<32x10x8x128xi32, #tpu.memory_space<hbm>> -> memref<1x1x8x128xi32, #tpu.memory_space<hbm>>
          %dma_wait3A_680 = tpu.memref_squeeze %dma_wait3A_679 : memref<1x1x8x128xi32, #tpu.memory_space<hbm>> -> memref<8x128xi32, #tpu.memory_space<hbm>>
          %dma_wait3A_681 = arith.constant 0 : i32
          %dma_wait3A_682 = arith.constant 0 : i32
          %dma_wait3A_683 = tpu.memref_slice %arg7[%run_scoped3A_652, %dma_wait3A_681, %dma_wait3A_682] : memref<2x8x128xi32, #tpu.memory_space<vmem>> -> memref<1x8x128xi32, #tpu.memory_space<vmem>>
          %dma_wait3A_684 = tpu.memref_squeeze %dma_wait3A_683 : memref<1x8x128xi32, #tpu.memory_space<vmem>> -> memref<8x128xi32, #tpu.memory_space<vmem>>
          %dma_wait3A_685 = arith.constant 0 : i32
          %dma_wait3A_686 = arith.constant 0 : i32
          %dma_wait3A_687 = tpu.memref_slice %arg3[%add3A, %add3A_651, %dma_wait3A_685, %dma_wait3A_686] : memref<32x10x8x128xi32, #tpu.memory_space<hbm>> -> memref<1x1x8x128xi32, #tpu.memory_space<hbm>>
          %dma_wait3A_688 = tpu.memref_squeeze %dma_wait3A_687 : memref<1x1x8x128xi32, #tpu.memory_space<hbm>> -> memref<8x128xi32, #tpu.memory_space<hbm>>
          tpu.wait_dma2 semaphore(%run_scoped3A_656 : memref<!tpu.dma_semaphore, #tpu.memory_space<semaphore_mem>>) src(%dma_wait3A_688 : memref<8x128xi32, #tpu.memory_space<hbm>>) dst(%dma_wait3A_684 : memref<8x128xi32, #tpu.memory_space<vmem>>)
          tpu.yield
        }) : () -> ()
        %add3A_653 = arith.constant 2 : i32
        %add3A_654 = arith.addi %add3A_85, %add3A_653 : i32
        %run_scoped3A_655 = arith.constant 0 : i32
        "tpu.region"() ({
          %run_scoped3A_656 = tpu.sem_alloc : memref<!tpu.dma_semaphore, #tpu.memory_space<semaphore_mem>>
          %dma_start3A_657 = arith.constant 0 : i32
          %dma_start3A_658 = arith.constant 0 : i32
          %dma_start3A_659 = tpu.memref_slice %arg8[%run_scoped3A_655, %dma_start3A_657, %dma_start3A_658] : memref<2x8x128xi32, #tpu.memory_space<vmem>> -> memref<1x8x128xi32, #tpu.memory_space<vmem>>
          %dma_start3A_660 = tpu.memref_squeeze %dma_start3A_659 : memref<1x8x128xi32, #tpu.memory_space<vmem>> -> memref<8x128xi32, #tpu.memory_space<vmem>>
          %dma_start3A_661 = arith.constant 0 : i32
          %dma_start3A_662 = arith.constant 0 : i32
          %dma_start3A_663 = tpu.memref_slice %arg4[%add3A, %add3A_654, %dma_start3A_661, %dma_start3A_662] : memref<32x10x8x128xi32, #tpu.memory_space<hbm>> -> memref<1x1x8x128xi32, #tpu.memory_space<hbm>>
          %dma_start3A_664 = tpu.memref_squeeze %dma_start3A_663 : memref<1x1x8x128xi32, #tpu.memory_space<hbm>> -> memref<8x128xi32, #tpu.memory_space<hbm>>
          %dma_start3A_665 = arith.constant 0 : i32
          %dma_start3A_666 = arith.constant 0 : i32
          %dma_start3A_667 = tpu.memref_slice %arg8[%run_scoped3A_655, %dma_start3A_665, %dma_start3A_666] : memref<2x8x128xi32, #tpu.memory_space<vmem>> -> memref<1x8x128xi32, #tpu.memory_space<vmem>>
          %dma_start3A_668 = tpu.memref_squeeze %dma_start3A_667 : memref<1x8x128xi32, #tpu.memory_space<vmem>> -> memref<8x128xi32, #tpu.memory_space<vmem>>
          %dma_start3A_669 = arith.constant 0 : i32
          %dma_start3A_670 = arith.constant 0 : i32
          %dma_start3A_671 = tpu.memref_slice %arg4[%add3A, %add3A_654, %dma_start3A_669, %dma_start3A_670] : memref<32x10x8x128xi32, #tpu.memory_space<hbm>> -> memref<1x1x8x128xi32, #tpu.memory_space<hbm>>
          %dma_start3A_672 = tpu.memref_squeeze %dma_start3A_671 : memref<1x1x8x128xi32, #tpu.memory_space<hbm>> -> memref<8x128xi32, #tpu.memory_space<hbm>>
          tpu.enqueue_dma source(%dma_start3A_672 : memref<8x128xi32, #tpu.memory_space<hbm>>) target(%dma_start3A_668 : memref<8x128xi32, #tpu.memory_space<vmem>>) target_semaphore(%run_scoped3A_656 : memref<!tpu.dma_semaphore, #tpu.memory_space<semaphore_mem>>)
          %dma_wait3A_673 = arith.constant 0 : i32
          %dma_wait3A_674 = arith.constant 0 : i32
          %dma_wait3A_675 = tpu.memref_slice %arg8[%run_scoped3A_655, %dma_wait3A_673, %dma_wait3A_674] : memref<2x8x128xi32, #tpu.memory_space<vmem>> -> memref<1x8x128xi32, #tpu.memory_space<vmem>>
          %dma_wait3A_676 = tpu.memref_squeeze %dma_wait3A_675 : memref<1x8x128xi32, #tpu.memory_space<vmem>> -> memref<8x128xi32, #tpu.memory_space<vmem>>
          %dma_wait3A_677 = arith.constant 0 : i32
          %dma_wait3A_678 = arith.constant 0 : i32
          %dma_wait3A_679 = tpu.memref_slice %arg4[%add3A, %add3A_654, %dma_wait3A_677, %dma_wait3A_678] : memref<32x10x8x128xi32, #tpu.memory_space<hbm>> -> memref<1x1x8x128xi32, #tpu.memory_space<hbm>>
          %dma_wait3A_680 = tpu.memref_squeeze %dma_wait3A_679 : memref<1x1x8x128xi32, #tpu.memory_space<hbm>> -> memref<8x128xi32, #tpu.memory_space<hbm>>
          %dma_wait3A_681 = arith.constant 0 : i32
          %dma_wait3A_682 = arith.constant 0 : i32
          %dma_wait3A_683 = tpu.memref_slice %arg8[%run_scoped3A_655, %dma_wait3A_681, %dma_wait3A_682] : memref<2x8x128xi32, #tpu.memory_space<vmem>> -> memref<1x8x128xi32, #tpu.memory_space<vmem>>
          %dma_wait3A_684 = tpu.memref_squeeze %dma_wait3A_683 : memref<1x8x128xi32, #tpu.memory_space<vmem>> -> memref<8x128xi32, #tpu.memory_space<vmem>>
          %dma_wait3A_685 = arith.constant 0 : i32
          %dma_wait3A_686 = arith.constant 0 : i32
          %dma_wait3A_687 = tpu.memref_slice %arg4[%add3A, %add3A_654, %dma_wait3A_685, %dma_wait3A_686] : memref<32x10x8x128xi32, #tpu.memory_space<hbm>> -> memref<1x1x8x128xi32, #tpu.memory_space<hbm>>
          %dma_wait3A_688 = tpu.memref_squeeze %dma_wait3A_687 : memref<1x1x8x128xi32, #tpu.memory_space<hbm>> -> memref<8x128xi32, #tpu.memory_space<hbm>>
          tpu.wait_dma2 semaphore(%run_scoped3A_656 : memref<!tpu.dma_semaphore, #tpu.memory_space<semaphore_mem>>) src(%dma_wait3A_688 : memref<8x128xi32, #tpu.memory_space<hbm>>) dst(%dma_wait3A_684 : memref<8x128xi32, #tpu.memory_space<vmem>>)
          tpu.yield
        }) : () -> ()
      } else {
      }
      %add3A_365 = arith.constant 1 : i32
      %add3A_366 = arith.addi %add3A_83, %add3A_365 : i32
      %dma_wait3A_367 = arith.constant 1 : i32
      %dma_wait3A_368 = arith.constant 0 : i32
      %dma_wait3A_369 = arith.constant 0 : i32
      %dma_wait3A_370 = arith.constant 0 : i32
      %dma_wait3A_371 = arith.constant 0 : i32
      %dma_wait3A_372 = tpu.memref_slice %arg9[%dma_wait3A_369, %dma_wait3A_370, %dma_wait3A_371] : memref<2x128x128xf32, #tpu.memory_space<vmem>> -> memref<1x128x128xf32, #tpu.memory_space<vmem>>
      %dma_wait3A_373 = tpu.memref_squeeze %dma_wait3A_372 : memref<1x128x128xf32, #tpu.memory_space<vmem>> -> memref<128x128xf32, #tpu.memory_space<vmem>>
      %dma_wait3A_374 = arith.constant 0 : i32
      %dma_wait3A_375 = arith.constant 0 : i32
      %dma_wait3A_376 = tpu.memref_slice %arg7[%dma_wait3A_367, %dma_wait3A_374, %dma_wait3A_375] : memref<2x8x128xi32, #tpu.memory_space<vmem>> -> memref<1x8x128xi32, #tpu.memory_space<vmem>>
      %dma_wait3A_377 = tpu.memref_squeeze %dma_wait3A_376 : memref<1x8x128xi32, #tpu.memory_space<vmem>> -> memref<8x128xi32, #tpu.memory_space<vmem>>
      %dma_wait3A_378 = arith.constant 0 : i32
      %dma_wait3A_379 = tpu.memref_slice %dma_wait3A_377[%dma_wait3A_368, %dma_wait3A_378] : memref<8x128xi32, #tpu.memory_space<vmem>> -> memref<1x128xi32, #tpu.memory_space<vmem>>
      %dma_wait3A_380 = tpu.memref_squeeze %dma_wait3A_379 : memref<1x128xi32, #tpu.memory_space<vmem>> -> memref<128xi32, #tpu.memory_space<vmem>>
      %dma_wait3A_381 = arith.constant 0 : i32
      %dma_wait3A_382 = arith.constant 0 : i32
      %dma_wait3A_383 = tpu.memref_slice %arg2[%dma_wait3A_381, %dma_wait3A_382] : memref<10000x128xf32, #tpu.memory_space<hbm>> -> memref<10000x128xf32, #tpu.memory_space<hbm>>
      tpu.wait_indirect_dma semaphore(%arg11 : memref<!tpu.dma_semaphore, #tpu.memory_space<semaphore_mem>>) src(%dma_wait3A_383 : memref<10000x128xf32, #tpu.memory_space<hbm>>) dst(%dma_wait3A_373 : memref<128x128xf32, #tpu.memory_space<vmem>>)
      %run_scoped3A_384 = arith.constant 0 : i32
      %run_scoped3A_385 = arith.constant 1 : i32
      %run_scoped3A_386 = arith.constant 0 : i32
      "tpu.region"() ({
        %run_scoped3A_650 = tpu.sem_alloc : memref<!tpu.dma_semaphore, #tpu.memory_space<semaphore_mem>>
        %dma_start3A_651 = arith.constant 0 : i32
        %dma_start3A_652 = arith.constant 0 : i32
        %dma_start3A_653 = tpu.memref_slice %arg9[%run_scoped3A_384, %dma_start3A_651, %dma_start3A_652] : memref<2x128x128xf32, #tpu.memory_space<vmem>> -> memref<1x128x128xf32, #tpu.memory_space<vmem>>
        %dma_start3A_654 = tpu.memref_squeeze %dma_start3A_653 : memref<1x128x128xf32, #tpu.memory_space<vmem>> -> memref<128x128xf32, #tpu.memory_space<vmem>>
        %dma_start3A_655 = arith.constant 0 : i32
        %dma_start3A_656 = arith.constant 0 : i32
        %dma_start3A_657 = tpu.memref_slice %arg8[%run_scoped3A_385, %dma_start3A_655, %dma_start3A_656] : memref<2x8x128xi32, #tpu.memory_space<vmem>> -> memref<1x8x128xi32, #tpu.memory_space<vmem>>
        %dma_start3A_658 = tpu.memref_squeeze %dma_start3A_657 : memref<1x8x128xi32, #tpu.memory_space<vmem>> -> memref<8x128xi32, #tpu.memory_space<vmem>>
        %dma_start3A_659 = arith.constant 0 : i32
        %dma_start3A_660 = tpu.memref_slice %dma_start3A_658[%run_scoped3A_386, %dma_start3A_659] : memref<8x128xi32, #tpu.memory_space<vmem>> -> memref<1x128xi32, #tpu.memory_space<vmem>>
        %dma_start3A_661 = tpu.memref_squeeze %dma_start3A_660 : memref<1x128xi32, #tpu.memory_space<vmem>> -> memref<128xi32, #tpu.memory_space<vmem>>
        %dma_start3A_662 = arith.constant 0 : i32
        %dma_start3A_663 = arith.constant 0 : i32
        %dma_start3A_664 = tpu.memref_slice %arg10[%dma_start3A_662, %dma_start3A_663] : memref<10240x128xf32, #tpu.memory_space<vmem_shared>> -> memref<10240x128xf32, #tpu.memory_space<vmem_shared>>
        tpu.enqueue_indirect_dma source(%dma_start3A_654 : memref<128x128xf32, #tpu.memory_space<vmem>>) target(%dma_start3A_664 : memref<10240x128xf32, #tpu.memory_space<vmem_shared>>) offsets(%dma_start3A_661 : memref<128xi32, #tpu.memory_space<vmem>>) semaphore(%run_scoped3A_650 : memref<!tpu.dma_semaphore, #tpu.memory_space<semaphore_mem>>) {add = true}
        %dma_wait3A_665 = arith.constant 0 : i32
        %dma_wait3A_666 = arith.constant 0 : i32
        %dma_wait3A_667 = tpu.memref_slice %arg9[%run_scoped3A_384, %dma_wait3A_665, %dma_wait3A_666] : memref<2x128x128xf32, #tpu.memory_space<vmem>> -> memref<1x128x128xf32, #tpu.memory_space<vmem>>
        %dma_wait3A_668 = tpu.memref_squeeze %dma_wait3A_667 : memref<1x128x128xf32, #tpu.memory_space<vmem>> -> memref<128x128xf32, #tpu.memory_space<vmem>>
        %dma_wait3A_669 = arith.constant 0 : i32
        %dma_wait3A_670 = arith.constant 0 : i32
        %dma_wait3A_671 = tpu.memref_slice %arg8[%run_scoped3A_385, %dma_wait3A_669, %dma_wait3A_670] : memref<2x8x128xi32, #tpu.memory_space<vmem>> -> memref<1x8x128xi32, #tpu.memory_space<vmem>>
        %dma_wait3A_672 = tpu.memref_squeeze %dma_wait3A_671 : memref<1x8x128xi32, #tpu.memory_space<vmem>> -> memref<8x128xi32, #tpu.memory_space<vmem>>
        %dma_wait3A_673 = arith.constant 0 : i32
        %dma_wait3A_674 = tpu.memref_slice %dma_wait3A_672[%run_scoped3A_386, %dma_wait3A_673] : memref<8x128xi32, #tpu.memory_space<vmem>> -> memref<1x128xi32, #tpu.memory_space<vmem>>
        %dma_wait3A_675 = tpu.memref_squeeze %dma_wait3A_674 : memref<1x128xi32, #tpu.memory_space<vmem>> -> memref<128xi32, #tpu.memory_space<vmem>>
        %dma_wait3A_676 = arith.constant 0 : i32
        %dma_wait3A_677 = arith.constant 0 : i32
        %dma_wait3A_678 = tpu.memref_slice %arg10[%dma_wait3A_676, %dma_wait3A_677] : memref<10240x128xf32, #tpu.memory_space<vmem_shared>> -> memref<10240x128xf32, #tpu.memory_space<vmem_shared>>
        tpu.wait_indirect_dma semaphore(%run_scoped3A_650 : memref<!tpu.dma_semaphore, #tpu.memory_space<semaphore_mem>>) src(%dma_wait3A_668 : memref<128x128xf32, #tpu.memory_space<vmem>>) dst(%dma_wait3A_678 : memref<10240x128xf32, #tpu.memory_space<vmem_shared>>)
        tpu.yield
      }) : () -> ()
      %dma_start3A_387 = arith.constant 1 : i32
      %dma_start3A_388 = arith.constant 2 : i32
      %dma_start3A_389 = arith.constant 0 : i32
      %dma_start3A_390 = arith.constant 0 : i32
      %dma_start3A_391 = arith.constant 0 : i32
      %dma_start3A_392 = tpu.memref_slice %arg9[%dma_start3A_389, %dma_start3A_390, %dma_start3A_391] : memref<2x128x128xf32, #tpu.memory_space<vmem>> -> memref<1x128x128xf32, #tpu.memory_space<vmem>>
      %dma_start3A_393 = tpu.memref_squeeze %dma_start3A_392 : memref<1x128x128xf32, #tpu.memory_space<vmem>> -> memref<128x128xf32, #tpu.memory_space<vmem>>
      %dma_start3A_394 = arith.constant 0 : i32
      %dma_start3A_395 = arith.constant 0 : i32
      %dma_start3A_396 = tpu.memref_slice %arg7[%dma_start3A_387, %dma_start3A_394, %dma_start3A_395] : memref<2x8x128xi32, #tpu.memory_space<vmem>> -> memref<1x8x128xi32, #tpu.memory_space<vmem>>
      %dma_start3A_397 = tpu.memref_squeeze %dma_start3A_396 : memref<1x8x128xi32, #tpu.memory_space<vmem>> -> memref<8x128xi32, #tpu.memory_space<vmem>>
      %dma_start3A_398 = arith.constant 0 : i32
      %dma_start3A_399 = tpu.memref_slice %dma_start3A_397[%dma_start3A_388, %dma_start3A_398] : memref<8x128xi32, #tpu.memory_space<vmem>> -> memref<1x128xi32, #tpu.memory_space<vmem>>
      %dma_start3A_400 = tpu.memref_squeeze %dma_start3A_399 : memref<1x128xi32, #tpu.memory_space<vmem>> -> memref<128xi32, #tpu.memory_space<vmem>>
      %dma_start3A_401 = arith.constant 0 : i32
      %dma_start3A_402 = arith.constant 0 : i32
      %dma_start3A_403 = tpu.memref_slice %arg2[%dma_start3A_401, %dma_start3A_402] : memref<10000x128xf32, #tpu.memory_space<hbm>> -> memref<10000x128xf32, #tpu.memory_space<hbm>>
      tpu.enqueue_indirect_dma source(%dma_start3A_403 : memref<10000x128xf32, #tpu.memory_space<hbm>>) target(%dma_start3A_393 : memref<128x128xf32, #tpu.memory_space<vmem>>) offsets(%dma_start3A_400 : memref<128xi32, #tpu.memory_space<vmem>>) semaphore(%arg11 : memref<!tpu.dma_semaphore, #tpu.memory_space<semaphore_mem>>)
      %dma_wait3A_404 = arith.constant 1 : i32
      %dma_wait3A_405 = arith.constant 1 : i32
      %dma_wait3A_406 = arith.constant 1 : i32
      %dma_wait3A_407 = arith.constant 0 : i32
      %dma_wait3A_408 = arith.constant 0 : i32
      %dma_wait3A_409 = tpu.memref_slice %arg9[%dma_wait3A_406, %dma_wait3A_407, %dma_wait3A_408] : memref<2x128x128xf32, #tpu.memory_space<vmem>> -> memref<1x128x128xf32, #tpu.memory_space<vmem>>
      %dma_wait3A_410 = tpu.memref_squeeze %dma_wait3A_409 : memref<1x128x128xf32, #tpu.memory_space<vmem>> -> memref<128x128xf32, #tpu.memory_space<vmem>>
      %dma_wait3A_411 = arith.constant 0 : i32
      %dma_wait3A_412 = arith.constant 0 : i32
      %dma_wait3A_413 = tpu.memref_slice %arg7[%dma_wait3A_404, %dma_wait3A_411, %dma_wait3A_412] : memref<2x8x128xi32, #tpu.memory_space<vmem>> -> memref<1x8x128xi32, #tpu.memory_space<vmem>>
      %dma_wait3A_414 = tpu.memref_squeeze %dma_wait3A_413 : memref<1x8x128xi32, #tpu.memory_space<vmem>> -> memref<8x128xi32, #tpu.memory_space<vmem>>
      %dma_wait3A_415 = arith.constant 0 : i32
      %dma_wait3A_416 = tpu.memref_slice %dma_wait3A_414[%dma_wait3A_405, %dma_wait3A_415] : memref<8x128xi32, #tpu.memory_space<vmem>> -> memref<1x128xi32, #tpu.memory_space<vmem>>
      %dma_wait3A_417 = tpu.memref_squeeze %dma_wait3A_416 : memref<1x128xi32, #tpu.memory_space<vmem>> -> memref<128xi32, #tpu.memory_space<vmem>>
      %dma_wait3A_418 = arith.constant 0 : i32
      %dma_wait3A_419 = arith.constant 0 : i32
      %dma_wait3A_420 = tpu.memref_slice %arg2[%dma_wait3A_418, %dma_wait3A_419] : memref<10000x128xf32, #tpu.memory_space<hbm>> -> memref<10000x128xf32, #tpu.memory_space<hbm>>
      tpu.wait_indirect_dma semaphore(%arg12 : memref<!tpu.dma_semaphore, #tpu.memory_space<semaphore_mem>>) src(%dma_wait3A_420 : memref<10000x128xf32, #tpu.memory_space<hbm>>) dst(%dma_wait3A_410 : memref<128x128xf32, #tpu.memory_space<vmem>>)
      %run_scoped3A_421 = arith.constant 1 : i32
      %run_scoped3A_422 = arith.constant 1 : i32
      %run_scoped3A_423 = arith.constant 1 : i32
      "tpu.region"() ({
        %run_scoped3A_650 = tpu.sem_alloc : memref<!tpu.dma_semaphore, #tpu.memory_space<semaphore_mem>>
        %dma_start3A_651 = arith.constant 0 : i32
        %dma_start3A_652 = arith.constant 0 : i32
        %dma_start3A_653 = tpu.memref_slice %arg9[%run_scoped3A_421, %dma_start3A_651, %dma_start3A_652] : memref<2x128x128xf32, #tpu.memory_space<vmem>> -> memref<1x128x128xf32, #tpu.memory_space<vmem>>
        %dma_start3A_654 = tpu.memref_squeeze %dma_start3A_653 : memref<1x128x128xf32, #tpu.memory_space<vmem>> -> memref<128x128xf32, #tpu.memory_space<vmem>>
        %dma_start3A_655 = arith.constant 0 : i32
        %dma_start3A_656 = arith.constant 0 : i32
        %dma_start3A_657 = tpu.memref_slice %arg8[%run_scoped3A_422, %dma_start3A_655, %dma_start3A_656] : memref<2x8x128xi32, #tpu.memory_space<vmem>> -> memref<1x8x128xi32, #tpu.memory_space<vmem>>
        %dma_start3A_658 = tpu.memref_squeeze %dma_start3A_657 : memref<1x8x128xi32, #tpu.memory_space<vmem>> -> memref<8x128xi32, #tpu.memory_space<vmem>>
        %dma_start3A_659 = arith.constant 0 : i32
        %dma_start3A_660 = tpu.memref_slice %dma_start3A_658[%run_scoped3A_423, %dma_start3A_659] : memref<8x128xi32, #tpu.memory_space<vmem>> -> memref<1x128xi32, #tpu.memory_space<vmem>>
        %dma_start3A_661 = tpu.memref_squeeze %dma_start3A_660 : memref<1x128xi32, #tpu.memory_space<vmem>> -> memref<128xi32, #tpu.memory_space<vmem>>
        %dma_start3A_662 = arith.constant 0 : i32
        %dma_start3A_663 = arith.constant 0 : i32
        %dma_start3A_664 = tpu.memref_slice %arg10[%dma_start3A_662, %dma_start3A_663] : memref<10240x128xf32, #tpu.memory_space<vmem_shared>> -> memref<10240x128xf32, #tpu.memory_space<vmem_shared>>
        tpu.enqueue_indirect_dma source(%dma_start3A_654 : memref<128x128xf32, #tpu.memory_space<vmem>>) target(%dma_start3A_664 : memref<10240x128xf32, #tpu.memory_space<vmem_shared>>) offsets(%dma_start3A_661 : memref<128xi32, #tpu.memory_space<vmem>>) semaphore(%run_scoped3A_650 : memref<!tpu.dma_semaphore, #tpu.memory_space<semaphore_mem>>) {add = true}
        %dma_wait3A_665 = arith.constant 0 : i32
        %dma_wait3A_666 = arith.constant 0 : i32
        %dma_wait3A_667 = tpu.memref_slice %arg9[%run_scoped3A_421, %dma_wait3A_665, %dma_wait3A_666] : memref<2x128x128xf32, #tpu.memory_space<vmem>> -> memref<1x128x128xf32, #tpu.memory_space<vmem>>
        %dma_wait3A_668 = tpu.memref_squeeze %dma_wait3A_667 : memref<1x128x128xf32, #tpu.memory_space<vmem>> -> memref<128x128xf32, #tpu.memory_space<vmem>>
        %dma_wait3A_669 = arith.constant 0 : i32
        %dma_wait3A_670 = arith.constant 0 : i32
        %dma_wait3A_671 = tpu.memref_slice %arg8[%run_scoped3A_422, %dma_wait3A_669, %dma_wait3A_670] : memref<2x8x128xi32, #tpu.memory_space<vmem>> -> memref<1x8x128xi32, #tpu.memory_space<vmem>>
        %dma_wait3A_672 = tpu.memref_squeeze %dma_wait3A_671 : memref<1x8x128xi32, #tpu.memory_space<vmem>> -> memref<8x128xi32, #tpu.memory_space<vmem>>
        %dma_wait3A_673 = arith.constant 0 : i32
        %dma_wait3A_674 = tpu.memref_slice %dma_wait3A_672[%run_scoped3A_423, %dma_wait3A_673] : memref<8x128xi32, #tpu.memory_space<vmem>> -> memref<1x128xi32, #tpu.memory_space<vmem>>
        %dma_wait3A_675 = tpu.memref_squeeze %dma_wait3A_674 : memref<1x128xi32, #tpu.memory_space<vmem>> -> memref<128xi32, #tpu.memory_space<vmem>>
        %dma_wait3A_676 = arith.constant 0 : i32
        %dma_wait3A_677 = arith.constant 0 : i32
        %dma_wait3A_678 = tpu.memref_slice %arg10[%dma_wait3A_676, %dma_wait3A_677] : memref<10240x128xf32, #tpu.memory_space<vmem_shared>> -> memref<10240x128xf32, #tpu.memory_space<vmem_shared>>
        tpu.wait_indirect_dma semaphore(%run_scoped3A_650 : memref<!tpu.dma_semaphore, #tpu.memory_space<semaphore_mem>>) src(%dma_wait3A_668 : memref<128x128xf32, #tpu.memory_space<vmem>>) dst(%dma_wait3A_678 : memref<10240x128xf32, #tpu.memory_space<vmem_shared>>)
        tpu.yield
      }) : () -> ()
      %dma_start3A_424 = arith.constant 1 : i32
      %dma_start3A_425 = arith.constant 3 : i32
      %dma_start3A_426 = arith.constant 1 : i32
      %dma_start3A_427 = arith.constant 0 : i32
      %dma_start3A_428 = arith.constant 0 : i32
      %dma_start3A_429 = tpu.memref_slice %arg9[%dma_start3A_426, %dma_start3A_427, %dma_start3A_428] : memref<2x128x128xf32, #tpu.memory_space<vmem>> -> memref<1x128x128xf32, #tpu.memory_space<vmem>>
      %dma_start3A_430 = tpu.memref_squeeze %dma_start3A_429 : memref<1x128x128xf32, #tpu.memory_space<vmem>> -> memref<128x128xf32, #tpu.memory_space<vmem>>
      %dma_start3A_431 = arith.constant 0 : i32
      %dma_start3A_432 = arith.constant 0 : i32
      %dma_start3A_433 = tpu.memref_slice %arg7[%dma_start3A_424, %dma_start3A_431, %dma_start3A_432] : memref<2x8x128xi32, #tpu.memory_space<vmem>> -> memref<1x8x128xi32, #tpu.memory_space<vmem>>
      %dma_start3A_434 = tpu.memref_squeeze %dma_start3A_433 : memref<1x8x128xi32, #tpu.memory_space<vmem>> -> memref<8x128xi32, #tpu.memory_space<vmem>>
      %dma_start3A_435 = arith.constant 0 : i32
      %dma_start3A_436 = tpu.memref_slice %dma_start3A_434[%dma_start3A_425, %dma_start3A_435] : memref<8x128xi32, #tpu.memory_space<vmem>> -> memref<1x128xi32, #tpu.memory_space<vmem>>
      %dma_start3A_437 = tpu.memref_squeeze %dma_start3A_436 : memref<1x128xi32, #tpu.memory_space<vmem>> -> memref<128xi32, #tpu.memory_space<vmem>>
      %dma_start3A_438 = arith.constant 0 : i32
      %dma_start3A_439 = arith.constant 0 : i32
      %dma_start3A_440 = tpu.memref_slice %arg2[%dma_start3A_438, %dma_start3A_439] : memref<10000x128xf32, #tpu.memory_space<hbm>> -> memref<10000x128xf32, #tpu.memory_space<hbm>>
      tpu.enqueue_indirect_dma source(%dma_start3A_440 : memref<10000x128xf32, #tpu.memory_space<hbm>>) target(%dma_start3A_430 : memref<128x128xf32, #tpu.memory_space<vmem>>) offsets(%dma_start3A_437 : memref<128xi32, #tpu.memory_space<vmem>>) semaphore(%arg12 : memref<!tpu.dma_semaphore, #tpu.memory_space<semaphore_mem>>)
      %dma_wait3A_441 = arith.constant 1 : i32
      %dma_wait3A_442 = arith.constant 2 : i32
      %dma_wait3A_443 = arith.constant 0 : i32
      %dma_wait3A_444 = arith.constant 0 : i32
      %dma_wait3A_445 = arith.constant 0 : i32
      %dma_wait3A_446 = tpu.memref_slice %arg9[%dma_wait3A_443, %dma_wait3A_444, %dma_wait3A_445] : memref<2x128x128xf32, #tpu.memory_space<vmem>> -> memref<1x128x128xf32, #tpu.memory_space<vmem>>
      %dma_wait3A_447 = tpu.memref_squeeze %dma_wait3A_446 : memref<1x128x128xf32, #tpu.memory_space<vmem>> -> memref<128x128xf32, #tpu.memory_space<vmem>>
      %dma_wait3A_448 = arith.constant 0 : i32
      %dma_wait3A_449 = arith.constant 0 : i32
      %dma_wait3A_450 = tpu.memref_slice %arg7[%dma_wait3A_441, %dma_wait3A_448, %dma_wait3A_449] : memref<2x8x128xi32, #tpu.memory_space<vmem>> -> memref<1x8x128xi32, #tpu.memory_space<vmem>>
      %dma_wait3A_451 = tpu.memref_squeeze %dma_wait3A_450 : memref<1x8x128xi32, #tpu.memory_space<vmem>> -> memref<8x128xi32, #tpu.memory_space<vmem>>
      %dma_wait3A_452 = arith.constant 0 : i32
      %dma_wait3A_453 = tpu.memref_slice %dma_wait3A_451[%dma_wait3A_442, %dma_wait3A_452] : memref<8x128xi32, #tpu.memory_space<vmem>> -> memref<1x128xi32, #tpu.memory_space<vmem>>
      %dma_wait3A_454 = tpu.memref_squeeze %dma_wait3A_453 : memref<1x128xi32, #tpu.memory_space<vmem>> -> memref<128xi32, #tpu.memory_space<vmem>>
      %dma_wait3A_455 = arith.constant 0 : i32
      %dma_wait3A_456 = arith.constant 0 : i32
      %dma_wait3A_457 = tpu.memref_slice %arg2[%dma_wait3A_455, %dma_wait3A_456] : memref<10000x128xf32, #tpu.memory_space<hbm>> -> memref<10000x128xf32, #tpu.memory_space<hbm>>
      tpu.wait_indirect_dma semaphore(%arg11 : memref<!tpu.dma_semaphore, #tpu.memory_space<semaphore_mem>>) src(%dma_wait3A_457 : memref<10000x128xf32, #tpu.memory_space<hbm>>) dst(%dma_wait3A_447 : memref<128x128xf32, #tpu.memory_space<vmem>>)
      %run_scoped3A_458 = arith.constant 0 : i32
      %run_scoped3A_459 = arith.constant 1 : i32
      %run_scoped3A_460 = arith.constant 2 : i32
      "tpu.region"() ({
        %run_scoped3A_650 = tpu.sem_alloc : memref<!tpu.dma_semaphore, #tpu.memory_space<semaphore_mem>>
        %dma_start3A_651 = arith.constant 0 : i32
        %dma_start3A_652 = arith.constant 0 : i32
        %dma_start3A_653 = tpu.memref_slice %arg9[%run_scoped3A_458, %dma_start3A_651, %dma_start3A_652] : memref<2x128x128xf32, #tpu.memory_space<vmem>> -> memref<1x128x128xf32, #tpu.memory_space<vmem>>
        %dma_start3A_654 = tpu.memref_squeeze %dma_start3A_653 : memref<1x128x128xf32, #tpu.memory_space<vmem>> -> memref<128x128xf32, #tpu.memory_space<vmem>>
        %dma_start3A_655 = arith.constant 0 : i32
        %dma_start3A_656 = arith.constant 0 : i32
        %dma_start3A_657 = tpu.memref_slice %arg8[%run_scoped3A_459, %dma_start3A_655, %dma_start3A_656] : memref<2x8x128xi32, #tpu.memory_space<vmem>> -> memref<1x8x128xi32, #tpu.memory_space<vmem>>
        %dma_start3A_658 = tpu.memref_squeeze %dma_start3A_657 : memref<1x8x128xi32, #tpu.memory_space<vmem>> -> memref<8x128xi32, #tpu.memory_space<vmem>>
        %dma_start3A_659 = arith.constant 0 : i32
        %dma_start3A_660 = tpu.memref_slice %dma_start3A_658[%run_scoped3A_460, %dma_start3A_659] : memref<8x128xi32, #tpu.memory_space<vmem>> -> memref<1x128xi32, #tpu.memory_space<vmem>>
        %dma_start3A_661 = tpu.memref_squeeze %dma_start3A_660 : memref<1x128xi32, #tpu.memory_space<vmem>> -> memref<128xi32, #tpu.memory_space<vmem>>
        %dma_start3A_662 = arith.constant 0 : i32
        %dma_start3A_663 = arith.constant 0 : i32
        %dma_start3A_664 = tpu.memref_slice %arg10[%dma_start3A_662, %dma_start3A_663] : memref<10240x128xf32, #tpu.memory_space<vmem_shared>> -> memref<10240x128xf32, #tpu.memory_space<vmem_shared>>
        tpu.enqueue_indirect_dma source(%dma_start3A_654 : memref<128x128xf32, #tpu.memory_space<vmem>>) target(%dma_start3A_664 : memref<10240x128xf32, #tpu.memory_space<vmem_shared>>) offsets(%dma_start3A_661 : memref<128xi32, #tpu.memory_space<vmem>>) semaphore(%run_scoped3A_650 : memref<!tpu.dma_semaphore, #tpu.memory_space<semaphore_mem>>) {add = true}
        %dma_wait3A_665 = arith.constant 0 : i32
        %dma_wait3A_666 = arith.constant 0 : i32
        %dma_wait3A_667 = tpu.memref_slice %arg9[%run_scoped3A_458, %dma_wait3A_665, %dma_wait3A_666] : memref<2x128x128xf32, #tpu.memory_space<vmem>> -> memref<1x128x128xf32, #tpu.memory_space<vmem>>
        %dma_wait3A_668 = tpu.memref_squeeze %dma_wait3A_667 : memref<1x128x128xf32, #tpu.memory_space<vmem>> -> memref<128x128xf32, #tpu.memory_space<vmem>>
        %dma_wait3A_669 = arith.constant 0 : i32
        %dma_wait3A_670 = arith.constant 0 : i32
        %dma_wait3A_671 = tpu.memref_slice %arg8[%run_scoped3A_459, %dma_wait3A_669, %dma_wait3A_670] : memref<2x8x128xi32, #tpu.memory_space<vmem>> -> memref<1x8x128xi32, #tpu.memory_space<vmem>>
        %dma_wait3A_672 = tpu.memref_squeeze %dma_wait3A_671 : memref<1x8x128xi32, #tpu.memory_space<vmem>> -> memref<8x128xi32, #tpu.memory_space<vmem>>
        %dma_wait3A_673 = arith.constant 0 : i32
        %dma_wait3A_674 = tpu.memref_slice %dma_wait3A_672[%run_scoped3A_460, %dma_wait3A_673] : memref<8x128xi32, #tpu.memory_space<vmem>> -> memref<1x128xi32, #tpu.memory_space<vmem>>
        %dma_wait3A_675 = tpu.memref_squeeze %dma_wait3A_674 : memref<1x128xi32, #tpu.memory_space<vmem>> -> memref<128xi32, #tpu.memory_space<vmem>>
        %dma_wait3A_676 = arith.constant 0 : i32
        %dma_wait3A_677 = arith.constant 0 : i32
        %dma_wait3A_678 = tpu.memref_slice %arg10[%dma_wait3A_676, %dma_wait3A_677] : memref<10240x128xf32, #tpu.memory_space<vmem_shared>> -> memref<10240x128xf32, #tpu.memory_space<vmem_shared>>
        tpu.wait_indirect_dma semaphore(%run_scoped3A_650 : memref<!tpu.dma_semaphore, #tpu.memory_space<semaphore_mem>>) src(%dma_wait3A_668 : memref<128x128xf32, #tpu.memory_space<vmem>>) dst(%dma_wait3A_678 : memref<10240x128xf32, #tpu.memory_space<vmem_shared>>)
        tpu.yield
      }) : () -> ()
      %dma_start3A_461 = arith.constant 1 : i32
      %dma_start3A_462 = arith.constant 4 : i32
      %dma_start3A_463 = arith.constant 0 : i32
      %dma_start3A_464 = arith.constant 0 : i32
      %dma_start3A_465 = arith.constant 0 : i32
      %dma_start3A_466 = tpu.memref_slice %arg9[%dma_start3A_463, %dma_start3A_464, %dma_start3A_465] : memref<2x128x128xf32, #tpu.memory_space<vmem>> -> memref<1x128x128xf32, #tpu.memory_space<vmem>>
      %dma_start3A_467 = tpu.memref_squeeze %dma_start3A_466 : memref<1x128x128xf32, #tpu.memory_space<vmem>> -> memref<128x128xf32, #tpu.memory_space<vmem>>
      %dma_start3A_468 = arith.constant 0 : i32
      %dma_start3A_469 = arith.constant 0 : i32
      %dma_start3A_470 = tpu.memref_slice %arg7[%dma_start3A_461, %dma_start3A_468, %dma_start3A_469] : memref<2x8x128xi32, #tpu.memory_space<vmem>> -> memref<1x8x128xi32, #tpu.memory_space<vmem>>
      %dma_start3A_471 = tpu.memref_squeeze %dma_start3A_470 : memref<1x8x128xi32, #tpu.memory_space<vmem>> -> memref<8x128xi32, #tpu.memory_space<vmem>>
      %dma_start3A_472 = arith.constant 0 : i32
      %dma_start3A_473 = tpu.memref_slice %dma_start3A_471[%dma_start3A_462, %dma_start3A_472] : memref<8x128xi32, #tpu.memory_space<vmem>> -> memref<1x128xi32, #tpu.memory_space<vmem>>
      %dma_start3A_474 = tpu.memref_squeeze %dma_start3A_473 : memref<1x128xi32, #tpu.memory_space<vmem>> -> memref<128xi32, #tpu.memory_space<vmem>>
      %dma_start3A_475 = arith.constant 0 : i32
      %dma_start3A_476 = arith.constant 0 : i32
      %dma_start3A_477 = tpu.memref_slice %arg2[%dma_start3A_475, %dma_start3A_476] : memref<10000x128xf32, #tpu.memory_space<hbm>> -> memref<10000x128xf32, #tpu.memory_space<hbm>>
      tpu.enqueue_indirect_dma source(%dma_start3A_477 : memref<10000x128xf32, #tpu.memory_space<hbm>>) target(%dma_start3A_467 : memref<128x128xf32, #tpu.memory_space<vmem>>) offsets(%dma_start3A_474 : memref<128xi32, #tpu.memory_space<vmem>>) semaphore(%arg11 : memref<!tpu.dma_semaphore, #tpu.memory_space<semaphore_mem>>)
      %dma_wait3A_478 = arith.constant 1 : i32
      %dma_wait3A_479 = arith.constant 3 : i32
      %dma_wait3A_480 = arith.constant 1 : i32
      %dma_wait3A_481 = arith.constant 0 : i32
      %dma_wait3A_482 = arith.constant 0 : i32
      %dma_wait3A_483 = tpu.memref_slice %arg9[%dma_wait3A_480, %dma_wait3A_481, %dma_wait3A_482] : memref<2x128x128xf32, #tpu.memory_space<vmem>> -> memref<1x128x128xf32, #tpu.memory_space<vmem>>
      %dma_wait3A_484 = tpu.memref_squeeze %dma_wait3A_483 : memref<1x128x128xf32, #tpu.memory_space<vmem>> -> memref<128x128xf32, #tpu.memory_space<vmem>>
      %dma_wait3A_485 = arith.constant 0 : i32
      %dma_wait3A_486 = arith.constant 0 : i32
      %dma_wait3A_487 = tpu.memref_slice %arg7[%dma_wait3A_478, %dma_wait3A_485, %dma_wait3A_486] : memref<2x8x128xi32, #tpu.memory_space<vmem>> -> memref<1x8x128xi32, #tpu.memory_space<vmem>>
      %dma_wait3A_488 = tpu.memref_squeeze %dma_wait3A_487 : memref<1x8x128xi32, #tpu.memory_space<vmem>> -> memref<8x128xi32, #tpu.memory_space<vmem>>
      %dma_wait3A_489 = arith.constant 0 : i32
      %dma_wait3A_490 = tpu.memref_slice %dma_wait3A_488[%dma_wait3A_479, %dma_wait3A_489] : memref<8x128xi32, #tpu.memory_space<vmem>> -> memref<1x128xi32, #tpu.memory_space<vmem>>
      %dma_wait3A_491 = tpu.memref_squeeze %dma_wait3A_490 : memref<1x128xi32, #tpu.memory_space<vmem>> -> memref<128xi32, #tpu.memory_space<vmem>>
      %dma_wait3A_492 = arith.constant 0 : i32
      %dma_wait3A_493 = arith.constant 0 : i32
      %dma_wait3A_494 = tpu.memref_slice %arg2[%dma_wait3A_492, %dma_wait3A_493] : memref<10000x128xf32, #tpu.memory_space<hbm>> -> memref<10000x128xf32, #tpu.memory_space<hbm>>
      tpu.wait_indirect_dma semaphore(%arg12 : memref<!tpu.dma_semaphore, #tpu.memory_space<semaphore_mem>>) src(%dma_wait3A_494 : memref<10000x128xf32, #tpu.memory_space<hbm>>) dst(%dma_wait3A_484 : memref<128x128xf32, #tpu.memory_space<vmem>>)
      %run_scoped3A_495 = arith.constant 1 : i32
      %run_scoped3A_496 = arith.constant 1 : i32
      %run_scoped3A_497 = arith.constant 3 : i32
      "tpu.region"() ({
        %run_scoped3A_650 = tpu.sem_alloc : memref<!tpu.dma_semaphore, #tpu.memory_space<semaphore_mem>>
        %dma_start3A_651 = arith.constant 0 : i32
        %dma_start3A_652 = arith.constant 0 : i32
        %dma_start3A_653 = tpu.memref_slice %arg9[%run_scoped3A_495, %dma_start3A_651, %dma_start3A_652] : memref<2x128x128xf32, #tpu.memory_space<vmem>> -> memref<1x128x128xf32, #tpu.memory_space<vmem>>
        %dma_start3A_654 = tpu.memref_squeeze %dma_start3A_653 : memref<1x128x128xf32, #tpu.memory_space<vmem>> -> memref<128x128xf32, #tpu.memory_space<vmem>>
        %dma_start3A_655 = arith.constant 0 : i32
        %dma_start3A_656 = arith.constant 0 : i32
        %dma_start3A_657 = tpu.memref_slice %arg8[%run_scoped3A_496, %dma_start3A_655, %dma_start3A_656] : memref<2x8x128xi32, #tpu.memory_space<vmem>> -> memref<1x8x128xi32, #tpu.memory_space<vmem>>
        %dma_start3A_658 = tpu.memref_squeeze %dma_start3A_657 : memref<1x8x128xi32, #tpu.memory_space<vmem>> -> memref<8x128xi32, #tpu.memory_space<vmem>>
        %dma_start3A_659 = arith.constant 0 : i32
        %dma_start3A_660 = tpu.memref_slice %dma_start3A_658[%run_scoped3A_497, %dma_start3A_659] : memref<8x128xi32, #tpu.memory_space<vmem>> -> memref<1x128xi32, #tpu.memory_space<vmem>>
        %dma_start3A_661 = tpu.memref_squeeze %dma_start3A_660 : memref<1x128xi32, #tpu.memory_space<vmem>> -> memref<128xi32, #tpu.memory_space<vmem>>
        %dma_start3A_662 = arith.constant 0 : i32
        %dma_start3A_663 = arith.constant 0 : i32
        %dma_start3A_664 = tpu.memref_slice %arg10[%dma_start3A_662, %dma_start3A_663] : memref<10240x128xf32, #tpu.memory_space<vmem_shared>> -> memref<10240x128xf32, #tpu.memory_space<vmem_shared>>
        tpu.enqueue_indirect_dma source(%dma_start3A_654 : memref<128x128xf32, #tpu.memory_space<vmem>>) target(%dma_start3A_664 : memref<10240x128xf32, #tpu.memory_space<vmem_shared>>) offsets(%dma_start3A_661 : memref<128xi32, #tpu.memory_space<vmem>>) semaphore(%run_scoped3A_650 : memref<!tpu.dma_semaphore, #tpu.memory_space<semaphore_mem>>) {add = true}
        %dma_wait3A_665 = arith.constant 0 : i32
        %dma_wait3A_666 = arith.constant 0 : i32
        %dma_wait3A_667 = tpu.memref_slice %arg9[%run_scoped3A_495, %dma_wait3A_665, %dma_wait3A_666] : memref<2x128x128xf32, #tpu.memory_space<vmem>> -> memref<1x128x128xf32, #tpu.memory_space<vmem>>
        %dma_wait3A_668 = tpu.memref_squeeze %dma_wait3A_667 : memref<1x128x128xf32, #tpu.memory_space<vmem>> -> memref<128x128xf32, #tpu.memory_space<vmem>>
        %dma_wait3A_669 = arith.constant 0 : i32
        %dma_wait3A_670 = arith.constant 0 : i32
        %dma_wait3A_671 = tpu.memref_slice %arg8[%run_scoped3A_496, %dma_wait3A_669, %dma_wait3A_670] : memref<2x8x128xi32, #tpu.memory_space<vmem>> -> memref<1x8x128xi32, #tpu.memory_space<vmem>>
        %dma_wait3A_672 = tpu.memref_squeeze %dma_wait3A_671 : memref<1x8x128xi32, #tpu.memory_space<vmem>> -> memref<8x128xi32, #tpu.memory_space<vmem>>
        %dma_wait3A_673 = arith.constant 0 : i32
        %dma_wait3A_674 = tpu.memref_slice %dma_wait3A_672[%run_scoped3A_497, %dma_wait3A_673] : memref<8x128xi32, #tpu.memory_space<vmem>> -> memref<1x128xi32, #tpu.memory_space<vmem>>
        %dma_wait3A_675 = tpu.memref_squeeze %dma_wait3A_674 : memref<1x128xi32, #tpu.memory_space<vmem>> -> memref<128xi32, #tpu.memory_space<vmem>>
        %dma_wait3A_676 = arith.constant 0 : i32
        %dma_wait3A_677 = arith.constant 0 : i32
        %dma_wait3A_678 = tpu.memref_slice %arg10[%dma_wait3A_676, %dma_wait3A_677] : memref<10240x128xf32, #tpu.memory_space<vmem_shared>> -> memref<10240x128xf32, #tpu.memory_space<vmem_shared>>
        tpu.wait_indirect_dma semaphore(%run_scoped3A_650 : memref<!tpu.dma_semaphore, #tpu.memory_space<semaphore_mem>>) src(%dma_wait3A_668 : memref<128x128xf32, #tpu.memory_space<vmem>>) dst(%dma_wait3A_678 : memref<10240x128xf32, #tpu.memory_space<vmem_shared>>)
        tpu.yield
      }) : () -> ()
      %dma_start3A_498 = arith.constant 1 : i32
      %dma_start3A_499 = arith.constant 5 : i32
      %dma_start3A_500 = arith.constant 1 : i32
      %dma_start3A_501 = arith.constant 0 : i32
      %dma_start3A_502 = arith.constant 0 : i32
      %dma_start3A_503 = tpu.memref_slice %arg9[%dma_start3A_500, %dma_start3A_501, %dma_start3A_502] : memref<2x128x128xf32, #tpu.memory_space<vmem>> -> memref<1x128x128xf32, #tpu.memory_space<vmem>>
      %dma_start3A_504 = tpu.memref_squeeze %dma_start3A_503 : memref<1x128x128xf32, #tpu.memory_space<vmem>> -> memref<128x128xf32, #tpu.memory_space<vmem>>
      %dma_start3A_505 = arith.constant 0 : i32
      %dma_start3A_506 = arith.constant 0 : i32
      %dma_start3A_507 = tpu.memref_slice %arg7[%dma_start3A_498, %dma_start3A_505, %dma_start3A_506] : memref<2x8x128xi32, #tpu.memory_space<vmem>> -> memref<1x8x128xi32, #tpu.memory_space<vmem>>
      %dma_start3A_508 = tpu.memref_squeeze %dma_start3A_507 : memref<1x8x128xi32, #tpu.memory_space<vmem>> -> memref<8x128xi32, #tpu.memory_space<vmem>>
      %dma_start3A_509 = arith.constant 0 : i32
      %dma_start3A_510 = tpu.memref_slice %dma_start3A_508[%dma_start3A_499, %dma_start3A_509] : memref<8x128xi32, #tpu.memory_space<vmem>> -> memref<1x128xi32, #tpu.memory_space<vmem>>
      %dma_start3A_511 = tpu.memref_squeeze %dma_start3A_510 : memref<1x128xi32, #tpu.memory_space<vmem>> -> memref<128xi32, #tpu.memory_space<vmem>>
      %dma_start3A_512 = arith.constant 0 : i32
      %dma_start3A_513 = arith.constant 0 : i32
      %dma_start3A_514 = tpu.memref_slice %arg2[%dma_start3A_512, %dma_start3A_513] : memref<10000x128xf32, #tpu.memory_space<hbm>> -> memref<10000x128xf32, #tpu.memory_space<hbm>>
      tpu.enqueue_indirect_dma source(%dma_start3A_514 : memref<10000x128xf32, #tpu.memory_space<hbm>>) target(%dma_start3A_504 : memref<128x128xf32, #tpu.memory_space<vmem>>) offsets(%dma_start3A_511 : memref<128xi32, #tpu.memory_space<vmem>>) semaphore(%arg12 : memref<!tpu.dma_semaphore, #tpu.memory_space<semaphore_mem>>)
      %dma_wait3A_515 = arith.constant 1 : i32
      %dma_wait3A_516 = arith.constant 4 : i32
      %dma_wait3A_517 = arith.constant 0 : i32
      %dma_wait3A_518 = arith.constant 0 : i32
      %dma_wait3A_519 = arith.constant 0 : i32
      %dma_wait3A_520 = tpu.memref_slice %arg9[%dma_wait3A_517, %dma_wait3A_518, %dma_wait3A_519] : memref<2x128x128xf32, #tpu.memory_space<vmem>> -> memref<1x128x128xf32, #tpu.memory_space<vmem>>
      %dma_wait3A_521 = tpu.memref_squeeze %dma_wait3A_520 : memref<1x128x128xf32, #tpu.memory_space<vmem>> -> memref<128x128xf32, #tpu.memory_space<vmem>>
      %dma_wait3A_522 = arith.constant 0 : i32
      %dma_wait3A_523 = arith.constant 0 : i32
      %dma_wait3A_524 = tpu.memref_slice %arg7[%dma_wait3A_515, %dma_wait3A_522, %dma_wait3A_523] : memref<2x8x128xi32, #tpu.memory_space<vmem>> -> memref<1x8x128xi32, #tpu.memory_space<vmem>>
      %dma_wait3A_525 = tpu.memref_squeeze %dma_wait3A_524 : memref<1x8x128xi32, #tpu.memory_space<vmem>> -> memref<8x128xi32, #tpu.memory_space<vmem>>
      %dma_wait3A_526 = arith.constant 0 : i32
      %dma_wait3A_527 = tpu.memref_slice %dma_wait3A_525[%dma_wait3A_516, %dma_wait3A_526] : memref<8x128xi32, #tpu.memory_space<vmem>> -> memref<1x128xi32, #tpu.memory_space<vmem>>
      %dma_wait3A_528 = tpu.memref_squeeze %dma_wait3A_527 : memref<1x128xi32, #tpu.memory_space<vmem>> -> memref<128xi32, #tpu.memory_space<vmem>>
      %dma_wait3A_529 = arith.constant 0 : i32
      %dma_wait3A_530 = arith.constant 0 : i32
      %dma_wait3A_531 = tpu.memref_slice %arg2[%dma_wait3A_529, %dma_wait3A_530] : memref<10000x128xf32, #tpu.memory_space<hbm>> -> memref<10000x128xf32, #tpu.memory_space<hbm>>
      tpu.wait_indirect_dma semaphore(%arg11 : memref<!tpu.dma_semaphore, #tpu.memory_space<semaphore_mem>>) src(%dma_wait3A_531 : memref<10000x128xf32, #tpu.memory_space<hbm>>) dst(%dma_wait3A_521 : memref<128x128xf32, #tpu.memory_space<vmem>>)
      %run_scoped3A_532 = arith.constant 0 : i32
      %run_scoped3A_533 = arith.constant 1 : i32
      %run_scoped3A_534 = arith.constant 4 : i32
      "tpu.region"() ({
        %run_scoped3A_650 = tpu.sem_alloc : memref<!tpu.dma_semaphore, #tpu.memory_space<semaphore_mem>>
        %dma_start3A_651 = arith.constant 0 : i32
        %dma_start3A_652 = arith.constant 0 : i32
        %dma_start3A_653 = tpu.memref_slice %arg9[%run_scoped3A_532, %dma_start3A_651, %dma_start3A_652] : memref<2x128x128xf32, #tpu.memory_space<vmem>> -> memref<1x128x128xf32, #tpu.memory_space<vmem>>
        %dma_start3A_654 = tpu.memref_squeeze %dma_start3A_653 : memref<1x128x128xf32, #tpu.memory_space<vmem>> -> memref<128x128xf32, #tpu.memory_space<vmem>>
        %dma_start3A_655 = arith.constant 0 : i32
        %dma_start3A_656 = arith.constant 0 : i32
        %dma_start3A_657 = tpu.memref_slice %arg8[%run_scoped3A_533, %dma_start3A_655, %dma_start3A_656] : memref<2x8x128xi32, #tpu.memory_space<vmem>> -> memref<1x8x128xi32, #tpu.memory_space<vmem>>
        %dma_start3A_658 = tpu.memref_squeeze %dma_start3A_657 : memref<1x8x128xi32, #tpu.memory_space<vmem>> -> memref<8x128xi32, #tpu.memory_space<vmem>>
        %dma_start3A_659 = arith.constant 0 : i32
        %dma_start3A_660 = tpu.memref_slice %dma_start3A_658[%run_scoped3A_534, %dma_start3A_659] : memref<8x128xi32, #tpu.memory_space<vmem>> -> memref<1x128xi32, #tpu.memory_space<vmem>>
        %dma_start3A_661 = tpu.memref_squeeze %dma_start3A_660 : memref<1x128xi32, #tpu.memory_space<vmem>> -> memref<128xi32, #tpu.memory_space<vmem>>
        %dma_start3A_662 = arith.constant 0 : i32
        %dma_start3A_663 = arith.constant 0 : i32
        %dma_start3A_664 = tpu.memref_slice %arg10[%dma_start3A_662, %dma_start3A_663] : memref<10240x128xf32, #tpu.memory_space<vmem_shared>> -> memref<10240x128xf32, #tpu.memory_space<vmem_shared>>
        tpu.enqueue_indirect_dma source(%dma_start3A_654 : memref<128x128xf32, #tpu.memory_space<vmem>>) target(%dma_start3A_664 : memref<10240x128xf32, #tpu.memory_space<vmem_shared>>) offsets(%dma_start3A_661 : memref<128xi32, #tpu.memory_space<vmem>>) semaphore(%run_scoped3A_650 : memref<!tpu.dma_semaphore, #tpu.memory_space<semaphore_mem>>) {add = true}
        %dma_wait3A_665 = arith.constant 0 : i32
        %dma_wait3A_666 = arith.constant 0 : i32
        %dma_wait3A_667 = tpu.memref_slice %arg9[%run_scoped3A_532, %dma_wait3A_665, %dma_wait3A_666] : memref<2x128x128xf32, #tpu.memory_space<vmem>> -> memref<1x128x128xf32, #tpu.memory_space<vmem>>
        %dma_wait3A_668 = tpu.memref_squeeze %dma_wait3A_667 : memref<1x128x128xf32, #tpu.memory_space<vmem>> -> memref<128x128xf32, #tpu.memory_space<vmem>>
        %dma_wait3A_669 = arith.constant 0 : i32
        %dma_wait3A_670 = arith.constant 0 : i32
        %dma_wait3A_671 = tpu.memref_slice %arg8[%run_scoped3A_533, %dma_wait3A_669, %dma_wait3A_670] : memref<2x8x128xi32, #tpu.memory_space<vmem>> -> memref<1x8x128xi32, #tpu.memory_space<vmem>>
        %dma_wait3A_672 = tpu.memref_squeeze %dma_wait3A_671 : memref<1x8x128xi32, #tpu.memory_space<vmem>> -> memref<8x128xi32, #tpu.memory_space<vmem>>
        %dma_wait3A_673 = arith.constant 0 : i32
        %dma_wait3A_674 = tpu.memref_slice %dma_wait3A_672[%run_scoped3A_534, %dma_wait3A_673] : memref<8x128xi32, #tpu.memory_space<vmem>> -> memref<1x128xi32, #tpu.memory_space<vmem>>
        %dma_wait3A_675 = tpu.memref_squeeze %dma_wait3A_674 : memref<1x128xi32, #tpu.memory_space<vmem>> -> memref<128xi32, #tpu.memory_space<vmem>>
        %dma_wait3A_676 = arith.constant 0 : i32
        %dma_wait3A_677 = arith.constant 0 : i32
        %dma_wait3A_678 = tpu.memref_slice %arg10[%dma_wait3A_676, %dma_wait3A_677] : memref<10240x128xf32, #tpu.memory_space<vmem_shared>> -> memref<10240x128xf32, #tpu.memory_space<vmem_shared>>
        tpu.wait_indirect_dma semaphore(%run_scoped3A_650 : memref<!tpu.dma_semaphore, #tpu.memory_space<semaphore_mem>>) src(%dma_wait3A_668 : memref<128x128xf32, #tpu.memory_space<vmem>>) dst(%dma_wait3A_678 : memref<10240x128xf32, #tpu.memory_space<vmem_shared>>)
        tpu.yield
      }) : () -> ()
      %dma_start3A_535 = arith.constant 1 : i32
      %dma_start3A_536 = arith.constant 6 : i32
      %dma_start3A_537 = arith.constant 0 : i32
      %dma_start3A_538 = arith.constant 0 : i32
      %dma_start3A_539 = arith.constant 0 : i32
      %dma_start3A_540 = tpu.memref_slice %arg9[%dma_start3A_537, %dma_start3A_538, %dma_start3A_539] : memref<2x128x128xf32, #tpu.memory_space<vmem>> -> memref<1x128x128xf32, #tpu.memory_space<vmem>>
      %dma_start3A_541 = tpu.memref_squeeze %dma_start3A_540 : memref<1x128x128xf32, #tpu.memory_space<vmem>> -> memref<128x128xf32, #tpu.memory_space<vmem>>
      %dma_start3A_542 = arith.constant 0 : i32
      %dma_start3A_543 = arith.constant 0 : i32
      %dma_start3A_544 = tpu.memref_slice %arg7[%dma_start3A_535, %dma_start3A_542, %dma_start3A_543] : memref<2x8x128xi32, #tpu.memory_space<vmem>> -> memref<1x8x128xi32, #tpu.memory_space<vmem>>
      %dma_start3A_545 = tpu.memref_squeeze %dma_start3A_544 : memref<1x8x128xi32, #tpu.memory_space<vmem>> -> memref<8x128xi32, #tpu.memory_space<vmem>>
      %dma_start3A_546 = arith.constant 0 : i32
      %dma_start3A_547 = tpu.memref_slice %dma_start3A_545[%dma_start3A_536, %dma_start3A_546] : memref<8x128xi32, #tpu.memory_space<vmem>> -> memref<1x128xi32, #tpu.memory_space<vmem>>
      %dma_start3A_548 = tpu.memref_squeeze %dma_start3A_547 : memref<1x128xi32, #tpu.memory_space<vmem>> -> memref<128xi32, #tpu.memory_space<vmem>>
      %dma_start3A_549 = arith.constant 0 : i32
      %dma_start3A_550 = arith.constant 0 : i32
      %dma_start3A_551 = tpu.memref_slice %arg2[%dma_start3A_549, %dma_start3A_550] : memref<10000x128xf32, #tpu.memory_space<hbm>> -> memref<10000x128xf32, #tpu.memory_space<hbm>>
      tpu.enqueue_indirect_dma source(%dma_start3A_551 : memref<10000x128xf32, #tpu.memory_space<hbm>>) target(%dma_start3A_541 : memref<128x128xf32, #tpu.memory_space<vmem>>) offsets(%dma_start3A_548 : memref<128xi32, #tpu.memory_space<vmem>>) semaphore(%arg11 : memref<!tpu.dma_semaphore, #tpu.memory_space<semaphore_mem>>)
      %dma_wait3A_552 = arith.constant 1 : i32
      %dma_wait3A_553 = arith.constant 5 : i32
      %dma_wait3A_554 = arith.constant 1 : i32
      %dma_wait3A_555 = arith.constant 0 : i32
      %dma_wait3A_556 = arith.constant 0 : i32
      %dma_wait3A_557 = tpu.memref_slice %arg9[%dma_wait3A_554, %dma_wait3A_555, %dma_wait3A_556] : memref<2x128x128xf32, #tpu.memory_space<vmem>> -> memref<1x128x128xf32, #tpu.memory_space<vmem>>
      %dma_wait3A_558 = tpu.memref_squeeze %dma_wait3A_557 : memref<1x128x128xf32, #tpu.memory_space<vmem>> -> memref<128x128xf32, #tpu.memory_space<vmem>>
      %dma_wait3A_559 = arith.constant 0 : i32
      %dma_wait3A_560 = arith.constant 0 : i32
      %dma_wait3A_561 = tpu.memref_slice %arg7[%dma_wait3A_552, %dma_wait3A_559, %dma_wait3A_560] : memref<2x8x128xi32, #tpu.memory_space<vmem>> -> memref<1x8x128xi32, #tpu.memory_space<vmem>>
      %dma_wait3A_562 = tpu.memref_squeeze %dma_wait3A_561 : memref<1x8x128xi32, #tpu.memory_space<vmem>> -> memref<8x128xi32, #tpu.memory_space<vmem>>
      %dma_wait3A_563 = arith.constant 0 : i32
      %dma_wait3A_564 = tpu.memref_slice %dma_wait3A_562[%dma_wait3A_553, %dma_wait3A_563] : memref<8x128xi32, #tpu.memory_space<vmem>> -> memref<1x128xi32, #tpu.memory_space<vmem>>
      %dma_wait3A_565 = tpu.memref_squeeze %dma_wait3A_564 : memref<1x128xi32, #tpu.memory_space<vmem>> -> memref<128xi32, #tpu.memory_space<vmem>>
      %dma_wait3A_566 = arith.constant 0 : i32
      %dma_wait3A_567 = arith.constant 0 : i32
      %dma_wait3A_568 = tpu.memref_slice %arg2[%dma_wait3A_566, %dma_wait3A_567] : memref<10000x128xf32, #tpu.memory_space<hbm>> -> memref<10000x128xf32, #tpu.memory_space<hbm>>
      tpu.wait_indirect_dma semaphore(%arg12 : memref<!tpu.dma_semaphore, #tpu.memory_space<semaphore_mem>>) src(%dma_wait3A_568 : memref<10000x128xf32, #tpu.memory_space<hbm>>) dst(%dma_wait3A_558 : memref<128x128xf32, #tpu.memory_space<vmem>>)
      %run_scoped3A_569 = arith.constant 1 : i32
      %run_scoped3A_570 = arith.constant 1 : i32
      %run_scoped3A_571 = arith.constant 5 : i32
      "tpu.region"() ({
        %run_scoped3A_650 = tpu.sem_alloc : memref<!tpu.dma_semaphore, #tpu.memory_space<semaphore_mem>>
        %dma_start3A_651 = arith.constant 0 : i32
        %dma_start3A_652 = arith.constant 0 : i32
        %dma_start3A_653 = tpu.memref_slice %arg9[%run_scoped3A_569, %dma_start3A_651, %dma_start3A_652] : memref<2x128x128xf32, #tpu.memory_space<vmem>> -> memref<1x128x128xf32, #tpu.memory_space<vmem>>
        %dma_start3A_654 = tpu.memref_squeeze %dma_start3A_653 : memref<1x128x128xf32, #tpu.memory_space<vmem>> -> memref<128x128xf32, #tpu.memory_space<vmem>>
        %dma_start3A_655 = arith.constant 0 : i32
        %dma_start3A_656 = arith.constant 0 : i32
        %dma_start3A_657 = tpu.memref_slice %arg8[%run_scoped3A_570, %dma_start3A_655, %dma_start3A_656] : memref<2x8x128xi32, #tpu.memory_space<vmem>> -> memref<1x8x128xi32, #tpu.memory_space<vmem>>
        %dma_start3A_658 = tpu.memref_squeeze %dma_start3A_657 : memref<1x8x128xi32, #tpu.memory_space<vmem>> -> memref<8x128xi32, #tpu.memory_space<vmem>>
        %dma_start3A_659 = arith.constant 0 : i32
        %dma_start3A_660 = tpu.memref_slice %dma_start3A_658[%run_scoped3A_571, %dma_start3A_659] : memref<8x128xi32, #tpu.memory_space<vmem>> -> memref<1x128xi32, #tpu.memory_space<vmem>>
        %dma_start3A_661 = tpu.memref_squeeze %dma_start3A_660 : memref<1x128xi32, #tpu.memory_space<vmem>> -> memref<128xi32, #tpu.memory_space<vmem>>
        %dma_start3A_662 = arith.constant 0 : i32
        %dma_start3A_663 = arith.constant 0 : i32
        %dma_start3A_664 = tpu.memref_slice %arg10[%dma_start3A_662, %dma_start3A_663] : memref<10240x128xf32, #tpu.memory_space<vmem_shared>> -> memref<10240x128xf32, #tpu.memory_space<vmem_shared>>
        tpu.enqueue_indirect_dma source(%dma_start3A_654 : memref<128x128xf32, #tpu.memory_space<vmem>>) target(%dma_start3A_664 : memref<10240x128xf32, #tpu.memory_space<vmem_shared>>) offsets(%dma_start3A_661 : memref<128xi32, #tpu.memory_space<vmem>>) semaphore(%run_scoped3A_650 : memref<!tpu.dma_semaphore, #tpu.memory_space<semaphore_mem>>) {add = true}
        %dma_wait3A_665 = arith.constant 0 : i32
        %dma_wait3A_666 = arith.constant 0 : i32
        %dma_wait3A_667 = tpu.memref_slice %arg9[%run_scoped3A_569, %dma_wait3A_665, %dma_wait3A_666] : memref<2x128x128xf32, #tpu.memory_space<vmem>> -> memref<1x128x128xf32, #tpu.memory_space<vmem>>
        %dma_wait3A_668 = tpu.memref_squeeze %dma_wait3A_667 : memref<1x128x128xf32, #tpu.memory_space<vmem>> -> memref<128x128xf32, #tpu.memory_space<vmem>>
        %dma_wait3A_669 = arith.constant 0 : i32
        %dma_wait3A_670 = arith.constant 0 : i32
        %dma_wait3A_671 = tpu.memref_slice %arg8[%run_scoped3A_570, %dma_wait3A_669, %dma_wait3A_670] : memref<2x8x128xi32, #tpu.memory_space<vmem>> -> memref<1x8x128xi32, #tpu.memory_space<vmem>>
        %dma_wait3A_672 = tpu.memref_squeeze %dma_wait3A_671 : memref<1x8x128xi32, #tpu.memory_space<vmem>> -> memref<8x128xi32, #tpu.memory_space<vmem>>
        %dma_wait3A_673 = arith.constant 0 : i32
        %dma_wait3A_674 = tpu.memref_slice %dma_wait3A_672[%run_scoped3A_571, %dma_wait3A_673] : memref<8x128xi32, #tpu.memory_space<vmem>> -> memref<1x128xi32, #tpu.memory_space<vmem>>
        %dma_wait3A_675 = tpu.memref_squeeze %dma_wait3A_674 : memref<1x128xi32, #tpu.memory_space<vmem>> -> memref<128xi32, #tpu.memory_space<vmem>>
        %dma_wait3A_676 = arith.constant 0 : i32
        %dma_wait3A_677 = arith.constant 0 : i32
        %dma_wait3A_678 = tpu.memref_slice %arg10[%dma_wait3A_676, %dma_wait3A_677] : memref<10240x128xf32, #tpu.memory_space<vmem_shared>> -> memref<10240x128xf32, #tpu.memory_space<vmem_shared>>
        tpu.wait_indirect_dma semaphore(%run_scoped3A_650 : memref<!tpu.dma_semaphore, #tpu.memory_space<semaphore_mem>>) src(%dma_wait3A_668 : memref<128x128xf32, #tpu.memory_space<vmem>>) dst(%dma_wait3A_678 : memref<10240x128xf32, #tpu.memory_space<vmem_shared>>)
        tpu.yield
      }) : () -> ()
      %dma_start3A_572 = arith.constant 1 : i32
      %dma_start3A_573 = arith.constant 7 : i32
      %dma_start3A_574 = arith.constant 1 : i32
      %dma_start3A_575 = arith.constant 0 : i32
      %dma_start3A_576 = arith.constant 0 : i32
      %dma_start3A_577 = tpu.memref_slice %arg9[%dma_start3A_574, %dma_start3A_575, %dma_start3A_576] : memref<2x128x128xf32, #tpu.memory_space<vmem>> -> memref<1x128x128xf32, #tpu.memory_space<vmem>>
      %dma_start3A_578 = tpu.memref_squeeze %dma_start3A_577 : memref<1x128x128xf32, #tpu.memory_space<vmem>> -> memref<128x128xf32, #tpu.memory_space<vmem>>
      %dma_start3A_579 = arith.constant 0 : i32
      %dma_start3A_580 = arith.constant 0 : i32
      %dma_start3A_581 = tpu.memref_slice %arg7[%dma_start3A_572, %dma_start3A_579, %dma_start3A_580] : memref<2x8x128xi32, #tpu.memory_space<vmem>> -> memref<1x8x128xi32, #tpu.memory_space<vmem>>
      %dma_start3A_582 = tpu.memref_squeeze %dma_start3A_581 : memref<1x8x128xi32, #tpu.memory_space<vmem>> -> memref<8x128xi32, #tpu.memory_space<vmem>>
      %dma_start3A_583 = arith.constant 0 : i32
      %dma_start3A_584 = tpu.memref_slice %dma_start3A_582[%dma_start3A_573, %dma_start3A_583] : memref<8x128xi32, #tpu.memory_space<vmem>> -> memref<1x128xi32, #tpu.memory_space<vmem>>
      %dma_start3A_585 = tpu.memref_squeeze %dma_start3A_584 : memref<1x128xi32, #tpu.memory_space<vmem>> -> memref<128xi32, #tpu.memory_space<vmem>>
      %dma_start3A_586 = arith.constant 0 : i32
      %dma_start3A_587 = arith.constant 0 : i32
      %dma_start3A_588 = tpu.memref_slice %arg2[%dma_start3A_586, %dma_start3A_587] : memref<10000x128xf32, #tpu.memory_space<hbm>> -> memref<10000x128xf32, #tpu.memory_space<hbm>>
      tpu.enqueue_indirect_dma source(%dma_start3A_588 : memref<10000x128xf32, #tpu.memory_space<hbm>>) target(%dma_start3A_578 : memref<128x128xf32, #tpu.memory_space<vmem>>) offsets(%dma_start3A_585 : memref<128xi32, #tpu.memory_space<vmem>>) semaphore(%arg12 : memref<!tpu.dma_semaphore, #tpu.memory_space<semaphore_mem>>)
      %dma_wait3A_589 = arith.constant 1 : i32
      %dma_wait3A_590 = arith.constant 6 : i32
      %dma_wait3A_591 = arith.constant 0 : i32
      %dma_wait3A_592 = arith.constant 0 : i32
      %dma_wait3A_593 = arith.constant 0 : i32
      %dma_wait3A_594 = tpu.memref_slice %arg9[%dma_wait3A_591, %dma_wait3A_592, %dma_wait3A_593] : memref<2x128x128xf32, #tpu.memory_space<vmem>> -> memref<1x128x128xf32, #tpu.memory_space<vmem>>
      %dma_wait3A_595 = tpu.memref_squeeze %dma_wait3A_594 : memref<1x128x128xf32, #tpu.memory_space<vmem>> -> memref<128x128xf32, #tpu.memory_space<vmem>>
      %dma_wait3A_596 = arith.constant 0 : i32
      %dma_wait3A_597 = arith.constant 0 : i32
      %dma_wait3A_598 = tpu.memref_slice %arg7[%dma_wait3A_589, %dma_wait3A_596, %dma_wait3A_597] : memref<2x8x128xi32, #tpu.memory_space<vmem>> -> memref<1x8x128xi32, #tpu.memory_space<vmem>>
      %dma_wait3A_599 = tpu.memref_squeeze %dma_wait3A_598 : memref<1x8x128xi32, #tpu.memory_space<vmem>> -> memref<8x128xi32, #tpu.memory_space<vmem>>
      %dma_wait3A_600 = arith.constant 0 : i32
      %dma_wait3A_601 = tpu.memref_slice %dma_wait3A_599[%dma_wait3A_590, %dma_wait3A_600] : memref<8x128xi32, #tpu.memory_space<vmem>> -> memref<1x128xi32, #tpu.memory_space<vmem>>
      %dma_wait3A_602 = tpu.memref_squeeze %dma_wait3A_601 : memref<1x128xi32, #tpu.memory_space<vmem>> -> memref<128xi32, #tpu.memory_space<vmem>>
      %dma_wait3A_603 = arith.constant 0 : i32
      %dma_wait3A_604 = arith.constant 0 : i32
      %dma_wait3A_605 = tpu.memref_slice %arg2[%dma_wait3A_603, %dma_wait3A_604] : memref<10000x128xf32, #tpu.memory_space<hbm>> -> memref<10000x128xf32, #tpu.memory_space<hbm>>
      tpu.wait_indirect_dma semaphore(%arg11 : memref<!tpu.dma_semaphore, #tpu.memory_space<semaphore_mem>>) src(%dma_wait3A_605 : memref<10000x128xf32, #tpu.memory_space<hbm>>) dst(%dma_wait3A_595 : memref<128x128xf32, #tpu.memory_space<vmem>>)
      %run_scoped3A_606 = arith.constant 0 : i32
      %run_scoped3A_607 = arith.constant 1 : i32
      %run_scoped3A_608 = arith.constant 6 : i32
      "tpu.region"() ({
        %run_scoped3A_650 = tpu.sem_alloc : memref<!tpu.dma_semaphore, #tpu.memory_space<semaphore_mem>>
        %dma_start3A_651 = arith.constant 0 : i32
        %dma_start3A_652 = arith.constant 0 : i32
        %dma_start3A_653 = tpu.memref_slice %arg9[%run_scoped3A_606, %dma_start3A_651, %dma_start3A_652] : memref<2x128x128xf32, #tpu.memory_space<vmem>> -> memref<1x128x128xf32, #tpu.memory_space<vmem>>
        %dma_start3A_654 = tpu.memref_squeeze %dma_start3A_653 : memref<1x128x128xf32, #tpu.memory_space<vmem>> -> memref<128x128xf32, #tpu.memory_space<vmem>>
        %dma_start3A_655 = arith.constant 0 : i32
        %dma_start3A_656 = arith.constant 0 : i32
        %dma_start3A_657 = tpu.memref_slice %arg8[%run_scoped3A_607, %dma_start3A_655, %dma_start3A_656] : memref<2x8x128xi32, #tpu.memory_space<vmem>> -> memref<1x8x128xi32, #tpu.memory_space<vmem>>
        %dma_start3A_658 = tpu.memref_squeeze %dma_start3A_657 : memref<1x8x128xi32, #tpu.memory_space<vmem>> -> memref<8x128xi32, #tpu.memory_space<vmem>>
        %dma_start3A_659 = arith.constant 0 : i32
        %dma_start3A_660 = tpu.memref_slice %dma_start3A_658[%run_scoped3A_608, %dma_start3A_659] : memref<8x128xi32, #tpu.memory_space<vmem>> -> memref<1x128xi32, #tpu.memory_space<vmem>>
        %dma_start3A_661 = tpu.memref_squeeze %dma_start3A_660 : memref<1x128xi32, #tpu.memory_space<vmem>> -> memref<128xi32, #tpu.memory_space<vmem>>
        %dma_start3A_662 = arith.constant 0 : i32
        %dma_start3A_663 = arith.constant 0 : i32
        %dma_start3A_664 = tpu.memref_slice %arg10[%dma_start3A_662, %dma_start3A_663] : memref<10240x128xf32, #tpu.memory_space<vmem_shared>> -> memref<10240x128xf32, #tpu.memory_space<vmem_shared>>
        tpu.enqueue_indirect_dma source(%dma_start3A_654 : memref<128x128xf32, #tpu.memory_space<vmem>>) target(%dma_start3A_664 : memref<10240x128xf32, #tpu.memory_space<vmem_shared>>) offsets(%dma_start3A_661 : memref<128xi32, #tpu.memory_space<vmem>>) semaphore(%run_scoped3A_650 : memref<!tpu.dma_semaphore, #tpu.memory_space<semaphore_mem>>) {add = true}
        %dma_wait3A_665 = arith.constant 0 : i32
        %dma_wait3A_666 = arith.constant 0 : i32
        %dma_wait3A_667 = tpu.memref_slice %arg9[%run_scoped3A_606, %dma_wait3A_665, %dma_wait3A_666] : memref<2x128x128xf32, #tpu.memory_space<vmem>> -> memref<1x128x128xf32, #tpu.memory_space<vmem>>
        %dma_wait3A_668 = tpu.memref_squeeze %dma_wait3A_667 : memref<1x128x128xf32, #tpu.memory_space<vmem>> -> memref<128x128xf32, #tpu.memory_space<vmem>>
        %dma_wait3A_669 = arith.constant 0 : i32
        %dma_wait3A_670 = arith.constant 0 : i32
        %dma_wait3A_671 = tpu.memref_slice %arg8[%run_scoped3A_607, %dma_wait3A_669, %dma_wait3A_670] : memref<2x8x128xi32, #tpu.memory_space<vmem>> -> memref<1x8x128xi32, #tpu.memory_space<vmem>>
        %dma_wait3A_672 = tpu.memref_squeeze %dma_wait3A_671 : memref<1x8x128xi32, #tpu.memory_space<vmem>> -> memref<8x128xi32, #tpu.memory_space<vmem>>
        %dma_wait3A_673 = arith.constant 0 : i32
        %dma_wait3A_674 = tpu.memref_slice %dma_wait3A_672[%run_scoped3A_608, %dma_wait3A_673] : memref<8x128xi32, #tpu.memory_space<vmem>> -> memref<1x128xi32, #tpu.memory_space<vmem>>
        %dma_wait3A_675 = tpu.memref_squeeze %dma_wait3A_674 : memref<1x128xi32, #tpu.memory_space<vmem>> -> memref<128xi32, #tpu.memory_space<vmem>>
        %dma_wait3A_676 = arith.constant 0 : i32
        %dma_wait3A_677 = arith.constant 0 : i32
        %dma_wait3A_678 = tpu.memref_slice %arg10[%dma_wait3A_676, %dma_wait3A_677] : memref<10240x128xf32, #tpu.memory_space<vmem_shared>> -> memref<10240x128xf32, #tpu.memory_space<vmem_shared>>
        tpu.wait_indirect_dma semaphore(%run_scoped3A_650 : memref<!tpu.dma_semaphore, #tpu.memory_space<semaphore_mem>>) src(%dma_wait3A_668 : memref<128x128xf32, #tpu.memory_space<vmem>>) dst(%dma_wait3A_678 : memref<10240x128xf32, #tpu.memory_space<vmem_shared>>)
        tpu.yield
      }) : () -> ()
      %add3A_609 = arith.constant 1 : i32
      %add3A_610 = arith.addi %add3A_366, %add3A_609 : i32
      %lt3A_611 = arith.constant 10 : i32
      %lt3A_612 = arith.cmpi slt, %add3A_610, %lt3A_611 : i32
      %convert_element_type3A_613 = arith.extui %lt3A_612 : i1 to i32
      %cond3A_614 = arith.constant 0 : i32
      %cond3A_615 = arith.cmpi ne, %convert_element_type3A_613, %cond3A_614 : i32
      scf.if %cond3A_615 {
        %dma_start3A_650 = arith.constant 0 : i32
        %dma_start3A_651 = arith.constant 0 : i32
        %dma_start3A_652 = arith.constant 0 : i32
        %dma_start3A_653 = arith.constant 0 : i32
        %dma_start3A_654 = arith.constant 0 : i32
        %dma_start3A_655 = tpu.memref_slice %arg9[%dma_start3A_652, %dma_start3A_653, %dma_start3A_654] : memref<2x128x128xf32, #tpu.memory_space<vmem>> -> memref<1x128x128xf32, #tpu.memory_space<vmem>>
        %dma_start3A_656 = tpu.memref_squeeze %dma_start3A_655 : memref<1x128x128xf32, #tpu.memory_space<vmem>> -> memref<128x128xf32, #tpu.memory_space<vmem>>
        %dma_start3A_657 = arith.constant 0 : i32
        %dma_start3A_658 = arith.constant 0 : i32
        %dma_start3A_659 = tpu.memref_slice %arg7[%dma_start3A_650, %dma_start3A_657, %dma_start3A_658] : memref<2x8x128xi32, #tpu.memory_space<vmem>> -> memref<1x8x128xi32, #tpu.memory_space<vmem>>
        %dma_start3A_660 = tpu.memref_squeeze %dma_start3A_659 : memref<1x8x128xi32, #tpu.memory_space<vmem>> -> memref<8x128xi32, #tpu.memory_space<vmem>>
        %dma_start3A_661 = arith.constant 0 : i32
        %dma_start3A_662 = tpu.memref_slice %dma_start3A_660[%dma_start3A_651, %dma_start3A_661] : memref<8x128xi32, #tpu.memory_space<vmem>> -> memref<1x128xi32, #tpu.memory_space<vmem>>
        %dma_start3A_663 = tpu.memref_squeeze %dma_start3A_662 : memref<1x128xi32, #tpu.memory_space<vmem>> -> memref<128xi32, #tpu.memory_space<vmem>>
        %dma_start3A_664 = arith.constant 0 : i32
        %dma_start3A_665 = arith.constant 0 : i32
        %dma_start3A_666 = tpu.memref_slice %arg2[%dma_start3A_664, %dma_start3A_665] : memref<10000x128xf32, #tpu.memory_space<hbm>> -> memref<10000x128xf32, #tpu.memory_space<hbm>>
        tpu.enqueue_indirect_dma source(%dma_start3A_666 : memref<10000x128xf32, #tpu.memory_space<hbm>>) target(%dma_start3A_656 : memref<128x128xf32, #tpu.memory_space<vmem>>) offsets(%dma_start3A_663 : memref<128xi32, #tpu.memory_space<vmem>>) semaphore(%arg11 : memref<!tpu.dma_semaphore, #tpu.memory_space<semaphore_mem>>)
      } else {
      }
      %dma_wait3A_616 = arith.constant 1 : i32
      %dma_wait3A_617 = arith.constant 7 : i32
      %dma_wait3A_618 = arith.constant 1 : i32
      %dma_wait3A_619 = arith.constant 0 : i32
      %dma_wait3A_620 = arith.constant 0 : i32
      %dma_wait3A_621 = tpu.memref_slice %arg9[%dma_wait3A_618, %dma_wait3A_619, %dma_wait3A_620] : memref<2x128x128xf32, #tpu.memory_space<vmem>> -> memref<1x128x128xf32, #tpu.memory_space<vmem>>
      %dma_wait3A_622 = tpu.memref_squeeze %dma_wait3A_621 : memref<1x128x128xf32, #tpu.memory_space<vmem>> -> memref<128x128xf32, #tpu.memory_space<vmem>>
      %dma_wait3A_623 = arith.constant 0 : i32
      %dma_wait3A_624 = arith.constant 0 : i32
      %dma_wait3A_625 = tpu.memref_slice %arg7[%dma_wait3A_616, %dma_wait3A_623, %dma_wait3A_624] : memref<2x8x128xi32, #tpu.memory_space<vmem>> -> memref<1x8x128xi32, #tpu.memory_space<vmem>>
      %dma_wait3A_626 = tpu.memref_squeeze %dma_wait3A_625 : memref<1x8x128xi32, #tpu.memory_space<vmem>> -> memref<8x128xi32, #tpu.memory_space<vmem>>
      %dma_wait3A_627 = arith.constant 0 : i32
      %dma_wait3A_628 = tpu.memref_slice %dma_wait3A_626[%dma_wait3A_617, %dma_wait3A_627] : memref<8x128xi32, #tpu.memory_space<vmem>> -> memref<1x128xi32, #tpu.memory_space<vmem>>
      %dma_wait3A_629 = tpu.memref_squeeze %dma_wait3A_628 : memref<1x128xi32, #tpu.memory_space<vmem>> -> memref<128xi32, #tpu.memory_space<vmem>>
      %dma_wait3A_630 = arith.constant 0 : i32
      %dma_wait3A_631 = arith.constant 0 : i32
      %dma_wait3A_632 = tpu.memref_slice %arg2[%dma_wait3A_630, %dma_wait3A_631] : memref<10000x128xf32, #tpu.memory_space<hbm>> -> memref<10000x128xf32, #tpu.memory_space<hbm>>
      tpu.wait_indirect_dma semaphore(%arg12 : memref<!tpu.dma_semaphore, #tpu.memory_space<semaphore_mem>>) src(%dma_wait3A_632 : memref<10000x128xf32, #tpu.memory_space<hbm>>) dst(%dma_wait3A_622 : memref<128x128xf32, #tpu.memory_space<vmem>>)
      %run_scoped3A_633 = arith.constant 1 : i32
      %run_scoped3A_634 = arith.constant 1 : i32
      %run_scoped3A_635 = arith.constant 7 : i32
      "tpu.region"() ({
        %run_scoped3A_650 = tpu.sem_alloc : memref<!tpu.dma_semaphore, #tpu.memory_space<semaphore_mem>>
        %dma_start3A_651 = arith.constant 0 : i32
        %dma_start3A_652 = arith.constant 0 : i32
        %dma_start3A_653 = tpu.memref_slice %arg9[%run_scoped3A_633, %dma_start3A_651, %dma_start3A_652] : memref<2x128x128xf32, #tpu.memory_space<vmem>> -> memref<1x128x128xf32, #tpu.memory_space<vmem>>
        %dma_start3A_654 = tpu.memref_squeeze %dma_start3A_653 : memref<1x128x128xf32, #tpu.memory_space<vmem>> -> memref<128x128xf32, #tpu.memory_space<vmem>>
        %dma_start3A_655 = arith.constant 0 : i32
        %dma_start3A_656 = arith.constant 0 : i32
        %dma_start3A_657 = tpu.memref_slice %arg8[%run_scoped3A_634, %dma_start3A_655, %dma_start3A_656] : memref<2x8x128xi32, #tpu.memory_space<vmem>> -> memref<1x8x128xi32, #tpu.memory_space<vmem>>
        %dma_start3A_658 = tpu.memref_squeeze %dma_start3A_657 : memref<1x8x128xi32, #tpu.memory_space<vmem>> -> memref<8x128xi32, #tpu.memory_space<vmem>>
        %dma_start3A_659 = arith.constant 0 : i32
        %dma_start3A_660 = tpu.memref_slice %dma_start3A_658[%run_scoped3A_635, %dma_start3A_659] : memref<8x128xi32, #tpu.memory_space<vmem>> -> memref<1x128xi32, #tpu.memory_space<vmem>>
        %dma_start3A_661 = tpu.memref_squeeze %dma_start3A_660 : memref<1x128xi32, #tpu.memory_space<vmem>> -> memref<128xi32, #tpu.memory_space<vmem>>
        %dma_start3A_662 = arith.constant 0 : i32
        %dma_start3A_663 = arith.constant 0 : i32
        %dma_start3A_664 = tpu.memref_slice %arg10[%dma_start3A_662, %dma_start3A_663] : memref<10240x128xf32, #tpu.memory_space<vmem_shared>> -> memref<10240x128xf32, #tpu.memory_space<vmem_shared>>
        tpu.enqueue_indirect_dma source(%dma_start3A_654 : memref<128x128xf32, #tpu.memory_space<vmem>>) target(%dma_start3A_664 : memref<10240x128xf32, #tpu.memory_space<vmem_shared>>) offsets(%dma_start3A_661 : memref<128xi32, #tpu.memory_space<vmem>>) semaphore(%run_scoped3A_650 : memref<!tpu.dma_semaphore, #tpu.memory_space<semaphore_mem>>) {add = true}
        %dma_wait3A_665 = arith.constant 0 : i32
        %dma_wait3A_666 = arith.constant 0 : i32
        %dma_wait3A_667 = tpu.memref_slice %arg9[%run_scoped3A_633, %dma_wait3A_665, %dma_wait3A_666] : memref<2x128x128xf32, #tpu.memory_space<vmem>> -> memref<1x128x128xf32, #tpu.memory_space<vmem>>
        %dma_wait3A_668 = tpu.memref_squeeze %dma_wait3A_667 : memref<1x128x128xf32, #tpu.memory_space<vmem>> -> memref<128x128xf32, #tpu.memory_space<vmem>>
        %dma_wait3A_669 = arith.constant 0 : i32
        %dma_wait3A_670 = arith.constant 0 : i32
        %dma_wait3A_671 = tpu.memref_slice %arg8[%run_scoped3A_634, %dma_wait3A_669, %dma_wait3A_670] : memref<2x8x128xi32, #tpu.memory_space<vmem>> -> memref<1x8x128xi32, #tpu.memory_space<vmem>>
        %dma_wait3A_672 = tpu.memref_squeeze %dma_wait3A_671 : memref<1x8x128xi32, #tpu.memory_space<vmem>> -> memref<8x128xi32, #tpu.memory_space<vmem>>
        %dma_wait3A_673 = arith.constant 0 : i32
        %dma_wait3A_674 = tpu.memref_slice %dma_wait3A_672[%run_scoped3A_635, %dma_wait3A_673] : memref<8x128xi32, #tpu.memory_space<vmem>> -> memref<1x128xi32, #tpu.memory_space<vmem>>
        %dma_wait3A_675 = tpu.memref_squeeze %dma_wait3A_674 : memref<1x128xi32, #tpu.memory_space<vmem>> -> memref<128xi32, #tpu.memory_space<vmem>>
        %dma_wait3A_676 = arith.constant 0 : i32
        %dma_wait3A_677 = arith.constant 0 : i32
        %dma_wait3A_678 = tpu.memref_slice %arg10[%dma_wait3A_676, %dma_wait3A_677] : memref<10240x128xf32, #tpu.memory_space<vmem_shared>> -> memref<10240x128xf32, #tpu.memory_space<vmem_shared>>
        tpu.wait_indirect_dma semaphore(%run_scoped3A_650 : memref<!tpu.dma_semaphore, #tpu.memory_space<semaphore_mem>>) src(%dma_wait3A_668 : memref<128x128xf32, #tpu.memory_space<vmem>>) dst(%dma_wait3A_678 : memref<10240x128xf32, #tpu.memory_space<vmem_shared>>)
        tpu.yield
      }) : () -> ()
      %add3A_636 = arith.constant 1 : i32
      %add3A_637 = arith.addi %add3A_366, %add3A_636 : i32
      %lt3A_638 = arith.constant 10 : i32
      %lt3A_639 = arith.cmpi slt, %add3A_637, %lt3A_638 : i32
      %convert_element_type3A_640 = arith.extui %lt3A_639 : i1 to i32
      %cond3A_641 = arith.constant 0 : i32
      %cond3A_642 = arith.cmpi ne, %convert_element_type3A_640, %cond3A_641 : i32
      scf.if %cond3A_642 {
        %dma_start3A_650 = arith.constant 0 : i32
        %dma_start3A_651 = arith.constant 1 : i32
        %dma_start3A_652 = arith.constant 1 : i32
        %dma_start3A_653 = arith.constant 0 : i32
        %dma_start3A_654 = arith.constant 0 : i32
        %dma_start3A_655 = tpu.memref_slice %arg9[%dma_start3A_652, %dma_start3A_653, %dma_start3A_654] : memref<2x128x128xf32, #tpu.memory_space<vmem>> -> memref<1x128x128xf32, #tpu.memory_space<vmem>>
        %dma_start3A_656 = tpu.memref_squeeze %dma_start3A_655 : memref<1x128x128xf32, #tpu.memory_space<vmem>> -> memref<128x128xf32, #tpu.memory_space<vmem>>
        %dma_start3A_657 = arith.constant 0 : i32
        %dma_start3A_658 = arith.constant 0 : i32
        %dma_start3A_659 = tpu.memref_slice %arg7[%dma_start3A_650, %dma_start3A_657, %dma_start3A_658] : memref<2x8x128xi32, #tpu.memory_space<vmem>> -> memref<1x8x128xi32, #tpu.memory_space<vmem>>
        %dma_start3A_660 = tpu.memref_squeeze %dma_start3A_659 : memref<1x8x128xi32, #tpu.memory_space<vmem>> -> memref<8x128xi32, #tpu.memory_space<vmem>>
        %dma_start3A_661 = arith.constant 0 : i32
        %dma_start3A_662 = tpu.memref_slice %dma_start3A_660[%dma_start3A_651, %dma_start3A_661] : memref<8x128xi32, #tpu.memory_space<vmem>> -> memref<1x128xi32, #tpu.memory_space<vmem>>
        %dma_start3A_663 = tpu.memref_squeeze %dma_start3A_662 : memref<1x128xi32, #tpu.memory_space<vmem>> -> memref<128xi32, #tpu.memory_space<vmem>>
        %dma_start3A_664 = arith.constant 0 : i32
        %dma_start3A_665 = arith.constant 0 : i32
        %dma_start3A_666 = tpu.memref_slice %arg2[%dma_start3A_664, %dma_start3A_665] : memref<10000x128xf32, #tpu.memory_space<hbm>> -> memref<10000x128xf32, #tpu.memory_space<hbm>>
        tpu.enqueue_indirect_dma source(%dma_start3A_666 : memref<10000x128xf32, #tpu.memory_space<hbm>>) target(%dma_start3A_656 : memref<128x128xf32, #tpu.memory_space<vmem>>) offsets(%dma_start3A_663 : memref<128xi32, #tpu.memory_space<vmem>>) semaphore(%arg12 : memref<!tpu.dma_semaphore, #tpu.memory_space<semaphore_mem>>)
      } else {
      }
      %add3A_643 = arith.constant 2 : i32
      %add3A_644 = arith.addi %add3A_366, %add3A_643 : i32
      %lt3A_645 = arith.constant 10 : i32
      %lt3A_646 = arith.cmpi slt, %add3A_644, %lt3A_645 : i32
      %convert_element_type3A_647 = arith.extui %lt3A_646 : i1 to i32
      %cond3A_648 = arith.constant 0 : i32
      %cond3A_649 = arith.cmpi ne, %convert_element_type3A_647, %cond3A_648 : i32
      scf.if %cond3A_649 {
        %add3A_650 = arith.constant 2 : i32
        %add3A_651 = arith.addi %add3A_366, %add3A_650 : i32
        %run_scoped3A_652 = arith.constant 1 : i32
        "tpu.region"() ({
          %run_scoped3A_656 = tpu.sem_alloc : memref<!tpu.dma_semaphore, #tpu.memory_space<semaphore_mem>>
          %dma_start3A_657 = arith.constant 0 : i32
          %dma_start3A_658 = arith.constant 0 : i32
          %dma_start3A_659 = tpu.memref_slice %arg7[%run_scoped3A_652, %dma_start3A_657, %dma_start3A_658] : memref<2x8x128xi32, #tpu.memory_space<vmem>> -> memref<1x8x128xi32, #tpu.memory_space<vmem>>
          %dma_start3A_660 = tpu.memref_squeeze %dma_start3A_659 : memref<1x8x128xi32, #tpu.memory_space<vmem>> -> memref<8x128xi32, #tpu.memory_space<vmem>>
          %dma_start3A_661 = arith.constant 0 : i32
          %dma_start3A_662 = arith.constant 0 : i32
          %dma_start3A_663 = tpu.memref_slice %arg3[%add3A, %add3A_651, %dma_start3A_661, %dma_start3A_662] : memref<32x10x8x128xi32, #tpu.memory_space<hbm>> -> memref<1x1x8x128xi32, #tpu.memory_space<hbm>>
          %dma_start3A_664 = tpu.memref_squeeze %dma_start3A_663 : memref<1x1x8x128xi32, #tpu.memory_space<hbm>> -> memref<8x128xi32, #tpu.memory_space<hbm>>
          %dma_start3A_665 = arith.constant 0 : i32
          %dma_start3A_666 = arith.constant 0 : i32
          %dma_start3A_667 = tpu.memref_slice %arg7[%run_scoped3A_652, %dma_start3A_665, %dma_start3A_666] : memref<2x8x128xi32, #tpu.memory_space<vmem>> -> memref<1x8x128xi32, #tpu.memory_space<vmem>>
          %dma_start3A_668 = tpu.memref_squeeze %dma_start3A_667 : memref<1x8x128xi32, #tpu.memory_space<vmem>> -> memref<8x128xi32, #tpu.memory_space<vmem>>
          %dma_start3A_669 = arith.constant 0 : i32
          %dma_start3A_670 = arith.constant 0 : i32
          %dma_start3A_671 = tpu.memref_slice %arg3[%add3A, %add3A_651, %dma_start3A_669, %dma_start3A_670] : memref<32x10x8x128xi32, #tpu.memory_space<hbm>> -> memref<1x1x8x128xi32, #tpu.memory_space<hbm>>
          %dma_start3A_672 = tpu.memref_squeeze %dma_start3A_671 : memref<1x1x8x128xi32, #tpu.memory_space<hbm>> -> memref<8x128xi32, #tpu.memory_space<hbm>>
          tpu.enqueue_dma source(%dma_start3A_672 : memref<8x128xi32, #tpu.memory_space<hbm>>) target(%dma_start3A_668 : memref<8x128xi32, #tpu.memory_space<vmem>>) target_semaphore(%run_scoped3A_656 : memref<!tpu.dma_semaphore, #tpu.memory_space<semaphore_mem>>)
          %dma_wait3A_673 = arith.constant 0 : i32
          %dma_wait3A_674 = arith.constant 0 : i32
          %dma_wait3A_675 = tpu.memref_slice %arg7[%run_scoped3A_652, %dma_wait3A_673, %dma_wait3A_674] : memref<2x8x128xi32, #tpu.memory_space<vmem>> -> memref<1x8x128xi32, #tpu.memory_space<vmem>>
          %dma_wait3A_676 = tpu.memref_squeeze %dma_wait3A_675 : memref<1x8x128xi32, #tpu.memory_space<vmem>> -> memref<8x128xi32, #tpu.memory_space<vmem>>
          %dma_wait3A_677 = arith.constant 0 : i32
          %dma_wait3A_678 = arith.constant 0 : i32
          %dma_wait3A_679 = tpu.memref_slice %arg3[%add3A, %add3A_651, %dma_wait3A_677, %dma_wait3A_678] : memref<32x10x8x128xi32, #tpu.memory_space<hbm>> -> memref<1x1x8x128xi32, #tpu.memory_space<hbm>>
          %dma_wait3A_680 = tpu.memref_squeeze %dma_wait3A_679 : memref<1x1x8x128xi32, #tpu.memory_space<hbm>> -> memref<8x128xi32, #tpu.memory_space<hbm>>
          %dma_wait3A_681 = arith.constant 0 : i32
          %dma_wait3A_682 = arith.constant 0 : i32
          %dma_wait3A_683 = tpu.memref_slice %arg7[%run_scoped3A_652, %dma_wait3A_681, %dma_wait3A_682] : memref<2x8x128xi32, #tpu.memory_space<vmem>> -> memref<1x8x128xi32, #tpu.memory_space<vmem>>
          %dma_wait3A_684 = tpu.memref_squeeze %dma_wait3A_683 : memref<1x8x128xi32, #tpu.memory_space<vmem>> -> memref<8x128xi32, #tpu.memory_space<vmem>>
          %dma_wait3A_685 = arith.constant 0 : i32
          %dma_wait3A_686 = arith.constant 0 : i32
          %dma_wait3A_687 = tpu.memref_slice %arg3[%add3A, %add3A_651, %dma_wait3A_685, %dma_wait3A_686] : memref<32x10x8x128xi32, #tpu.memory_space<hbm>> -> memref<1x1x8x128xi32, #tpu.memory_space<hbm>>
          %dma_wait3A_688 = tpu.memref_squeeze %dma_wait3A_687 : memref<1x1x8x128xi32, #tpu.memory_space<hbm>> -> memref<8x128xi32, #tpu.memory_space<hbm>>
          tpu.wait_dma2 semaphore(%run_scoped3A_656 : memref<!tpu.dma_semaphore, #tpu.memory_space<semaphore_mem>>) src(%dma_wait3A_688 : memref<8x128xi32, #tpu.memory_space<hbm>>) dst(%dma_wait3A_684 : memref<8x128xi32, #tpu.memory_space<vmem>>)
          tpu.yield
        }) : () -> ()
        %add3A_653 = arith.constant 2 : i32
        %add3A_654 = arith.addi %add3A_366, %add3A_653 : i32
        %run_scoped3A_655 = arith.constant 1 : i32
        "tpu.region"() ({
          %run_scoped3A_656 = tpu.sem_alloc : memref<!tpu.dma_semaphore, #tpu.memory_space<semaphore_mem>>
          %dma_start3A_657 = arith.constant 0 : i32
          %dma_start3A_658 = arith.constant 0 : i32
          %dma_start3A_659 = tpu.memref_slice %arg8[%run_scoped3A_655, %dma_start3A_657, %dma_start3A_658] : memref<2x8x128xi32, #tpu.memory_space<vmem>> -> memref<1x8x128xi32, #tpu.memory_space<vmem>>
          %dma_start3A_660 = tpu.memref_squeeze %dma_start3A_659 : memref<1x8x128xi32, #tpu.memory_space<vmem>> -> memref<8x128xi32, #tpu.memory_space<vmem>>
          %dma_start3A_661 = arith.constant 0 : i32
          %dma_start3A_662 = arith.constant 0 : i32
          %dma_start3A_663 = tpu.memref_slice %arg4[%add3A, %add3A_654, %dma_start3A_661, %dma_start3A_662] : memref<32x10x8x128xi32, #tpu.memory_space<hbm>> -> memref<1x1x8x128xi32, #tpu.memory_space<hbm>>
          %dma_start3A_664 = tpu.memref_squeeze %dma_start3A_663 : memref<1x1x8x128xi32, #tpu.memory_space<hbm>> -> memref<8x128xi32, #tpu.memory_space<hbm>>
          %dma_start3A_665 = arith.constant 0 : i32
          %dma_start3A_666 = arith.constant 0 : i32
          %dma_start3A_667 = tpu.memref_slice %arg8[%run_scoped3A_655, %dma_start3A_665, %dma_start3A_666] : memref<2x8x128xi32, #tpu.memory_space<vmem>> -> memref<1x8x128xi32, #tpu.memory_space<vmem>>
          %dma_start3A_668 = tpu.memref_squeeze %dma_start3A_667 : memref<1x8x128xi32, #tpu.memory_space<vmem>> -> memref<8x128xi32, #tpu.memory_space<vmem>>
          %dma_start3A_669 = arith.constant 0 : i32
          %dma_start3A_670 = arith.constant 0 : i32
          %dma_start3A_671 = tpu.memref_slice %arg4[%add3A, %add3A_654, %dma_start3A_669, %dma_start3A_670] : memref<32x10x8x128xi32, #tpu.memory_space<hbm>> -> memref<1x1x8x128xi32, #tpu.memory_space<hbm>>
          %dma_start3A_672 = tpu.memref_squeeze %dma_start3A_671 : memref<1x1x8x128xi32, #tpu.memory_space<hbm>> -> memref<8x128xi32, #tpu.memory_space<hbm>>
          tpu.enqueue_dma source(%dma_start3A_672 : memref<8x128xi32, #tpu.memory_space<hbm>>) target(%dma_start3A_668 : memref<8x128xi32, #tpu.memory_space<vmem>>) target_semaphore(%run_scoped3A_656 : memref<!tpu.dma_semaphore, #tpu.memory_space<semaphore_mem>>)
          %dma_wait3A_673 = arith.constant 0 : i32
          %dma_wait3A_674 = arith.constant 0 : i32
          %dma_wait3A_675 = tpu.memref_slice %arg8[%run_scoped3A_655, %dma_wait3A_673, %dma_wait3A_674] : memref<2x8x128xi32, #tpu.memory_space<vmem>> -> memref<1x8x128xi32, #tpu.memory_space<vmem>>
          %dma_wait3A_676 = tpu.memref_squeeze %dma_wait3A_675 : memref<1x8x128xi32, #tpu.memory_space<vmem>> -> memref<8x128xi32, #tpu.memory_space<vmem>>
          %dma_wait3A_677 = arith.constant 0 : i32
          %dma_wait3A_678 = arith.constant 0 : i32
          %dma_wait3A_679 = tpu.memref_slice %arg4[%add3A, %add3A_654, %dma_wait3A_677, %dma_wait3A_678] : memref<32x10x8x128xi32, #tpu.memory_space<hbm>> -> memref<1x1x8x128xi32, #tpu.memory_space<hbm>>
          %dma_wait3A_680 = tpu.memref_squeeze %dma_wait3A_679 : memref<1x1x8x128xi32, #tpu.memory_space<hbm>> -> memref<8x128xi32, #tpu.memory_space<hbm>>
          %dma_wait3A_681 = arith.constant 0 : i32
          %dma_wait3A_682 = arith.constant 0 : i32
          %dma_wait3A_683 = tpu.memref_slice %arg8[%run_scoped3A_655, %dma_wait3A_681, %dma_wait3A_682] : memref<2x8x128xi32, #tpu.memory_space<vmem>> -> memref<1x8x128xi32, #tpu.memory_space<vmem>>
          %dma_wait3A_684 = tpu.memref_squeeze %dma_wait3A_683 : memref<1x8x128xi32, #tpu.memory_space<vmem>> -> memref<8x128xi32, #tpu.memory_space<vmem>>
          %dma_wait3A_685 = arith.constant 0 : i32
          %dma_wait3A_686 = arith.constant 0 : i32
          %dma_wait3A_687 = tpu.memref_slice %arg4[%add3A, %add3A_654, %dma_wait3A_685, %dma_wait3A_686] : memref<32x10x8x128xi32, #tpu.memory_space<hbm>> -> memref<1x1x8x128xi32, #tpu.memory_space<hbm>>
          %dma_wait3A_688 = tpu.memref_squeeze %dma_wait3A_687 : memref<1x1x8x128xi32, #tpu.memory_space<hbm>> -> memref<8x128xi32, #tpu.memory_space<hbm>>
          tpu.wait_dma2 semaphore(%run_scoped3A_656 : memref<!tpu.dma_semaphore, #tpu.memory_space<semaphore_mem>>) src(%dma_wait3A_688 : memref<8x128xi32, #tpu.memory_space<hbm>>) dst(%dma_wait3A_684 : memref<8x128xi32, #tpu.memory_space<vmem>>)
          tpu.yield
        }) : () -> ()
      } else {
      }
    }
    %scan3A_70 = arith.constant 5 : i32
    %barrier3A_71 = arith.constant 0 : index
    tpu.barrier barrier_id(%barrier3A_71)
    %mul3A_72 = arith.constant 640 : i32
    %mul3A_73 = arith.muli %arg1, %mul3A_72 : i32
    %mul3A_74 = arith.constant 10240 : i32
    %mul3A_75 = arith.muli %arg0, %mul3A_74 : i32
    %mul3A_76 = arith.constant 640 : i32
    %mul3A_77 = arith.muli %arg1, %mul3A_76 : i32
    %add3A_78 = arith.addi %mul3A_75, %mul3A_77 : i32
    "tpu.region"() ({
      %run_scoped3A_79 = tpu.sem_alloc : memref<!tpu.dma_semaphore, #tpu.memory_space<semaphore_mem>>
      %dma_start3A_80 = arith.constant 0 : i32
      %dma_start3A_81 = tpu.memref_slice %arg6[%add3A_78, %dma_start3A_80] : memref<20480x128xf32, #tpu.memory_space<hbm>> -> memref<640x128xf32, #tpu.memory_space<hbm>>
      %dma_start3A_82 = arith.constant 0 : i32
      %dma_start3A_83 = tpu.memref_slice %arg10[%mul3A_73, %dma_start3A_82] : memref<10240x128xf32, #tpu.memory_space<vmem_shared>> -> memref<640x128xf32, #tpu.memory_space<vmem_shared>>
      tpu.enqueue_dma source(%dma_start3A_83 : memref<640x128xf32, #tpu.memory_space<vmem_shared>>) target(%dma_start3A_81 : memref<640x128xf32, #tpu.memory_space<hbm>>) target_semaphore(%run_scoped3A_79 : memref<!tpu.dma_semaphore, #tpu.memory_space<semaphore_mem>>)
      %dma_wait3A = arith.constant 0 : i32
      %dma_wait3A_84 = tpu.memref_slice %arg6[%add3A_78, %dma_wait3A] : memref<20480x128xf32, #tpu.memory_space<hbm>> -> memref<640x128xf32, #tpu.memory_space<hbm>>
      %dma_wait3A_85 = arith.constant 0 : i32
      %dma_wait3A_86 = tpu.memref_slice %arg10[%mul3A_73, %dma_wait3A_85] : memref<10240x128xf32, #tpu.memory_space<vmem_shared>> -> memref<640x128xf32, #tpu.memory_space<vmem_shared>>
      tpu.wait_dma2 semaphore(%run_scoped3A_79 : memref<!tpu.dma_semaphore, #tpu.memory_space<semaphore_mem>>) src(%dma_wait3A_86 : memref<640x128xf32, #tpu.memory_space<vmem_shared>>) dst(%dma_wait3A_84 : memref<640x128xf32, #tpu.memory_space<hbm>>)
      tpu.yield
    }) : () -> ()
    return
  }
}

module attributes {stable_mosaic.version = 14 : i64} {
  func.func @_tc_layer_body(%arg0: i32, %arg1: memref<2x400x128xf32, #tpu.memory_space<vmem>>, %arg2: memref<400x128xf32, #tpu.memory_space<vmem>>, %arg3: memref<128x128xf32, #tpu.memory_space<vmem>>, %arg4: memref<1x128xf32, #tpu.memory_space<vmem>>, %arg5: memref<128x128xf32, #tpu.memory_space<vmem>>, %arg6: memref<400x128xf32, #tpu.memory_space<vmem>>) attributes {dimension_semantics = [#tpu.dimension_semantics<arbitrary>], iteration_bounds = array<i64: 25>, scalar_prefetch = 0 : i64, scratch_operands = 0 : i64, tpu.core_type = #tpu.core_type<tc>, window_params = [{transform_indices = @transform_0, window_bounds = array<i64: 2, 400, 128>}, {transform_indices = @transform_1, window_bounds = array<i64: 400, 128>}, {pipeline_mode = #tpu.pipeline_mode<synchronous>, transform_indices = @transform_2, window_bounds = array<i64: 128, 128>}, {pipeline_mode = #tpu.pipeline_mode<synchronous>, transform_indices = @transform_3, window_bounds = array<i64: 1, 128>}, {pipeline_mode = #tpu.pipeline_mode<synchronous>, transform_indices = @transform_4, window_bounds = array<i64: 128, 128>}, {transform_indices = @transform_5, window_bounds = array<i64: 400, 128>}]} {
    %get3A = arith.constant 0 : index
    %get3A_0 = arith.constant 0 : index
    %get3A_1 = arith.constant 0 : index
    %get3A_2 = vector.load %arg1[%get3A, %get3A_0, %get3A_1] : memref<2x400x128xf32, #tpu.memory_space<vmem>>, vector<1x400x128xf32>
    %get3A_3 = vector.shape_cast %get3A_2 : vector<1x400x128xf32> to vector<400x128xf32>
    %get3A_4 = arith.constant 1 : index
    %get3A_5 = arith.constant 0 : index
    %get3A_6 = arith.constant 0 : index
    %get3A_7 = vector.load %arg1[%get3A_4, %get3A_5, %get3A_6] : memref<2x400x128xf32, #tpu.memory_space<vmem>>, vector<1x400x128xf32>
    %get3A_8 = vector.shape_cast %get3A_7 : vector<1x400x128xf32> to vector<400x128xf32>
    %add3A = arith.addf %get3A_3, %get3A_8 : vector<400x128xf32>
    %get3A_9 = arith.constant 0 : index
    %get3A_10 = arith.constant 0 : index
    %get3A_11 = vector.load %arg3[%get3A_9, %get3A_10] : memref<128x128xf32, #tpu.memory_space<vmem>>, vector<128x128xf32>
    %dot_general3A = arith.constant dense<0.000000e+00> : vector<400x128xf32>
    %dot_general3A_12 = tpu.matmul %add3A, %get3A_11, %dot_general3A {dimension_numbers = #tpu.dot_dimension_numbers<[1], [0], [0], [1], [0, 0, 1, 1], [], []>, transpose_lhs_hint = false} : vector<400x128xf32>, vector<128x128xf32>, vector<400x128xf32> -> vector<400x128xf32>
    %get3A_13 = arith.constant 0 : index
    %get3A_14 = arith.constant 0 : index
    %get3A_15 = vector.load %arg2[%get3A_13, %get3A_14] : memref<400x128xf32, #tpu.memory_space<vmem>>, vector<400x128xf32>
    %get3A_16 = arith.constant 0 : index
    %get3A_17 = arith.constant 0 : index
    %get3A_18 = vector.load %arg5[%get3A_16, %get3A_17] : memref<128x128xf32, #tpu.memory_space<vmem>>, vector<128x128xf32>
    %dot_general3A_19 = arith.constant dense<0.000000e+00> : vector<400x128xf32>
    %dot_general3A_20 = tpu.matmul %get3A_15, %get3A_18, %dot_general3A_19 {dimension_numbers = #tpu.dot_dimension_numbers<[1], [0], [0], [1], [0, 0, 1, 1], [], []>, transpose_lhs_hint = false} : vector<400x128xf32>, vector<128x128xf32>, vector<400x128xf32> -> vector<400x128xf32>
    %add3A_21 = arith.addf %dot_general3A_12, %dot_general3A_20 : vector<400x128xf32>
    %get3A_22 = arith.constant 0 : index
    %get3A_23 = arith.constant 0 : index
    %get3A_24 = vector.load %arg4[%get3A_22, %get3A_23] : memref<1x128xf32, #tpu.memory_space<vmem>>, vector<1x128xf32>
    %add3A_25 = vector.broadcast %get3A_24 : vector<1x128xf32> to vector<400x128xf32>
    %add3A_26 = arith.addf %add3A_21, %add3A_25 : vector<400x128xf32>
    %max3A = arith.constant 0.000000e+00 : f32
    %max3A_27 = vector.broadcast %max3A : f32 to vector<400x128xf32>
    %max3A_28 = arith.maximumf %add3A_26, %max3A_27 : vector<400x128xf32>
    %swap3A = arith.constant 0 : index
    %swap3A_29 = arith.constant 0 : index
    %swap3A_30 = vector.load %arg6[%swap3A, %swap3A_29] : memref<400x128xf32, #tpu.memory_space<vmem>>, vector<400x128xf32>
    tpu.vector_store %arg6[%swap3A, %swap3A_29], %max3A_28 {strides = array<i32>} : memref<400x128xf32, #tpu.memory_space<vmem>>, vector<400x128xf32>,
    return
  }
  func.func @transform_0(%arg0: i32) -> (i32, i32, i32) {
    %c0_i32 = arith.constant 0 : i32
    %c0_i32_0 = arith.constant 0 : i32
    %c0_i32_1 = arith.constant 0 : i32
    return %c0_i32, %arg0, %c0_i32_0 : i32, i32, i32
  }
  func.func @transform_1(%arg0: i32) -> (i32, i32) {
    %c0_i32 = arith.constant 0 : i32
    %c0_i32_0 = arith.constant 0 : i32
    return %arg0, %c0_i32 : i32, i32
  }
  func.func @transform_2(%arg0: i32) -> (i32, i32) {
    %c0_i32 = arith.constant 0 : i32
    %c0_i32_0 = arith.constant 0 : i32
    %c0_i32_1 = arith.constant 0 : i32
    return %c0_i32, %c0_i32_0 : i32, i32
  }
  func.func @transform_3(%arg0: i32) -> (i32, i32) {
    %c0_i32 = arith.constant 0 : i32
    %c0_i32_0 = arith.constant 0 : i32
    %c0_i32_1 = arith.constant 0 : i32
    return %c0_i32, %c0_i32_0 : i32, i32
  }
  func.func @transform_4(%arg0: i32) -> (i32, i32) {
    %c0_i32 = arith.constant 0 : i32
    %c0_i32_0 = arith.constant 0 : i32
    %c0_i32_1 = arith.constant 0 : i32
    return %c0_i32, %c0_i32_0 : i32, i32
  }
  func.func @transform_5(%arg0: i32) -> (i32, i32) {
    %c0_i32 = arith.constant 0 : i32
    %c0_i32_0 = arith.constant 0 : i32
    return %arg0, %c0_i32 : i32, i32
  }
}

module attributes {stable_mosaic.version = 14 : i64} {
  func.func @_tc_head_body(%arg0: i32, %arg1: memref<2x400x128xf32, #tpu.memory_space<vmem>>, %arg2: memref<400x128xf32, #tpu.memory_space<vmem>>, %arg3: memref<128x128xf32, #tpu.memory_space<vmem>>, %arg4: memref<1x128xf32, #tpu.memory_space<vmem>>, %arg5: memref<128x128xf32, #tpu.memory_space<vmem>>, %arg6: memref<1x1x400xi32, #tpu.memory_space<vmem>>, %arg7: memref<128x128xf32, #tpu.memory_space<vmem>>, %arg8: memref<1x128xf32, #tpu.memory_space<vmem>>, %arg9: memref<64x128xf32, #tpu.memory_space<vmem>>, %arg10: memref<64x128xf32, #tpu.memory_space<vmem>>, %arg11: memref<64x128xf32, #tpu.memory_space<vmem>>) attributes {dimension_semantics = [#tpu.dimension_semantics<arbitrary>], iteration_bounds = array<i64: 25>, scalar_prefetch = 0 : i64, scratch_operands = 2 : i64, tpu.core_type = #tpu.core_type<tc>, window_params = [{transform_indices = @transform_0, window_bounds = array<i64: 2, 400, 128>}, {transform_indices = @transform_1, window_bounds = array<i64: 400, 128>}, {pipeline_mode = #tpu.pipeline_mode<synchronous>, transform_indices = @transform_2, window_bounds = array<i64: 128, 128>}, {pipeline_mode = #tpu.pipeline_mode<synchronous>, transform_indices = @transform_3, window_bounds = array<i64: 1, 128>}, {pipeline_mode = #tpu.pipeline_mode<synchronous>, transform_indices = @transform_4, window_bounds = array<i64: 128, 128>}, {transform_indices = @transform_5, window_bounds = array<i64: 1, 1, 400>}, {pipeline_mode = #tpu.pipeline_mode<synchronous>, transform_indices = @transform_6, window_bounds = array<i64: 128, 128>}, {pipeline_mode = #tpu.pipeline_mode<synchronous>, transform_indices = @transform_7, window_bounds = array<i64: 1, 128>}, {pipeline_mode = #tpu.pipeline_mode<synchronous>, transform_indices = @transform_8, window_bounds = array<i64: 64, 128>}]} {
    %eq3A = arith.constant 0 : i32
    %eq3A_0 = arith.cmpi eq, %arg0, %eq3A : i32
    %convert_element_type3A = arith.extui %eq3A_0 : i1 to i32
    %cond3A = arith.constant 0 : i32
    %cond3A_1 = arith.cmpi ne, %convert_element_type3A, %cond3A : i32
    scf.if %cond3A_1 {
      %broadcast_in_dim3A_64 = arith.constant 0.000000e+00 : f32
      %broadcast_in_dim3A_65 = vector.broadcast %broadcast_in_dim3A_64 : f32 to vector<64x128xf32>
      %swap3A_66 = arith.constant 0 : index
      %swap3A_67 = arith.constant 0 : index
      %swap3A_68 = vector.load %arg10[%swap3A_66, %swap3A_67] : memref<64x128xf32, #tpu.memory_space<vmem>>, vector<64x128xf32>
      tpu.vector_store %arg10[%swap3A_66, %swap3A_67], %broadcast_in_dim3A_65 {strides = array<i32>} : memref<64x128xf32, #tpu.memory_space<vmem>>, vector<64x128xf32>,
      %broadcast_in_dim3A_69 = arith.constant 0.000000e+00 : f32
      %broadcast_in_dim3A_70 = vector.broadcast %broadcast_in_dim3A_69 : f32 to vector<64x128xf32>
      %swap3A_71 = arith.constant 0 : index
      %swap3A_72 = arith.constant 0 : index
      %swap3A_73 = vector.load %arg11[%swap3A_71, %swap3A_72] : memref<64x128xf32, #tpu.memory_space<vmem>>, vector<64x128xf32>
      tpu.vector_store %arg11[%swap3A_71, %swap3A_72], %broadcast_in_dim3A_70 {strides = array<i32>} : memref<64x128xf32, #tpu.memory_space<vmem>>, vector<64x128xf32>,
    } else {
    }
    %get3A = arith.constant 0 : index
    %get3A_2 = arith.constant 0 : index
    %get3A_3 = arith.constant 0 : index
    %get3A_4 = vector.load %arg1[%get3A, %get3A_2, %get3A_3] : memref<2x400x128xf32, #tpu.memory_space<vmem>>, vector<1x400x128xf32>
    %get3A_5 = vector.shape_cast %get3A_4 : vector<1x400x128xf32> to vector<400x128xf32>
    %get3A_6 = arith.constant 1 : index
    %get3A_7 = arith.constant 0 : index
    %get3A_8 = arith.constant 0 : index
    %get3A_9 = vector.load %arg1[%get3A_6, %get3A_7, %get3A_8] : memref<2x400x128xf32, #tpu.memory_space<vmem>>, vector<1x400x128xf32>
    %get3A_10 = vector.shape_cast %get3A_9 : vector<1x400x128xf32> to vector<400x128xf32>
    %add3A = arith.addf %get3A_5, %get3A_10 : vector<400x128xf32>
    %get3A_11 = arith.constant 0 : index
    %get3A_12 = arith.constant 0 : index
    %get3A_13 = vector.load %arg3[%get3A_11, %get3A_12] : memref<128x128xf32, #tpu.memory_space<vmem>>, vector<128x128xf32>
    %dot_general3A = arith.constant dense<0.000000e+00> : vector<400x128xf32>
    %dot_general3A_14 = tpu.matmul %add3A, %get3A_13, %dot_general3A {dimension_numbers = #tpu.dot_dimension_numbers<[1], [0], [0], [1], [0, 0, 1, 1], [], []>, transpose_lhs_hint = false} : vector<400x128xf32>, vector<128x128xf32>, vector<400x128xf32> -> vector<400x128xf32>
    %get3A_15 = arith.constant 0 : index
    %get3A_16 = arith.constant 0 : index
    %get3A_17 = vector.load %arg2[%get3A_15, %get3A_16] : memref<400x128xf32, #tpu.memory_space<vmem>>, vector<400x128xf32>
    %get3A_18 = arith.constant 0 : index
    %get3A_19 = arith.constant 0 : index
    %get3A_20 = vector.load %arg5[%get3A_18, %get3A_19] : memref<128x128xf32, #tpu.memory_space<vmem>>, vector<128x128xf32>
    %dot_general3A_21 = arith.constant dense<0.000000e+00> : vector<400x128xf32>
    %dot_general3A_22 = tpu.matmul %get3A_17, %get3A_20, %dot_general3A_21 {dimension_numbers = #tpu.dot_dimension_numbers<[1], [0], [0], [1], [0, 0, 1, 1], [], []>, transpose_lhs_hint = false} : vector<400x128xf32>, vector<128x128xf32>, vector<400x128xf32> -> vector<400x128xf32>
    %add3A_23 = arith.addf %dot_general3A_14, %dot_general3A_22 : vector<400x128xf32>
    %get3A_24 = arith.constant 0 : index
    %get3A_25 = arith.constant 0 : index
    %get3A_26 = vector.load %arg4[%get3A_24, %get3A_25] : memref<1x128xf32, #tpu.memory_space<vmem>>, vector<1x128xf32>
    %add3A_27 = vector.broadcast %get3A_26 : vector<1x128xf32> to vector<400x128xf32>
    %add3A_28 = arith.addf %add3A_23, %add3A_27 : vector<400x128xf32>
    %max3A = arith.constant 0.000000e+00 : f32
    %max3A_29 = vector.broadcast %max3A : f32 to vector<400x128xf32>
    %max3A_30 = arith.maximumf %add3A_28, %max3A_29 : vector<400x128xf32>
    %get3A_31 = arith.constant 0 : index
    %get3A_32 = arith.constant 0 : index
    %get3A_33 = arith.constant 0 : index
    %get3A_34 = vector.load %arg6[%get3A_31, %get3A_32, %get3A_33] : memref<1x1x400xi32, #tpu.memory_space<vmem>>, vector<1x1x400xi32>
    %get3A_35 = vector.shape_cast %get3A_34 : vector<1x1x400xi32> to vector<400xi32>
    %iota3A = tpu.iota {dimensions = array<i32: 0>} : vector<64x400xi32>
    %broadcast_in_dim3A = vector.shape_cast %get3A_35 : vector<400xi32> to vector<1x400xi32>
    %eq3A_36 = vector.broadcast %broadcast_in_dim3A : vector<1x400xi32> to vector<64x400xi32>
    %eq3A_37 = arith.cmpi eq, %eq3A_36, %iota3A : vector<64x400xi32>
    %convert_element_type3A_38 = arith.extui %eq3A_37 : vector<64x400xi1> to vector<64x400xi32>
    %convert_element_type3A_39 = arith.sitofp %convert_element_type3A_38 : vector<64x400xi32> to vector<64x400xf32>
    %get3A_40 = arith.constant 0 : index
    %get3A_41 = arith.constant 0 : index
    %get3A_42 = vector.load %arg10[%get3A_40, %get3A_41] : memref<64x128xf32, #tpu.memory_space<vmem>>, vector<64x128xf32>
    %dot_general3A_43 = arith.constant dense<0.000000e+00> : vector<64x128xf32>
    %dot_general3A_44 = tpu.matmul %convert_element_type3A_39, %max3A_30, %dot_general3A_43 {dimension_numbers = #tpu.dot_dimension_numbers<[1], [0], [0], [1], [0, 0, 1, 1], [], []>, transpose_lhs_hint = false} : vector<64x400xf32>, vector<400x128xf32>, vector<64x128xf32> -> vector<64x128xf32>
    %add3A_45 = arith.addf %get3A_42, %dot_general3A_44 : vector<64x128xf32>
    %swap3A = arith.constant 0 : index
    %swap3A_46 = arith.constant 0 : index
    %swap3A_47 = vector.load %arg10[%swap3A, %swap3A_46] : memref<64x128xf32, #tpu.memory_space<vmem>>, vector<64x128xf32>
    tpu.vector_store %arg10[%swap3A, %swap3A_46], %add3A_45 {strides = array<i32>} : memref<64x128xf32, #tpu.memory_space<vmem>>, vector<64x128xf32>,
    %get3A_48 = arith.constant 0 : index
    %get3A_49 = arith.constant 0 : index
    %get3A_50 = vector.load %arg11[%get3A_48, %get3A_49] : memref<64x128xf32, #tpu.memory_space<vmem>>, vector<64x128xf32>
    %broadcast_in_dim3A_51 = arith.constant 1.000000e+00 : f32
    %broadcast_in_dim3A_52 = vector.broadcast %broadcast_in_dim3A_51 : f32 to vector<400x128xf32>
    %dot_general3A_53 = arith.constant dense<0.000000e+00> : vector<64x128xf32>
    %dot_general3A_54 = tpu.matmul %convert_element_type3A_39, %broadcast_in_dim3A_52, %dot_general3A_53 {dimension_numbers = #tpu.dot_dimension_numbers<[1], [0], [0], [1], [0, 0, 1, 1], [], []>, transpose_lhs_hint = false} : vector<64x400xf32>, vector<400x128xf32>, vector<64x128xf32> -> vector<64x128xf32>
    %add3A_55 = arith.addf %get3A_50, %dot_general3A_54 : vector<64x128xf32>
    %swap3A_56 = arith.constant 0 : index
    %swap3A_57 = arith.constant 0 : index
    %swap3A_58 = vector.load %arg11[%swap3A_56, %swap3A_57] : memref<64x128xf32, #tpu.memory_space<vmem>>, vector<64x128xf32>
    tpu.vector_store %arg11[%swap3A_56, %swap3A_57], %add3A_55 {strides = array<i32>} : memref<64x128xf32, #tpu.memory_space<vmem>>, vector<64x128xf32>,
    %eq3A_59 = arith.constant 24 : i32
    %eq3A_60 = arith.cmpi eq, %arg0, %eq3A_59 : i32
    %convert_element_type3A_61 = arith.extui %eq3A_60 : i1 to i32
    %cond3A_62 = arith.constant 0 : i32
    %cond3A_63 = arith.cmpi ne, %convert_element_type3A_61, %cond3A_62 : i32
    scf.if %cond3A_63 {
      %get3A_64 = arith.constant 0 : index
      %get3A_65 = arith.constant 0 : index
      %get3A_66 = vector.load %arg10[%get3A_64, %get3A_65] : memref<64x128xf32, #tpu.memory_space<vmem>>, vector<64x128xf32>
      %get3A_67 = arith.constant 0 : index
      %get3A_68 = arith.constant 0 : index
      %get3A_69 = vector.load %arg11[%get3A_67, %get3A_68] : memref<64x128xf32, #tpu.memory_space<vmem>>, vector<64x128xf32>
      %max3A_70 = arith.constant 1.000000e+00 : f32
      %max3A_71 = vector.broadcast %max3A_70 : f32 to vector<64x128xf32>
      %max3A_72 = arith.maximumf %get3A_69, %max3A_71 : vector<64x128xf32>
      %div3A = arith.divf %get3A_66, %max3A_72 : vector<64x128xf32>
      %get3A_73 = arith.constant 0 : index
      %get3A_74 = arith.constant 0 : index
      %get3A_75 = vector.load %arg7[%get3A_73, %get3A_74] : memref<128x128xf32, #tpu.memory_space<vmem>>, vector<128x128xf32>
      %dot_general3A_76 = arith.constant dense<0.000000e+00> : vector<64x128xf32>
      %dot_general3A_77 = tpu.matmul %div3A, %get3A_75, %dot_general3A_76 {dimension_numbers = #tpu.dot_dimension_numbers<[1], [0], [0], [1], [0, 0, 1, 1], [], []>, transpose_lhs_hint = false} : vector<64x128xf32>, vector<128x128xf32>, vector<64x128xf32> -> vector<64x128xf32>
      %get3A_78 = arith.constant 0 : index
      %get3A_79 = arith.constant 0 : index
      %get3A_80 = vector.load %arg8[%get3A_78, %get3A_79] : memref<1x128xf32, #tpu.memory_space<vmem>>, vector<1x128xf32>
      %add3A_81 = vector.broadcast %get3A_80 : vector<1x128xf32> to vector<64x128xf32>
      %add3A_82 = arith.addf %dot_general3A_77, %add3A_81 : vector<64x128xf32>
      %neg3A = arith.constant 0.000000e+00 : f32
      %neg3A_83 = vector.broadcast %neg3A : f32 to vector<64x128xf32>
      %neg3A_84 = arith.subf %neg3A_83, %add3A_82 : vector<64x128xf32>
      %exp3A = math.exp %neg3A_84 : vector<64x128xf32>
      %add3A_85 = arith.constant 1.000000e+00 : f32
      %add3A_86 = vector.broadcast %add3A_85 : f32 to vector<64x128xf32>
      %add3A_87 = arith.addf %add3A_86, %exp3A : vector<64x128xf32>
      %div3A_88 = arith.constant 1.000000e+00 : f32
      %div3A_89 = vector.broadcast %div3A_88 : f32 to vector<64x128xf32>
      %div3A_90 = arith.divf %div3A_89, %add3A_87 : vector<64x128xf32>
      %swap3A_91 = arith.constant 0 : index
      %swap3A_92 = arith.constant 0 : index
      %swap3A_93 = vector.load %arg9[%swap3A_91, %swap3A_92] : memref<64x128xf32, #tpu.memory_space<vmem>>, vector<64x128xf32>
      tpu.vector_store %arg9[%swap3A_91, %swap3A_92], %div3A_90 {strides = array<i32>} : memref<64x128xf32, #tpu.memory_space<vmem>>, vector<64x128xf32>,
    } else {
    }
    return
  }
  func.func @transform_0(%arg0: i32) -> (i32, i32, i32) {
    %c0_i32 = arith.constant 0 : i32
    %c0_i32_0 = arith.constant 0 : i32
    %c0_i32_1 = arith.constant 0 : i32
    return %c0_i32, %arg0, %c0_i32_0 : i32, i32, i32
  }
  func.func @transform_1(%arg0: i32) -> (i32, i32) {
    %c0_i32 = arith.constant 0 : i32
    %c0_i32_0 = arith.constant 0 : i32
    return %arg0, %c0_i32 : i32, i32
  }
  func.func @transform_2(%arg0: i32) -> (i32, i32) {
    %c0_i32 = arith.constant 0 : i32
    %c0_i32_0 = arith.constant 0 : i32
    %c0_i32_1 = arith.constant 0 : i32
    return %c0_i32, %c0_i32_0 : i32, i32
  }
  func.func @transform_3(%arg0: i32) -> (i32, i32) {
    %c0_i32 = arith.constant 0 : i32
    %c0_i32_0 = arith.constant 0 : i32
    %c0_i32_1 = arith.constant 0 : i32
    return %c0_i32, %c0_i32_0 : i32, i32
  }
  func.func @transform_4(%arg0: i32) -> (i32, i32) {
    %c0_i32 = arith.constant 0 : i32
    %c0_i32_0 = arith.constant 0 : i32
    %c0_i32_1 = arith.constant 0 : i32
    return %c0_i32, %c0_i32_0 : i32, i32
  }
  func.func @transform_5(%arg0: i32) -> (i32, i32, i32) {
    %c0_i32 = arith.constant 0 : i32
    %c0_i32_0 = arith.constant 0 : i32
    %c0_i32_1 = arith.constant 0 : i32
    return %arg0, %c0_i32, %c0_i32_0 : i32, i32, i32
  }
  func.func @transform_6(%arg0: i32) -> (i32, i32) {
    %c0_i32 = arith.constant 0 : i32
    %c0_i32_0 = arith.constant 0 : i32
    %c0_i32_1 = arith.constant 0 : i32
    return %c0_i32, %c0_i32_0 : i32, i32
  }
  func.func @transform_7(%arg0: i32) -> (i32, i32) {
    %c0_i32 = arith.constant 0 : i32
    %c0_i32_0 = arith.constant 0 : i32
    %c0_i32_1 = arith.constant 0 : i32
    return %c0_i32, %c0_i32_0 : i32, i32
  }
  func.func @transform_8(%arg0: i32) -> (i32, i32) {
    %c0_i32 = arith.constant 0 : i32
    %c0_i32_0 = arith.constant 0 : i32
    %c0_i32_1 = arith.constant 0 : i32
    return %c0_i32, %c0_i32_0 : i32, i32
  }
}

</mosaic_0001>

<sc_bundles>
// kernel: kernel.6.cloned.1.call-start
scs
__scs_entry_jumppad:
0x0: {  	(pc) =	sbr.rel $0x88, $3  }
0x1: {  	(tag) =	ssettag $0x0;
	lr =	simm.s32 $0x1  }
0x2: {  	[smem:$0x3F96] =	sst lr;
	_ =	strace $0xD0000000  }
0x3: {  	_ = 	snop  }
0x4: {  	_ = 	snop  }
0x5: {  	_ = 	snop  }
0x6: {  	_ = 	snop  }
0x7: {  	_ = 	snop  }
__scs_overlays_trampoline_lowered:
0x8: {  	[smem:$0x3FA5] =	sst s0  }
0x9: {  	[smem:$0x3FA6] =	sst s1  }
0xa: {  	[smem:$0x3FA7] =	sst s2  }
0xb: {  	[smem:$0x3FA8] =	sst s3  }
0xc: {  	[smem:$0x3FA9] =	sst s4  }
0xd: {  	[smem:$0x3FAA] =	sst s5  }
0xe: {  	[smem:$0x3FAB] =	sst s6  }
0xf: {  	[smem:$0x3FAC] =	sst s7  }
0x10: {  	[smem:$0x3FAD] =	sst s8  }
0x11: {  	[smem:$0x3FAE] =	sst s9;
	s0 =	simm.s32 @!p0 $0x0  }
0x12: {  	s1 =	sld [smem:$0x3F94];
	s0 =	simm.s32 @p0 $0x1  }
0x13: {  	[smem:$0x3FAF] =	sst s0;
	s0 =	simm.s32 @!p1 $0x0  }
0x14: {  	s2 =	sld [smem:$0x3F93];
	s0 =	simm.s32 @p1 $0x1  }
0x15: {  	[smem:$0x3FB0] =	sst s0;
	s0 =	simm.s32 @!p2 $0x0  }
0x16: {  	s3 =	sld [smem:$0x3FDB];
	s0 =	simm.s32 @p2 $0x1  }
0x17: {  	s4 =	simm.s32 $0x1BF5;
	[smem:$0x3FB2] =	sst s0  }
0x18: {  	s0 =	sld [smem:$0x3F95];
	_ =	swait.ge [sflag:s4], $0x0  }
0x19: {  	s7 =	sld [smem:$0x3F96]  }
0x1a: {  	s8 =	sadd.s32 $0xFFFFE003, lr  }
0x1b: {  	s9 =	sadd.s32 $0xFFFFFEF7, lr;
	s5 =	simm.s32 $0xFFFFFFFF;
	p2 =	slt.u32 s8, $0xFFFFF086  }
0x1c: {  	p1 =	slt.u32 s9, $0xF7A;
	s5 =	simm.s32 @!p2 $0x0  }
0x1d: {  	s5 =	simm.s32 @p1 $0x1;
	p0 =	seq.s32 s7, s2  }
0x1e: {  	s7 =	smul.u32 @!p0 $0xF7A, s2;
	p2 =	seq.s32 @!p0 s5, $0x0  }
0x1f: {  	s9 =	smul.u32 $0xF7A, s1;
	s8 =	simm.s32 @!p0 $0x1BF5;
	p2 =	por !p2, p0  }
0x20: {  	[sflag:s8] =	ssyncset.s32 @!p0 $0xFFFFF086;
	s6 =	sadd.s32 @!p0 s3, s7;
	s7 =	simm.s32 @!p0 $0x108  }
0x21: {  	s3 =	sadd.s32 s3, s9;
	s6 =	sadd.s32 @!p0 $0x88, s6;
	s7 =	simm.s32 @p2 $0x1082  }
0x22: {  	[simem:s7], [sflag:s8] =	dma.local @!p0 [hbm:s6], $0xF7A  }
0x23: {  	s9 =	sor.u32 $0xD0000000, s2;
	s6 =	simm.s32 $0x108;
	_ =	swait.ge @!p0 [sflag:s8], $0x0  }
0x24: {  	s3 =	sadd.s32 $0x88, s3;
	s6 =	simm.s32 @!p1 $0x1082;
	[sflag:s4] =	ssyncset.s32 $0xFFFFF086  }
0x25: {  	[simem:s6], [sflag:s4] =	dma.local [hbm:s3], $0xF7A  }
0x26: {  	[smem:$0x3F96] =	sst s1;
	(tag) =	ssettag s2;
	_ =	strace s9  }
0x27: {  	s1 =	sld [smem:$0x3FA6]  }
0x28: {  	s2 =	sld [smem:$0x3FA7]  }
0x29: {  	s4 =	sld [smem:$0x3FA9]  }
0x2a: {  	p0 =	seq.s32 s5, $0x0;
	s5 =	sld [smem:$0x3FAA]  }
0x2b: {  	s6 =	sld [smem:$0x3FAB]  }
0x2c: {  	s7 =	sld [smem:$0x3FAC]  }
0x2d: {  	s3 =	simm.s32 $0x108;
	s8 =	sld [smem:$0x3FAD]  }
0x2e: {  	s3 =	simm.s32 @!p0 $0x1082;
	s9 =	sld [smem:$0x3FAE]  }
0x2f: {  	lr =	sadd.s32 s0, s3;
	s0 =	sld [smem:$0x3FA5]  }
0x30: {  	s3 =	sld [smem:$0x3FA8]  }
0x31: {  	[smem:$0x3FB1] =	sst s10  }
0x32: {  	s10 =	sld [smem:$0x3FAF];
	_ =	sdelay $0x3  }
0x33: {  	p0 =	seq.s32 s10, $0x1;
	s10 =	sld [smem:$0x3FB1];
	_ =	sdelay $0x3  }
0x34: {  	[smem:$0x3FB1] =	sst s10  }
0x35: {  	s10 =	sld [smem:$0x3FB0];
	_ =	sdelay $0x3  }
0x36: {  	p1 =	seq.s32 s10, $0x1;
	s10 =	sld [smem:$0x3FB1];
	_ =	sdelay $0x3  }
0x37: {  	[smem:$0x3FB1] =	sst s10  }
0x38: {  	s10 =	sld [smem:$0x3FB2]  }
0x39: {  	_ = 	snop;
	(pc) =	sbr.ind lr, $3  }
0x3a: {  	_ = 	snop  }
0x3b: {  	_ = 	snop  }
0x3c: {  	p2 =	seq.s32 s10, $0x1;
	s10 =	sld [smem:$0x3FB1]  }
0x3d: {  	_ =	shalt  }
0x3e: {  	_ =	shalt  }
0x3f: {  	_ =	shalt  }
0x40: {  	_ =	shalt  }
0x41: {  	_ =	shalt  }
0x42: {  	_ =	shalt  }
0x43: {  	_ =	shalt  }
0x44: {  	_ =	shalt  }
0x45: {  	_ =	shalt  }
0x46: {  	_ =	shalt  }
0x47: {  	_ =	shalt  }
0x48: {  	_ =	shalt  }
0x49: {  	_ =	shalt  }
0x4a: {  	_ =	shalt  }
0x4b: {  	_ =	shalt  }
0x4c: {  	_ =	shalt  }
0x4d: {  	_ =	shalt  }
0x4e: {  	_ =	shalt  }
0x4f: {  	_ =	shalt  }
0x50: {  	_ =	shalt  }
0x51: {  	_ =	shalt  }
0x52: {  	_ =	shalt  }
0x53: {  	_ =	shalt  }
0x54: {  	_ =	shalt  }
0x55: {  	_ =	shalt  }
0x56: {  	_ =	shalt  }
0x57: {  	_ =	shalt  }
0x58: {  	_ =	shalt  }
0x59: {  	_ =	shalt  }
0x5a: {  	_ =	shalt  }
0x5b: {  	_ =	shalt  }
0x5c: {  	_ =	shalt  }
0x5d: {  	_ =	shalt  }
0x5e: {  	_ =	shalt  }
0x5f: {  	_ =	shalt  }
0x60: {  	_ =	shalt  }
0x61: {  	_ =	shalt  }
0x62: {  	_ =	shalt  }
0x63: {  	_ =	shalt  }
0x64: {  	_ =	shalt  }
0x65: {  	_ =	shalt  }
0x66: {  	_ =	shalt  }
0x67: {  	_ =	shalt  }
0x68: {  	_ =	shalt  }
0x69: {  	_ =	shalt  }
0x6a: {  	_ =	shalt  }
0x6b: {  	_ =	shalt  }
0x6c: {  	_ =	shalt  }
0x6d: {  	_ =	shalt  }
0x6e: {  	_ =	shalt  }
0x6f: {  	_ =	shalt  }
0x70: {  	_ =	shalt  }
0x71: {  	_ =	shalt  }
0x72: {  	_ =	shalt  }
0x73: {  	_ =	shalt  }
0x74: {  	_ =	shalt  }
0x75: {  	_ =	shalt  }
0x76: {  	_ =	shalt  }
0x77: {  	_ =	shalt  }
0x78: {  	_ =	shalt  }
0x79: {  	_ =	shalt  }
0x7a: {  	_ =	shalt  }
0x7b: {  	_ =	shalt  }
0x7c: {  	_ =	shalt  }
0x7d: {  	_ =	shalt  }
0x7e: {  	_ =	shalt  }
0x7f: {  	_ =	shalt  }
0x80: {  	_ =	shalt  }
0x81: {  	_ =	shalt  }
0x82: {  	_ =	shalt  }
0x83: {  	_ =	shalt  }
0x84: {  	_ =	shalt  }
0x85: {  	_ =	shalt  }
0x86: {  	_ =	shalt  }
0x87: {  	_ =	shalt  }
.Lfunc_end0:
.L_simem_size_0:
called_computation_lowered:
.L_overlay_start_0:
0x88: {  	s2 =	sld [smem:$0x3FD9]  }
0x89: {  	s3 =	sld [smem:$0x3FFE];
	_ =	sdelay $0x1  }
0x8a: {  	s1 =	srdreg.scid  }
0x8b: {  	s0 =	sand.u32 $0x1, s1  }
0x8c: {  	s17 =	sshll.u32 s0, $0xA;
	s2 =	sadd.s32 s3, s2  }
0x8d: {  	s2 =	sadd.s32 s2, s17  }
0x8e: {  	[smem:$0x3FBD] =	sst s2  }
0x8f: {  	_ = 	snop  }
0x90: {  	s2 =	sld [smem:$0x3FC9];
	(tm) =	ssettm $0x1  }
0x91: {  	s18 =	sld [smem:$0x3FFB];
	_ =	sdelay $0x3  }
0x92: {  	_ =	strace s18  }
0x93: {  	s3 =	sld [smem:$0x3FFC];
	_ =	sdelay $0x3  }
0x94: {  	_ =	strace s3  }
0x95: {  	s3 =	sld [smem:$0x3FFD];
	_ =	sdelay $0x3  }
0x96: {  	_ =	strace s3  }
0x97: {  	_ =	strace $0x8FFFFFFF  }
0x98: {  	s19 =	sld [smem:$0x3FDB];
	_ =	sdelay $0x1  }
0x99: {  	s4 =	simm.s32 $_scs_section_size  }
0x9a: {  	s5 =	simm.s32 $_size__tile_overlayer_lowered;
	s6 =	simm.s32 $_tile_overlayer_lowered  }
0x9b: {  	s22 =	simm.s32 $0x1BFF;
	s21 =	sshll.u32 s6, $0x1;
	s3 =	sadd.s32 s4, s19  }
0x9c: {  	s7 =	simm.s32 $0x0;
	s20 =	sshll.u32 s5, $0x1;
	s5 =	sadd.s32 s21, s3  }
0x9d: {  	[timem:s7], [sflag:s22] =	dma.local [hbm:s5], s20  }
0x9e: {  	_ =	swait.ge [sflag:s22], s20  }
0x9f: {  	s4 =	ssub.s32 $0x0, s20;
	[sflag:s22] =	ssyncset.done $0x0  }
0xa0: {  	[sflag:s22] =	ssyncadd.s32 s4;
	_ =	sdelay $0x1  }
0xa1: {  	s23 =	simm.s32 $0x1B8B  }
0xa2: {  	_ =	swait.ge [sflag:s23], $0x1  }
0xa3: {  	[sflag:s23] =	ssyncset.done $0x0  }
0xa4: {  	s25 =	simm.s32 $0x1B8E;
	s24 =	sld [smem:$0x3FFE];
	[sflag:s23] =	ssyncadd.s32 $0xFFFFFFFF  }
0xa5: {  	s26 =	simm.s32 $execute0_lowered;
	[smem:$0x3FD2] =	sst s25  }
0xa6: {  	s5 =	sshll.u32 s26, $0x1;
	_ =	strace $0x80000046;
	[dreg:$0x1] =	wrdreg $0xFFFFFFFF  }
0xa7: {  	s28 =	simm.s32 $_size_execute0_lowered;
	s3 =	sadd.s32 s3, s5;
	[dreg:$0x0] =	wrdreg $0x0  }
0xa8: {  	s5 =	sshll.u32 s28, $0x1;
	[dreg:$0x2] =	wrdreg s3  }
0xa9: {  	[dreg:$0x3] =	wrdreg s5  }
0xaa: {  	[dreg:$0x4] =	wrdreg $0xC0  }
0xab: {  	_ =	task [dreg:s7], $0x5FFFF  }
0xac: {  	[dreg:$0x1] =	wrdreg $0xFFFFFFFF  }
0xad: {  	[dreg:$0x0] =	wrdreg $0x60  }
0xae: {  	[dreg:$0x2] =	wrdreg s2  }
0xaf: {  	[dreg:$0x3] =	wrdreg s24  }
0xb0: {  	[dreg:$0x4] =	wrdreg $0x90000  }
0xb1: {  	[dreg:$0x5] =	wrdreg $0x9  }
0xb2: {  	_ =	task.clear_ibuf [dreg:s7], $0x6FFFF;
	_ =	strace $0x90000046  }
0xb3: {  	s29 =	simm.s32 $0x9;
	_ =	strace $0x80000048  }
0xb4: {  	_ =	swait.ge [sflag:s29], $0x1  }
0xb5: {  	[sflag:s29] =	ssyncadd.s32 $0xFFFFFFFF  }
0xb6: {  	_ =	strace $0x90000048  }
0xb7: {  	_ =	sfence  }
0xb8: {  	s30 =	sld [smem:$0x0];
	_ =	sdelay $0x2  }
0xb9: {  	s31 =	sshll.u32 s1, $0xD;
	s1 =	sshrl.u32 s1, $0x2  }
0xba: {  	s3 =	sand.u32 $0x4000, s31;
	s1 =	sadd.s32 s1, s30  }
0xbb: {  	s0 =	sor.u32 s3, s0;
	s1 =	sshll.u32 s1, $0x11  }
0xbc: {  	s0 =	sor.u32 s1, s0  }
0xbd: {  	s0 =	sadd.s32 $0x8F2B, s0  }
0xbe: {  	[sflag:s0] =	ssyncadd.remote.s32 $0x1  }
0xbf: {  	_ =	sfence.sel $0xFFFF  }
0xc0: {  	[dreg:$0x0] =	wrdreg $0xFFFFFFFF;
	(pc) =	sbr.abs _section_cstart, $3  }
0xc1: {  	[dreg:$0x1] =	wrdreg $0xFFFFFFFF  }
0xc2: {  	_ =	task.clear_ibuf [dreg:s7], $0x2FFFF;
	_ =	strace $0x9FFFFFFF  }
0xc3: {  	(tm) =	ssettm $0x7FFFFFFF  }
tec
execute0_lowered:
.L_overlay_start_1:
0x0: {  	(tag) =	ssettag $0x1  }
0x1: {  	s1 =	rddreg [dreg:$0x0]  }
0x2: {  	s0 =	rddreg [dreg:$0x1]  }
0x3: {  	s3 =	rddreg [dreg:$0x2]  }
0x4: {  	s4 =	simm.s32 $0x0;
	s2 =	srdreg.scid;
	s10 =	stileid.u32  }
0x5: {  	s28 =	simm.s32 $0x80;
	s29 =	simm.s32 $0x5000;
	s30 =	simm.s32 $0x1  }
0x6: {  	s31 =	simm.s32 $0x4;
	s12 =	simm.s32 $0x680;
	s13 =	simm.s32 $0xE00  }
0x7: {  	s14 =	simm.s32 $0x700;
	[smem:$0x7FF] =	sst s4;
	s2 =	sand.u32 $0x1, s2  }
0x8: {  	s7 =	smul.u32 $0x2800, s10;
	s5 =	sadd.s32 $0xBC00, s0;
	s6 =	sadd.s32 $0x1C00, s0  }
0x9: {  	s9 =	smul.u32 $0x50000, s10;
	s11 =	sadd.s32 $0x15C00, s0;
	_ =	strace $0x80000047  }
0xa: {  	s8 =	smul.u32 $0x28000, s2;
	[dreg:$0x4] =	wrdreg s11;
	s15 =	sshll.u32 s2, $0x4  }
0xb: {  	s2 =	ssub.s32 $0x2, s2;
	s11 =	simm.s32 $0xD80;
	s9 =	sshrl.u32 s9, $0x2  }
0xc: {  	s16 =	sshrl.u32 s2, $0x1;
	s7 =	sadd.s32 s7, s8;
	s8 =	sor.u32 s10, s15  }
0xd: {  	s21 =	sadd.s32 s9, s3;
	s2 =	ssub.s32 s2, s16;
	s10 =	simm.s32 $0x600  }
0xe: {  	s15 =	simm.s32 $0xE80;
	s9 =	sadd.s32 $0x4000, s21;
	[dreg:$0x5] =	wrdreg s21  }
0xf: {  	s16 =	simm.s32 $0x780;
	s17 =	sadd.s32 $0x8000, s21;
	[dreg:$0x6] =	wrdreg s9  }
0x10: {  	s8 =	smul.u32 $0x2800, s8;
	s18 =	sadd.s32 $0xC000, s21;
	[dreg:$0x7] =	wrdreg s17  }
0x11: {  	s0 =	sadd.s32 s7, s0;
	s19 =	sadd.s32 $0x10000, s21;
	[dreg:$0x8] =	wrdreg s18  }
0x12: {  	s24 =	sadd.s32 $0xC00, s7;
	s2 =	smax.u32 s2, $0x1;
	[dreg:$0x9] =	wrdreg s19  }
0x13: {  	s26 =	sadd.s32 $0x800, s7;
	s7 =	simm.s32 $0x0;
	[dreg:$0xf] =	wrdreg s2  }
0x14: {  	s0 =	sadd.s32 $0x16400, s0;
	s25 =	sshrl.u32 s24, $0x3;
	[dreg:$0x10] =	wrdreg s26  }
0x15: {  	s26 =	simm.s32 $0xC00;
	s2 =	simm.s32 $0x2;
	s17 =	simm.s32 $0xF00  }
0x16: {  	s18 =	simm.s32 $0xF80;
	s8 =	sshrl.u32 s8, $0x3;
	[dreg:$0xe] =	wrdreg s0  }
.Ltmp0:
0x17: {  	s19 =	sadd.s32 s25, s6;
	s20 =	sadd.s32 s5, s8;
	(pc) =	sbr.rel .LBB2_1-.Ltmp0, $4  }
0x18: {  	s22 =	sor.u32 $0x80, s8;
	s8 =	sadd.s32 s6, s8;
	[dreg:$0xa] =	wrdreg s20  }
0x19: {  	[dreg:$0xb] =	wrdreg s8;
	s23 =	sadd.s32 s5, s22;
	s9 =	sadd.s32 s6, s22  }
0x1a: {  	s20 =	sadd.s32 s25, s5;
	s22 =	simm.s32 $0x1000;
	[dreg:$0xc] =	wrdreg s23  }
0x1b: {  	s25 =	simm.s32 $0x400;
	[dreg:$0xd] =	wrdreg s9;
	s23 =	simm.s32 $0x3  }
.LBB2_4:
0x1c: {  	_ =	swait.ge [sflag:s2], $0x4000  }
0x1d: {  	[sflag:s2] =	ssyncset.done $0x0  }
0x1e: {  	[sflag:s2] =	ssyncadd.s32 $0xFFFFC000  }
0x1f: {  	[spmem:s3] =	stream.indirect.scatter.add.f32 [tilespmem:s29], [sflag:$0x4], $0x80, s18, s28, $0xb8;
	[tilespmem:$0x1D000] =	vst v63  }
0x20: {  	_ =	swait.ge [sflag:s31], $0x4000  }
0x21: {  	[sflag:s31] =	ssyncset.done $0x0  }
0x22: {  	[sflag:s31] =	ssyncadd.s32 $0xFFFFC000  }
0x23: {  	s0 =	stileid.u32;
	[bflag:$0x0] =	sbarrier.arrive $0xFFFF  }
0x24: {  	s0 =	sshll.u32 s0, $0x6;
	s21 =	rddreg [dreg:$0x5]  }
0x25: {  	s0 =	sor.u32 $0x1C03, s0;
	s8 =	rddreg [dreg:$0xe];
	s7 =	sshrl.u32 s21, $0x3  }
0x26: {  	[hbm:s8], [sflag:s0] =	dma.local [spmem:s7], $0x2800  }
0x27: {  	_ =	swait.ge [sflag:s23], $0x2800  }
0x28: {  	s9 =	rddreg [dreg:$0x11]  }
0x29: {  	s24 =	rddreg [dreg:$0xf];
	s7 =	sadd.s32 $0x1, s9  }
0x2a: {  	p0 =	sne.s32 s7, s24  }
.Ltmp1:
0x2b: {  	_ = 	snop;
	(pc) =	sbr.rel @!p0 .LBB2_5-.Ltmp1, $3  }
0x2c: {  	_ =	sdelay $0x1  }
0x2d: {  	[sflag:s23] =	ssyncset.done $0x0  }
0x2e: {  	[sflag:s23] =	ssyncadd.s32 $0xFFFFD800  }
.LBB2_1:
0x2f: {  	[dreg:$0x11] =	wrdreg s7  }
0x30: {  	s0 =	rddreg [dreg:$0x4]  }
0x31: {  	[tilespmem:s22], [sflag:$0x3] =	stream.linear.gather [hbm4b:s0+s4], $0x4000, $0x38;
	[tilespmem:$0x1D000] =	vst v63  }
0x32: {  	_ =	swait.ge [sflag:s23], $0x4000  }
0x33: {  	[sflag:s23] =	ssyncset.done $0x0  }
0x34: {  	[sflag:s23] =	ssyncadd.s32 $0xFFFFC000  }
0x35: {  	[spmem:s21] =	stream.linear.scatter [tilespmem:s22], [sflag:$0x3], $0x4000, $0x38;
	[tilespmem:$0x1D000] =	vst v63  }
0x36: {  	_ =	swait.ge [sflag:s23], $0x4000  }
0x37: {  	[sflag:s23] =	ssyncset.done $0x0  }
0x38: {  	s8 =	rddreg [dreg:$0x6];
	[sflag:s23] =	ssyncadd.s32 $0xFFFFC000  }
0x39: {  	[spmem:s8] =	stream.linear.scatter [tilespmem:s22], [sflag:$0x3], $0x4000, $0x38;
	[tilespmem:$0x1D000] =	vst v63  }
0x3a: {  	_ =	swait.ge [sflag:s23], $0x4000  }
0x3b: {  	[sflag:s23] =	ssyncset.done $0x0  }
0x3c: {  	s9 =	rddreg [dreg:$0x7];
	[sflag:s23] =	ssyncadd.s32 $0xFFFFC000  }
0x3d: {  	[spmem:s9] =	stream.linear.scatter [tilespmem:s22], [sflag:$0x3], $0x4000, $0x38;
	[tilespmem:$0x1D000] =	vst v63  }
0x3e: {  	_ =	swait.ge [sflag:s23], $0x4000  }
0x3f: {  	[sflag:s23] =	ssyncset.done $0x0  }
0x40: {  	s21 =	rddreg [dreg:$0x8];
	[sflag:s23] =	ssyncadd.s32 $0xFFFFC000  }
0x41: {  	[spmem:s21] =	stream.linear.scatter [tilespmem:s22], [sflag:$0x3], $0x4000, $0x38;
	[tilespmem:$0x1D000] =	vst v63  }
0x42: {  	_ =	swait.ge [sflag:s23], $0x4000  }
0x43: {  	[sflag:s23] =	ssyncset.done $0x0  }
0x44: {  	s24 =	rddreg [dreg:$0x9];
	[sflag:s23] =	ssyncadd.s32 $0xFFFFC000  }
0x45: {  	[spmem:s24] =	stream.linear.scatter [tilespmem:s22], [sflag:$0x3], $0x4000, $0x38;
	[tilespmem:$0x1D000] =	vst v63  }
0x46: {  	_ =	swait.ge [sflag:s23], $0x4000  }
0x47: {  	[sflag:s23] =	ssyncset.done $0x0  }
0x48: {  	s7 =	rddreg [dreg:$0xa];
	[sflag:s23] =	ssyncadd.s32 $0xFFFFC000  }
0x49: {  	[tilespmem:s4], [sflag:$0x3] =	stream.linear.gather [hbm4b:s7+s4], $0x400, $0x38;
	[tilespmem:$0x1D000] =	vst v63  }
0x4a: {  	_ =	swait.ge [sflag:s23], $0x400  }
0x4b: {  	[sflag:s23] =	ssyncset.done $0x0  }
0x4c: {  	s9 =	simm.s32 $0x800;
	s8 =	rddreg [dreg:$0xb];
	[sflag:s23] =	ssyncadd.s32 $0xFFFFFC00  }
0x4d: {  	[tilespmem:s9], [sflag:$0x3] =	stream.linear.gather [hbm4b:s8+s4], $0x400, $0x38;
	[tilespmem:$0x1D000] =	vst v63  }
0x4e: {  	_ =	swait.ge [sflag:s23], $0x400  }
0x4f: {  	[sflag:s23] =	ssyncset.done $0x0  }
0x50: {  	s21 =	rddreg [dreg:$0xc];
	[sflag:s23] =	ssyncadd.s32 $0xFFFFFC00  }
0x51: {  	[tilespmem:s25], [sflag:$0x3] =	stream.linear.gather [hbm4b:s21+s4], $0x400, $0x38;
	[tilespmem:$0x1D000] =	vst v63  }
0x52: {  	_ =	swait.ge [sflag:s23], $0x400  }
0x53: {  	[sflag:s23] =	ssyncset.done $0x0  }
0x54: {  	s24 =	rddreg [dreg:$0xd];
	[sflag:s23] =	ssyncadd.s32 $0xFFFFFC00  }
0x55: {  	[tilespmem:s26], [sflag:$0x3] =	stream.linear.gather [hbm4b:s24+s4], $0x400, $0x38;
	[tilespmem:$0x1D000] =	vst v63  }
0x56: {  	_ =	swait.ge [sflag:s23], $0x400  }
0x57: {  	[sflag:s23] =	ssyncset.done $0x0  }
0x58: {  	[sflag:s23] =	ssyncadd.s32 $0xFFFFFC00  }
0x59: {  	[bflag:$0x0] =	sbarrier.arrive $0xFFFF  }
0x5a: {  	[tilespmem:s22], [sflag:$0x1] =	stream.indirect.gather [hbm4b:s1+s28], $0x80, s4, s28, $0xb8;
	[tilespmem:$0x1D000] =	vst v63  }
0x5b: {  	s8 =	simm.s32 $0x0;
	s21 =	rddreg [dreg:$0x10]  }
0x5c: {  	[tilespmem:s29], [sflag:$0x2] =	stream.indirect.gather [hbm4b:s1+s28], $0x80, s28, s28, $0xb8;
	[tilespmem:$0x1D000] =	vst v63  }
.LBB2_2:
0x5d: {  	_ =	swait.ge [sflag:s30], $0x4000  }
0x5e: {  	[sflag:s30] =	ssyncset.done $0x0  }
0x5f: {  	s0 =	simm.s32 $0x800;
	[sflag:s30] =	ssyncadd.s32 $0xFFFFC000  }
0x60: {  	[spmem:s3] =	stream.indirect.scatter.add.f32 [tilespmem:s22], [sflag:$0x4], $0x80, s0, s28, $0xb8;
	[tilespmem:$0x1D000] =	vst v63  }
0x61: {  	_ =	swait.ge [sflag:s31], $0x4000  }
0x62: {  	[sflag:s31] =	ssyncset.done $0x0  }
0x63: {  	s7 =	simm.s32 $0x100;
	[sflag:s31] =	ssyncadd.s32 $0xFFFFC000  }
0x64: {  	[tilespmem:s22], [sflag:$0x1] =	stream.indirect.gather [hbm4b:s1+s28], $0x80, s7, s28, $0xb8;
	[tilespmem:$0x1D000] =	vst v63  }
0x65: {  	_ =	swait.ge [sflag:s2], $0x4000  }
0x66: {  	[sflag:s2] =	ssyncset.done $0x0  }
0x67: {  	s9 =	simm.s32 $0x880;
	[sflag:s2] =	ssyncadd.s32 $0xFFFFC000  }
0x68: {  	[spmem:s3] =	stream.indirect.scatter.add.f32 [tilespmem:s29], [sflag:$0x4], $0x80, s9, s28, $0xb8;
	[tilespmem:$0x1D000] =	vst v63  }
0x69: {  	_ =	swait.ge [sflag:s31], $0x4000  }
0x6a: {  	[sflag:s31] =	ssyncset.done $0x0  }
0x6b: {  	s24 =	simm.s32 $0x180;
	[sflag:s31] =	ssyncadd.s32 $0xFFFFC000  }
0x6c: {  	[tilespmem:s29], [sflag:$0x2] =	stream.indirect.gather [hbm4b:s1+s28], $0x80, s24, s28, $0xb8;
	[tilespmem:$0x1D000] =	vst v63  }
0x6d: {  	_ =	swait.ge [sflag:s30], $0x4000  }
0x6e: {  	[sflag:s30] =	ssyncset.done $0x0  }
0x6f: {  	s7 =	simm.s32 $0x900;
	[sflag:s30] =	ssyncadd.s32 $0xFFFFC000  }
0x70: {  	[spmem:s3] =	stream.indirect.scatter.add.f32 [tilespmem:s22], [sflag:$0x4], $0x80, s7, s28, $0xb8;
	[tilespmem:$0x1D000] =	vst v63  }
0x71: {  	_ =	swait.ge [sflag:s31], $0x4000  }
0x72: {  	[sflag:s31] =	ssyncset.done $0x0  }
0x73: {  	s9 =	simm.s32 $0x200;
	[sflag:s31] =	ssyncadd.s32 $0xFFFFC000  }
0x74: {  	[tilespmem:s22], [sflag:$0x1] =	stream.indirect.gather [hbm4b:s1+s28], $0x80, s9, s28, $0xb8;
	[tilespmem:$0x1D000] =	vst v63  }
0x75: {  	_ =	swait.ge [sflag:s2], $0x4000  }
0x76: {  	[sflag:s2] =	ssyncset.done $0x0  }
0x77: {  	s24 =	simm.s32 $0x980;
	[sflag:s2] =	ssyncadd.s32 $0xFFFFC000  }
0x78: {  	[spmem:s3] =	stream.indirect.scatter.add.f32 [tilespmem:s29], [sflag:$0x4], $0x80, s24, s28, $0xb8;
	[tilespmem:$0x1D000] =	vst v63  }
0x79: {  	_ =	swait.ge [sflag:s31], $0x4000  }
0x7a: {  	[sflag:s31] =	ssyncset.done $0x0  }
0x7b: {  	s7 =	simm.s32 $0x280;
	[sflag:s31] =	ssyncadd.s32 $0xFFFFC000  }
0x7c: {  	[tilespmem:s29], [sflag:$0x2] =	stream.indirect.gather [hbm4b:s1+s28], $0x80, s7, s28, $0xb8;
	[tilespmem:$0x1D000] =	vst v63  }
0x7d: {  	_ =	swait.ge [sflag:s30], $0x4000  }
0x7e: {  	[sflag:s30] =	ssyncset.done $0x0  }
0x7f: {  	s9 =	simm.s32 $0xA00;
	[sflag:s30] =	ssyncadd.s32 $0xFFFFC000  }
0x80: {  	[spmem:s3] =	stream.indirect.scatter.add.f32 [tilespmem:s22], [sflag:$0x4], $0x80, s9, s28, $0xb8;
	[tilespmem:$0x1D000] =	vst v63  }
0x81: {  	_ =	swait.ge [sflag:s31], $0x4000  }
0x82: {  	[sflag:s31] =	ssyncset.done $0x0  }
0x83: {  	s24 =	simm.s32 $0x300;
	[sflag:s31] =	ssyncadd.s32 $0xFFFFC000  }
0x84: {  	[tilespmem:s22], [sflag:$0x1] =	stream.indirect.gather [hbm4b:s1+s28], $0x80, s24, s28, $0xb8;
	[tilespmem:$0x1D000] =	vst v63  }
0x85: {  	_ =	swait.ge [sflag:s2], $0x4000  }
0x86: {  	[sflag:s2] =	ssyncset.done $0x0  }
0x87: {  	s7 =	simm.s32 $0xA80;
	[sflag:s2] =	ssyncadd.s32 $0xFFFFC000  }
0x88: {  	[spmem:s3] =	stream.indirect.scatter.add.f32 [tilespmem:s29], [sflag:$0x4], $0x80, s7, s28, $0xb8;
	[tilespmem:$0x1D000] =	vst v63  }
0x89: {  	_ =	swait.ge [sflag:s31], $0x4000  }
0x8a: {  	[sflag:s31] =	ssyncset.done $0x0  }
0x8b: {  	s9 =	simm.s32 $0x380;
	[sflag:s31] =	ssyncadd.s32 $0xFFFFC000  }
0x8c: {  	[tilespmem:s29], [sflag:$0x2] =	stream.indirect.gather [hbm4b:s1+s28], $0x80, s9, s28, $0xb8;
	[tilespmem:$0x1D000] =	vst v63  }
0x8d: {  	_ =	swait.ge [sflag:s30], $0x4000  }
0x8e: {  	[sflag:s30] =	ssyncset.done $0x0  }
0x8f: {  	s24 =	simm.s32 $0xB00;
	[sflag:s30] =	ssyncadd.s32 $0xFFFFC000  }
0x90: {  	[spmem:s3] =	stream.indirect.scatter.add.f32 [tilespmem:s22], [sflag:$0x4], $0x80, s24, s28, $0xb8;
	[tilespmem:$0x1D000] =	vst v63  }
0x91: {  	_ =	swait.ge [sflag:s31], $0x4000  }
0x92: {  	[sflag:s31] =	ssyncset.done $0x0  }
0x93: {  	[sflag:s31] =	ssyncadd.s32 $0xFFFFC000  }
0x94: {  	[tilespmem:s22], [sflag:$0x1] =	stream.indirect.gather [hbm4b:s1+s28], $0x80, s25, s28, $0xb8;
	[tilespmem:$0x1D000] =	vst v63  }
0x95: {  	_ =	swait.ge [sflag:s2], $0x4000  }
0x96: {  	[sflag:s2] =	ssyncset.done $0x0  }
0x97: {  	s7 =	simm.s32 $0xB80;
	[sflag:s2] =	ssyncadd.s32 $0xFFFFC000  }
0x98: {  	[spmem:s3] =	stream.indirect.scatter.add.f32 [tilespmem:s29], [sflag:$0x4], $0x80, s7, s28, $0xb8;
	[tilespmem:$0x1D000] =	vst v63  }
0x99: {  	_ =	swait.ge [sflag:s31], $0x4000  }
0x9a: {  	p0 =	seq.s32 s8, $0x400;
	[sflag:s31] =	ssyncset.done $0x0  }
0x9b: {  	s0 =	sshrl.u32 @!p0 s21, $0x3;
	s9 =	simm.s32 $0x480;
	[sflag:s31] =	ssyncadd.s32 $0xFFFFC000  }
0x9c: {  	[tilespmem:s29], [sflag:$0x2] =	stream.indirect.gather [hbm4b:s1+s28], $0x80, s9, s28, $0xb8;
	[tilespmem:$0x1D000] =	vst v63  }
0x9d: {  	s24 =	sadd.s32 @!p0 s5, s0;
	s7 =	simm.s32 @!p0 $0x0  }
0x9e: {  	[tilespmem:s7], [sflag:$0x4] =	stream.linear.gather @!p0 [hbm4b:s24+s7], $0x400, $0x38;
	[tilespmem:$0x1D000] =	vst v63  }
0x9f: {  	s24 =	simm.s32 @!p0 $0x4  }
0xa0: {  	_ =	swait.ge @!p0 [sflag:s24], $0x400  }
0xa1: {  	[sflag:s24] =	ssyncset.done @!p0 $0x0  }
0xa2: {  	s0 =	sadd.s32 @!p0 s6, s0;
	s9 =	simm.s32 @!p0 $0x800;
	[sflag:s24] =	ssyncadd.s32 @!p0 $0xFFFFFC00  }
0xa3: {  	[tilespmem:s9], [sflag:$0x4] =	stream.linear.gather @!p0 [hbm4b:s0+s7], $0x400, $0x38;
	[tilespmem:$0x1D000] =	vst v63  }
0xa4: {  	_ =	swait.ge @!p0 [sflag:s24], $0x400  }
0xa5: {  	[sflag:s24] =	ssyncset.done @!p0 $0x0  }
0xa6: {  	[sflag:s24] =	ssyncadd.s32 @!p0 $0xFFFFFC00  }
0xa7: {  	_ =	swait.ge [sflag:s30], $0x4000  }
0xa8: {  	[sflag:s30] =	ssyncset.done $0x0  }
0xa9: {  	[sflag:s30] =	ssyncadd.s32 $0xFFFFC000  }
0xaa: {  	[spmem:s3] =	stream.indirect.scatter.add.f32 [tilespmem:s22], [sflag:$0x4], $0x80, s26, s28, $0xb8;
	[tilespmem:$0x1D000] =	vst v63  }
0xab: {  	_ =	swait.ge [sflag:s31], $0x4000  }
0xac: {  	[sflag:s31] =	ssyncset.done $0x0  }
0xad: {  	s24 =	simm.s32 $0x500;
	[sflag:s31] =	ssyncadd.s32 $0xFFFFC000  }
0xae: {  	[tilespmem:s22], [sflag:$0x1] =	stream.indirect.gather [hbm4b:s1+s28], $0x80, s24, s28, $0xb8;
	[tilespmem:$0x1D000] =	vst v63  }
0xaf: {  	_ =	swait.ge [sflag:s2], $0x4000  }
0xb0: {  	[sflag:s2] =	ssyncset.done $0x0  }
0xb1: {  	s7 =	simm.s32 $0xC80;
	[sflag:s2] =	ssyncadd.s32 $0xFFFFC000  }
0xb2: {  	[spmem:s3] =	stream.indirect.scatter.add.f32 [tilespmem:s29], [sflag:$0x4], $0x80, s7, s28, $0xb8;
	[tilespmem:$0x1D000] =	vst v63  }
0xb3: {  	_ =	swait.ge [sflag:s31], $0x4000  }
0xb4: {  	[sflag:s31] =	ssyncset.done $0x0  }
0xb5: {  	s9 =	simm.s32 $0x580;
	[sflag:s31] =	ssyncadd.s32 $0xFFFFC000  }
0xb6: {  	[tilespmem:s29], [sflag:$0x2] =	stream.indirect.gather [hbm4b:s1+s28], $0x80, s9, s28, $0xb8;
	[tilespmem:$0x1D000] =	vst v63  }
0xb7: {  	_ =	swait.ge [sflag:s30], $0x4000  }
0xb8: {  	[sflag:s30] =	ssyncset.done $0x0  }
0xb9: {  	s24 =	simm.s32 $0xD00;
	[sflag:s30] =	ssyncadd.s32 $0xFFFFC000  }
0xba: {  	[spmem:s3] =	stream.indirect.scatter.add.f32 [tilespmem:s22], [sflag:$0x4], $0x80, s24, s28, $0xb8;
	[tilespmem:$0x1D000] =	vst v63  }
0xbb: {  	_ =	swait.ge [sflag:s31], $0x4000  }
0xbc: {  	[sflag:s31] =	ssyncset.done $0x0  }
0xbd: {  	[sflag:s31] =	ssyncadd.s32 $0xFFFFC000  }
0xbe: {  	[tilespmem:s22], [sflag:$0x1] =	stream.indirect.gather [hbm4b:s1+s28], $0x80, s10, s28, $0xb8;
	[tilespmem:$0x1D000] =	vst v63  }
0xbf: {  	_ =	swait.ge [sflag:s2], $0x4000  }
0xc0: {  	[sflag:s2] =	ssyncset.done $0x0  }
0xc1: {  	[sflag:s2] =	ssyncadd.s32 $0xFFFFC000  }
0xc2: {  	[spmem:s3] =	stream.indirect.scatter.add.f32 [tilespmem:s29], [sflag:$0x4], $0x80, s11, s28, $0xb8;
	[tilespmem:$0x1D000] =	vst v63  }
0xc3: {  	_ =	swait.ge [sflag:s31], $0x4000  }
0xc4: {  	[sflag:s31] =	ssyncset.done $0x0  }
0xc5: {  	[sflag:s31] =	ssyncadd.s32 $0xFFFFC000  }
0xc6: {  	[tilespmem:s29], [sflag:$0x2] =	stream.indirect.gather [hbm4b:s1+s28], $0x80, s12, s28, $0xb8;
	[tilespmem:$0x1D000] =	vst v63  }
0xc7: {  	_ =	swait.ge [sflag:s30], $0x4000  }
0xc8: {  	[sflag:s30] =	ssyncset.done $0x0  }
0xc9: {  	[sflag:s30] =	ssyncadd.s32 $0xFFFFC000  }
0xca: {  	[spmem:s3] =	stream.indirect.scatter.add.f32 [tilespmem:s22], [sflag:$0x4], $0x80, s13, s28, $0xb8;
	[tilespmem:$0x1D000] =	vst v63  }
0xcb: {  	_ =	swait.ge [sflag:s31], $0x4000  }
0xcc: {  	[sflag:s31] =	ssyncset.done $0x0  }
0xcd: {  	[sflag:s31] =	ssyncadd.s32 $0xFFFFC000  }
0xce: {  	[tilespmem:s22], [sflag:$0x1] =	stream.indirect.gather [hbm4b:s1+s28], $0x80, s14, s28, $0xb8;
	[tilespmem:$0x1D000] =	vst v63  }
0xcf: {  	_ =	swait.ge [sflag:s2], $0x4000  }
0xd0: {  	[sflag:s2] =	ssyncset.done $0x0  }
0xd1: {  	[sflag:s2] =	ssyncadd.s32 $0xFFFFC000  }
0xd2: {  	[spmem:s3] =	stream.indirect.scatter.add.f32 [tilespmem:s29], [sflag:$0x4], $0x80, s15, s28, $0xb8;
	[tilespmem:$0x1D000] =	vst v63  }
0xd3: {  	_ =	swait.ge [sflag:s31], $0x4000  }
0xd4: {  	[sflag:s31] =	ssyncset.done $0x0  }
0xd5: {  	[sflag:s31] =	ssyncadd.s32 $0xFFFFC000  }
0xd6: {  	[tilespmem:s29], [sflag:$0x2] =	stream.indirect.gather [hbm4b:s1+s28], $0x80, s16, s28, $0xb8;
	[tilespmem:$0x1D000] =	vst v63  }
0xd7: {  	_ =	swait.ge [sflag:s30], $0x4000  }
0xd8: {  	[sflag:s30] =	ssyncset.done $0x0  }
.Ltmp2:
0xd9: {  	[sflag:s30] =	ssyncadd.s32 $0xFFFFC000;
	(pc) =	sbr.rel @p0 .LBB2_4-.Ltmp2, $4  }
0xda: {  	[spmem:s3] =	stream.indirect.scatter.add.f32 [tilespmem:s22], [sflag:$0x4], $0x80, s17, s28, $0xb8;
	[tilespmem:$0x1D000] =	vst v63  }
0xdb: {  	_ =	swait.ge [sflag:s31], $0x4000  }
0xdc: {  	[sflag:s31] =	ssyncset.done $0x0  }
0xdd: {  	[sflag:s31] =	ssyncadd.s32 $0xFFFFC000  }
0xde: {  	[tilespmem:s22], [sflag:$0x1] =	stream.indirect.gather [hbm4b:s1+s28], $0x80, s4, s28, $0xb8;
	[tilespmem:$0x1D000] =	vst v63  }
0xdf: {  	_ =	swait.ge [sflag:s2], $0x4000  }
0xe0: {  	[sflag:s2] =	ssyncset.done $0x0  }
0xe1: {  	[sflag:s2] =	ssyncadd.s32 $0xFFFFC000  }
0xe2: {  	[spmem:s3] =	stream.indirect.scatter.add.f32 [tilespmem:s29], [sflag:$0x4], $0x80, s18, s28, $0xb8;
	[tilespmem:$0x1D000] =	vst v63  }
0xe3: {  	_ =	swait.ge [sflag:s31], $0x4000  }
0xe4: {  	[sflag:s31] =	ssyncset.done $0x0  }
0xe5: {  	[sflag:s31] =	ssyncadd.s32 $0xFFFFC000  }
0xe6: {  	[tilespmem:s29], [sflag:$0x2] =	stream.indirect.gather [hbm4b:s1+s28], $0x80, s28, s28, $0xb8;
	[tilespmem:$0x1D000] =	vst v63  }
0xe7: {  	s0 =	sadd.s32 s8, s20  }
0xe8: {  	[tilespmem:s25], [sflag:$0x4] =	stream.linear.gather [hbm4b:s0+s4], $0x400, $0x38;
	[tilespmem:$0x1D000] =	vst v63  }
0xe9: {  	_ =	swait.ge [sflag:s31], $0x400  }
0xea: {  	[sflag:s31] =	ssyncset.done $0x0  }
.Ltmp3:
0xeb: {  	s24 =	sadd.s32 s8, s19;
	[sflag:s31] =	ssyncadd.s32 $0xFFFFFC00;
	(pc) =	sbr.rel .LBB2_2-.Ltmp3, $4  }
0xec: {  	[tilespmem:s26], [sflag:$0x3] =	stream.linear.gather [hbm4b:s24+s4], $0x400, $0x38;
	[tilespmem:$0x1D000] =	vst v63  }
0xed: {  	_ =	swait.ge [sflag:s23], $0x400  }
0xee: {  	[sflag:s23] =	ssyncset.done $0x0  }
0xef: {  	s8 =	sadd.s32 $0x100, s8;
	s21 =	sadd.s32 $0x800, s21;
	[sflag:s23] =	ssyncadd.s32 $0xFFFFFC00  }
.LBB2_5:
0xf0: {  	_ =	sfence.sel $0x180000  }
0xf1: {  	[bflag:$0x0] =	sbarrier.arrive $0xFFFF  }
0xf2: {  	_ =	strace $0x90000047  }
0xf3: {  	s0 =	stileid.u32;
	[bflag:$0x2] =	sbarrier.arrive $0xFFFF  }
0xf4: {  	p0 =	sne.s32 s0, $0x0;
	s0 =	rddreg [dreg:$0x3]  }
0xf5: {  	s0 =	sadd.s32 @!p0 $0x100000, s0  }
0xf6: {  	[sflag:s0] =	ssyncadd.tile.s32 @!p0 $0x1;
	_ =	shalt  }
.Lfunc_end2:
_tile_overlayer_lowered:
.L_overlay_start_2:
0xf7: {  	(tag) =	ssettag $0x2  }
0xf8: {  	s0 =	rddreg [dreg:$0x0];
	s2 =	stileid.u32  }
0xf9: {  	s1 =	rddreg [dreg:$0x1];
	p0 =	sne.s32 s2, $0x0  }
0xfa: {  	s3 =	rddreg [dreg:$0x2];
	[bflag:$0x3] =	sbarrier.arrive $0xFFFF;
	s2 =	simm.s32 @!p0 $0x1C03  }
0xfb: {  	[timem:s3], [sflag:s2] =	dma.local @!p0 [hbm:s0], s1  }
0xfc: {  	s0 =	simm.s32 @!p0 $0x3  }
0xfd: {  	_ =	swait.ge @!p0 [sflag:s0], s1  }
0xfe: {  	s1 =	ssub.s32 @!p0 $0x0, s1;
	[sflag:s0] =	ssyncset.done @!p0 $0x0  }
0xff: {  	[sflag:s0] =	ssyncadd.s32 @!p0 s1  }
0x100: {  	[bflag:$0x3] =	sbarrier.arrive $0xFFFF  }
0x101: {  	_ =	shalt  }

// kernel: kernel.9.cloned.1.call-start
scs
__scs_entry_jumppad:
0x0: {  	(pc) =	sbr.rel $0x88, $3  }
0x1: {  	(tag) =	ssettag $0x0;
	lr =	simm.s32 $0x1  }
0x2: {  	[smem:$0x3F96] =	sst lr;
	_ =	strace $0xD0000000  }
0x3: {  	_ = 	snop  }
0x4: {  	_ = 	snop  }
0x5: {  	_ = 	snop  }
0x6: {  	_ = 	snop  }
0x7: {  	_ = 	snop  }
__scs_overlays_trampoline_lowered:
0x8: {  	[smem:$0x3FA5] =	sst s0  }
0x9: {  	[smem:$0x3FA6] =	sst s1  }
0xa: {  	[smem:$0x3FA7] =	sst s2  }
0xb: {  	[smem:$0x3FA8] =	sst s3  }
0xc: {  	[smem:$0x3FA9] =	sst s4  }
0xd: {  	[smem:$0x3FAA] =	sst s5  }
0xe: {  	[smem:$0x3FAB] =	sst s6  }
0xf: {  	[smem:$0x3FAC] =	sst s7  }
0x10: {  	[smem:$0x3FAD] =	sst s8  }
0x11: {  	[smem:$0x3FAE] =	sst s9;
	s0 =	simm.s32 @!p0 $0x0  }
0x12: {  	s1 =	sld [smem:$0x3F94];
	s0 =	simm.s32 @p0 $0x1  }
0x13: {  	[smem:$0x3FAF] =	sst s0;
	s0 =	simm.s32 @!p1 $0x0  }
0x14: {  	s2 =	sld [smem:$0x3F93];
	s0 =	simm.s32 @p1 $0x1  }
0x15: {  	[smem:$0x3FB0] =	sst s0;
	s0 =	simm.s32 @!p2 $0x0  }
0x16: {  	s3 =	sld [smem:$0x3FDB];
	s0 =	simm.s32 @p2 $0x1  }
0x17: {  	s4 =	simm.s32 $0x1BF5;
	[smem:$0x3FB2] =	sst s0  }
0x18: {  	s0 =	sld [smem:$0x3F95];
	_ =	swait.ge [sflag:s4], $0x0  }
0x19: {  	s7 =	sld [smem:$0x3F96]  }
0x1a: {  	s8 =	sadd.s32 $0xFFFFE003, lr  }
0x1b: {  	s9 =	sadd.s32 $0xFFFFFEF7, lr;
	s5 =	simm.s32 $0xFFFFFFFF;
	p2 =	slt.u32 s8, $0xFFFFF086  }
0x1c: {  	p1 =	slt.u32 s9, $0xF7A;
	s5 =	simm.s32 @!p2 $0x0  }
0x1d: {  	s5 =	simm.s32 @p1 $0x1;
	p0 =	seq.s32 s7, s2  }
0x1e: {  	s7 =	smul.u32 @!p0 $0xF7A, s2;
	p2 =	seq.s32 @!p0 s5, $0x0  }
0x1f: {  	s9 =	smul.u32 $0xF7A, s1;
	s8 =	simm.s32 @!p0 $0x1BF5;
	p2 =	por !p2, p0  }
0x20: {  	[sflag:s8] =	ssyncset.s32 @!p0 $0xFFFFF086;
	s6 =	sadd.s32 @!p0 s3, s7;
	s7 =	simm.s32 @!p0 $0x108  }
0x21: {  	s3 =	sadd.s32 s3, s9;
	s6 =	sadd.s32 @!p0 $0x88, s6;
	s7 =	simm.s32 @p2 $0x1082  }
0x22: {  	[simem:s7], [sflag:s8] =	dma.local @!p0 [hbm:s6], $0xF7A  }
0x23: {  	s9 =	sor.u32 $0xD0000000, s2;
	s6 =	simm.s32 $0x108;
	_ =	swait.ge @!p0 [sflag:s8], $0x0  }
0x24: {  	s3 =	sadd.s32 $0x88, s3;
	s6 =	simm.s32 @!p1 $0x1082;
	[sflag:s4] =	ssyncset.s32 $0xFFFFF086  }
0x25: {  	[simem:s6], [sflag:s4] =	dma.local [hbm:s3], $0xF7A  }
0x26: {  	[smem:$0x3F96] =	sst s1;
	(tag) =	ssettag s2;
	_ =	strace s9  }
0x27: {  	s1 =	sld [smem:$0x3FA6]  }
0x28: {  	s2 =	sld [smem:$0x3FA7]  }
0x29: {  	s4 =	sld [smem:$0x3FA9]  }
0x2a: {  	p0 =	seq.s32 s5, $0x0;
	s5 =	sld [smem:$0x3FAA]  }
0x2b: {  	s6 =	sld [smem:$0x3FAB]  }
0x2c: {  	s7 =	sld [smem:$0x3FAC]  }
0x2d: {  	s3 =	simm.s32 $0x108;
	s8 =	sld [smem:$0x3FAD]  }
0x2e: {  	s3 =	simm.s32 @!p0 $0x1082;
	s9 =	sld [smem:$0x3FAE]  }
0x2f: {  	lr =	sadd.s32 s0, s3;
	s0 =	sld [smem:$0x3FA5]  }
0x30: {  	s3 =	sld [smem:$0x3FA8]  }
0x31: {  	[smem:$0x3FB1] =	sst s10  }
0x32: {  	s10 =	sld [smem:$0x3FAF];
	_ =	sdelay $0x3  }
0x33: {  	p0 =	seq.s32 s10, $0x1;
	s10 =	sld [smem:$0x3FB1];
	_ =	sdelay $0x3  }
0x34: {  	[smem:$0x3FB1] =	sst s10  }
0x35: {  	s10 =	sld [smem:$0x3FB0];
	_ =	sdelay $0x3  }
0x36: {  	p1 =	seq.s32 s10, $0x1;
	s10 =	sld [smem:$0x3FB1];
	_ =	sdelay $0x3  }
0x37: {  	[smem:$0x3FB1] =	sst s10  }
0x38: {  	s10 =	sld [smem:$0x3FB2]  }
0x39: {  	_ = 	snop;
	(pc) =	sbr.ind lr, $3  }
0x3a: {  	_ = 	snop  }
0x3b: {  	_ = 	snop  }
0x3c: {  	p2 =	seq.s32 s10, $0x1;
	s10 =	sld [smem:$0x3FB1]  }
0x3d: {  	_ =	shalt  }
0x3e: {  	_ =	shalt  }
0x3f: {  	_ =	shalt  }
0x40: {  	_ =	shalt  }
0x41: {  	_ =	shalt  }
0x42: {  	_ =	shalt  }
0x43: {  	_ =	shalt  }
0x44: {  	_ =	shalt  }
0x45: {  	_ =	shalt  }
0x46: {  	_ =	shalt  }
0x47: {  	_ =	shalt  }
0x48: {  	_ =	shalt  }
0x49: {  	_ =	shalt  }
0x4a: {  	_ =	shalt  }
0x4b: {  	_ =	shalt  }
0x4c: {  	_ =	shalt  }
0x4d: {  	_ =	shalt  }
0x4e: {  	_ =	shalt  }
0x4f: {  	_ =	shalt  }
0x50: {  	_ =	shalt  }
0x51: {  	_ =	shalt  }
0x52: {  	_ =	shalt  }
0x53: {  	_ =	shalt  }
0x54: {  	_ =	shalt  }
0x55: {  	_ =	shalt  }
0x56: {  	_ =	shalt  }
0x57: {  	_ =	shalt  }
0x58: {  	_ =	shalt  }
0x59: {  	_ =	shalt  }
0x5a: {  	_ =	shalt  }
0x5b: {  	_ =	shalt  }
0x5c: {  	_ =	shalt  }
0x5d: {  	_ =	shalt  }
0x5e: {  	_ =	shalt  }
0x5f: {  	_ =	shalt  }
0x60: {  	_ =	shalt  }
0x61: {  	_ =	shalt  }
0x62: {  	_ =	shalt  }
0x63: {  	_ =	shalt  }
0x64: {  	_ =	shalt  }
0x65: {  	_ =	shalt  }
0x66: {  	_ =	shalt  }
0x67: {  	_ =	shalt  }
0x68: {  	_ =	shalt  }
0x69: {  	_ =	shalt  }
0x6a: {  	_ =	shalt  }
0x6b: {  	_ =	shalt  }
0x6c: {  	_ =	shalt  }
0x6d: {  	_ =	shalt  }
0x6e: {  	_ =	shalt  }
0x6f: {  	_ =	shalt  }
0x70: {  	_ =	shalt  }
0x71: {  	_ =	shalt  }
0x72: {  	_ =	shalt  }
0x73: {  	_ =	shalt  }
0x74: {  	_ =	shalt  }
0x75: {  	_ =	shalt  }
0x76: {  	_ =	shalt  }
0x77: {  	_ =	shalt  }
0x78: {  	_ =	shalt  }
0x79: {  	_ =	shalt  }
0x7a: {  	_ =	shalt  }
0x7b: {  	_ =	shalt  }
0x7c: {  	_ =	shalt  }
0x7d: {  	_ =	shalt  }
0x7e: {  	_ =	shalt  }
0x7f: {  	_ =	shalt  }
0x80: {  	_ =	shalt  }
0x81: {  	_ =	shalt  }
0x82: {  	_ =	shalt  }
0x83: {  	_ =	shalt  }
0x84: {  	_ =	shalt  }
0x85: {  	_ =	shalt  }
0x86: {  	_ =	shalt  }
0x87: {  	_ =	shalt  }
.Lfunc_end0:
.L_simem_size_0:
called_computation.1_lowered:
.L_overlay_start_0:
0x88: {  	s2 =	sld [smem:$0x3FD9]  }
0x89: {  	s3 =	sld [smem:$0x3FFE];
	_ =	sdelay $0x1  }
0x8a: {  	s1 =	srdreg.scid  }
0x8b: {  	s0 =	sand.u32 $0x1, s1  }
0x8c: {  	s16 =	sshll.u32 s0, $0xA;
	s2 =	sadd.s32 s3, s2  }
0x8d: {  	s2 =	sadd.s32 s2, s16  }
0x8e: {  	[smem:$0x3FBD] =	sst s2  }
0x8f: {  	_ = 	snop  }
0x90: {  	(tm) =	ssettm $0x1  }
0x91: {  	s17 =	sld [smem:$0x3FFB];
	_ =	sdelay $0x3  }
0x92: {  	_ =	strace s17  }
0x93: {  	s2 =	sld [smem:$0x3FFC];
	_ =	sdelay $0x3  }
0x94: {  	_ =	strace s2  }
0x95: {  	s2 =	sld [smem:$0x3FFD];
	_ =	sdelay $0x3  }
0x96: {  	_ =	strace s2  }
0x97: {  	_ =	strace $0x8FFFFFFF  }
0x98: {  	s18 =	sld [smem:$0x3FDB];
	_ =	sdelay $0x1  }
0x99: {  	s19 =	simm.s32 $_scs_section_size  }
0x9a: {  	s4 =	simm.s32 $_size__tile_overlayer_lowered;
	s5 =	simm.s32 $_tile_overlayer_lowered  }
0x9b: {  	s22 =	simm.s32 $0x1BFF;
	s21 =	sshll.u32 s5, $0x1;
	s2 =	sadd.s32 s19, s18  }
0x9c: {  	s6 =	simm.s32 $0x0;
	s20 =	sshll.u32 s4, $0x1;
	s4 =	sadd.s32 s21, s2  }
0x9d: {  	[timem:s6], [sflag:s22] =	dma.local [hbm:s4], s20  }
0x9e: {  	_ =	swait.ge [sflag:s22], s20  }
0x9f: {  	s3 =	ssub.s32 $0x0, s20;
	[sflag:s22] =	ssyncset.done $0x0  }
0xa0: {  	[sflag:s22] =	ssyncadd.s32 s3;
	_ =	sdelay $0x1  }
0xa1: {  	s23 =	simm.s32 $0x1B8B  }
0xa2: {  	_ =	swait.ge [sflag:s23], $0x1  }
0xa3: {  	[sflag:s23] =	ssyncset.done $0x0  }
0xa4: {  	s25 =	simm.s32 $0x1B8E;
	s24 =	sld [smem:$0x3FFE];
	[sflag:s23] =	ssyncadd.s32 $0xFFFFFFFF  }
0xa5: {  	s26 =	simm.s32 $execute0_lowered;
	[smem:$0x3FD2] =	sst s25  }
0xa6: {  	s4 =	sshll.u32 s26, $0x1;
	_ =	strace $0x80000049;
	[dreg:$0x1] =	wrdreg $0xFFFFFFFF  }
0xa7: {  	s28 =	simm.s32 $_size_execute0_lowered;
	s2 =	sadd.s32 s2, s4;
	[dreg:$0x0] =	wrdreg $0x0  }
0xa8: {  	s4 =	sshll.u32 s28, $0x1;
	[dreg:$0x2] =	wrdreg s2  }
0xa9: {  	[dreg:$0x3] =	wrdreg s4  }
0xaa: {  	[dreg:$0x4] =	wrdreg $0xC0  }
0xab: {  	_ =	task [dreg:s6], $0x5FFFF  }
0xac: {  	[dreg:$0x1] =	wrdreg $0xFFFFFFFF  }
0xad: {  	[dreg:$0x0] =	wrdreg $0x60  }
0xae: {  	[dreg:$0x2] =	wrdreg s24  }
0xaf: {  	[dreg:$0x3] =	wrdreg $0x90000  }
0xb0: {  	[dreg:$0x4] =	wrdreg $0x9  }
0xb1: {  	_ =	task.clear_ibuf [dreg:s6], $0x5FFFF;
	_ =	strace $0x90000049  }
0xb2: {  	s29 =	simm.s32 $0x9;
	_ =	strace $0x8000004B  }
0xb3: {  	_ =	swait.ge [sflag:s29], $0x1  }
0xb4: {  	[sflag:s29] =	ssyncadd.s32 $0xFFFFFFFF  }
0xb5: {  	_ =	strace $0x9000004B  }
0xb6: {  	_ =	sfence  }
0xb7: {  	s30 =	sld [smem:$0x0];
	_ =	sdelay $0x2  }
0xb8: {  	s31 =	sshll.u32 s1, $0xD;
	s1 =	sshrl.u32 s1, $0x2  }
0xb9: {  	s3 =	sand.u32 $0x4000, s31;
	s1 =	sadd.s32 s1, s30  }
0xba: {  	s0 =	sor.u32 s3, s0;
	s1 =	sshll.u32 s1, $0x11  }
0xbb: {  	s0 =	sor.u32 s1, s0  }
0xbc: {  	s0 =	sadd.s32 $0x8F2B, s0  }
0xbd: {  	[sflag:s0] =	ssyncadd.remote.s32 $0x1  }
0xbe: {  	_ =	sfence.sel $0xFFFF  }
0xbf: {  	[dreg:$0x0] =	wrdreg $0xFFFFFFFF;
	(pc) =	sbr.abs _section_cstart, $3  }
0xc0: {  	[dreg:$0x1] =	wrdreg $0xFFFFFFFF  }
0xc1: {  	_ =	task.clear_ibuf [dreg:s6], $0x2FFFF;
	_ =	strace $0x9FFFFFFF  }
0xc2: {  	(tm) =	ssettm $0x7FFFFFFF  }
0xc3: {  	_ =	shalt  }
tec
execute0_lowered:
.L_overlay_start_1:
0x0: {  	(tag) =	ssettag $0x1  }
0x1: {  	s0 =	rddreg [dreg:$0x0]  }
0x2: {  	s2 =	rddreg [dreg:$0x1];
	s3 =	simm.s32 $0x0  }
0x3: {  	s1 =	srdreg.scid;
	s10 =	stileid.u32;
	s28 =	simm.s32 $0x80  }
0x4: {  	s29 =	simm.s32 $0x5000;
	s30 =	simm.s32 $0x1;
	s31 =	simm.s32 $0x4  }
0x5: {  	s12 =	simm.s32 $0x680;
	s13 =	simm.s32 $0xE00;
	s14 =	simm.s32 $0x700  }
0x6: {  	[smem:$0x7FF] =	sst s3;
	s1 =	sand.u32 $0x1, s1;
	s7 =	smul.u32 $0x2800, s10  }
0x7: {  	s4 =	sadd.s32 $0x16400, s0;
	s5 =	sadd.s32 $0xBC00, s0;
	s6 =	sadd.s32 $0x1C00, s0  }
0x8: {  	s9 =	smul.u32 $0x50000, s10;
	s11 =	sadd.s32 $0x15C00, s0;
	_ =	strace $0x8000004A  }
0x9: {  	s8 =	smul.u32 $0x28000, s1;
	[dreg:$0x3] =	wrdreg s11;
	s15 =	sshll.u32 s1, $0x4  }
0xa: {  	s1 =	ssub.s32 $0x2, s1;
	s11 =	simm.s32 $0xD80;
	s9 =	sshrl.u32 s9, $0x2  }
0xb: {  	s16 =	sshrl.u32 s1, $0x1;
	s7 =	sadd.s32 s7, s8;
	s8 =	sor.u32 s10, s15  }
0xc: {  	s21 =	sadd.s32 s9, s2;
	s1 =	ssub.s32 s1, s16;
	s10 =	simm.s32 $0x600  }
0xd: {  	s15 =	simm.s32 $0xE80;
	s9 =	sadd.s32 $0x4000, s21;
	[dreg:$0x4] =	wrdreg s21  }
0xe: {  	s16 =	simm.s32 $0x780;
	s17 =	sadd.s32 $0x8000, s21;
	[dreg:$0x5] =	wrdreg s9  }
0xf: {  	s8 =	smul.u32 $0x2800, s8;
	s18 =	sadd.s32 $0xC000, s21;
	[dreg:$0x6] =	wrdreg s17  }
0x10: {  	s0 =	sadd.s32 s7, s0;
	s19 =	sadd.s32 $0x10000, s21;
	[dreg:$0x7] =	wrdreg s18  }
0x11: {  	s24 =	sadd.s32 $0xC00, s7;
	s1 =	smax.u32 s1, $0x1;
	[dreg:$0x8] =	wrdreg s19  }
0x12: {  	s26 =	sadd.s32 $0x800, s7;
	s7 =	simm.s32 $0x0;
	[dreg:$0xe] =	wrdreg s1  }
0x13: {  	s0 =	sadd.s32 $0x3D600, s0;
	s25 =	sshrl.u32 s24, $0x3;
	[dreg:$0xf] =	wrdreg s26  }
0x14: {  	s26 =	simm.s32 $0xC00;
	s1 =	simm.s32 $0x2;
	s17 =	simm.s32 $0xF00  }
0x15: {  	s18 =	simm.s32 $0xF80;
	s8 =	sshrl.u32 s8, $0x3;
	[dreg:$0xd] =	wrdreg s0  }
.Ltmp0:
0x16: {  	s19 =	sadd.s32 s25, s6;
	s20 =	sadd.s32 s5, s8;
	(pc) =	sbr.rel .LBB2_1-.Ltmp0, $4  }
0x17: {  	s22 =	sor.u32 $0x80, s8;
	s8 =	sadd.s32 s6, s8;
	[dreg:$0x9] =	wrdreg s20  }
0x18: {  	[dreg:$0xa] =	wrdreg s8;
	s23 =	sadd.s32 s5, s22;
	s9 =	sadd.s32 s6, s22  }
0x19: {  	s20 =	sadd.s32 s25, s5;
	s22 =	simm.s32 $0x1000;
	[dreg:$0xb] =	wrdreg s23  }
0x1a: {  	s25 =	simm.s32 $0x400;
	[dreg:$0xc] =	wrdreg s9;
	s23 =	simm.s32 $0x3  }
.LBB2_4:
0x1b: {  	_ =	swait.ge [sflag:s1], $0x4000  }
0x1c: {  	[sflag:s1] =	ssyncset.done $0x0  }
0x1d: {  	[sflag:s1] =	ssyncadd.s32 $0xFFFFC000  }
0x1e: {  	[spmem:s2] =	stream.indirect.scatter.add.f32 [tilespmem:s29], [sflag:$0x4], $0x80, s18, s28, $0xb8;
	[tilespmem:$0x1D000] =	vst v63  }
0x1f: {  	_ =	swait.ge [sflag:s31], $0x4000  }
0x20: {  	[sflag:s31] =	ssyncset.done $0x0  }
0x21: {  	[sflag:s31] =	ssyncadd.s32 $0xFFFFC000  }
0x22: {  	s0 =	stileid.u32;
	[bflag:$0x0] =	sbarrier.arrive $0xFFFF  }
0x23: {  	s0 =	sshll.u32 s0, $0x6;
	s21 =	rddreg [dreg:$0x4]  }
0x24: {  	s0 =	sor.u32 $0x1C03, s0;
	s8 =	rddreg [dreg:$0xd];
	s7 =	sshrl.u32 s21, $0x3  }
0x25: {  	[hbm:s8], [sflag:s0] =	dma.local [spmem:s7], $0x2800  }
0x26: {  	_ =	swait.ge [sflag:s23], $0x2800  }
0x27: {  	s9 =	rddreg [dreg:$0x10]  }
0x28: {  	s24 =	rddreg [dreg:$0xe];
	s7 =	sadd.s32 $0x1, s9  }
0x29: {  	p0 =	sne.s32 s7, s24  }
.Ltmp1:
0x2a: {  	_ = 	snop;
	(pc) =	sbr.rel @!p0 .LBB2_5-.Ltmp1, $3  }
0x2b: {  	_ =	sdelay $0x1  }
0x2c: {  	[sflag:s23] =	ssyncset.done $0x0  }
0x2d: {  	[sflag:s23] =	ssyncadd.s32 $0xFFFFD800  }
.LBB2_1:
0x2e: {  	[dreg:$0x10] =	wrdreg s7  }
0x2f: {  	s0 =	rddreg [dreg:$0x3]  }
0x30: {  	[tilespmem:s22], [sflag:$0x3] =	stream.linear.gather [hbm4b:s0+s3], $0x4000, $0x38;
	[tilespmem:$0x1D000] =	vst v63  }
0x31: {  	_ =	swait.ge [sflag:s23], $0x4000  }
0x32: {  	[sflag:s23] =	ssyncset.done $0x0  }
0x33: {  	[sflag:s23] =	ssyncadd.s32 $0xFFFFC000  }
0x34: {  	[spmem:s21] =	stream.linear.scatter [tilespmem:s22], [sflag:$0x3], $0x4000, $0x38;
	[tilespmem:$0x1D000] =	vst v63  }
0x35: {  	_ =	swait.ge [sflag:s23], $0x4000  }
0x36: {  	[sflag:s23] =	ssyncset.done $0x0  }
0x37: {  	s8 =	rddreg [dreg:$0x5];
	[sflag:s23] =	ssyncadd.s32 $0xFFFFC000  }
0x38: {  	[spmem:s8] =	stream.linear.scatter [tilespmem:s22], [sflag:$0x3], $0x4000, $0x38;
	[tilespmem:$0x1D000] =	vst v63  }
0x39: {  	_ =	swait.ge [sflag:s23], $0x4000  }
0x3a: {  	[sflag:s23] =	ssyncset.done $0x0  }
0x3b: {  	s9 =	rddreg [dreg:$0x6];
	[sflag:s23] =	ssyncadd.s32 $0xFFFFC000  }
0x3c: {  	[spmem:s9] =	stream.linear.scatter [tilespmem:s22], [sflag:$0x3], $0x4000, $0x38;
	[tilespmem:$0x1D000] =	vst v63  }
0x3d: {  	_ =	swait.ge [sflag:s23], $0x4000  }
0x3e: {  	[sflag:s23] =	ssyncset.done $0x0  }
0x3f: {  	s21 =	rddreg [dreg:$0x7];
	[sflag:s23] =	ssyncadd.s32 $0xFFFFC000  }
0x40: {  	[spmem:s21] =	stream.linear.scatter [tilespmem:s22], [sflag:$0x3], $0x4000, $0x38;
	[tilespmem:$0x1D000] =	vst v63  }
0x41: {  	_ =	swait.ge [sflag:s23], $0x4000  }
0x42: {  	[sflag:s23] =	ssyncset.done $0x0  }
0x43: {  	s24 =	rddreg [dreg:$0x8];
	[sflag:s23] =	ssyncadd.s32 $0xFFFFC000  }
0x44: {  	[spmem:s24] =	stream.linear.scatter [tilespmem:s22], [sflag:$0x3], $0x4000, $0x38;
	[tilespmem:$0x1D000] =	vst v63  }
0x45: {  	_ =	swait.ge [sflag:s23], $0x4000  }
0x46: {  	[sflag:s23] =	ssyncset.done $0x0  }
0x47: {  	s7 =	rddreg [dreg:$0x9];
	[sflag:s23] =	ssyncadd.s32 $0xFFFFC000  }
0x48: {  	[tilespmem:s3], [sflag:$0x3] =	stream.linear.gather [hbm4b:s7+s3], $0x400, $0x38;
	[tilespmem:$0x1D000] =	vst v63  }
0x49: {  	_ =	swait.ge [sflag:s23], $0x400  }
0x4a: {  	[sflag:s23] =	ssyncset.done $0x0  }
0x4b: {  	s9 =	simm.s32 $0x800;
	s8 =	rddreg [dreg:$0xa];
	[sflag:s23] =	ssyncadd.s32 $0xFFFFFC00  }
0x4c: {  	[tilespmem:s9], [sflag:$0x3] =	stream.linear.gather [hbm4b:s8+s3], $0x400, $0x38;
	[tilespmem:$0x1D000] =	vst v63  }
0x4d: {  	_ =	swait.ge [sflag:s23], $0x400  }
0x4e: {  	[sflag:s23] =	ssyncset.done $0x0  }
0x4f: {  	s21 =	rddreg [dreg:$0xb];
	[sflag:s23] =	ssyncadd.s32 $0xFFFFFC00  }
0x50: {  	[tilespmem:s25], [sflag:$0x3] =	stream.linear.gather [hbm4b:s21+s3], $0x400, $0x38;
	[tilespmem:$0x1D000] =	vst v63  }
0x51: {  	_ =	swait.ge [sflag:s23], $0x400  }
0x52: {  	[sflag:s23] =	ssyncset.done $0x0  }
0x53: {  	s24 =	rddreg [dreg:$0xc];
	[sflag:s23] =	ssyncadd.s32 $0xFFFFFC00  }
0x54: {  	[tilespmem:s26], [sflag:$0x3] =	stream.linear.gather [hbm4b:s24+s3], $0x400, $0x38;
	[tilespmem:$0x1D000] =	vst v63  }
0x55: {  	_ =	swait.ge [sflag:s23], $0x400  }
0x56: {  	[sflag:s23] =	ssyncset.done $0x0  }
0x57: {  	[sflag:s23] =	ssyncadd.s32 $0xFFFFFC00  }
0x58: {  	[bflag:$0x0] =	sbarrier.arrive $0xFFFF  }
0x59: {  	[tilespmem:s22], [sflag:$0x1] =	stream.indirect.gather [hbm4b:s4+s28], $0x80, s3, s28, $0xb8;
	[tilespmem:$0x1D000] =	vst v63  }
0x5a: {  	s8 =	simm.s32 $0x0;
	s21 =	rddreg [dreg:$0xf]  }
0x5b: {  	[tilespmem:s29], [sflag:$0x2] =	stream.indirect.gather [hbm4b:s4+s28], $0x80, s28, s28, $0xb8;
	[tilespmem:$0x1D000] =	vst v63  }
.LBB2_2:
0x5c: {  	_ =	swait.ge [sflag:s30], $0x4000  }
0x5d: {  	[sflag:s30] =	ssyncset.done $0x0  }
0x5e: {  	s0 =	simm.s32 $0x800;
	[sflag:s30] =	ssyncadd.s32 $0xFFFFC000  }
0x5f: {  	[spmem:s2] =	stream.indirect.scatter.add.f32 [tilespmem:s22], [sflag:$0x4], $0x80, s0, s28, $0xb8;
	[tilespmem:$0x1D000] =	vst v63  }
0x60: {  	_ =	swait.ge [sflag:s31], $0x4000  }
0x61: {  	[sflag:s31] =	ssyncset.done $0x0  }
0x62: {  	s7 =	simm.s32 $0x100;
	[sflag:s31] =	ssyncadd.s32 $0xFFFFC000  }
0x63: {  	[tilespmem:s22], [sflag:$0x1] =	stream.indirect.gather [hbm4b:s4+s28], $0x80, s7, s28, $0xb8;
	[tilespmem:$0x1D000] =	vst v63  }
0x64: {  	_ =	swait.ge [sflag:s1], $0x4000  }
0x65: {  	[sflag:s1] =	ssyncset.done $0x0  }
0x66: {  	s9 =	simm.s32 $0x880;
	[sflag:s1] =	ssyncadd.s32 $0xFFFFC000  }
0x67: {  	[spmem:s2] =	stream.indirect.scatter.add.f32 [tilespmem:s29], [sflag:$0x4], $0x80, s9, s28, $0xb8;
	[tilespmem:$0x1D000] =	vst v63  }
0x68: {  	_ =	swait.ge [sflag:s31], $0x4000  }
0x69: {  	[sflag:s31] =	ssyncset.done $0x0  }
0x6a: {  	s24 =	simm.s32 $0x180;
	[sflag:s31] =	ssyncadd.s32 $0xFFFFC000  }
0x6b: {  	[tilespmem:s29], [sflag:$0x2] =	stream.indirect.gather [hbm4b:s4+s28], $0x80, s24, s28, $0xb8;
	[tilespmem:$0x1D000] =	vst v63  }
0x6c: {  	_ =	swait.ge [sflag:s30], $0x4000  }
0x6d: {  	[sflag:s30] =	ssyncset.done $0x0  }
0x6e: {  	s7 =	simm.s32 $0x900;
	[sflag:s30] =	ssyncadd.s32 $0xFFFFC000  }
0x6f: {  	[spmem:s2] =	stream.indirect.scatter.add.f32 [tilespmem:s22], [sflag:$0x4], $0x80, s7, s28, $0xb8;
	[tilespmem:$0x1D000] =	vst v63  }
0x70: {  	_ =	swait.ge [sflag:s31], $0x4000  }
0x71: {  	[sflag:s31] =	ssyncset.done $0x0  }
0x72: {  	s9 =	simm.s32 $0x200;
	[sflag:s31] =	ssyncadd.s32 $0xFFFFC000  }
0x73: {  	[tilespmem:s22], [sflag:$0x1] =	stream.indirect.gather [hbm4b:s4+s28], $0x80, s9, s28, $0xb8;
	[tilespmem:$0x1D000] =	vst v63  }
0x74: {  	_ =	swait.ge [sflag:s1], $0x4000  }
0x75: {  	[sflag:s1] =	ssyncset.done $0x0  }
0x76: {  	s24 =	simm.s32 $0x980;
	[sflag:s1] =	ssyncadd.s32 $0xFFFFC000  }
0x77: {  	[spmem:s2] =	stream.indirect.scatter.add.f32 [tilespmem:s29], [sflag:$0x4], $0x80, s24, s28, $0xb8;
	[tilespmem:$0x1D000] =	vst v63  }
0x78: {  	_ =	swait.ge [sflag:s31], $0x4000  }
0x79: {  	[sflag:s31] =	ssyncset.done $0x0  }
0x7a: {  	s7 =	simm.s32 $0x280;
	[sflag:s31] =	ssyncadd.s32 $0xFFFFC000  }
0x7b: {  	[tilespmem:s29], [sflag:$0x2] =	stream.indirect.gather [hbm4b:s4+s28], $0x80, s7, s28, $0xb8;
	[tilespmem:$0x1D000] =	vst v63  }
0x7c: {  	_ =	swait.ge [sflag:s30], $0x4000  }
0x7d: {  	[sflag:s30] =	ssyncset.done $0x0  }
0x7e: {  	s9 =	simm.s32 $0xA00;
	[sflag:s30] =	ssyncadd.s32 $0xFFFFC000  }
0x7f: {  	[spmem:s2] =	stream.indirect.scatter.add.f32 [tilespmem:s22], [sflag:$0x4], $0x80, s9, s28, $0xb8;
	[tilespmem:$0x1D000] =	vst v63  }
0x80: {  	_ =	swait.ge [sflag:s31], $0x4000  }
0x81: {  	[sflag:s31] =	ssyncset.done $0x0  }
0x82: {  	s24 =	simm.s32 $0x300;
	[sflag:s31] =	ssyncadd.s32 $0xFFFFC000  }
0x83: {  	[tilespmem:s22], [sflag:$0x1] =	stream.indirect.gather [hbm4b:s4+s28], $0x80, s24, s28, $0xb8;
	[tilespmem:$0x1D000] =	vst v63  }
0x84: {  	_ =	swait.ge [sflag:s1], $0x4000  }
0x85: {  	[sflag:s1] =	ssyncset.done $0x0  }
0x86: {  	s7 =	simm.s32 $0xA80;
	[sflag:s1] =	ssyncadd.s32 $0xFFFFC000  }
0x87: {  	[spmem:s2] =	stream.indirect.scatter.add.f32 [tilespmem:s29], [sflag:$0x4], $0x80, s7, s28, $0xb8;
	[tilespmem:$0x1D000] =	vst v63  }
0x88: {  	_ =	swait.ge [sflag:s31], $0x4000  }
0x89: {  	[sflag:s31] =	ssyncset.done $0x0  }
0x8a: {  	s9 =	simm.s32 $0x380;
	[sflag:s31] =	ssyncadd.s32 $0xFFFFC000  }
0x8b: {  	[tilespmem:s29], [sflag:$0x2] =	stream.indirect.gather [hbm4b:s4+s28], $0x80, s9, s28, $0xb8;
	[tilespmem:$0x1D000] =	vst v63  }
0x8c: {  	_ =	swait.ge [sflag:s30], $0x4000  }
0x8d: {  	[sflag:s30] =	ssyncset.done $0x0  }
0x8e: {  	s24 =	simm.s32 $0xB00;
	[sflag:s30] =	ssyncadd.s32 $0xFFFFC000  }
0x8f: {  	[spmem:s2] =	stream.indirect.scatter.add.f32 [tilespmem:s22], [sflag:$0x4], $0x80, s24, s28, $0xb8;
	[tilespmem:$0x1D000] =	vst v63  }
0x90: {  	_ =	swait.ge [sflag:s31], $0x4000  }
0x91: {  	[sflag:s31] =	ssyncset.done $0x0  }
0x92: {  	[sflag:s31] =	ssyncadd.s32 $0xFFFFC000  }
0x93: {  	[tilespmem:s22], [sflag:$0x1] =	stream.indirect.gather [hbm4b:s4+s28], $0x80, s25, s28, $0xb8;
	[tilespmem:$0x1D000] =	vst v63  }
0x94: {  	_ =	swait.ge [sflag:s1], $0x4000  }
0x95: {  	[sflag:s1] =	ssyncset.done $0x0  }
0x96: {  	s7 =	simm.s32 $0xB80;
	[sflag:s1] =	ssyncadd.s32 $0xFFFFC000  }
0x97: {  	[spmem:s2] =	stream.indirect.scatter.add.f32 [tilespmem:s29], [sflag:$0x4], $0x80, s7, s28, $0xb8;
	[tilespmem:$0x1D000] =	vst v63  }
0x98: {  	_ =	swait.ge [sflag:s31], $0x4000  }
0x99: {  	p0 =	seq.s32 s8, $0x400;
	[sflag:s31] =	ssyncset.done $0x0  }
0x9a: {  	s0 =	sshrl.u32 @!p0 s21, $0x3;
	s9 =	simm.s32 $0x480;
	[sflag:s31] =	ssyncadd.s32 $0xFFFFC000  }
0x9b: {  	[tilespmem:s29], [sflag:$0x2] =	stream.indirect.gather [hbm4b:s4+s28], $0x80, s9, s28, $0xb8;
	[tilespmem:$0x1D000] =	vst v63  }
0x9c: {  	s24 =	sadd.s32 @!p0 s5, s0;
	s7 =	simm.s32 @!p0 $0x0  }
0x9d: {  	[tilespmem:s7], [sflag:$0x4] =	stream.linear.gather @!p0 [hbm4b:s24+s7], $0x400, $0x38;
	[tilespmem:$0x1D000] =	vst v63  }
0x9e: {  	s24 =	simm.s32 @!p0 $0x4  }
0x9f: {  	_ =	swait.ge @!p0 [sflag:s24], $0x400  }
0xa0: {  	[sflag:s24] =	ssyncset.done @!p0 $0x0  }
0xa1: {  	s0 =	sadd.s32 @!p0 s6, s0;
	s9 =	simm.s32 @!p0 $0x800;
	[sflag:s24] =	ssyncadd.s32 @!p0 $0xFFFFFC00  }
0xa2: {  	[tilespmem:s9], [sflag:$0x4] =	stream.linear.gather @!p0 [hbm4b:s0+s7], $0x400, $0x38;
	[tilespmem:$0x1D000] =	vst v63  }
0xa3: {  	_ =	swait.ge @!p0 [sflag:s24], $0x400  }
0xa4: {  	[sflag:s24] =	ssyncset.done @!p0 $0x0  }
0xa5: {  	[sflag:s24] =	ssyncadd.s32 @!p0 $0xFFFFFC00  }
0xa6: {  	_ =	swait.ge [sflag:s30], $0x4000  }
0xa7: {  	[sflag:s30] =	ssyncset.done $0x0  }
0xa8: {  	[sflag:s30] =	ssyncadd.s32 $0xFFFFC000  }
0xa9: {  	[spmem:s2] =	stream.indirect.scatter.add.f32 [tilespmem:s22], [sflag:$0x4], $0x80, s26, s28, $0xb8;
	[tilespmem:$0x1D000] =	vst v63  }
0xaa: {  	_ =	swait.ge [sflag:s31], $0x4000  }
0xab: {  	[sflag:s31] =	ssyncset.done $0x0  }
0xac: {  	s24 =	simm.s32 $0x500;
	[sflag:s31] =	ssyncadd.s32 $0xFFFFC000  }
0xad: {  	[tilespmem:s22], [sflag:$0x1] =	stream.indirect.gather [hbm4b:s4+s28], $0x80, s24, s28, $0xb8;
	[tilespmem:$0x1D000] =	vst v63  }
0xae: {  	_ =	swait.ge [sflag:s1], $0x4000  }
0xaf: {  	[sflag:s1] =	ssyncset.done $0x0  }
0xb0: {  	s7 =	simm.s32 $0xC80;
	[sflag:s1] =	ssyncadd.s32 $0xFFFFC000  }
0xb1: {  	[spmem:s2] =	stream.indirect.scatter.add.f32 [tilespmem:s29], [sflag:$0x4], $0x80, s7, s28, $0xb8;
	[tilespmem:$0x1D000] =	vst v63  }
0xb2: {  	_ =	swait.ge [sflag:s31], $0x4000  }
0xb3: {  	[sflag:s31] =	ssyncset.done $0x0  }
0xb4: {  	s9 =	simm.s32 $0x580;
	[sflag:s31] =	ssyncadd.s32 $0xFFFFC000  }
0xb5: {  	[tilespmem:s29], [sflag:$0x2] =	stream.indirect.gather [hbm4b:s4+s28], $0x80, s9, s28, $0xb8;
	[tilespmem:$0x1D000] =	vst v63  }
0xb6: {  	_ =	swait.ge [sflag:s30], $0x4000  }
0xb7: {  	[sflag:s30] =	ssyncset.done $0x0  }
0xb8: {  	s24 =	simm.s32 $0xD00;
	[sflag:s30] =	ssyncadd.s32 $0xFFFFC000  }
0xb9: {  	[spmem:s2] =	stream.indirect.scatter.add.f32 [tilespmem:s22], [sflag:$0x4], $0x80, s24, s28, $0xb8;
	[tilespmem:$0x1D000] =	vst v63  }
0xba: {  	_ =	swait.ge [sflag:s31], $0x4000  }
0xbb: {  	[sflag:s31] =	ssyncset.done $0x0  }
0xbc: {  	[sflag:s31] =	ssyncadd.s32 $0xFFFFC000  }
0xbd: {  	[tilespmem:s22], [sflag:$0x1] =	stream.indirect.gather [hbm4b:s4+s28], $0x80, s10, s28, $0xb8;
	[tilespmem:$0x1D000] =	vst v63  }
0xbe: {  	_ =	swait.ge [sflag:s1], $0x4000  }
0xbf: {  	[sflag:s1] =	ssyncset.done $0x0  }
0xc0: {  	[sflag:s1] =	ssyncadd.s32 $0xFFFFC000  }
0xc1: {  	[spmem:s2] =	stream.indirect.scatter.add.f32 [tilespmem:s29], [sflag:$0x4], $0x80, s11, s28, $0xb8;
	[tilespmem:$0x1D000] =	vst v63  }
0xc2: {  	_ =	swait.ge [sflag:s31], $0x4000  }
0xc3: {  	[sflag:s31] =	ssyncset.done $0x0  }
0xc4: {  	[sflag:s31] =	ssyncadd.s32 $0xFFFFC000  }
0xc5: {  	[tilespmem:s29], [sflag:$0x2] =	stream.indirect.gather [hbm4b:s4+s28], $0x80, s12, s28, $0xb8;
	[tilespmem:$0x1D000] =	vst v63  }
0xc6: {  	_ =	swait.ge [sflag:s30], $0x4000  }
0xc7: {  	[sflag:s30] =	ssyncset.done $0x0  }
0xc8: {  	[sflag:s30] =	ssyncadd.s32 $0xFFFFC000  }
0xc9: {  	[spmem:s2] =	stream.indirect.scatter.add.f32 [tilespmem:s22], [sflag:$0x4], $0x80, s13, s28, $0xb8;
	[tilespmem:$0x1D000] =	vst v63  }
0xca: {  	_ =	swait.ge [sflag:s31], $0x4000  }
0xcb: {  	[sflag:s31] =	ssyncset.done $0x0  }
0xcc: {  	[sflag:s31] =	ssyncadd.s32 $0xFFFFC000  }
0xcd: {  	[tilespmem:s22], [sflag:$0x1] =	stream.indirect.gather [hbm4b:s4+s28], $0x80, s14, s28, $0xb8;
	[tilespmem:$0x1D000] =	vst v63  }
0xce: {  	_ =	swait.ge [sflag:s1], $0x4000  }
0xcf: {  	[sflag:s1] =	ssyncset.done $0x0  }
0xd0: {  	[sflag:s1] =	ssyncadd.s32 $0xFFFFC000  }
0xd1: {  	[spmem:s2] =	stream.indirect.scatter.add.f32 [tilespmem:s29], [sflag:$0x4], $0x80, s15, s28, $0xb8;
	[tilespmem:$0x1D000] =	vst v63  }
0xd2: {  	_ =	swait.ge [sflag:s31], $0x4000  }
0xd3: {  	[sflag:s31] =	ssyncset.done $0x0  }
0xd4: {  	[sflag:s31] =	ssyncadd.s32 $0xFFFFC000  }
0xd5: {  	[tilespmem:s29], [sflag:$0x2] =	stream.indirect.gather [hbm4b:s4+s28], $0x80, s16, s28, $0xb8;
	[tilespmem:$0x1D000] =	vst v63  }
0xd6: {  	_ =	swait.ge [sflag:s30], $0x4000  }
0xd7: {  	[sflag:s30] =	ssyncset.done $0x0  }
.Ltmp2:
0xd8: {  	[sflag:s30] =	ssyncadd.s32 $0xFFFFC000;
	(pc) =	sbr.rel @p0 .LBB2_4-.Ltmp2, $4  }
0xd9: {  	[spmem:s2] =	stream.indirect.scatter.add.f32 [tilespmem:s22], [sflag:$0x4], $0x80, s17, s28, $0xb8;
	[tilespmem:$0x1D000] =	vst v63  }
0xda: {  	_ =	swait.ge [sflag:s31], $0x4000  }
0xdb: {  	[sflag:s31] =	ssyncset.done $0x0  }
0xdc: {  	[sflag:s31] =	ssyncadd.s32 $0xFFFFC000  }
0xdd: {  	[tilespmem:s22], [sflag:$0x1] =	stream.indirect.gather [hbm4b:s4+s28], $0x80, s3, s28, $0xb8;
	[tilespmem:$0x1D000] =	vst v63  }
0xde: {  	_ =	swait.ge [sflag:s1], $0x4000  }
0xdf: {  	[sflag:s1] =	ssyncset.done $0x0  }
0xe0: {  	[sflag:s1] =	ssyncadd.s32 $0xFFFFC000  }
0xe1: {  	[spmem:s2] =	stream.indirect.scatter.add.f32 [tilespmem:s29], [sflag:$0x4], $0x80, s18, s28, $0xb8;
	[tilespmem:$0x1D000] =	vst v63  }
0xe2: {  	_ =	swait.ge [sflag:s31], $0x4000  }
0xe3: {  	[sflag:s31] =	ssyncset.done $0x0  }
0xe4: {  	[sflag:s31] =	ssyncadd.s32 $0xFFFFC000  }
0xe5: {  	[tilespmem:s29], [sflag:$0x2] =	stream.indirect.gather [hbm4b:s4+s28], $0x80, s28, s28, $0xb8;
	[tilespmem:$0x1D000] =	vst v63  }
0xe6: {  	s0 =	sadd.s32 s8, s20  }
0xe7: {  	[tilespmem:s25], [sflag:$0x4] =	stream.linear.gather [hbm4b:s0+s3], $0x400, $0x38;
	[tilespmem:$0x1D000] =	vst v63  }
0xe8: {  	_ =	swait.ge [sflag:s31], $0x400  }
0xe9: {  	[sflag:s31] =	ssyncset.done $0x0  }
.Ltmp3:
0xea: {  	s24 =	sadd.s32 s8, s19;
	[sflag:s31] =	ssyncadd.s32 $0xFFFFFC00;
	(pc) =	sbr.rel .LBB2_2-.Ltmp3, $4  }
0xeb: {  	[tilespmem:s26], [sflag:$0x3] =	stream.linear.gather [hbm4b:s24+s3], $0x400, $0x38;
	[tilespmem:$0x1D000] =	vst v63  }
0xec: {  	_ =	swait.ge [sflag:s23], $0x400  }
0xed: {  	[sflag:s23] =	ssyncset.done $0x0  }
0xee: {  	s8 =	sadd.s32 $0x100, s8;
	s21 =	sadd.s32 $0x800, s21;
	[sflag:s23] =	ssyncadd.s32 $0xFFFFFC00  }
.LBB2_5:
0xef: {  	_ =	sfence.sel $0x180000  }
0xf0: {  	[bflag:$0x0] =	sbarrier.arrive $0xFFFF  }
0xf1: {  	_ =	strace $0x9000004A  }
0xf2: {  	s0 =	stileid.u32;
	[bflag:$0x2] =	sbarrier.arrive $0xFFFF  }
0xf3: {  	p0 =	sne.s32 s0, $0x0;
	s0 =	rddreg [dreg:$0x2]  }
0xf4: {  	s0 =	sadd.s32 @!p0 $0x100000, s0  }
0xf5: {  	[sflag:s0] =	ssyncadd.tile.s32 @!p0 $0x1;
	_ =	shalt  }
.Lfunc_end2:
_tile_overlayer_lowered:
.L_overlay_start_2:
0xf6: {  	(tag) =	ssettag $0x2  }
0xf7: {  	s0 =	rddreg [dreg:$0x0];
	s2 =	stileid.u32  }
0xf8: {  	s1 =	rddreg [dreg:$0x1];
	p0 =	sne.s32 s2, $0x0  }
0xf9: {  	s3 =	rddreg [dreg:$0x2];
	[bflag:$0x3] =	sbarrier.arrive $0xFFFF;
	s2 =	simm.s32 @!p0 $0x1C03  }
0xfa: {  	[timem:s3], [sflag:s2] =	dma.local @!p0 [hbm:s0], s1  }
0xfb: {  	s0 =	simm.s32 @!p0 $0x3  }
0xfc: {  	_ =	swait.ge @!p0 [sflag:s0], s1  }
0xfd: {  	s1 =	ssub.s32 @!p0 $0x0, s1;
	[sflag:s0] =	ssyncset.done @!p0 $0x0  }
0xfe: {  	[sflag:s0] =	ssyncadd.s32 @!p0 s1  }
0xff: {  	[bflag:$0x3] =	sbarrier.arrive $0xFFFF  }
0x100: {  	_ =	shalt  }

</sc_bundles>
